<compile_context>
chip_gen: v7x
topology: tpu7x:2x2x1
jax: 0.10.2.dev20260603
libtpu: 0.0.44.dev20260713+nightly
codegen_flags: <defaults>
</compile_context>

<pallas_src>
import functools

import numpy as np
import jax
import jax.numpy as jnp
from jax import lax
from jax.experimental import pallas as pl
from jax.experimental.pallas import tpu as pltpu
from jax.experimental.pallas import tpu_sc as plsc

N = 10000
E = 320000
D = 128
H = 64
NP = 10240

NC = 2
NS = 16
NW = NC * NS
EPW = E // NW
K = 80
NCHUNK = EPW // K
NB = 5
RPT = NP // NS
DEGW = 16

_mesh = plsc.VectorSubcoreMesh(core_axis_name="c", subcore_axis_name="s")
_sc_params = pltpu.CompilerParams(use_tc_tiling_on_sc=False)

_INIT_NP = np.zeros((2 * RPT, DEGW), np.float32)
_INIT_NP[:RPT] = 1.0


@functools.partial(
    pl.kernel,
    out_type=jax.ShapeDtypeStruct((NC * NP, H), jnp.float32),
    mesh=_mesh,
    compiler_params=_sc_params,
    scratch_types=[
        pltpu.VMEM_SHARED((NP, DEGW), jnp.float32),
        pltpu.VMEM((NCHUNK, K), jnp.int32),
        pltpu.VMEM((K, DEGW), jnp.float32),
        pltpu.VMEM((RPT, DEGW), jnp.float32),
        pltpu.VMEM((RPT, H), jnp.float32),
        pltpu.SemaphoreType.DMA,
        pltpu.SemaphoreType.DMA,
    ],
)
def _sc_degree(ei, init_hbm, deg_out, deg_sh, dst_v, ones_v, d16_v, d64_v,
               sem0, sem1):
    c = lax.axis_index("c")
    s = lax.axis_index("s")
    wid = c * NS + s
    pltpu.sync_copy(init_hbm.at[pl.ds(c * RPT, RPT)], deg_sh.at[pl.ds(s * RPT, RPT)])
    pltpu.sync_copy(init_hbm.at[pl.ds(0, K)], ones_v)
    pltpu.sync_copy(ei.at[1, wid], dst_v)

    def s_start(m, sem):
        pltpu.async_copy(ones_v, deg_sh.at[dst_v.at[m]], sem, add=True)

    def s_wait(m, sem):
        pltpu.make_async_copy(ones_v, deg_sh.at[dst_v.at[m]], sem).wait()

    plsc.subcore_barrier()
    s_start(0, sem0)

    def body(j, carry):
        m1 = 2 * j + 1
        s_start(m1, sem1)
        s_wait(m1 - 1, sem0)
        s_start(m1 + 1, sem0)
        s_wait(m1, sem1)
        return carry

    lax.fori_loop(0, (NCHUNK - 1) // 2, body, 0)
    s_wait(NCHUNK - 1, sem0)
    plsc.subcore_barrier()
    pltpu.sync_copy(deg_sh.at[pl.ds(s * RPT, RPT)], d16_v)

    def expand(j, carry):
        r0 = 8 * j
        for u in range(8):
            v = d16_v[r0 + u, :]
            for h4 in range(H // DEGW):
                d64_v[r0 + u, pl.ds(h4 * DEGW, DEGW)] = v
        return carry

    lax.fori_loop(0, RPT // 8, expand, 0)
    pltpu.sync_copy(d64_v, deg_out.at[pl.ds(c * NP + s * RPT, RPT)])


def _edge_body(g_hbm, ei, acc_out, acc_sh, src_v, dst_v, rows_v, gsem, ssem):
    c = lax.axis_index("c")
    s = lax.axis_index("s")
    wid = c * NS + s
    pltpu.sync_copy(g_hbm.at[pl.ds(s * RPT, RPT)], acc_sh.at[pl.ds(s * RPT, RPT)])
    pltpu.sync_copy(ei.at[0, wid], src_v)
    pltpu.sync_copy(ei.at[1, wid], dst_v)
    plsc.subcore_barrier()

    def g_start(q, b):
        pltpu.async_copy(g_hbm.at[src_v.at[q]], rows_v.at[b], gsem[b])

    def g_wait(q, b):
        pltpu.make_async_copy(g_hbm.at[src_v.at[q]], rows_v.at[b], gsem[b]).wait()

    def s_start(m, b):
        pltpu.async_copy(rows_v.at[b], acc_sh.at[dst_v.at[m]], ssem[b], add=True)

    def s_wait(m, b):
        pltpu.make_async_copy(rows_v.at[b], acc_sh.at[dst_v.at[m]], ssem[b]).wait()

    def step(m, b, do_wait_prev, gather_q):
        g_wait(m, b)
        s_start(m, b)
        if do_wait_prev:
            s_wait(m - 1, (b - 1) % NB)
        if gather_q:
            g_start(m + NB - 1, (b + NB - 1) % NB)

    for b in range(NB - 1):
        g_start(b, b)
    for b in range(NB):
        step(b, b, b > 0, True)

    def body(j, carry):
        m0 = NB * j
        for b in range(NB):
            step(m0 + b, b, True, True)
        return carry

    lax.fori_loop(1, NCHUNK // NB - 1, body, 0)

    m0 = NCHUNK - NB
    for b in range(NB):
        step(m0 + b, b, True, b == 0)
    s_wait(NCHUNK - 1, (NCHUNK - 1) % NB)
    plsc.subcore_barrier()
    pltpu.sync_copy(acc_sh.at[pl.ds(s * RPT, RPT)],
                    acc_out.at[pl.ds(c * NP + s * RPT, RPT)])


_EDGE_SCRATCH = [
    pltpu.VMEM_SHARED((NP, H), jnp.float32),
    pltpu.VMEM((NCHUNK, K), jnp.int32),
    pltpu.VMEM((NCHUNK, K), jnp.int32),
    pltpu.VMEM((NB, K, H), jnp.float32),
    [pltpu.SemaphoreType.DMA] * NB,
    [pltpu.SemaphoreType.DMA] * NB,
]
_ACC_TYPE = jax.ShapeDtypeStruct((NC * NP, H), jnp.float32)


@functools.partial(pl.kernel, out_type=_ACC_TYPE, mesh=_mesh,
                   compiler_params=_sc_params, scratch_types=_EDGE_SCRATCH)
def _sc_edges(g_hbm, ei, acc_out, acc_sh, src_v, dst_v, rows_v, gsem, ssem):
    _edge_body(g_hbm, ei, acc_out, acc_sh, src_v, dst_v, rows_v, gsem, ssem)


_PB = 512
_GRID = NP // (2 * _PB)
_HI = NP // (2 * _PB)


def _pk_spec(off=0):
    return pl.BlockSpec((_PB, 128), lambda i, o=off: (i + o, 0))


def _full_spec(r, c):
    return pl.BlockSpec((r, c), lambda i: (0, 0))


def _tc_mm_body(xp_b, w_b, o_b):
    o_b[...] = jnp.dot(xp_b[...], w_b[...], preferred_element_type=jnp.float32)


def _tc_scale_body(xw_b, d0_b, d1_b, o_b):
    dinv = lax.rsqrt(d0_b[...] + d1_b[...])
    o_b[...] = xw_b[...] * dinv


def _tc_mid_body(a0_b, a1_b, g_b, d0_b, d1_b, w_b, b_b, o_b):
    dinv = lax.rsqrt(d0_b[...] + d1_b[...])
    tot = a0_b[...] + a1_b[...] - g_b[...]
    h = jnp.maximum(tot * dinv + b_b[...], 0.0)
    o_b[...] = jnp.dot(h, w_b[...], preferred_element_type=jnp.float32) * dinv


def _tc_last_body(a0_b, a1_b, g_b, d0_b, d1_b, b_b, o_b):
    dinv = lax.rsqrt(d0_b[...] + d1_b[...])
    tot = a0_b[...] + a1_b[...] - g_b[...]
    o_b[...] = jnp.maximum(tot * dinv + b_b[...], 0.0)


def _tc_mm(xp, wbd):
    return pl.pallas_call(
        _tc_mm_body,
        grid=(_GRID,),
        in_specs=[pl.BlockSpec((_PB, 2 * D), lambda i: (i, 0)),
                  _full_spec(2 * D, 128)],
        out_specs=_pk_spec(),
        out_shape=jax.ShapeDtypeStruct((NP // 2, 128), jnp.float32),
    )(xp, wbd)


def _tc_scale(xwp, degp):
    return pl.pallas_call(
        _tc_scale_body,
        grid=(_GRID,),
        in_specs=[_pk_spec(), _pk_spec(), _pk_spec(_HI)],
        out_specs=_pk_spec(),
        out_shape=jax.ShapeDtypeStruct((NP // 2, 128), jnp.float32),
    )(xwp, degp, degp)


def _tc_mid(accp, gp, degp, wbd, bx):
    return pl.pallas_call(
        _tc_mid_body,
        grid=(_GRID,),
        in_specs=[_pk_spec(), _pk_spec(_HI), _pk_spec(),
                  _pk_spec(), _pk_spec(_HI),
                  _full_spec(128, 128), _full_spec(1, 128)],
        out_specs=_pk_spec(),
        out_shape=jax.ShapeDtypeStruct((NP // 2, 128), jnp.float32),
    )(accp, accp, gp, degp, degp, wbd, bx)


def _tc_last(accp, gp, degp, bx):
    return pl.pallas_call(
        _tc_last_body,
        grid=(_GRID,),
        in_specs=[_pk_spec(), _pk_spec(_HI), _pk_spec(),
                  _pk_spec(), _pk_spec(_HI), _full_spec(1, 128)],
        out_specs=_pk_spec(),
        out_shape=jax.ShapeDtypeStruct((N // 2, 128), jnp.float32),
    )(accp, accp, gp, degp, degp, bx)


def _blockdiag(w):
    k, m = w.shape
    return jnp.zeros((2 * k, 2 * m), w.dtype).at[:k, :m].set(w).at[k:, m:].set(w)


@jax.jit
def kernel(x, edge_index, W1, b1, W2, b2):
    ei = edge_index.reshape(2, NW, NCHUNK, K)
    init_const = jnp.asarray(_INIT_NP)
    xp = x.reshape(N // 2, 2 * D)
    w1bd = _blockdiag(W1)
    w2bd = _blockdiag(W2)
    b1x = jnp.concatenate([b1, b1]).reshape(1, 128)
    b2x = jnp.concatenate([b2, b2]).reshape(1, 128)

    deg2 = _sc_degree(ei, init_const)
    degp = deg2.reshape(NC * NP // 2, 128)
    xwp = _tc_mm(xp, w1bd)
    g1p = _tc_scale(xwp, degp)
    g1 = g1p.reshape(NP, H)
    acc1 = _sc_edges(g1, ei)
    g2p = _tc_mid(acc1.reshape(NC * NP // 2, 128), g1p, degp, w2bd, b1x)
    acc2 = _sc_edges(g2p.reshape(NP, H), ei)
    outp = _tc_last(acc2.reshape(NC * NP // 2, 128), g2p, degp, b2x)
    return outp.reshape(N, H)

# --- scband reference (transcript-rebuilt; emitter-appended) ---
"""Pipeline reference for scband-gcnnode-encoder-44023414784045 (READ-ONLY COPY).

The authoritative reference and input builder live on the scoring server;
editing this copy changes nothing except your own understanding.
"""

import jax, jax.numpy as jnp
import numpy as np


def gcn_conv(x, edge_index, W, b):
    # PyG-style GCNConv: add self-loops, symmetric normalization, linear, scatter-add
    N = x.shape[0]
    loop = jnp.arange(N, dtype=edge_index.dtype)
    src = jnp.concatenate([edge_index[0], loop])
    dst = jnp.concatenate([edge_index[1], loop])
    deg = jnp.zeros((N,), x.dtype).at[dst].add(jnp.ones_like(dst, dtype=x.dtype))
    dinv = jnp.where(deg > 0, jax.lax.rsqrt(jnp.maximum(deg, 1e-12)), 0.0)
    norm = dinv[src] * dinv[dst]
    h = x @ W
    msg = jnp.take(h, src, axis=0) * norm[:, None]
    out = jax.ops.segment_sum(msg, dst, num_segments=N)
    return out + b


def setup_inputs(seed: int = 0) -> dict:
    key = jax.random.key(seed)
    k1, k2, k3, k4, k5, k6 = jax.random.split(key, 6)
    N, E, D, H = 10000, 320000, 128, 64
    x = jax.random.normal(k1, (N, D), dtype=jnp.float32)
    edge_index = jax.random.randint(k2, (2, E), 0, N, dtype=jnp.int32)
    # GCNConv weights (glorot) and biases (zeros like PyG default init)
    W1 = jax.random.normal(k3, (D, H), dtype=jnp.float32) * (1.0 / np.sqrt(D))
    b1 = jnp.zeros((H,), dtype=jnp.float32)
    W2 = jax.random.normal(k4, (H, H), dtype=jnp.float32) * (1.0 / np.sqrt(H))
    b2 = jnp.zeros((H,), dtype=jnp.float32)
    return {"x": x, "edge_index": edge_index, "W1": W1, "b1": b1, "W2": W2, "b2": b2}


def reference(x, edge_index, W1, b1, W2, b2):
    # GCNNodeEncoder.forward (eval mode: dropout is identity)
    h = jax.nn.relu(gcn_conv(x, edge_index, W1, b1))
    h = jax.nn.relu(gcn_conv(h, edge_index, W2, b2))
    return h

if __name__ == "__main__":
    import jax
    _d = setup_inputs()
    print(jax.jit(kernel)(*tuple(_d.values())))

</pallas_src>

<mosaic_0001>
#map = affine_map<(d0, d1) -> (0, 0)>
#map1 = affine_map<(d0, d1) -> (0, 0, 0, 0)>
module attributes {stable_mosaic.version = 14 : i64} {
  func.func @_sc_edges(%arg0: i32, %arg1: i32, %arg2: memref<10240x64xf32, #tpu.memory_space<hbm>>, %arg3: memref<2x32x125x80xi32, #tpu.memory_space<hbm>>, %arg4: memref<20480x64xf32, #tpu.memory_space<hbm>>, %arg5: memref<10240x64xf32, #tpu.memory_space<vmem_shared>>, %arg6: memref<125x80xi32, #tpu.memory_space<vmem>>, %arg7: memref<125x80xi32, #tpu.memory_space<vmem>>, %arg8: memref<5x80x64xf32, #tpu.memory_space<vmem>>, %arg9: memref<!tpu.dma_semaphore, #tpu.memory_space<semaphore_mem>>, %arg10: memref<!tpu.dma_semaphore, #tpu.memory_space<semaphore_mem>>, %arg11: memref<!tpu.dma_semaphore, #tpu.memory_space<semaphore_mem>>, %arg12: memref<!tpu.dma_semaphore, #tpu.memory_space<semaphore_mem>>, %arg13: memref<!tpu.dma_semaphore, #tpu.memory_space<semaphore_mem>>, %arg14: memref<!tpu.dma_semaphore, #tpu.memory_space<semaphore_mem>>, %arg15: memref<!tpu.dma_semaphore, #tpu.memory_space<semaphore_mem>>, %arg16: memref<!tpu.dma_semaphore, #tpu.memory_space<semaphore_mem>>, %arg17: memref<!tpu.dma_semaphore, #tpu.memory_space<semaphore_mem>>, %arg18: memref<!tpu.dma_semaphore, #tpu.memory_space<semaphore_mem>>) attributes {dimension_semantics = [#tpu.dimension_semantics<core_parallel>, #tpu.dimension_semantics<subcore_parallel>], iteration_bounds = array<i64: 2, 16>, scalar_prefetch = 0 : i64, scratch_operands = 14 : i64, tpu.core_type = #tpu.core_type<sc_vector_subcore>, window_params = [{transform_indices = #map}, {transform_indices = #map1}, {transform_indices = #map}]} {
    %mul3A = arith.constant 16 : i32
    %mul3A_0 = arith.muli %arg0, %mul3A : i32
    %add3A = arith.addi %mul3A_0, %arg1 : i32
    %mul3A_1 = arith.constant 640 : i32
    %mul3A_2 = arith.muli %arg1, %mul3A_1 : i32
    %mul3A_3 = arith.constant 640 : i32
    %mul3A_4 = arith.muli %arg1, %mul3A_3 : i32
    "tpu.region"() ({
      %run_scoped3A_497 = tpu.sem_alloc : memref<!tpu.dma_semaphore, #tpu.memory_space<semaphore_mem>>
      %dma_start3A_498 = arith.constant 0 : i32
      %dma_start3A_499 = tpu.memref_slice %arg5[%mul3A_4, %dma_start3A_498] : memref<10240x64xf32, #tpu.memory_space<vmem_shared>> -> memref<640x64xf32, #tpu.memory_space<vmem_shared>>
      %dma_start3A_500 = arith.constant 0 : i32
      %dma_start3A_501 = tpu.memref_slice %arg2[%mul3A_2, %dma_start3A_500] : memref<10240x64xf32, #tpu.memory_space<hbm>> -> memref<640x64xf32, #tpu.memory_space<hbm>>
      tpu.enqueue_dma source(%dma_start3A_501 : memref<640x64xf32, #tpu.memory_space<hbm>>) target(%dma_start3A_499 : memref<640x64xf32, #tpu.memory_space<vmem_shared>>) target_semaphore(%run_scoped3A_497 : memref<!tpu.dma_semaphore, #tpu.memory_space<semaphore_mem>>)
      %dma_wait3A_502 = arith.constant 0 : i32
      %dma_wait3A_503 = tpu.memref_slice %arg5[%mul3A_4, %dma_wait3A_502] : memref<10240x64xf32, #tpu.memory_space<vmem_shared>> -> memref<640x64xf32, #tpu.memory_space<vmem_shared>>
      %dma_wait3A_504 = arith.constant 0 : i32
      %dma_wait3A_505 = tpu.memref_slice %arg2[%mul3A_2, %dma_wait3A_504] : memref<10240x64xf32, #tpu.memory_space<hbm>> -> memref<640x64xf32, #tpu.memory_space<hbm>>
      tpu.wait_dma2 semaphore(%run_scoped3A_497 : memref<!tpu.dma_semaphore, #tpu.memory_space<semaphore_mem>>) src(%dma_wait3A_505 : memref<640x64xf32, #tpu.memory_space<hbm>>) dst(%dma_wait3A_503 : memref<640x64xf32, #tpu.memory_space<vmem_shared>>)
      tpu.yield
    }) : () -> ()
    %run_scoped3A = arith.constant 0 : i32
    "tpu.region"() ({
      %run_scoped3A_497 = tpu.sem_alloc : memref<!tpu.dma_semaphore, #tpu.memory_space<semaphore_mem>>
      %dma_start3A_498 = arith.constant 0 : i32
      %dma_start3A_499 = arith.constant 0 : i32
      %dma_start3A_500 = tpu.memref_slice %arg3[%run_scoped3A, %add3A, %dma_start3A_498, %dma_start3A_499] : memref<2x32x125x80xi32, #tpu.memory_space<hbm>> -> memref<1x1x125x80xi32, #tpu.memory_space<hbm>>
      %dma_start3A_501 = tpu.memref_squeeze %dma_start3A_500 : memref<1x1x125x80xi32, #tpu.memory_space<hbm>> -> memref<125x80xi32, #tpu.memory_space<hbm>>
      %dma_start3A_502 = arith.constant 0 : i32
      %dma_start3A_503 = arith.constant 0 : i32
      %dma_start3A_504 = tpu.memref_slice %arg3[%run_scoped3A, %add3A, %dma_start3A_502, %dma_start3A_503] : memref<2x32x125x80xi32, #tpu.memory_space<hbm>> -> memref<1x1x125x80xi32, #tpu.memory_space<hbm>>
      %dma_start3A_505 = tpu.memref_squeeze %dma_start3A_504 : memref<1x1x125x80xi32, #tpu.memory_space<hbm>> -> memref<125x80xi32, #tpu.memory_space<hbm>>
      tpu.enqueue_dma source(%dma_start3A_505 : memref<125x80xi32, #tpu.memory_space<hbm>>) target(%arg6 : memref<125x80xi32, #tpu.memory_space<vmem>>) target_semaphore(%run_scoped3A_497 : memref<!tpu.dma_semaphore, #tpu.memory_space<semaphore_mem>>)
      %dma_wait3A_506 = arith.constant 0 : i32
      %dma_wait3A_507 = arith.constant 0 : i32
      %dma_wait3A_508 = tpu.memref_slice %arg3[%run_scoped3A, %add3A, %dma_wait3A_506, %dma_wait3A_507] : memref<2x32x125x80xi32, #tpu.memory_space<hbm>> -> memref<1x1x125x80xi32, #tpu.memory_space<hbm>>
      %dma_wait3A_509 = tpu.memref_squeeze %dma_wait3A_508 : memref<1x1x125x80xi32, #tpu.memory_space<hbm>> -> memref<125x80xi32, #tpu.memory_space<hbm>>
      %dma_wait3A_510 = arith.constant 0 : i32
      %dma_wait3A_511 = arith.constant 0 : i32
      %dma_wait3A_512 = tpu.memref_slice %arg3[%run_scoped3A, %add3A, %dma_wait3A_510, %dma_wait3A_511] : memref<2x32x125x80xi32, #tpu.memory_space<hbm>> -> memref<1x1x125x80xi32, #tpu.memory_space<hbm>>
      %dma_wait3A_513 = tpu.memref_squeeze %dma_wait3A_512 : memref<1x1x125x80xi32, #tpu.memory_space<hbm>> -> memref<125x80xi32, #tpu.memory_space<hbm>>
      tpu.wait_dma2 semaphore(%run_scoped3A_497 : memref<!tpu.dma_semaphore, #tpu.memory_space<semaphore_mem>>) src(%dma_wait3A_513 : memref<125x80xi32, #tpu.memory_space<hbm>>) dst(%arg6 : memref<125x80xi32, #tpu.memory_space<vmem>>)
      tpu.yield
    }) : () -> ()
    %run_scoped3A_5 = arith.constant 1 : i32
    "tpu.region"() ({
      %run_scoped3A_497 = tpu.sem_alloc : memref<!tpu.dma_semaphore, #tpu.memory_space<semaphore_mem>>
      %dma_start3A_498 = arith.constant 0 : i32
      %dma_start3A_499 = arith.constant 0 : i32
      %dma_start3A_500 = tpu.memref_slice %arg3[%run_scoped3A_5, %add3A, %dma_start3A_498, %dma_start3A_499] : memref<2x32x125x80xi32, #tpu.memory_space<hbm>> -> memref<1x1x125x80xi32, #tpu.memory_space<hbm>>
      %dma_start3A_501 = tpu.memref_squeeze %dma_start3A_500 : memref<1x1x125x80xi32, #tpu.memory_space<hbm>> -> memref<125x80xi32, #tpu.memory_space<hbm>>
      %dma_start3A_502 = arith.constant 0 : i32
      %dma_start3A_503 = arith.constant 0 : i32
      %dma_start3A_504 = tpu.memref_slice %arg3[%run_scoped3A_5, %add3A, %dma_start3A_502, %dma_start3A_503] : memref<2x32x125x80xi32, #tpu.memory_space<hbm>> -> memref<1x1x125x80xi32, #tpu.memory_space<hbm>>
      %dma_start3A_505 = tpu.memref_squeeze %dma_start3A_504 : memref<1x1x125x80xi32, #tpu.memory_space<hbm>> -> memref<125x80xi32, #tpu.memory_space<hbm>>
      tpu.enqueue_dma source(%dma_start3A_505 : memref<125x80xi32, #tpu.memory_space<hbm>>) target(%arg7 : memref<125x80xi32, #tpu.memory_space<vmem>>) target_semaphore(%run_scoped3A_497 : memref<!tpu.dma_semaphore, #tpu.memory_space<semaphore_mem>>)
      %dma_wait3A_506 = arith.constant 0 : i32
      %dma_wait3A_507 = arith.constant 0 : i32
      %dma_wait3A_508 = tpu.memref_slice %arg3[%run_scoped3A_5, %add3A, %dma_wait3A_506, %dma_wait3A_507] : memref<2x32x125x80xi32, #tpu.memory_space<hbm>> -> memref<1x1x125x80xi32, #tpu.memory_space<hbm>>
      %dma_wait3A_509 = tpu.memref_squeeze %dma_wait3A_508 : memref<1x1x125x80xi32, #tpu.memory_space<hbm>> -> memref<125x80xi32, #tpu.memory_space<hbm>>
      %dma_wait3A_510 = arith.constant 0 : i32
      %dma_wait3A_511 = arith.constant 0 : i32
      %dma_wait3A_512 = tpu.memref_slice %arg3[%run_scoped3A_5, %add3A, %dma_wait3A_510, %dma_wait3A_511] : memref<2x32x125x80xi32, #tpu.memory_space<hbm>> -> memref<1x1x125x80xi32, #tpu.memory_space<hbm>>
      %dma_wait3A_513 = tpu.memref_squeeze %dma_wait3A_512 : memref<1x1x125x80xi32, #tpu.memory_space<hbm>> -> memref<125x80xi32, #tpu.memory_space<hbm>>
      tpu.wait_dma2 semaphore(%run_scoped3A_497 : memref<!tpu.dma_semaphore, #tpu.memory_space<semaphore_mem>>) src(%dma_wait3A_513 : memref<125x80xi32, #tpu.memory_space<hbm>>) dst(%arg7 : memref<125x80xi32, #tpu.memory_space<vmem>>)
      tpu.yield
    }) : () -> ()
    %barrier3A = arith.constant 0 : index
    tpu.barrier barrier_id(%barrier3A)
    %dma_start3A = arith.constant 0 : i32
    %dma_start3A_6 = arith.constant 0 : i32
    %dma_start3A_7 = arith.constant 0 : i32
    %dma_start3A_8 = arith.constant 0 : i32
    %dma_start3A_9 = tpu.memref_slice %arg8[%dma_start3A_6, %dma_start3A_7, %dma_start3A_8] : memref<5x80x64xf32, #tpu.memory_space<vmem>> -> memref<1x80x64xf32, #tpu.memory_space<vmem>>
    %dma_start3A_10 = tpu.memref_squeeze %dma_start3A_9 : memref<1x80x64xf32, #tpu.memory_space<vmem>> -> memref<80x64xf32, #tpu.memory_space<vmem>>
    %dma_start3A_11 = arith.constant 0 : i32
    %dma_start3A_12 = tpu.memref_slice %arg6[%dma_start3A, %dma_start3A_11] : memref<125x80xi32, #tpu.memory_space<vmem>> -> memref<1x80xi32, #tpu.memory_space<vmem>>
    %dma_start3A_13 = tpu.memref_squeeze %dma_start3A_12 : memref<1x80xi32, #tpu.memory_space<vmem>> -> memref<80xi32, #tpu.memory_space<vmem>>
    %dma_start3A_14 = arith.constant 0 : i32
    %dma_start3A_15 = arith.constant 0 : i32
    %dma_start3A_16 = tpu.memref_slice %arg2[%dma_start3A_14, %dma_start3A_15] : memref<10240x64xf32, #tpu.memory_space<hbm>> -> memref<10240x64xf32, #tpu.memory_space<hbm>>
    tpu.enqueue_indirect_dma source(%dma_start3A_16 : memref<10240x64xf32, #tpu.memory_space<hbm>>) target(%dma_start3A_10 : memref<80x64xf32, #tpu.memory_space<vmem>>) offsets(%dma_start3A_13 : memref<80xi32, #tpu.memory_space<vmem>>) semaphore(%arg9 : memref<!tpu.dma_semaphore, #tpu.memory_space<semaphore_mem>>)
    %dma_start3A_17 = arith.constant 1 : i32
    %dma_start3A_18 = arith.constant 1 : i32
    %dma_start3A_19 = arith.constant 0 : i32
    %dma_start3A_20 = arith.constant 0 : i32
    %dma_start3A_21 = tpu.memref_slice %arg8[%dma_start3A_18, %dma_start3A_19, %dma_start3A_20] : memref<5x80x64xf32, #tpu.memory_space<vmem>> -> memref<1x80x64xf32, #tpu.memory_space<vmem>>
    %dma_start3A_22 = tpu.memref_squeeze %dma_start3A_21 : memref<1x80x64xf32, #tpu.memory_space<vmem>> -> memref<80x64xf32, #tpu.memory_space<vmem>>
    %dma_start3A_23 = arith.constant 0 : i32
    %dma_start3A_24 = tpu.memref_slice %arg6[%dma_start3A_17, %dma_start3A_23] : memref<125x80xi32, #tpu.memory_space<vmem>> -> memref<1x80xi32, #tpu.memory_space<vmem>>
    %dma_start3A_25 = tpu.memref_squeeze %dma_start3A_24 : memref<1x80xi32, #tpu.memory_space<vmem>> -> memref<80xi32, #tpu.memory_space<vmem>>
    %dma_start3A_26 = arith.constant 0 : i32
    %dma_start3A_27 = arith.constant 0 : i32
    %dma_start3A_28 = tpu.memref_slice %arg2[%dma_start3A_26, %dma_start3A_27] : memref<10240x64xf32, #tpu.memory_space<hbm>> -> memref<10240x64xf32, #tpu.memory_space<hbm>>
    tpu.enqueue_indirect_dma source(%dma_start3A_28 : memref<10240x64xf32, #tpu.memory_space<hbm>>) target(%dma_start3A_22 : memref<80x64xf32, #tpu.memory_space<vmem>>) offsets(%dma_start3A_25 : memref<80xi32, #tpu.memory_space<vmem>>) semaphore(%arg10 : memref<!tpu.dma_semaphore, #tpu.memory_space<semaphore_mem>>)
    %dma_start3A_29 = arith.constant 2 : i32
    %dma_start3A_30 = arith.constant 2 : i32
    %dma_start3A_31 = arith.constant 0 : i32
    %dma_start3A_32 = arith.constant 0 : i32
    %dma_start3A_33 = tpu.memref_slice %arg8[%dma_start3A_30, %dma_start3A_31, %dma_start3A_32] : memref<5x80x64xf32, #tpu.memory_space<vmem>> -> memref<1x80x64xf32, #tpu.memory_space<vmem>>
    %dma_start3A_34 = tpu.memref_squeeze %dma_start3A_33 : memref<1x80x64xf32, #tpu.memory_space<vmem>> -> memref<80x64xf32, #tpu.memory_space<vmem>>
    %dma_start3A_35 = arith.constant 0 : i32
    %dma_start3A_36 = tpu.memref_slice %arg6[%dma_start3A_29, %dma_start3A_35] : memref<125x80xi32, #tpu.memory_space<vmem>> -> memref<1x80xi32, #tpu.memory_space<vmem>>
    %dma_start3A_37 = tpu.memref_squeeze %dma_start3A_36 : memref<1x80xi32, #tpu.memory_space<vmem>> -> memref<80xi32, #tpu.memory_space<vmem>>
    %dma_start3A_38 = arith.constant 0 : i32
    %dma_start3A_39 = arith.constant 0 : i32
    %dma_start3A_40 = tpu.memref_slice %arg2[%dma_start3A_38, %dma_start3A_39] : memref<10240x64xf32, #tpu.memory_space<hbm>> -> memref<10240x64xf32, #tpu.memory_space<hbm>>
    tpu.enqueue_indirect_dma source(%dma_start3A_40 : memref<10240x64xf32, #tpu.memory_space<hbm>>) target(%dma_start3A_34 : memref<80x64xf32, #tpu.memory_space<vmem>>) offsets(%dma_start3A_37 : memref<80xi32, #tpu.memory_space<vmem>>) semaphore(%arg11 : memref<!tpu.dma_semaphore, #tpu.memory_space<semaphore_mem>>)
    %dma_start3A_41 = arith.constant 3 : i32
    %dma_start3A_42 = arith.constant 3 : i32
    %dma_start3A_43 = arith.constant 0 : i32
    %dma_start3A_44 = arith.constant 0 : i32
    %dma_start3A_45 = tpu.memref_slice %arg8[%dma_start3A_42, %dma_start3A_43, %dma_start3A_44] : memref<5x80x64xf32, #tpu.memory_space<vmem>> -> memref<1x80x64xf32, #tpu.memory_space<vmem>>
    %dma_start3A_46 = tpu.memref_squeeze %dma_start3A_45 : memref<1x80x64xf32, #tpu.memory_space<vmem>> -> memref<80x64xf32, #tpu.memory_space<vmem>>
    %dma_start3A_47 = arith.constant 0 : i32
    %dma_start3A_48 = tpu.memref_slice %arg6[%dma_start3A_41, %dma_start3A_47] : memref<125x80xi32, #tpu.memory_space<vmem>> -> memref<1x80xi32, #tpu.memory_space<vmem>>
    %dma_start3A_49 = tpu.memref_squeeze %dma_start3A_48 : memref<1x80xi32, #tpu.memory_space<vmem>> -> memref<80xi32, #tpu.memory_space<vmem>>
    %dma_start3A_50 = arith.constant 0 : i32
    %dma_start3A_51 = arith.constant 0 : i32
    %dma_start3A_52 = tpu.memref_slice %arg2[%dma_start3A_50, %dma_start3A_51] : memref<10240x64xf32, #tpu.memory_space<hbm>> -> memref<10240x64xf32, #tpu.memory_space<hbm>>
    tpu.enqueue_indirect_dma source(%dma_start3A_52 : memref<10240x64xf32, #tpu.memory_space<hbm>>) target(%dma_start3A_46 : memref<80x64xf32, #tpu.memory_space<vmem>>) offsets(%dma_start3A_49 : memref<80xi32, #tpu.memory_space<vmem>>) semaphore(%arg12 : memref<!tpu.dma_semaphore, #tpu.memory_space<semaphore_mem>>)
    %dma_wait3A = arith.constant 0 : i32
    %dma_wait3A_53 = arith.constant 0 : i32
    %dma_wait3A_54 = arith.constant 0 : i32
    %dma_wait3A_55 = arith.constant 0 : i32
    %dma_wait3A_56 = tpu.memref_slice %arg8[%dma_wait3A_53, %dma_wait3A_54, %dma_wait3A_55] : memref<5x80x64xf32, #tpu.memory_space<vmem>> -> memref<1x80x64xf32, #tpu.memory_space<vmem>>
    %dma_wait3A_57 = tpu.memref_squeeze %dma_wait3A_56 : memref<1x80x64xf32, #tpu.memory_space<vmem>> -> memref<80x64xf32, #tpu.memory_space<vmem>>
    %dma_wait3A_58 = arith.constant 0 : i32
    %dma_wait3A_59 = tpu.memref_slice %arg6[%dma_wait3A, %dma_wait3A_58] : memref<125x80xi32, #tpu.memory_space<vmem>> -> memref<1x80xi32, #tpu.memory_space<vmem>>
    %dma_wait3A_60 = tpu.memref_squeeze %dma_wait3A_59 : memref<1x80xi32, #tpu.memory_space<vmem>> -> memref<80xi32, #tpu.memory_space<vmem>>
    %dma_wait3A_61 = arith.constant 0 : i32
    %dma_wait3A_62 = arith.constant 0 : i32
    %dma_wait3A_63 = tpu.memref_slice %arg2[%dma_wait3A_61, %dma_wait3A_62] : memref<10240x64xf32, #tpu.memory_space<hbm>> -> memref<10240x64xf32, #tpu.memory_space<hbm>>
    tpu.wait_indirect_dma semaphore(%arg9 : memref<!tpu.dma_semaphore, #tpu.memory_space<semaphore_mem>>) src(%dma_wait3A_63 : memref<10240x64xf32, #tpu.memory_space<hbm>>) dst(%dma_wait3A_57 : memref<80x64xf32, #tpu.memory_space<vmem>>)
    %dma_start3A_64 = arith.constant 0 : i32
    %dma_start3A_65 = arith.constant 0 : i32
    %dma_start3A_66 = arith.constant 0 : i32
    %dma_start3A_67 = arith.constant 0 : i32
    %dma_start3A_68 = tpu.memref_slice %arg8[%dma_start3A_64, %dma_start3A_66, %dma_start3A_67] : memref<5x80x64xf32, #tpu.memory_space<vmem>> -> memref<1x80x64xf32, #tpu.memory_space<vmem>>
    %dma_start3A_69 = tpu.memref_squeeze %dma_start3A_68 : memref<1x80x64xf32, #tpu.memory_space<vmem>> -> memref<80x64xf32, #tpu.memory_space<vmem>>
    %dma_start3A_70 = arith.constant 0 : i32
    %dma_start3A_71 = tpu.memref_slice %arg7[%dma_start3A_65, %dma_start3A_70] : memref<125x80xi32, #tpu.memory_space<vmem>> -> memref<1x80xi32, #tpu.memory_space<vmem>>
    %dma_start3A_72 = tpu.memref_squeeze %dma_start3A_71 : memref<1x80xi32, #tpu.memory_space<vmem>> -> memref<80xi32, #tpu.memory_space<vmem>>
    %dma_start3A_73 = arith.constant 0 : i32
    %dma_start3A_74 = arith.constant 0 : i32
    %dma_start3A_75 = tpu.memref_slice %arg5[%dma_start3A_73, %dma_start3A_74] : memref<10240x64xf32, #tpu.memory_space<vmem_shared>> -> memref<10240x64xf32, #tpu.memory_space<vmem_shared>>
    tpu.enqueue_indirect_dma source(%dma_start3A_69 : memref<80x64xf32, #tpu.memory_space<vmem>>) target(%dma_start3A_75 : memref<10240x64xf32, #tpu.memory_space<vmem_shared>>) offsets(%dma_start3A_72 : memref<80xi32, #tpu.memory_space<vmem>>) semaphore(%arg14 : memref<!tpu.dma_semaphore, #tpu.memory_space<semaphore_mem>>) {add = true}
    %dma_start3A_76 = arith.constant 4 : i32
    %dma_start3A_77 = arith.constant 4 : i32
    %dma_start3A_78 = arith.constant 0 : i32
    %dma_start3A_79 = arith.constant 0 : i32
    %dma_start3A_80 = tpu.memref_slice %arg8[%dma_start3A_77, %dma_start3A_78, %dma_start3A_79] : memref<5x80x64xf32, #tpu.memory_space<vmem>> -> memref<1x80x64xf32, #tpu.memory_space<vmem>>
    %dma_start3A_81 = tpu.memref_squeeze %dma_start3A_80 : memref<1x80x64xf32, #tpu.memory_space<vmem>> -> memref<80x64xf32, #tpu.memory_space<vmem>>
    %dma_start3A_82 = arith.constant 0 : i32
    %dma_start3A_83 = tpu.memref_slice %arg6[%dma_start3A_76, %dma_start3A_82] : memref<125x80xi32, #tpu.memory_space<vmem>> -> memref<1x80xi32, #tpu.memory_space<vmem>>
    %dma_start3A_84 = tpu.memref_squeeze %dma_start3A_83 : memref<1x80xi32, #tpu.memory_space<vmem>> -> memref<80xi32, #tpu.memory_space<vmem>>
    %dma_start3A_85 = arith.constant 0 : i32
    %dma_start3A_86 = arith.constant 0 : i32
    %dma_start3A_87 = tpu.memref_slice %arg2[%dma_start3A_85, %dma_start3A_86] : memref<10240x64xf32, #tpu.memory_space<hbm>> -> memref<10240x64xf32, #tpu.memory_space<hbm>>
    tpu.enqueue_indirect_dma source(%dma_start3A_87 : memref<10240x64xf32, #tpu.memory_space<hbm>>) target(%dma_start3A_81 : memref<80x64xf32, #tpu.memory_space<vmem>>) offsets(%dma_start3A_84 : memref<80xi32, #tpu.memory_space<vmem>>) semaphore(%arg13 : memref<!tpu.dma_semaphore, #tpu.memory_space<semaphore_mem>>)
    %dma_wait3A_88 = arith.constant 1 : i32
    %dma_wait3A_89 = arith.constant 1 : i32
    %dma_wait3A_90 = arith.constant 0 : i32
    %dma_wait3A_91 = arith.constant 0 : i32
    %dma_wait3A_92 = tpu.memref_slice %arg8[%dma_wait3A_89, %dma_wait3A_90, %dma_wait3A_91] : memref<5x80x64xf32, #tpu.memory_space<vmem>> -> memref<1x80x64xf32, #tpu.memory_space<vmem>>
    %dma_wait3A_93 = tpu.memref_squeeze %dma_wait3A_92 : memref<1x80x64xf32, #tpu.memory_space<vmem>> -> memref<80x64xf32, #tpu.memory_space<vmem>>
    %dma_wait3A_94 = arith.constant 0 : i32
    %dma_wait3A_95 = tpu.memref_slice %arg6[%dma_wait3A_88, %dma_wait3A_94] : memref<125x80xi32, #tpu.memory_space<vmem>> -> memref<1x80xi32, #tpu.memory_space<vmem>>
    %dma_wait3A_96 = tpu.memref_squeeze %dma_wait3A_95 : memref<1x80xi32, #tpu.memory_space<vmem>> -> memref<80xi32, #tpu.memory_space<vmem>>
    %dma_wait3A_97 = arith.constant 0 : i32
    %dma_wait3A_98 = arith.constant 0 : i32
    %dma_wait3A_99 = tpu.memref_slice %arg2[%dma_wait3A_97, %dma_wait3A_98] : memref<10240x64xf32, #tpu.memory_space<hbm>> -> memref<10240x64xf32, #tpu.memory_space<hbm>>
    tpu.wait_indirect_dma semaphore(%arg10 : memref<!tpu.dma_semaphore, #tpu.memory_space<semaphore_mem>>) src(%dma_wait3A_99 : memref<10240x64xf32, #tpu.memory_space<hbm>>) dst(%dma_wait3A_93 : memref<80x64xf32, #tpu.memory_space<vmem>>)
    %dma_start3A_100 = arith.constant 1 : i32
    %dma_start3A_101 = arith.constant 1 : i32
    %dma_start3A_102 = arith.constant 0 : i32
    %dma_start3A_103 = arith.constant 0 : i32
    %dma_start3A_104 = tpu.memref_slice %arg8[%dma_start3A_100, %dma_start3A_102, %dma_start3A_103] : memref<5x80x64xf32, #tpu.memory_space<vmem>> -> memref<1x80x64xf32, #tpu.memory_space<vmem>>
    %dma_start3A_105 = tpu.memref_squeeze %dma_start3A_104 : memref<1x80x64xf32, #tpu.memory_space<vmem>> -> memref<80x64xf32, #tpu.memory_space<vmem>>
    %dma_start3A_106 = arith.constant 0 : i32
    %dma_start3A_107 = tpu.memref_slice %arg7[%dma_start3A_101, %dma_start3A_106] : memref<125x80xi32, #tpu.memory_space<vmem>> -> memref<1x80xi32, #tpu.memory_space<vmem>>
    %dma_start3A_108 = tpu.memref_squeeze %dma_start3A_107 : memref<1x80xi32, #tpu.memory_space<vmem>> -> memref<80xi32, #tpu.memory_space<vmem>>
    %dma_start3A_109 = arith.constant 0 : i32
    %dma_start3A_110 = arith.constant 0 : i32
    %dma_start3A_111 = tpu.memref_slice %arg5[%dma_start3A_109, %dma_start3A_110] : memref<10240x64xf32, #tpu.memory_space<vmem_shared>> -> memref<10240x64xf32, #tpu.memory_space<vmem_shared>>
    tpu.enqueue_indirect_dma source(%dma_start3A_105 : memref<80x64xf32, #tpu.memory_space<vmem>>) target(%dma_start3A_111 : memref<10240x64xf32, #tpu.memory_space<vmem_shared>>) offsets(%dma_start3A_108 : memref<80xi32, #tpu.memory_space<vmem>>) semaphore(%arg15 : memref<!tpu.dma_semaphore, #tpu.memory_space<semaphore_mem>>) {add = true}
    %dma_wait3A_112 = arith.constant 0 : i32
    %dma_wait3A_113 = arith.constant 0 : i32
    %dma_wait3A_114 = arith.constant 0 : i32
    %dma_wait3A_115 = arith.constant 0 : i32
    %dma_wait3A_116 = tpu.memref_slice %arg8[%dma_wait3A_112, %dma_wait3A_114, %dma_wait3A_115] : memref<5x80x64xf32, #tpu.memory_space<vmem>> -> memref<1x80x64xf32, #tpu.memory_space<vmem>>
    %dma_wait3A_117 = tpu.memref_squeeze %dma_wait3A_116 : memref<1x80x64xf32, #tpu.memory_space<vmem>> -> memref<80x64xf32, #tpu.memory_space<vmem>>
    %dma_wait3A_118 = arith.constant 0 : i32
    %dma_wait3A_119 = tpu.memref_slice %arg7[%dma_wait3A_113, %dma_wait3A_118] : memref<125x80xi32, #tpu.memory_space<vmem>> -> memref<1x80xi32, #tpu.memory_space<vmem>>
    %dma_wait3A_120 = tpu.memref_squeeze %dma_wait3A_119 : memref<1x80xi32, #tpu.memory_space<vmem>> -> memref<80xi32, #tpu.memory_space<vmem>>
    %dma_wait3A_121 = arith.constant 0 : i32
    %dma_wait3A_122 = arith.constant 0 : i32
    %dma_wait3A_123 = tpu.memref_slice %arg5[%dma_wait3A_121, %dma_wait3A_122] : memref<10240x64xf32, #tpu.memory_space<vmem_shared>> -> memref<10240x64xf32, #tpu.memory_space<vmem_shared>>
    tpu.wait_indirect_dma semaphore(%arg14 : memref<!tpu.dma_semaphore, #tpu.memory_space<semaphore_mem>>) src(%dma_wait3A_117 : memref<80x64xf32, #tpu.memory_space<vmem>>) dst(%dma_wait3A_123 : memref<10240x64xf32, #tpu.memory_space<vmem_shared>>)
    %dma_start3A_124 = arith.constant 5 : i32
    %dma_start3A_125 = arith.constant 0 : i32
    %dma_start3A_126 = arith.constant 0 : i32
    %dma_start3A_127 = arith.constant 0 : i32
    %dma_start3A_128 = tpu.memref_slice %arg8[%dma_start3A_125, %dma_start3A_126, %dma_start3A_127] : memref<5x80x64xf32, #tpu.memory_space<vmem>> -> memref<1x80x64xf32, #tpu.memory_space<vmem>>
    %dma_start3A_129 = tpu.memref_squeeze %dma_start3A_128 : memref<1x80x64xf32, #tpu.memory_space<vmem>> -> memref<80x64xf32, #tpu.memory_space<vmem>>
    %dma_start3A_130 = arith.constant 0 : i32
    %dma_start3A_131 = tpu.memref_slice %arg6[%dma_start3A_124, %dma_start3A_130] : memref<125x80xi32, #tpu.memory_space<vmem>> -> memref<1x80xi32, #tpu.memory_space<vmem>>
    %dma_start3A_132 = tpu.memref_squeeze %dma_start3A_131 : memref<1x80xi32, #tpu.memory_space<vmem>> -> memref<80xi32, #tpu.memory_space<vmem>>
    %dma_start3A_133 = arith.constant 0 : i32
    %dma_start3A_134 = arith.constant 0 : i32
    %dma_start3A_135 = tpu.memref_slice %arg2[%dma_start3A_133, %dma_start3A_134] : memref<10240x64xf32, #tpu.memory_space<hbm>> -> memref<10240x64xf32, #tpu.memory_space<hbm>>
    tpu.enqueue_indirect_dma source(%dma_start3A_135 : memref<10240x64xf32, #tpu.memory_space<hbm>>) target(%dma_start3A_129 : memref<80x64xf32, #tpu.memory_space<vmem>>) offsets(%dma_start3A_132 : memref<80xi32, #tpu.memory_space<vmem>>) semaphore(%arg9 : memref<!tpu.dma_semaphore, #tpu.memory_space<semaphore_mem>>)
    %dma_wait3A_136 = arith.constant 2 : i32
    %dma_wait3A_137 = arith.constant 2 : i32
    %dma_wait3A_138 = arith.constant 0 : i32
    %dma_wait3A_139 = arith.constant 0 : i32
    %dma_wait3A_140 = tpu.memref_slice %arg8[%dma_wait3A_137, %dma_wait3A_138, %dma_wait3A_139] : memref<5x80x64xf32, #tpu.memory_space<vmem>> -> memref<1x80x64xf32, #tpu.memory_space<vmem>>
    %dma_wait3A_141 = tpu.memref_squeeze %dma_wait3A_140 : memref<1x80x64xf32, #tpu.memory_space<vmem>> -> memref<80x64xf32, #tpu.memory_space<vmem>>
    %dma_wait3A_142 = arith.constant 0 : i32
    %dma_wait3A_143 = tpu.memref_slice %arg6[%dma_wait3A_136, %dma_wait3A_142] : memref<125x80xi32, #tpu.memory_space<vmem>> -> memref<1x80xi32, #tpu.memory_space<vmem>>
    %dma_wait3A_144 = tpu.memref_squeeze %dma_wait3A_143 : memref<1x80xi32, #tpu.memory_space<vmem>> -> memref<80xi32, #tpu.memory_space<vmem>>
    %dma_wait3A_145 = arith.constant 0 : i32
    %dma_wait3A_146 = arith.constant 0 : i32
    %dma_wait3A_147 = tpu.memref_slice %arg2[%dma_wait3A_145, %dma_wait3A_146] : memref<10240x64xf32, #tpu.memory_space<hbm>> -> memref<10240x64xf32, #tpu.memory_space<hbm>>
    tpu.wait_indirect_dma semaphore(%arg11 : memref<!tpu.dma_semaphore, #tpu.memory_space<semaphore_mem>>) src(%dma_wait3A_147 : memref<10240x64xf32, #tpu.memory_space<hbm>>) dst(%dma_wait3A_141 : memref<80x64xf32, #tpu.memory_space<vmem>>)
    %dma_start3A_148 = arith.constant 2 : i32
    %dma_start3A_149 = arith.constant 2 : i32
    %dma_start3A_150 = arith.constant 0 : i32
    %dma_start3A_151 = arith.constant 0 : i32
    %dma_start3A_152 = tpu.memref_slice %arg8[%dma_start3A_148, %dma_start3A_150, %dma_start3A_151] : memref<5x80x64xf32, #tpu.memory_space<vmem>> -> memref<1x80x64xf32, #tpu.memory_space<vmem>>
    %dma_start3A_153 = tpu.memref_squeeze %dma_start3A_152 : memref<1x80x64xf32, #tpu.memory_space<vmem>> -> memref<80x64xf32, #tpu.memory_space<vmem>>
    %dma_start3A_154 = arith.constant 0 : i32
    %dma_start3A_155 = tpu.memref_slice %arg7[%dma_start3A_149, %dma_start3A_154] : memref<125x80xi32, #tpu.memory_space<vmem>> -> memref<1x80xi32, #tpu.memory_space<vmem>>
    %dma_start3A_156 = tpu.memref_squeeze %dma_start3A_155 : memref<1x80xi32, #tpu.memory_space<vmem>> -> memref<80xi32, #tpu.memory_space<vmem>>
    %dma_start3A_157 = arith.constant 0 : i32
    %dma_start3A_158 = arith.constant 0 : i32
    %dma_start3A_159 = tpu.memref_slice %arg5[%dma_start3A_157, %dma_start3A_158] : memref<10240x64xf32, #tpu.memory_space<vmem_shared>> -> memref<10240x64xf32, #tpu.memory_space<vmem_shared>>
    tpu.enqueue_indirect_dma source(%dma_start3A_153 : memref<80x64xf32, #tpu.memory_space<vmem>>) target(%dma_start3A_159 : memref<10240x64xf32, #tpu.memory_space<vmem_shared>>) offsets(%dma_start3A_156 : memref<80xi32, #tpu.memory_space<vmem>>) semaphore(%arg16 : memref<!tpu.dma_semaphore, #tpu.memory_space<semaphore_mem>>) {add = true}
    %dma_wait3A_160 = arith.constant 1 : i32
    %dma_wait3A_161 = arith.constant 1 : i32
    %dma_wait3A_162 = arith.constant 0 : i32
    %dma_wait3A_163 = arith.constant 0 : i32
    %dma_wait3A_164 = tpu.memref_slice %arg8[%dma_wait3A_160, %dma_wait3A_162, %dma_wait3A_163] : memref<5x80x64xf32, #tpu.memory_space<vmem>> -> memref<1x80x64xf32, #tpu.memory_space<vmem>>
    %dma_wait3A_165 = tpu.memref_squeeze %dma_wait3A_164 : memref<1x80x64xf32, #tpu.memory_space<vmem>> -> memref<80x64xf32, #tpu.memory_space<vmem>>
    %dma_wait3A_166 = arith.constant 0 : i32
    %dma_wait3A_167 = tpu.memref_slice %arg7[%dma_wait3A_161, %dma_wait3A_166] : memref<125x80xi32, #tpu.memory_space<vmem>> -> memref<1x80xi32, #tpu.memory_space<vmem>>
    %dma_wait3A_168 = tpu.memref_squeeze %dma_wait3A_167 : memref<1x80xi32, #tpu.memory_space<vmem>> -> memref<80xi32, #tpu.memory_space<vmem>>
    %dma_wait3A_169 = arith.constant 0 : i32
    %dma_wait3A_170 = arith.constant 0 : i32
    %dma_wait3A_171 = tpu.memref_slice %arg5[%dma_wait3A_169, %dma_wait3A_170] : memref<10240x64xf32, #tpu.memory_space<vmem_shared>> -> memref<10240x64xf32, #tpu.memory_space<vmem_shared>>
    tpu.wait_indirect_dma semaphore(%arg15 : memref<!tpu.dma_semaphore, #tpu.memory_space<semaphore_mem>>) src(%dma_wait3A_165 : memref<80x64xf32, #tpu.memory_space<vmem>>) dst(%dma_wait3A_171 : memref<10240x64xf32, #tpu.memory_space<vmem_shared>>)
    %dma_start3A_172 = arith.constant 6 : i32
    %dma_start3A_173 = arith.constant 1 : i32
    %dma_start3A_174 = arith.constant 0 : i32
    %dma_start3A_175 = arith.constant 0 : i32
    %dma_start3A_176 = tpu.memref_slice %arg8[%dma_start3A_173, %dma_start3A_174, %dma_start3A_175] : memref<5x80x64xf32, #tpu.memory_space<vmem>> -> memref<1x80x64xf32, #tpu.memory_space<vmem>>
    %dma_start3A_177 = tpu.memref_squeeze %dma_start3A_176 : memref<1x80x64xf32, #tpu.memory_space<vmem>> -> memref<80x64xf32, #tpu.memory_space<vmem>>
    %dma_start3A_178 = arith.constant 0 : i32
    %dma_start3A_179 = tpu.memref_slice %arg6[%dma_start3A_172, %dma_start3A_178] : memref<125x80xi32, #tpu.memory_space<vmem>> -> memref<1x80xi32, #tpu.memory_space<vmem>>
    %dma_start3A_180 = tpu.memref_squeeze %dma_start3A_179 : memref<1x80xi32, #tpu.memory_space<vmem>> -> memref<80xi32, #tpu.memory_space<vmem>>
    %dma_start3A_181 = arith.constant 0 : i32
    %dma_start3A_182 = arith.constant 0 : i32
    %dma_start3A_183 = tpu.memref_slice %arg2[%dma_start3A_181, %dma_start3A_182] : memref<10240x64xf32, #tpu.memory_space<hbm>> -> memref<10240x64xf32, #tpu.memory_space<hbm>>
    tpu.enqueue_indirect_dma source(%dma_start3A_183 : memref<10240x64xf32, #tpu.memory_space<hbm>>) target(%dma_start3A_177 : memref<80x64xf32, #tpu.memory_space<vmem>>) offsets(%dma_start3A_180 : memref<80xi32, #tpu.memory_space<vmem>>) semaphore(%arg10 : memref<!tpu.dma_semaphore, #tpu.memory_space<semaphore_mem>>)
    %dma_wait3A_184 = arith.constant 3 : i32
    %dma_wait3A_185 = arith.constant 3 : i32
    %dma_wait3A_186 = arith.constant 0 : i32
    %dma_wait3A_187 = arith.constant 0 : i32
    %dma_wait3A_188 = tpu.memref_slice %arg8[%dma_wait3A_185, %dma_wait3A_186, %dma_wait3A_187] : memref<5x80x64xf32, #tpu.memory_space<vmem>> -> memref<1x80x64xf32, #tpu.memory_space<vmem>>
    %dma_wait3A_189 = tpu.memref_squeeze %dma_wait3A_188 : memref<1x80x64xf32, #tpu.memory_space<vmem>> -> memref<80x64xf32, #tpu.memory_space<vmem>>
    %dma_wait3A_190 = arith.constant 0 : i32
    %dma_wait3A_191 = tpu.memref_slice %arg6[%dma_wait3A_184, %dma_wait3A_190] : memref<125x80xi32, #tpu.memory_space<vmem>> -> memref<1x80xi32, #tpu.memory_space<vmem>>
    %dma_wait3A_192 = tpu.memref_squeeze %dma_wait3A_191 : memref<1x80xi32, #tpu.memory_space<vmem>> -> memref<80xi32, #tpu.memory_space<vmem>>
    %dma_wait3A_193 = arith.constant 0 : i32
    %dma_wait3A_194 = arith.constant 0 : i32
    %dma_wait3A_195 = tpu.memref_slice %arg2[%dma_wait3A_193, %dma_wait3A_194] : memref<10240x64xf32, #tpu.memory_space<hbm>> -> memref<10240x64xf32, #tpu.memory_space<hbm>>
    tpu.wait_indirect_dma semaphore(%arg12 : memref<!tpu.dma_semaphore, #tpu.memory_space<semaphore_mem>>) src(%dma_wait3A_195 : memref<10240x64xf32, #tpu.memory_space<hbm>>) dst(%dma_wait3A_189 : memref<80x64xf32, #tpu.memory_space<vmem>>)
    %dma_start3A_196 = arith.constant 3 : i32
    %dma_start3A_197 = arith.constant 3 : i32
    %dma_start3A_198 = arith.constant 0 : i32
    %dma_start3A_199 = arith.constant 0 : i32
    %dma_start3A_200 = tpu.memref_slice %arg8[%dma_start3A_196, %dma_start3A_198, %dma_start3A_199] : memref<5x80x64xf32, #tpu.memory_space<vmem>> -> memref<1x80x64xf32, #tpu.memory_space<vmem>>
    %dma_start3A_201 = tpu.memref_squeeze %dma_start3A_200 : memref<1x80x64xf32, #tpu.memory_space<vmem>> -> memref<80x64xf32, #tpu.memory_space<vmem>>
    %dma_start3A_202 = arith.constant 0 : i32
    %dma_start3A_203 = tpu.memref_slice %arg7[%dma_start3A_197, %dma_start3A_202] : memref<125x80xi32, #tpu.memory_space<vmem>> -> memref<1x80xi32, #tpu.memory_space<vmem>>
    %dma_start3A_204 = tpu.memref_squeeze %dma_start3A_203 : memref<1x80xi32, #tpu.memory_space<vmem>> -> memref<80xi32, #tpu.memory_space<vmem>>
    %dma_start3A_205 = arith.constant 0 : i32
    %dma_start3A_206 = arith.constant 0 : i32
    %dma_start3A_207 = tpu.memref_slice %arg5[%dma_start3A_205, %dma_start3A_206] : memref<10240x64xf32, #tpu.memory_space<vmem_shared>> -> memref<10240x64xf32, #tpu.memory_space<vmem_shared>>
    tpu.enqueue_indirect_dma source(%dma_start3A_201 : memref<80x64xf32, #tpu.memory_space<vmem>>) target(%dma_start3A_207 : memref<10240x64xf32, #tpu.memory_space<vmem_shared>>) offsets(%dma_start3A_204 : memref<80xi32, #tpu.memory_space<vmem>>) semaphore(%arg17 : memref<!tpu.dma_semaphore, #tpu.memory_space<semaphore_mem>>) {add = true}
    %dma_wait3A_208 = arith.constant 2 : i32
    %dma_wait3A_209 = arith.constant 2 : i32
    %dma_wait3A_210 = arith.constant 0 : i32
    %dma_wait3A_211 = arith.constant 0 : i32
    %dma_wait3A_212 = tpu.memref_slice %arg8[%dma_wait3A_208, %dma_wait3A_210, %dma_wait3A_211] : memref<5x80x64xf32, #tpu.memory_space<vmem>> -> memref<1x80x64xf32, #tpu.memory_space<vmem>>
    %dma_wait3A_213 = tpu.memref_squeeze %dma_wait3A_212 : memref<1x80x64xf32, #tpu.memory_space<vmem>> -> memref<80x64xf32, #tpu.memory_space<vmem>>
    %dma_wait3A_214 = arith.constant 0 : i32
    %dma_wait3A_215 = tpu.memref_slice %arg7[%dma_wait3A_209, %dma_wait3A_214] : memref<125x80xi32, #tpu.memory_space<vmem>> -> memref<1x80xi32, #tpu.memory_space<vmem>>
    %dma_wait3A_216 = tpu.memref_squeeze %dma_wait3A_215 : memref<1x80xi32, #tpu.memory_space<vmem>> -> memref<80xi32, #tpu.memory_space<vmem>>
    %dma_wait3A_217 = arith.constant 0 : i32
    %dma_wait3A_218 = arith.constant 0 : i32
    %dma_wait3A_219 = tpu.memref_slice %arg5[%dma_wait3A_217, %dma_wait3A_218] : memref<10240x64xf32, #tpu.memory_space<vmem_shared>> -> memref<10240x64xf32, #tpu.memory_space<vmem_shared>>
    tpu.wait_indirect_dma semaphore(%arg16 : memref<!tpu.dma_semaphore, #tpu.memory_space<semaphore_mem>>) src(%dma_wait3A_213 : memref<80x64xf32, #tpu.memory_space<vmem>>) dst(%dma_wait3A_219 : memref<10240x64xf32, #tpu.memory_space<vmem_shared>>)
    %dma_start3A_220 = arith.constant 7 : i32
    %dma_start3A_221 = arith.constant 2 : i32
    %dma_start3A_222 = arith.constant 0 : i32
    %dma_start3A_223 = arith.constant 0 : i32
    %dma_start3A_224 = tpu.memref_slice %arg8[%dma_start3A_221, %dma_start3A_222, %dma_start3A_223] : memref<5x80x64xf32, #tpu.memory_space<vmem>> -> memref<1x80x64xf32, #tpu.memory_space<vmem>>
    %dma_start3A_225 = tpu.memref_squeeze %dma_start3A_224 : memref<1x80x64xf32, #tpu.memory_space<vmem>> -> memref<80x64xf32, #tpu.memory_space<vmem>>
    %dma_start3A_226 = arith.constant 0 : i32
    %dma_start3A_227 = tpu.memref_slice %arg6[%dma_start3A_220, %dma_start3A_226] : memref<125x80xi32, #tpu.memory_space<vmem>> -> memref<1x80xi32, #tpu.memory_space<vmem>>
    %dma_start3A_228 = tpu.memref_squeeze %dma_start3A_227 : memref<1x80xi32, #tpu.memory_space<vmem>> -> memref<80xi32, #tpu.memory_space<vmem>>
    %dma_start3A_229 = arith.constant 0 : i32
    %dma_start3A_230 = arith.constant 0 : i32
    %dma_start3A_231 = tpu.memref_slice %arg2[%dma_start3A_229, %dma_start3A_230] : memref<10240x64xf32, #tpu.memory_space<hbm>> -> memref<10240x64xf32, #tpu.memory_space<hbm>>
    tpu.enqueue_indirect_dma source(%dma_start3A_231 : memref<10240x64xf32, #tpu.memory_space<hbm>>) target(%dma_start3A_225 : memref<80x64xf32, #tpu.memory_space<vmem>>) offsets(%dma_start3A_228 : memref<80xi32, #tpu.memory_space<vmem>>) semaphore(%arg11 : memref<!tpu.dma_semaphore, #tpu.memory_space<semaphore_mem>>)
    %dma_wait3A_232 = arith.constant 4 : i32
    %dma_wait3A_233 = arith.constant 4 : i32
    %dma_wait3A_234 = arith.constant 0 : i32
    %dma_wait3A_235 = arith.constant 0 : i32
    %dma_wait3A_236 = tpu.memref_slice %arg8[%dma_wait3A_233, %dma_wait3A_234, %dma_wait3A_235] : memref<5x80x64xf32, #tpu.memory_space<vmem>> -> memref<1x80x64xf32, #tpu.memory_space<vmem>>
    %dma_wait3A_237 = tpu.memref_squeeze %dma_wait3A_236 : memref<1x80x64xf32, #tpu.memory_space<vmem>> -> memref<80x64xf32, #tpu.memory_space<vmem>>
    %dma_wait3A_238 = arith.constant 0 : i32
    %dma_wait3A_239 = tpu.memref_slice %arg6[%dma_wait3A_232, %dma_wait3A_238] : memref<125x80xi32, #tpu.memory_space<vmem>> -> memref<1x80xi32, #tpu.memory_space<vmem>>
    %dma_wait3A_240 = tpu.memref_squeeze %dma_wait3A_239 : memref<1x80xi32, #tpu.memory_space<vmem>> -> memref<80xi32, #tpu.memory_space<vmem>>
    %dma_wait3A_241 = arith.constant 0 : i32
    %dma_wait3A_242 = arith.constant 0 : i32
    %dma_wait3A_243 = tpu.memref_slice %arg2[%dma_wait3A_241, %dma_wait3A_242] : memref<10240x64xf32, #tpu.memory_space<hbm>> -> memref<10240x64xf32, #tpu.memory_space<hbm>>
    tpu.wait_indirect_dma semaphore(%arg13 : memref<!tpu.dma_semaphore, #tpu.memory_space<semaphore_mem>>) src(%dma_wait3A_243 : memref<10240x64xf32, #tpu.memory_space<hbm>>) dst(%dma_wait3A_237 : memref<80x64xf32, #tpu.memory_space<vmem>>)
    %dma_start3A_244 = arith.constant 4 : i32
    %dma_start3A_245 = arith.constant 4 : i32
    %dma_start3A_246 = arith.constant 0 : i32
    %dma_start3A_247 = arith.constant 0 : i32
    %dma_start3A_248 = tpu.memref_slice %arg8[%dma_start3A_244, %dma_start3A_246, %dma_start3A_247] : memref<5x80x64xf32, #tpu.memory_space<vmem>> -> memref<1x80x64xf32, #tpu.memory_space<vmem>>
    %dma_start3A_249 = tpu.memref_squeeze %dma_start3A_248 : memref<1x80x64xf32, #tpu.memory_space<vmem>> -> memref<80x64xf32, #tpu.memory_space<vmem>>
    %dma_start3A_250 = arith.constant 0 : i32
    %dma_start3A_251 = tpu.memref_slice %arg7[%dma_start3A_245, %dma_start3A_250] : memref<125x80xi32, #tpu.memory_space<vmem>> -> memref<1x80xi32, #tpu.memory_space<vmem>>
    %dma_start3A_252 = tpu.memref_squeeze %dma_start3A_251 : memref<1x80xi32, #tpu.memory_space<vmem>> -> memref<80xi32, #tpu.memory_space<vmem>>
    %dma_start3A_253 = arith.constant 0 : i32
    %dma_start3A_254 = arith.constant 0 : i32
    %dma_start3A_255 = tpu.memref_slice %arg5[%dma_start3A_253, %dma_start3A_254] : memref<10240x64xf32, #tpu.memory_space<vmem_shared>> -> memref<10240x64xf32, #tpu.memory_space<vmem_shared>>
    tpu.enqueue_indirect_dma source(%dma_start3A_249 : memref<80x64xf32, #tpu.memory_space<vmem>>) target(%dma_start3A_255 : memref<10240x64xf32, #tpu.memory_space<vmem_shared>>) offsets(%dma_start3A_252 : memref<80xi32, #tpu.memory_space<vmem>>) semaphore(%arg18 : memref<!tpu.dma_semaphore, #tpu.memory_space<semaphore_mem>>) {add = true}
    %dma_wait3A_256 = arith.constant 3 : i32
    %dma_wait3A_257 = arith.constant 3 : i32
    %dma_wait3A_258 = arith.constant 0 : i32
    %dma_wait3A_259 = arith.constant 0 : i32
    %dma_wait3A_260 = tpu.memref_slice %arg8[%dma_wait3A_256, %dma_wait3A_258, %dma_wait3A_259] : memref<5x80x64xf32, #tpu.memory_space<vmem>> -> memref<1x80x64xf32, #tpu.memory_space<vmem>>
    %dma_wait3A_261 = tpu.memref_squeeze %dma_wait3A_260 : memref<1x80x64xf32, #tpu.memory_space<vmem>> -> memref<80x64xf32, #tpu.memory_space<vmem>>
    %dma_wait3A_262 = arith.constant 0 : i32
    %dma_wait3A_263 = tpu.memref_slice %arg7[%dma_wait3A_257, %dma_wait3A_262] : memref<125x80xi32, #tpu.memory_space<vmem>> -> memref<1x80xi32, #tpu.memory_space<vmem>>
    %dma_wait3A_264 = tpu.memref_squeeze %dma_wait3A_263 : memref<1x80xi32, #tpu.memory_space<vmem>> -> memref<80xi32, #tpu.memory_space<vmem>>
    %dma_wait3A_265 = arith.constant 0 : i32
    %dma_wait3A_266 = arith.constant 0 : i32
    %dma_wait3A_267 = tpu.memref_slice %arg5[%dma_wait3A_265, %dma_wait3A_266] : memref<10240x64xf32, #tpu.memory_space<vmem_shared>> -> memref<10240x64xf32, #tpu.memory_space<vmem_shared>>
    tpu.wait_indirect_dma semaphore(%arg17 : memref<!tpu.dma_semaphore, #tpu.memory_space<semaphore_mem>>) src(%dma_wait3A_261 : memref<80x64xf32, #tpu.memory_space<vmem>>) dst(%dma_wait3A_267 : memref<10240x64xf32, #tpu.memory_space<vmem_shared>>)
    %dma_start3A_268 = arith.constant 8 : i32
    %dma_start3A_269 = arith.constant 3 : i32
    %dma_start3A_270 = arith.constant 0 : i32
    %dma_start3A_271 = arith.constant 0 : i32
    %dma_start3A_272 = tpu.memref_slice %arg8[%dma_start3A_269, %dma_start3A_270, %dma_start3A_271] : memref<5x80x64xf32, #tpu.memory_space<vmem>> -> memref<1x80x64xf32, #tpu.memory_space<vmem>>
    %dma_start3A_273 = tpu.memref_squeeze %dma_start3A_272 : memref<1x80x64xf32, #tpu.memory_space<vmem>> -> memref<80x64xf32, #tpu.memory_space<vmem>>
    %dma_start3A_274 = arith.constant 0 : i32
    %dma_start3A_275 = tpu.memref_slice %arg6[%dma_start3A_268, %dma_start3A_274] : memref<125x80xi32, #tpu.memory_space<vmem>> -> memref<1x80xi32, #tpu.memory_space<vmem>>
    %dma_start3A_276 = tpu.memref_squeeze %dma_start3A_275 : memref<1x80xi32, #tpu.memory_space<vmem>> -> memref<80xi32, #tpu.memory_space<vmem>>
    %dma_start3A_277 = arith.constant 0 : i32
    %dma_start3A_278 = arith.constant 0 : i32
    %dma_start3A_279 = tpu.memref_slice %arg2[%dma_start3A_277, %dma_start3A_278] : memref<10240x64xf32, #tpu.memory_space<hbm>> -> memref<10240x64xf32, #tpu.memory_space<hbm>>
    tpu.enqueue_indirect_dma source(%dma_start3A_279 : memref<10240x64xf32, #tpu.memory_space<hbm>>) target(%dma_start3A_273 : memref<80x64xf32, #tpu.memory_space<vmem>>) offsets(%dma_start3A_276 : memref<80xi32, #tpu.memory_space<vmem>>) semaphore(%arg12 : memref<!tpu.dma_semaphore, #tpu.memory_space<semaphore_mem>>)
    %scan3A = arith.constant 0 : i32
    %scan3A_280 = arith.constant 1 : i32
    %scan3A_281 = arith.constant 23 : i32
    %scan3A_282 = arith.addi %scan3A_280, %scan3A_281 : i32
    %scan3A_283 = arith.constant 1 : i32
    scf.for %scan3A_497 = %scan3A_280 to %scan3A_282 step %scan3A_283  : i32 {
      %mul3A_498 = arith.constant 5 : i32
      %mul3A_499 = arith.muli %mul3A_498, %scan3A_497 : i32
      %add3A_500 = arith.constant 0 : i32
      %add3A_501 = arith.addi %mul3A_499, %add3A_500 : i32
      %dma_wait3A_502 = arith.constant 0 : i32
      %dma_wait3A_503 = arith.constant 0 : i32
      %dma_wait3A_504 = arith.constant 0 : i32
      %dma_wait3A_505 = tpu.memref_slice %arg8[%dma_wait3A_502, %dma_wait3A_503, %dma_wait3A_504] : memref<5x80x64xf32, #tpu.memory_space<vmem>> -> memref<1x80x64xf32, #tpu.memory_space<vmem>>
      %dma_wait3A_506 = tpu.memref_squeeze %dma_wait3A_505 : memref<1x80x64xf32, #tpu.memory_space<vmem>> -> memref<80x64xf32, #tpu.memory_space<vmem>>
      %dma_wait3A_507 = arith.constant 0 : i32
      %dma_wait3A_508 = tpu.memref_slice %arg6[%add3A_501, %dma_wait3A_507] : memref<125x80xi32, #tpu.memory_space<vmem>> -> memref<1x80xi32, #tpu.memory_space<vmem>>
      %dma_wait3A_509 = tpu.memref_squeeze %dma_wait3A_508 : memref<1x80xi32, #tpu.memory_space<vmem>> -> memref<80xi32, #tpu.memory_space<vmem>>
      %dma_wait3A_510 = arith.constant 0 : i32
      %dma_wait3A_511 = arith.constant 0 : i32
      %dma_wait3A_512 = tpu.memref_slice %arg2[%dma_wait3A_510, %dma_wait3A_511] : memref<10240x64xf32, #tpu.memory_space<hbm>> -> memref<10240x64xf32, #tpu.memory_space<hbm>>
      tpu.wait_indirect_dma semaphore(%arg9 : memref<!tpu.dma_semaphore, #tpu.memory_space<semaphore_mem>>) src(%dma_wait3A_512 : memref<10240x64xf32, #tpu.memory_space<hbm>>) dst(%dma_wait3A_506 : memref<80x64xf32, #tpu.memory_space<vmem>>)
      %dma_start3A_513 = arith.constant 0 : i32
      %dma_start3A_514 = arith.constant 0 : i32
      %dma_start3A_515 = arith.constant 0 : i32
      %dma_start3A_516 = tpu.memref_slice %arg8[%dma_start3A_513, %dma_start3A_514, %dma_start3A_515] : memref<5x80x64xf32, #tpu.memory_space<vmem>> -> memref<1x80x64xf32, #tpu.memory_space<vmem>>
      %dma_start3A_517 = tpu.memref_squeeze %dma_start3A_516 : memref<1x80x64xf32, #tpu.memory_space<vmem>> -> memref<80x64xf32, #tpu.memory_space<vmem>>
      %dma_start3A_518 = arith.constant 0 : i32
      %dma_start3A_519 = tpu.memref_slice %arg7[%add3A_501, %dma_start3A_518] : memref<125x80xi32, #tpu.memory_space<vmem>> -> memref<1x80xi32, #tpu.memory_space<vmem>>
      %dma_start3A_520 = tpu.memref_squeeze %dma_start3A_519 : memref<1x80xi32, #tpu.memory_space<vmem>> -> memref<80xi32, #tpu.memory_space<vmem>>
      %dma_start3A_521 = arith.constant 0 : i32
      %dma_start3A_522 = arith.constant 0 : i32
      %dma_start3A_523 = tpu.memref_slice %arg5[%dma_start3A_521, %dma_start3A_522] : memref<10240x64xf32, #tpu.memory_space<vmem_shared>> -> memref<10240x64xf32, #tpu.memory_space<vmem_shared>>
      tpu.enqueue_indirect_dma source(%dma_start3A_517 : memref<80x64xf32, #tpu.memory_space<vmem>>) target(%dma_start3A_523 : memref<10240x64xf32, #tpu.memory_space<vmem_shared>>) offsets(%dma_start3A_520 : memref<80xi32, #tpu.memory_space<vmem>>) semaphore(%arg14 : memref<!tpu.dma_semaphore, #tpu.memory_space<semaphore_mem>>) {add = true}
      %sub3A = arith.constant 1 : i32
      %sub3A_524 = arith.subi %add3A_501, %sub3A : i32
      %dma_wait3A_525 = arith.constant 4 : i32
      %dma_wait3A_526 = arith.constant 0 : i32
      %dma_wait3A_527 = arith.constant 0 : i32
      %dma_wait3A_528 = tpu.memref_slice %arg8[%dma_wait3A_525, %dma_wait3A_526, %dma_wait3A_527] : memref<5x80x64xf32, #tpu.memory_space<vmem>> -> memref<1x80x64xf32, #tpu.memory_space<vmem>>
      %dma_wait3A_529 = tpu.memref_squeeze %dma_wait3A_528 : memref<1x80x64xf32, #tpu.memory_space<vmem>> -> memref<80x64xf32, #tpu.memory_space<vmem>>
      %dma_wait3A_530 = arith.constant 0 : i32
      %dma_wait3A_531 = tpu.memref_slice %arg7[%sub3A_524, %dma_wait3A_530] : memref<125x80xi32, #tpu.memory_space<vmem>> -> memref<1x80xi32, #tpu.memory_space<vmem>>
      %dma_wait3A_532 = tpu.memref_squeeze %dma_wait3A_531 : memref<1x80xi32, #tpu.memory_space<vmem>> -> memref<80xi32, #tpu.memory_space<vmem>>
      %dma_wait3A_533 = arith.constant 0 : i32
      %dma_wait3A_534 = arith.constant 0 : i32
      %dma_wait3A_535 = tpu.memref_slice %arg5[%dma_wait3A_533, %dma_wait3A_534] : memref<10240x64xf32, #tpu.memory_space<vmem_shared>> -> memref<10240x64xf32, #tpu.memory_space<vmem_shared>>
      tpu.wait_indirect_dma semaphore(%arg18 : memref<!tpu.dma_semaphore, #tpu.memory_space<semaphore_mem>>) src(%dma_wait3A_529 : memref<80x64xf32, #tpu.memory_space<vmem>>) dst(%dma_wait3A_535 : memref<10240x64xf32, #tpu.memory_space<vmem_shared>>)
      %add3A_536 = arith.constant 5 : i32
      %add3A_537 = arith.addi %add3A_501, %add3A_536 : i32
      %sub3A_538 = arith.constant 1 : i32
      %sub3A_539 = arith.subi %add3A_537, %sub3A_538 : i32
      %dma_start3A_540 = arith.constant 4 : i32
      %dma_start3A_541 = arith.constant 0 : i32
      %dma_start3A_542 = arith.constant 0 : i32
      %dma_start3A_543 = tpu.memref_slice %arg8[%dma_start3A_540, %dma_start3A_541, %dma_start3A_542] : memref<5x80x64xf32, #tpu.memory_space<vmem>> -> memref<1x80x64xf32, #tpu.memory_space<vmem>>
      %dma_start3A_544 = tpu.memref_squeeze %dma_start3A_543 : memref<1x80x64xf32, #tpu.memory_space<vmem>> -> memref<80x64xf32, #tpu.memory_space<vmem>>
      %dma_start3A_545 = arith.constant 0 : i32
      %dma_start3A_546 = tpu.memref_slice %arg6[%sub3A_539, %dma_start3A_545] : memref<125x80xi32, #tpu.memory_space<vmem>> -> memref<1x80xi32, #tpu.memory_space<vmem>>
      %dma_start3A_547 = tpu.memref_squeeze %dma_start3A_546 : memref<1x80xi32, #tpu.memory_space<vmem>> -> memref<80xi32, #tpu.memory_space<vmem>>
      %dma_start3A_548 = arith.constant 0 : i32
      %dma_start3A_549 = arith.constant 0 : i32
      %dma_start3A_550 = tpu.memref_slice %arg2[%dma_start3A_548, %dma_start3A_549] : memref<10240x64xf32, #tpu.memory_space<hbm>> -> memref<10240x64xf32, #tpu.memory_space<hbm>>
      tpu.enqueue_indirect_dma source(%dma_start3A_550 : memref<10240x64xf32, #tpu.memory_space<hbm>>) target(%dma_start3A_544 : memref<80x64xf32, #tpu.memory_space<vmem>>) offsets(%dma_start3A_547 : memref<80xi32, #tpu.memory_space<vmem>>) semaphore(%arg13 : memref<!tpu.dma_semaphore, #tpu.memory_space<semaphore_mem>>)
      %add3A_551 = arith.constant 1 : i32
      %add3A_552 = arith.addi %mul3A_499, %add3A_551 : i32
      %dma_wait3A_553 = arith.constant 1 : i32
      %dma_wait3A_554 = arith.constant 0 : i32
      %dma_wait3A_555 = arith.constant 0 : i32
      %dma_wait3A_556 = tpu.memref_slice %arg8[%dma_wait3A_553, %dma_wait3A_554, %dma_wait3A_555] : memref<5x80x64xf32, #tpu.memory_space<vmem>> -> memref<1x80x64xf32, #tpu.memory_space<vmem>>
      %dma_wait3A_557 = tpu.memref_squeeze %dma_wait3A_556 : memref<1x80x64xf32, #tpu.memory_space<vmem>> -> memref<80x64xf32, #tpu.memory_space<vmem>>
      %dma_wait3A_558 = arith.constant 0 : i32
      %dma_wait3A_559 = tpu.memref_slice %arg6[%add3A_552, %dma_wait3A_558] : memref<125x80xi32, #tpu.memory_space<vmem>> -> memref<1x80xi32, #tpu.memory_space<vmem>>
      %dma_wait3A_560 = tpu.memref_squeeze %dma_wait3A_559 : memref<1x80xi32, #tpu.memory_space<vmem>> -> memref<80xi32, #tpu.memory_space<vmem>>
      %dma_wait3A_561 = arith.constant 0 : i32
      %dma_wait3A_562 = arith.constant 0 : i32
      %dma_wait3A_563 = tpu.memref_slice %arg2[%dma_wait3A_561, %dma_wait3A_562] : memref<10240x64xf32, #tpu.memory_space<hbm>> -> memref<10240x64xf32, #tpu.memory_space<hbm>>
      tpu.wait_indirect_dma semaphore(%arg10 : memref<!tpu.dma_semaphore, #tpu.memory_space<semaphore_mem>>) src(%dma_wait3A_563 : memref<10240x64xf32, #tpu.memory_space<hbm>>) dst(%dma_wait3A_557 : memref<80x64xf32, #tpu.memory_space<vmem>>)
      %dma_start3A_564 = arith.constant 1 : i32
      %dma_start3A_565 = arith.constant 0 : i32
      %dma_start3A_566 = arith.constant 0 : i32
      %dma_start3A_567 = tpu.memref_slice %arg8[%dma_start3A_564, %dma_start3A_565, %dma_start3A_566] : memref<5x80x64xf32, #tpu.memory_space<vmem>> -> memref<1x80x64xf32, #tpu.memory_space<vmem>>
      %dma_start3A_568 = tpu.memref_squeeze %dma_start3A_567 : memref<1x80x64xf32, #tpu.memory_space<vmem>> -> memref<80x64xf32, #tpu.memory_space<vmem>>
      %dma_start3A_569 = arith.constant 0 : i32
      %dma_start3A_570 = tpu.memref_slice %arg7[%add3A_552, %dma_start3A_569] : memref<125x80xi32, #tpu.memory_space<vmem>> -> memref<1x80xi32, #tpu.memory_space<vmem>>
      %dma_start3A_571 = tpu.memref_squeeze %dma_start3A_570 : memref<1x80xi32, #tpu.memory_space<vmem>> -> memref<80xi32, #tpu.memory_space<vmem>>
      %dma_start3A_572 = arith.constant 0 : i32
      %dma_start3A_573 = arith.constant 0 : i32
      %dma_start3A_574 = tpu.memref_slice %arg5[%dma_start3A_572, %dma_start3A_573] : memref<10240x64xf32, #tpu.memory_space<vmem_shared>> -> memref<10240x64xf32, #tpu.memory_space<vmem_shared>>
      tpu.enqueue_indirect_dma source(%dma_start3A_568 : memref<80x64xf32, #tpu.memory_space<vmem>>) target(%dma_start3A_574 : memref<10240x64xf32, #tpu.memory_space<vmem_shared>>) offsets(%dma_start3A_571 : memref<80xi32, #tpu.memory_space<vmem>>) semaphore(%arg15 : memref<!tpu.dma_semaphore, #tpu.memory_space<semaphore_mem>>) {add = true}
      %sub3A_575 = arith.constant 1 : i32
      %sub3A_576 = arith.subi %add3A_552, %sub3A_575 : i32
      %dma_wait3A_577 = arith.constant 0 : i32
      %dma_wait3A_578 = arith.constant 0 : i32
      %dma_wait3A_579 = arith.constant 0 : i32
      %dma_wait3A_580 = tpu.memref_slice %arg8[%dma_wait3A_577, %dma_wait3A_578, %dma_wait3A_579] : memref<5x80x64xf32, #tpu.memory_space<vmem>> -> memref<1x80x64xf32, #tpu.memory_space<vmem>>
      %dma_wait3A_581 = tpu.memref_squeeze %dma_wait3A_580 : memref<1x80x64xf32, #tpu.memory_space<vmem>> -> memref<80x64xf32, #tpu.memory_space<vmem>>
      %dma_wait3A_582 = arith.constant 0 : i32
      %dma_wait3A_583 = tpu.memref_slice %arg7[%sub3A_576, %dma_wait3A_582] : memref<125x80xi32, #tpu.memory_space<vmem>> -> memref<1x80xi32, #tpu.memory_space<vmem>>
      %dma_wait3A_584 = tpu.memref_squeeze %dma_wait3A_583 : memref<1x80xi32, #tpu.memory_space<vmem>> -> memref<80xi32, #tpu.memory_space<vmem>>
      %dma_wait3A_585 = arith.constant 0 : i32
      %dma_wait3A_586 = arith.constant 0 : i32
      %dma_wait3A_587 = tpu.memref_slice %arg5[%dma_wait3A_585, %dma_wait3A_586] : memref<10240x64xf32, #tpu.memory_space<vmem_shared>> -> memref<10240x64xf32, #tpu.memory_space<vmem_shared>>
      tpu.wait_indirect_dma semaphore(%arg14 : memref<!tpu.dma_semaphore, #tpu.memory_space<semaphore_mem>>) src(%dma_wait3A_581 : memref<80x64xf32, #tpu.memory_space<vmem>>) dst(%dma_wait3A_587 : memref<10240x64xf32, #tpu.memory_space<vmem_shared>>)
      %add3A_588 = arith.constant 5 : i32
      %add3A_589 = arith.addi %add3A_552, %add3A_588 : i32
      %sub3A_590 = arith.constant 1 : i32
      %sub3A_591 = arith.subi %add3A_589, %sub3A_590 : i32
      %dma_start3A_592 = arith.constant 0 : i32
      %dma_start3A_593 = arith.constant 0 : i32
      %dma_start3A_594 = arith.constant 0 : i32
      %dma_start3A_595 = tpu.memref_slice %arg8[%dma_start3A_592, %dma_start3A_593, %dma_start3A_594] : memref<5x80x64xf32, #tpu.memory_space<vmem>> -> memref<1x80x64xf32, #tpu.memory_space<vmem>>
      %dma_start3A_596 = tpu.memref_squeeze %dma_start3A_595 : memref<1x80x64xf32, #tpu.memory_space<vmem>> -> memref<80x64xf32, #tpu.memory_space<vmem>>
      %dma_start3A_597 = arith.constant 0 : i32
      %dma_start3A_598 = tpu.memref_slice %arg6[%sub3A_591, %dma_start3A_597] : memref<125x80xi32, #tpu.memory_space<vmem>> -> memref<1x80xi32, #tpu.memory_space<vmem>>
      %dma_start3A_599 = tpu.memref_squeeze %dma_start3A_598 : memref<1x80xi32, #tpu.memory_space<vmem>> -> memref<80xi32, #tpu.memory_space<vmem>>
      %dma_start3A_600 = arith.constant 0 : i32
      %dma_start3A_601 = arith.constant 0 : i32
      %dma_start3A_602 = tpu.memref_slice %arg2[%dma_start3A_600, %dma_start3A_601] : memref<10240x64xf32, #tpu.memory_space<hbm>> -> memref<10240x64xf32, #tpu.memory_space<hbm>>
      tpu.enqueue_indirect_dma source(%dma_start3A_602 : memref<10240x64xf32, #tpu.memory_space<hbm>>) target(%dma_start3A_596 : memref<80x64xf32, #tpu.memory_space<vmem>>) offsets(%dma_start3A_599 : memref<80xi32, #tpu.memory_space<vmem>>) semaphore(%arg9 : memref<!tpu.dma_semaphore, #tpu.memory_space<semaphore_mem>>)
      %add3A_603 = arith.constant 2 : i32
      %add3A_604 = arith.addi %mul3A_499, %add3A_603 : i32
      %dma_wait3A_605 = arith.constant 2 : i32
      %dma_wait3A_606 = arith.constant 0 : i32
      %dma_wait3A_607 = arith.constant 0 : i32
      %dma_wait3A_608 = tpu.memref_slice %arg8[%dma_wait3A_605, %dma_wait3A_606, %dma_wait3A_607] : memref<5x80x64xf32, #tpu.memory_space<vmem>> -> memref<1x80x64xf32, #tpu.memory_space<vmem>>
      %dma_wait3A_609 = tpu.memref_squeeze %dma_wait3A_608 : memref<1x80x64xf32, #tpu.memory_space<vmem>> -> memref<80x64xf32, #tpu.memory_space<vmem>>
      %dma_wait3A_610 = arith.constant 0 : i32
      %dma_wait3A_611 = tpu.memref_slice %arg6[%add3A_604, %dma_wait3A_610] : memref<125x80xi32, #tpu.memory_space<vmem>> -> memref<1x80xi32, #tpu.memory_space<vmem>>
      %dma_wait3A_612 = tpu.memref_squeeze %dma_wait3A_611 : memref<1x80xi32, #tpu.memory_space<vmem>> -> memref<80xi32, #tpu.memory_space<vmem>>
      %dma_wait3A_613 = arith.constant 0 : i32
      %dma_wait3A_614 = arith.constant 0 : i32
      %dma_wait3A_615 = tpu.memref_slice %arg2[%dma_wait3A_613, %dma_wait3A_614] : memref<10240x64xf32, #tpu.memory_space<hbm>> -> memref<10240x64xf32, #tpu.memory_space<hbm>>
      tpu.wait_indirect_dma semaphore(%arg11 : memref<!tpu.dma_semaphore, #tpu.memory_space<semaphore_mem>>) src(%dma_wait3A_615 : memref<10240x64xf32, #tpu.memory_space<hbm>>) dst(%dma_wait3A_609 : memref<80x64xf32, #tpu.memory_space<vmem>>)
      %dma_start3A_616 = arith.constant 2 : i32
      %dma_start3A_617 = arith.constant 0 : i32
      %dma_start3A_618 = arith.constant 0 : i32
      %dma_start3A_619 = tpu.memref_slice %arg8[%dma_start3A_616, %dma_start3A_617, %dma_start3A_618] : memref<5x80x64xf32, #tpu.memory_space<vmem>> -> memref<1x80x64xf32, #tpu.memory_space<vmem>>
      %dma_start3A_620 = tpu.memref_squeeze %dma_start3A_619 : memref<1x80x64xf32, #tpu.memory_space<vmem>> -> memref<80x64xf32, #tpu.memory_space<vmem>>
      %dma_start3A_621 = arith.constant 0 : i32
      %dma_start3A_622 = tpu.memref_slice %arg7[%add3A_604, %dma_start3A_621] : memref<125x80xi32, #tpu.memory_space<vmem>> -> memref<1x80xi32, #tpu.memory_space<vmem>>
      %dma_start3A_623 = tpu.memref_squeeze %dma_start3A_622 : memref<1x80xi32, #tpu.memory_space<vmem>> -> memref<80xi32, #tpu.memory_space<vmem>>
      %dma_start3A_624 = arith.constant 0 : i32
      %dma_start3A_625 = arith.constant 0 : i32
      %dma_start3A_626 = tpu.memref_slice %arg5[%dma_start3A_624, %dma_start3A_625] : memref<10240x64xf32, #tpu.memory_space<vmem_shared>> -> memref<10240x64xf32, #tpu.memory_space<vmem_shared>>
      tpu.enqueue_indirect_dma source(%dma_start3A_620 : memref<80x64xf32, #tpu.memory_space<vmem>>) target(%dma_start3A_626 : memref<10240x64xf32, #tpu.memory_space<vmem_shared>>) offsets(%dma_start3A_623 : memref<80xi32, #tpu.memory_space<vmem>>) semaphore(%arg16 : memref<!tpu.dma_semaphore, #tpu.memory_space<semaphore_mem>>) {add = true}
      %sub3A_627 = arith.constant 1 : i32
      %sub3A_628 = arith.subi %add3A_604, %sub3A_627 : i32
      %dma_wait3A_629 = arith.constant 1 : i32
      %dma_wait3A_630 = arith.constant 0 : i32
      %dma_wait3A_631 = arith.constant 0 : i32
      %dma_wait3A_632 = tpu.memref_slice %arg8[%dma_wait3A_629, %dma_wait3A_630, %dma_wait3A_631] : memref<5x80x64xf32, #tpu.memory_space<vmem>> -> memref<1x80x64xf32, #tpu.memory_space<vmem>>
      %dma_wait3A_633 = tpu.memref_squeeze %dma_wait3A_632 : memref<1x80x64xf32, #tpu.memory_space<vmem>> -> memref<80x64xf32, #tpu.memory_space<vmem>>
      %dma_wait3A_634 = arith.constant 0 : i32
      %dma_wait3A_635 = tpu.memref_slice %arg7[%sub3A_628, %dma_wait3A_634] : memref<125x80xi32, #tpu.memory_space<vmem>> -> memref<1x80xi32, #tpu.memory_space<vmem>>
      %dma_wait3A_636 = tpu.memref_squeeze %dma_wait3A_635 : memref<1x80xi32, #tpu.memory_space<vmem>> -> memref<80xi32, #tpu.memory_space<vmem>>
      %dma_wait3A_637 = arith.constant 0 : i32
      %dma_wait3A_638 = arith.constant 0 : i32
      %dma_wait3A_639 = tpu.memref_slice %arg5[%dma_wait3A_637, %dma_wait3A_638] : memref<10240x64xf32, #tpu.memory_space<vmem_shared>> -> memref<10240x64xf32, #tpu.memory_space<vmem_shared>>
      tpu.wait_indirect_dma semaphore(%arg15 : memref<!tpu.dma_semaphore, #tpu.memory_space<semaphore_mem>>) src(%dma_wait3A_633 : memref<80x64xf32, #tpu.memory_space<vmem>>) dst(%dma_wait3A_639 : memref<10240x64xf32, #tpu.memory_space<vmem_shared>>)
      %add3A_640 = arith.constant 5 : i32
      %add3A_641 = arith.addi %add3A_604, %add3A_640 : i32
      %sub3A_642 = arith.constant 1 : i32
      %sub3A_643 = arith.subi %add3A_641, %sub3A_642 : i32
      %dma_start3A_644 = arith.constant 1 : i32
      %dma_start3A_645 = arith.constant 0 : i32
      %dma_start3A_646 = arith.constant 0 : i32
      %dma_start3A_647 = tpu.memref_slice %arg8[%dma_start3A_644, %dma_start3A_645, %dma_start3A_646] : memref<5x80x64xf32, #tpu.memory_space<vmem>> -> memref<1x80x64xf32, #tpu.memory_space<vmem>>
      %dma_start3A_648 = tpu.memref_squeeze %dma_start3A_647 : memref<1x80x64xf32, #tpu.memory_space<vmem>> -> memref<80x64xf32, #tpu.memory_space<vmem>>
      %dma_start3A_649 = arith.constant 0 : i32
      %dma_start3A_650 = tpu.memref_slice %arg6[%sub3A_643, %dma_start3A_649] : memref<125x80xi32, #tpu.memory_space<vmem>> -> memref<1x80xi32, #tpu.memory_space<vmem>>
      %dma_start3A_651 = tpu.memref_squeeze %dma_start3A_650 : memref<1x80xi32, #tpu.memory_space<vmem>> -> memref<80xi32, #tpu.memory_space<vmem>>
      %dma_start3A_652 = arith.constant 0 : i32
      %dma_start3A_653 = arith.constant 0 : i32
      %dma_start3A_654 = tpu.memref_slice %arg2[%dma_start3A_652, %dma_start3A_653] : memref<10240x64xf32, #tpu.memory_space<hbm>> -> memref<10240x64xf32, #tpu.memory_space<hbm>>
      tpu.enqueue_indirect_dma source(%dma_start3A_654 : memref<10240x64xf32, #tpu.memory_space<hbm>>) target(%dma_start3A_648 : memref<80x64xf32, #tpu.memory_space<vmem>>) offsets(%dma_start3A_651 : memref<80xi32, #tpu.memory_space<vmem>>) semaphore(%arg10 : memref<!tpu.dma_semaphore, #tpu.memory_space<semaphore_mem>>)
      %add3A_655 = arith.constant 3 : i32
      %add3A_656 = arith.addi %mul3A_499, %add3A_655 : i32
      %dma_wait3A_657 = arith.constant 3 : i32
      %dma_wait3A_658 = arith.constant 0 : i32
      %dma_wait3A_659 = arith.constant 0 : i32
      %dma_wait3A_660 = tpu.memref_slice %arg8[%dma_wait3A_657, %dma_wait3A_658, %dma_wait3A_659] : memref<5x80x64xf32, #tpu.memory_space<vmem>> -> memref<1x80x64xf32, #tpu.memory_space<vmem>>
      %dma_wait3A_661 = tpu.memref_squeeze %dma_wait3A_660 : memref<1x80x64xf32, #tpu.memory_space<vmem>> -> memref<80x64xf32, #tpu.memory_space<vmem>>
      %dma_wait3A_662 = arith.constant 0 : i32
      %dma_wait3A_663 = tpu.memref_slice %arg6[%add3A_656, %dma_wait3A_662] : memref<125x80xi32, #tpu.memory_space<vmem>> -> memref<1x80xi32, #tpu.memory_space<vmem>>
      %dma_wait3A_664 = tpu.memref_squeeze %dma_wait3A_663 : memref<1x80xi32, #tpu.memory_space<vmem>> -> memref<80xi32, #tpu.memory_space<vmem>>
      %dma_wait3A_665 = arith.constant 0 : i32
      %dma_wait3A_666 = arith.constant 0 : i32
      %dma_wait3A_667 = tpu.memref_slice %arg2[%dma_wait3A_665, %dma_wait3A_666] : memref<10240x64xf32, #tpu.memory_space<hbm>> -> memref<10240x64xf32, #tpu.memory_space<hbm>>
      tpu.wait_indirect_dma semaphore(%arg12 : memref<!tpu.dma_semaphore, #tpu.memory_space<semaphore_mem>>) src(%dma_wait3A_667 : memref<10240x64xf32, #tpu.memory_space<hbm>>) dst(%dma_wait3A_661 : memref<80x64xf32, #tpu.memory_space<vmem>>)
      %dma_start3A_668 = arith.constant 3 : i32
      %dma_start3A_669 = arith.constant 0 : i32
      %dma_start3A_670 = arith.constant 0 : i32
      %dma_start3A_671 = tpu.memref_slice %arg8[%dma_start3A_668, %dma_start3A_669, %dma_start3A_670] : memref<5x80x64xf32, #tpu.memory_space<vmem>> -> memref<1x80x64xf32, #tpu.memory_space<vmem>>
      %dma_start3A_672 = tpu.memref_squeeze %dma_start3A_671 : memref<1x80x64xf32, #tpu.memory_space<vmem>> -> memref<80x64xf32, #tpu.memory_space<vmem>>
      %dma_start3A_673 = arith.constant 0 : i32
      %dma_start3A_674 = tpu.memref_slice %arg7[%add3A_656, %dma_start3A_673] : memref<125x80xi32, #tpu.memory_space<vmem>> -> memref<1x80xi32, #tpu.memory_space<vmem>>
      %dma_start3A_675 = tpu.memref_squeeze %dma_start3A_674 : memref<1x80xi32, #tpu.memory_space<vmem>> -> memref<80xi32, #tpu.memory_space<vmem>>
      %dma_start3A_676 = arith.constant 0 : i32
      %dma_start3A_677 = arith.constant 0 : i32
      %dma_start3A_678 = tpu.memref_slice %arg5[%dma_start3A_676, %dma_start3A_677] : memref<10240x64xf32, #tpu.memory_space<vmem_shared>> -> memref<10240x64xf32, #tpu.memory_space<vmem_shared>>
      tpu.enqueue_indirect_dma source(%dma_start3A_672 : memref<80x64xf32, #tpu.memory_space<vmem>>) target(%dma_start3A_678 : memref<10240x64xf32, #tpu.memory_space<vmem_shared>>) offsets(%dma_start3A_675 : memref<80xi32, #tpu.memory_space<vmem>>) semaphore(%arg17 : memref<!tpu.dma_semaphore, #tpu.memory_space<semaphore_mem>>) {add = true}
      %sub3A_679 = arith.constant 1 : i32
      %sub3A_680 = arith.subi %add3A_656, %sub3A_679 : i32
      %dma_wait3A_681 = arith.constant 2 : i32
      %dma_wait3A_682 = arith.constant 0 : i32
      %dma_wait3A_683 = arith.constant 0 : i32
      %dma_wait3A_684 = tpu.memref_slice %arg8[%dma_wait3A_681, %dma_wait3A_682, %dma_wait3A_683] : memref<5x80x64xf32, #tpu.memory_space<vmem>> -> memref<1x80x64xf32, #tpu.memory_space<vmem>>
      %dma_wait3A_685 = tpu.memref_squeeze %dma_wait3A_684 : memref<1x80x64xf32, #tpu.memory_space<vmem>> -> memref<80x64xf32, #tpu.memory_space<vmem>>
      %dma_wait3A_686 = arith.constant 0 : i32
      %dma_wait3A_687 = tpu.memref_slice %arg7[%sub3A_680, %dma_wait3A_686] : memref<125x80xi32, #tpu.memory_space<vmem>> -> memref<1x80xi32, #tpu.memory_space<vmem>>
      %dma_wait3A_688 = tpu.memref_squeeze %dma_wait3A_687 : memref<1x80xi32, #tpu.memory_space<vmem>> -> memref<80xi32, #tpu.memory_space<vmem>>
      %dma_wait3A_689 = arith.constant 0 : i32
      %dma_wait3A_690 = arith.constant 0 : i32
      %dma_wait3A_691 = tpu.memref_slice %arg5[%dma_wait3A_689, %dma_wait3A_690] : memref<10240x64xf32, #tpu.memory_space<vmem_shared>> -> memref<10240x64xf32, #tpu.memory_space<vmem_shared>>
      tpu.wait_indirect_dma semaphore(%arg16 : memref<!tpu.dma_semaphore, #tpu.memory_space<semaphore_mem>>) src(%dma_wait3A_685 : memref<80x64xf32, #tpu.memory_space<vmem>>) dst(%dma_wait3A_691 : memref<10240x64xf32, #tpu.memory_space<vmem_shared>>)
      %add3A_692 = arith.constant 5 : i32
      %add3A_693 = arith.addi %add3A_656, %add3A_692 : i32
      %sub3A_694 = arith.constant 1 : i32
      %sub3A_695 = arith.subi %add3A_693, %sub3A_694 : i32
      %dma_start3A_696 = arith.constant 2 : i32
      %dma_start3A_697 = arith.constant 0 : i32
      %dma_start3A_698 = arith.constant 0 : i32
      %dma_start3A_699 = tpu.memref_slice %arg8[%dma_start3A_696, %dma_start3A_697, %dma_start3A_698] : memref<5x80x64xf32, #tpu.memory_space<vmem>> -> memref<1x80x64xf32, #tpu.memory_space<vmem>>
      %dma_start3A_700 = tpu.memref_squeeze %dma_start3A_699 : memref<1x80x64xf32, #tpu.memory_space<vmem>> -> memref<80x64xf32, #tpu.memory_space<vmem>>
      %dma_start3A_701 = arith.constant 0 : i32
      %dma_start3A_702 = tpu.memref_slice %arg6[%sub3A_695, %dma_start3A_701] : memref<125x80xi32, #tpu.memory_space<vmem>> -> memref<1x80xi32, #tpu.memory_space<vmem>>
      %dma_start3A_703 = tpu.memref_squeeze %dma_start3A_702 : memref<1x80xi32, #tpu.memory_space<vmem>> -> memref<80xi32, #tpu.memory_space<vmem>>
      %dma_start3A_704 = arith.constant 0 : i32
      %dma_start3A_705 = arith.constant 0 : i32
      %dma_start3A_706 = tpu.memref_slice %arg2[%dma_start3A_704, %dma_start3A_705] : memref<10240x64xf32, #tpu.memory_space<hbm>> -> memref<10240x64xf32, #tpu.memory_space<hbm>>
      tpu.enqueue_indirect_dma source(%dma_start3A_706 : memref<10240x64xf32, #tpu.memory_space<hbm>>) target(%dma_start3A_700 : memref<80x64xf32, #tpu.memory_space<vmem>>) offsets(%dma_start3A_703 : memref<80xi32, #tpu.memory_space<vmem>>) semaphore(%arg11 : memref<!tpu.dma_semaphore, #tpu.memory_space<semaphore_mem>>)
      %add3A_707 = arith.constant 4 : i32
      %add3A_708 = arith.addi %mul3A_499, %add3A_707 : i32
      %dma_wait3A_709 = arith.constant 4 : i32
      %dma_wait3A_710 = arith.constant 0 : i32
      %dma_wait3A_711 = arith.constant 0 : i32
      %dma_wait3A_712 = tpu.memref_slice %arg8[%dma_wait3A_709, %dma_wait3A_710, %dma_wait3A_711] : memref<5x80x64xf32, #tpu.memory_space<vmem>> -> memref<1x80x64xf32, #tpu.memory_space<vmem>>
      %dma_wait3A_713 = tpu.memref_squeeze %dma_wait3A_712 : memref<1x80x64xf32, #tpu.memory_space<vmem>> -> memref<80x64xf32, #tpu.memory_space<vmem>>
      %dma_wait3A_714 = arith.constant 0 : i32
      %dma_wait3A_715 = tpu.memref_slice %arg6[%add3A_708, %dma_wait3A_714] : memref<125x80xi32, #tpu.memory_space<vmem>> -> memref<1x80xi32, #tpu.memory_space<vmem>>
      %dma_wait3A_716 = tpu.memref_squeeze %dma_wait3A_715 : memref<1x80xi32, #tpu.memory_space<vmem>> -> memref<80xi32, #tpu.memory_space<vmem>>
      %dma_wait3A_717 = arith.constant 0 : i32
      %dma_wait3A_718 = arith.constant 0 : i32
      %dma_wait3A_719 = tpu.memref_slice %arg2[%dma_wait3A_717, %dma_wait3A_718] : memref<10240x64xf32, #tpu.memory_space<hbm>> -> memref<10240x64xf32, #tpu.memory_space<hbm>>
      tpu.wait_indirect_dma semaphore(%arg13 : memref<!tpu.dma_semaphore, #tpu.memory_space<semaphore_mem>>) src(%dma_wait3A_719 : memref<10240x64xf32, #tpu.memory_space<hbm>>) dst(%dma_wait3A_713 : memref<80x64xf32, #tpu.memory_space<vmem>>)
      %dma_start3A_720 = arith.constant 4 : i32
      %dma_start3A_721 = arith.constant 0 : i32
      %dma_start3A_722 = arith.constant 0 : i32
      %dma_start3A_723 = tpu.memref_slice %arg8[%dma_start3A_720, %dma_start3A_721, %dma_start3A_722] : memref<5x80x64xf32, #tpu.memory_space<vmem>> -> memref<1x80x64xf32, #tpu.memory_space<vmem>>
      %dma_start3A_724 = tpu.memref_squeeze %dma_start3A_723 : memref<1x80x64xf32, #tpu.memory_space<vmem>> -> memref<80x64xf32, #tpu.memory_space<vmem>>
      %dma_start3A_725 = arith.constant 0 : i32
      %dma_start3A_726 = tpu.memref_slice %arg7[%add3A_708, %dma_start3A_725] : memref<125x80xi32, #tpu.memory_space<vmem>> -> memref<1x80xi32, #tpu.memory_space<vmem>>
      %dma_start3A_727 = tpu.memref_squeeze %dma_start3A_726 : memref<1x80xi32, #tpu.memory_space<vmem>> -> memref<80xi32, #tpu.memory_space<vmem>>
      %dma_start3A_728 = arith.constant 0 : i32
      %dma_start3A_729 = arith.constant 0 : i32
      %dma_start3A_730 = tpu.memref_slice %arg5[%dma_start3A_728, %dma_start3A_729] : memref<10240x64xf32, #tpu.memory_space<vmem_shared>> -> memref<10240x64xf32, #tpu.memory_space<vmem_shared>>
      tpu.enqueue_indirect_dma source(%dma_start3A_724 : memref<80x64xf32, #tpu.memory_space<vmem>>) target(%dma_start3A_730 : memref<10240x64xf32, #tpu.memory_space<vmem_shared>>) offsets(%dma_start3A_727 : memref<80xi32, #tpu.memory_space<vmem>>) semaphore(%arg18 : memref<!tpu.dma_semaphore, #tpu.memory_space<semaphore_mem>>) {add = true}
      %sub3A_731 = arith.constant 1 : i32
      %sub3A_732 = arith.subi %add3A_708, %sub3A_731 : i32
      %dma_wait3A_733 = arith.constant 3 : i32
      %dma_wait3A_734 = arith.constant 0 : i32
      %dma_wait3A_735 = arith.constant 0 : i32
      %dma_wait3A_736 = tpu.memref_slice %arg8[%dma_wait3A_733, %dma_wait3A_734, %dma_wait3A_735] : memref<5x80x64xf32, #tpu.memory_space<vmem>> -> memref<1x80x64xf32, #tpu.memory_space<vmem>>
      %dma_wait3A_737 = tpu.memref_squeeze %dma_wait3A_736 : memref<1x80x64xf32, #tpu.memory_space<vmem>> -> memref<80x64xf32, #tpu.memory_space<vmem>>
      %dma_wait3A_738 = arith.constant 0 : i32
      %dma_wait3A_739 = tpu.memref_slice %arg7[%sub3A_732, %dma_wait3A_738] : memref<125x80xi32, #tpu.memory_space<vmem>> -> memref<1x80xi32, #tpu.memory_space<vmem>>
      %dma_wait3A_740 = tpu.memref_squeeze %dma_wait3A_739 : memref<1x80xi32, #tpu.memory_space<vmem>> -> memref<80xi32, #tpu.memory_space<vmem>>
      %dma_wait3A_741 = arith.constant 0 : i32
      %dma_wait3A_742 = arith.constant 0 : i32
      %dma_wait3A_743 = tpu.memref_slice %arg5[%dma_wait3A_741, %dma_wait3A_742] : memref<10240x64xf32, #tpu.memory_space<vmem_shared>> -> memref<10240x64xf32, #tpu.memory_space<vmem_shared>>
      tpu.wait_indirect_dma semaphore(%arg17 : memref<!tpu.dma_semaphore, #tpu.memory_space<semaphore_mem>>) src(%dma_wait3A_737 : memref<80x64xf32, #tpu.memory_space<vmem>>) dst(%dma_wait3A_743 : memref<10240x64xf32, #tpu.memory_space<vmem_shared>>)
      %add3A_744 = arith.constant 5 : i32
      %add3A_745 = arith.addi %add3A_708, %add3A_744 : i32
      %sub3A_746 = arith.constant 1 : i32
      %sub3A_747 = arith.subi %add3A_745, %sub3A_746 : i32
      %dma_start3A_748 = arith.constant 3 : i32
      %dma_start3A_749 = arith.constant 0 : i32
      %dma_start3A_750 = arith.constant 0 : i32
      %dma_start3A_751 = tpu.memref_slice %arg8[%dma_start3A_748, %dma_start3A_749, %dma_start3A_750] : memref<5x80x64xf32, #tpu.memory_space<vmem>> -> memref<1x80x64xf32, #tpu.memory_space<vmem>>
      %dma_start3A_752 = tpu.memref_squeeze %dma_start3A_751 : memref<1x80x64xf32, #tpu.memory_space<vmem>> -> memref<80x64xf32, #tpu.memory_space<vmem>>
      %dma_start3A_753 = arith.constant 0 : i32
      %dma_start3A_754 = tpu.memref_slice %arg6[%sub3A_747, %dma_start3A_753] : memref<125x80xi32, #tpu.memory_space<vmem>> -> memref<1x80xi32, #tpu.memory_space<vmem>>
      %dma_start3A_755 = tpu.memref_squeeze %dma_start3A_754 : memref<1x80xi32, #tpu.memory_space<vmem>> -> memref<80xi32, #tpu.memory_space<vmem>>
      %dma_start3A_756 = arith.constant 0 : i32
      %dma_start3A_757 = arith.constant 0 : i32
      %dma_start3A_758 = tpu.memref_slice %arg2[%dma_start3A_756, %dma_start3A_757] : memref<10240x64xf32, #tpu.memory_space<hbm>> -> memref<10240x64xf32, #tpu.memory_space<hbm>>
      tpu.enqueue_indirect_dma source(%dma_start3A_758 : memref<10240x64xf32, #tpu.memory_space<hbm>>) target(%dma_start3A_752 : memref<80x64xf32, #tpu.memory_space<vmem>>) offsets(%dma_start3A_755 : memref<80xi32, #tpu.memory_space<vmem>>) semaphore(%arg12 : memref<!tpu.dma_semaphore, #tpu.memory_space<semaphore_mem>>)
    }
    %scan3A_284 = arith.constant 23 : i32
    %dma_wait3A_285 = arith.constant 120 : i32
    %dma_wait3A_286 = arith.constant 0 : i32
    %dma_wait3A_287 = arith.constant 0 : i32
    %dma_wait3A_288 = arith.constant 0 : i32
    %dma_wait3A_289 = tpu.memref_slice %arg8[%dma_wait3A_286, %dma_wait3A_287, %dma_wait3A_288] : memref<5x80x64xf32, #tpu.memory_space<vmem>> -> memref<1x80x64xf32, #tpu.memory_space<vmem>>
    %dma_wait3A_290 = tpu.memref_squeeze %dma_wait3A_289 : memref<1x80x64xf32, #tpu.memory_space<vmem>> -> memref<80x64xf32, #tpu.memory_space<vmem>>
    %dma_wait3A_291 = arith.constant 0 : i32
    %dma_wait3A_292 = tpu.memref_slice %arg6[%dma_wait3A_285, %dma_wait3A_291] : memref<125x80xi32, #tpu.memory_space<vmem>> -> memref<1x80xi32, #tpu.memory_space<vmem>>
    %dma_wait3A_293 = tpu.memref_squeeze %dma_wait3A_292 : memref<1x80xi32, #tpu.memory_space<vmem>> -> memref<80xi32, #tpu.memory_space<vmem>>
    %dma_wait3A_294 = arith.constant 0 : i32
    %dma_wait3A_295 = arith.constant 0 : i32
    %dma_wait3A_296 = tpu.memref_slice %arg2[%dma_wait3A_294, %dma_wait3A_295] : memref<10240x64xf32, #tpu.memory_space<hbm>> -> memref<10240x64xf32, #tpu.memory_space<hbm>>
    tpu.wait_indirect_dma semaphore(%arg9 : memref<!tpu.dma_semaphore, #tpu.memory_space<semaphore_mem>>) src(%dma_wait3A_296 : memref<10240x64xf32, #tpu.memory_space<hbm>>) dst(%dma_wait3A_290 : memref<80x64xf32, #tpu.memory_space<vmem>>)
    %dma_start3A_297 = arith.constant 0 : i32
    %dma_start3A_298 = arith.constant 120 : i32
    %dma_start3A_299 = arith.constant 0 : i32
    %dma_start3A_300 = arith.constant 0 : i32
    %dma_start3A_301 = tpu.memref_slice %arg8[%dma_start3A_297, %dma_start3A_299, %dma_start3A_300] : memref<5x80x64xf32, #tpu.memory_space<vmem>> -> memref<1x80x64xf32, #tpu.memory_space<vmem>>
    %dma_start3A_302 = tpu.memref_squeeze %dma_start3A_301 : memref<1x80x64xf32, #tpu.memory_space<vmem>> -> memref<80x64xf32, #tpu.memory_space<vmem>>
    %dma_start3A_303 = arith.constant 0 : i32
    %dma_start3A_304 = tpu.memref_slice %arg7[%dma_start3A_298, %dma_start3A_303] : memref<125x80xi32, #tpu.memory_space<vmem>> -> memref<1x80xi32, #tpu.memory_space<vmem>>
    %dma_start3A_305 = tpu.memref_squeeze %dma_start3A_304 : memref<1x80xi32, #tpu.memory_space<vmem>> -> memref<80xi32, #tpu.memory_space<vmem>>
    %dma_start3A_306 = arith.constant 0 : i32
    %dma_start3A_307 = arith.constant 0 : i32
    %dma_start3A_308 = tpu.memref_slice %arg5[%dma_start3A_306, %dma_start3A_307] : memref<10240x64xf32, #tpu.memory_space<vmem_shared>> -> memref<10240x64xf32, #tpu.memory_space<vmem_shared>>
    tpu.enqueue_indirect_dma source(%dma_start3A_302 : memref<80x64xf32, #tpu.memory_space<vmem>>) target(%dma_start3A_308 : memref<10240x64xf32, #tpu.memory_space<vmem_shared>>) offsets(%dma_start3A_305 : memref<80xi32, #tpu.memory_space<vmem>>) semaphore(%arg14 : memref<!tpu.dma_semaphore, #tpu.memory_space<semaphore_mem>>) {add = true}
    %dma_wait3A_309 = arith.constant 4 : i32
    %dma_wait3A_310 = arith.constant 119 : i32
    %dma_wait3A_311 = arith.constant 0 : i32
    %dma_wait3A_312 = arith.constant 0 : i32
    %dma_wait3A_313 = tpu.memref_slice %arg8[%dma_wait3A_309, %dma_wait3A_311, %dma_wait3A_312] : memref<5x80x64xf32, #tpu.memory_space<vmem>> -> memref<1x80x64xf32, #tpu.memory_space<vmem>>
    %dma_wait3A_314 = tpu.memref_squeeze %dma_wait3A_313 : memref<1x80x64xf32, #tpu.memory_space<vmem>> -> memref<80x64xf32, #tpu.memory_space<vmem>>
    %dma_wait3A_315 = arith.constant 0 : i32
    %dma_wait3A_316 = tpu.memref_slice %arg7[%dma_wait3A_310, %dma_wait3A_315] : memref<125x80xi32, #tpu.memory_space<vmem>> -> memref<1x80xi32, #tpu.memory_space<vmem>>
    %dma_wait3A_317 = tpu.memref_squeeze %dma_wait3A_316 : memref<1x80xi32, #tpu.memory_space<vmem>> -> memref<80xi32, #tpu.memory_space<vmem>>
    %dma_wait3A_318 = arith.constant 0 : i32
    %dma_wait3A_319 = arith.constant 0 : i32
    %dma_wait3A_320 = tpu.memref_slice %arg5[%dma_wait3A_318, %dma_wait3A_319] : memref<10240x64xf32, #tpu.memory_space<vmem_shared>> -> memref<10240x64xf32, #tpu.memory_space<vmem_shared>>
    tpu.wait_indirect_dma semaphore(%arg18 : memref<!tpu.dma_semaphore, #tpu.memory_space<semaphore_mem>>) src(%dma_wait3A_314 : memref<80x64xf32, #tpu.memory_space<vmem>>) dst(%dma_wait3A_320 : memref<10240x64xf32, #tpu.memory_space<vmem_shared>>)
    %dma_start3A_321 = arith.constant 124 : i32
    %dma_start3A_322 = arith.constant 4 : i32
    %dma_start3A_323 = arith.constant 0 : i32
    %dma_start3A_324 = arith.constant 0 : i32
    %dma_start3A_325 = tpu.memref_slice %arg8[%dma_start3A_322, %dma_start3A_323, %dma_start3A_324] : memref<5x80x64xf32, #tpu.memory_space<vmem>> -> memref<1x80x64xf32, #tpu.memory_space<vmem>>
    %dma_start3A_326 = tpu.memref_squeeze %dma_start3A_325 : memref<1x80x64xf32, #tpu.memory_space<vmem>> -> memref<80x64xf32, #tpu.memory_space<vmem>>
    %dma_start3A_327 = arith.constant 0 : i32
    %dma_start3A_328 = tpu.memref_slice %arg6[%dma_start3A_321, %dma_start3A_327] : memref<125x80xi32, #tpu.memory_space<vmem>> -> memref<1x80xi32, #tpu.memory_space<vmem>>
    %dma_start3A_329 = tpu.memref_squeeze %dma_start3A_328 : memref<1x80xi32, #tpu.memory_space<vmem>> -> memref<80xi32, #tpu.memory_space<vmem>>
    %dma_start3A_330 = arith.constant 0 : i32
    %dma_start3A_331 = arith.constant 0 : i32
    %dma_start3A_332 = tpu.memref_slice %arg2[%dma_start3A_330, %dma_start3A_331] : memref<10240x64xf32, #tpu.memory_space<hbm>> -> memref<10240x64xf32, #tpu.memory_space<hbm>>
    tpu.enqueue_indirect_dma source(%dma_start3A_332 : memref<10240x64xf32, #tpu.memory_space<hbm>>) target(%dma_start3A_326 : memref<80x64xf32, #tpu.memory_space<vmem>>) offsets(%dma_start3A_329 : memref<80xi32, #tpu.memory_space<vmem>>) semaphore(%arg13 : memref<!tpu.dma_semaphore, #tpu.memory_space<semaphore_mem>>)
    %dma_wait3A_333 = arith.constant 121 : i32
    %dma_wait3A_334 = arith.constant 1 : i32
    %dma_wait3A_335 = arith.constant 0 : i32
    %dma_wait3A_336 = arith.constant 0 : i32
    %dma_wait3A_337 = tpu.memref_slice %arg8[%dma_wait3A_334, %dma_wait3A_335, %dma_wait3A_336] : memref<5x80x64xf32, #tpu.memory_space<vmem>> -> memref<1x80x64xf32, #tpu.memory_space<vmem>>
    %dma_wait3A_338 = tpu.memref_squeeze %dma_wait3A_337 : memref<1x80x64xf32, #tpu.memory_space<vmem>> -> memref<80x64xf32, #tpu.memory_space<vmem>>
    %dma_wait3A_339 = arith.constant 0 : i32
    %dma_wait3A_340 = tpu.memref_slice %arg6[%dma_wait3A_333, %dma_wait3A_339] : memref<125x80xi32, #tpu.memory_space<vmem>> -> memref<1x80xi32, #tpu.memory_space<vmem>>
    %dma_wait3A_341 = tpu.memref_squeeze %dma_wait3A_340 : memref<1x80xi32, #tpu.memory_space<vmem>> -> memref<80xi32, #tpu.memory_space<vmem>>
    %dma_wait3A_342 = arith.constant 0 : i32
    %dma_wait3A_343 = arith.constant 0 : i32
    %dma_wait3A_344 = tpu.memref_slice %arg2[%dma_wait3A_342, %dma_wait3A_343] : memref<10240x64xf32, #tpu.memory_space<hbm>> -> memref<10240x64xf32, #tpu.memory_space<hbm>>
    tpu.wait_indirect_dma semaphore(%arg10 : memref<!tpu.dma_semaphore, #tpu.memory_space<semaphore_mem>>) src(%dma_wait3A_344 : memref<10240x64xf32, #tpu.memory_space<hbm>>) dst(%dma_wait3A_338 : memref<80x64xf32, #tpu.memory_space<vmem>>)
    %dma_start3A_345 = arith.constant 1 : i32
    %dma_start3A_346 = arith.constant 121 : i32
    %dma_start3A_347 = arith.constant 0 : i32
    %dma_start3A_348 = arith.constant 0 : i32
    %dma_start3A_349 = tpu.memref_slice %arg8[%dma_start3A_345, %dma_start3A_347, %dma_start3A_348] : memref<5x80x64xf32, #tpu.memory_space<vmem>> -> memref<1x80x64xf32, #tpu.memory_space<vmem>>
    %dma_start3A_350 = tpu.memref_squeeze %dma_start3A_349 : memref<1x80x64xf32, #tpu.memory_space<vmem>> -> memref<80x64xf32, #tpu.memory_space<vmem>>
    %dma_start3A_351 = arith.constant 0 : i32
    %dma_start3A_352 = tpu.memref_slice %arg7[%dma_start3A_346, %dma_start3A_351] : memref<125x80xi32, #tpu.memory_space<vmem>> -> memref<1x80xi32, #tpu.memory_space<vmem>>
    %dma_start3A_353 = tpu.memref_squeeze %dma_start3A_352 : memref<1x80xi32, #tpu.memory_space<vmem>> -> memref<80xi32, #tpu.memory_space<vmem>>
    %dma_start3A_354 = arith.constant 0 : i32
    %dma_start3A_355 = arith.constant 0 : i32
    %dma_start3A_356 = tpu.memref_slice %arg5[%dma_start3A_354, %dma_start3A_355] : memref<10240x64xf32, #tpu.memory_space<vmem_shared>> -> memref<10240x64xf32, #tpu.memory_space<vmem_shared>>
    tpu.enqueue_indirect_dma source(%dma_start3A_350 : memref<80x64xf32, #tpu.memory_space<vmem>>) target(%dma_start3A_356 : memref<10240x64xf32, #tpu.memory_space<vmem_shared>>) offsets(%dma_start3A_353 : memref<80xi32, #tpu.memory_space<vmem>>) semaphore(%arg15 : memref<!tpu.dma_semaphore, #tpu.memory_space<semaphore_mem>>) {add = true}
    %dma_wait3A_357 = arith.constant 0 : i32
    %dma_wait3A_358 = arith.constant 120 : i32
    %dma_wait3A_359 = arith.constant 0 : i32
    %dma_wait3A_360 = arith.constant 0 : i32
    %dma_wait3A_361 = tpu.memref_slice %arg8[%dma_wait3A_357, %dma_wait3A_359, %dma_wait3A_360] : memref<5x80x64xf32, #tpu.memory_space<vmem>> -> memref<1x80x64xf32, #tpu.memory_space<vmem>>
    %dma_wait3A_362 = tpu.memref_squeeze %dma_wait3A_361 : memref<1x80x64xf32, #tpu.memory_space<vmem>> -> memref<80x64xf32, #tpu.memory_space<vmem>>
    %dma_wait3A_363 = arith.constant 0 : i32
    %dma_wait3A_364 = tpu.memref_slice %arg7[%dma_wait3A_358, %dma_wait3A_363] : memref<125x80xi32, #tpu.memory_space<vmem>> -> memref<1x80xi32, #tpu.memory_space<vmem>>
    %dma_wait3A_365 = tpu.memref_squeeze %dma_wait3A_364 : memref<1x80xi32, #tpu.memory_space<vmem>> -> memref<80xi32, #tpu.memory_space<vmem>>
    %dma_wait3A_366 = arith.constant 0 : i32
    %dma_wait3A_367 = arith.constant 0 : i32
    %dma_wait3A_368 = tpu.memref_slice %arg5[%dma_wait3A_366, %dma_wait3A_367] : memref<10240x64xf32, #tpu.memory_space<vmem_shared>> -> memref<10240x64xf32, #tpu.memory_space<vmem_shared>>
    tpu.wait_indirect_dma semaphore(%arg14 : memref<!tpu.dma_semaphore, #tpu.memory_space<semaphore_mem>>) src(%dma_wait3A_362 : memref<80x64xf32, #tpu.memory_space<vmem>>) dst(%dma_wait3A_368 : memref<10240x64xf32, #tpu.memory_space<vmem_shared>>)
    %dma_wait3A_369 = arith.constant 122 : i32
    %dma_wait3A_370 = arith.constant 2 : i32
    %dma_wait3A_371 = arith.constant 0 : i32
    %dma_wait3A_372 = arith.constant 0 : i32
    %dma_wait3A_373 = tpu.memref_slice %arg8[%dma_wait3A_370, %dma_wait3A_371, %dma_wait3A_372] : memref<5x80x64xf32, #tpu.memory_space<vmem>> -> memref<1x80x64xf32, #tpu.memory_space<vmem>>
    %dma_wait3A_374 = tpu.memref_squeeze %dma_wait3A_373 : memref<1x80x64xf32, #tpu.memory_space<vmem>> -> memref<80x64xf32, #tpu.memory_space<vmem>>
    %dma_wait3A_375 = arith.constant 0 : i32
    %dma_wait3A_376 = tpu.memref_slice %arg6[%dma_wait3A_369, %dma_wait3A_375] : memref<125x80xi32, #tpu.memory_space<vmem>> -> memref<1x80xi32, #tpu.memory_space<vmem>>
    %dma_wait3A_377 = tpu.memref_squeeze %dma_wait3A_376 : memref<1x80xi32, #tpu.memory_space<vmem>> -> memref<80xi32, #tpu.memory_space<vmem>>
    %dma_wait3A_378 = arith.constant 0 : i32
    %dma_wait3A_379 = arith.constant 0 : i32
    %dma_wait3A_380 = tpu.memref_slice %arg2[%dma_wait3A_378, %dma_wait3A_379] : memref<10240x64xf32, #tpu.memory_space<hbm>> -> memref<10240x64xf32, #tpu.memory_space<hbm>>
    tpu.wait_indirect_dma semaphore(%arg11 : memref<!tpu.dma_semaphore, #tpu.memory_space<semaphore_mem>>) src(%dma_wait3A_380 : memref<10240x64xf32, #tpu.memory_space<hbm>>) dst(%dma_wait3A_374 : memref<80x64xf32, #tpu.memory_space<vmem>>)
    %dma_start3A_381 = arith.constant 2 : i32
    %dma_start3A_382 = arith.constant 122 : i32
    %dma_start3A_383 = arith.constant 0 : i32
    %dma_start3A_384 = arith.constant 0 : i32
    %dma_start3A_385 = tpu.memref_slice %arg8[%dma_start3A_381, %dma_start3A_383, %dma_start3A_384] : memref<5x80x64xf32, #tpu.memory_space<vmem>> -> memref<1x80x64xf32, #tpu.memory_space<vmem>>
    %dma_start3A_386 = tpu.memref_squeeze %dma_start3A_385 : memref<1x80x64xf32, #tpu.memory_space<vmem>> -> memref<80x64xf32, #tpu.memory_space<vmem>>
    %dma_start3A_387 = arith.constant 0 : i32
    %dma_start3A_388 = tpu.memref_slice %arg7[%dma_start3A_382, %dma_start3A_387] : memref<125x80xi32, #tpu.memory_space<vmem>> -> memref<1x80xi32, #tpu.memory_space<vmem>>
    %dma_start3A_389 = tpu.memref_squeeze %dma_start3A_388 : memref<1x80xi32, #tpu.memory_space<vmem>> -> memref<80xi32, #tpu.memory_space<vmem>>
    %dma_start3A_390 = arith.constant 0 : i32
    %dma_start3A_391 = arith.constant 0 : i32
    %dma_start3A_392 = tpu.memref_slice %arg5[%dma_start3A_390, %dma_start3A_391] : memref<10240x64xf32, #tpu.memory_space<vmem_shared>> -> memref<10240x64xf32, #tpu.memory_space<vmem_shared>>
    tpu.enqueue_indirect_dma source(%dma_start3A_386 : memref<80x64xf32, #tpu.memory_space<vmem>>) target(%dma_start3A_392 : memref<10240x64xf32, #tpu.memory_space<vmem_shared>>) offsets(%dma_start3A_389 : memref<80xi32, #tpu.memory_space<vmem>>) semaphore(%arg16 : memref<!tpu.dma_semaphore, #tpu.memory_space<semaphore_mem>>) {add = true}
    %dma_wait3A_393 = arith.constant 1 : i32
    %dma_wait3A_394 = arith.constant 121 : i32
    %dma_wait3A_395 = arith.constant 0 : i32
    %dma_wait3A_396 = arith.constant 0 : i32
    %dma_wait3A_397 = tpu.memref_slice %arg8[%dma_wait3A_393, %dma_wait3A_395, %dma_wait3A_396] : memref<5x80x64xf32, #tpu.memory_space<vmem>> -> memref<1x80x64xf32, #tpu.memory_space<vmem>>
    %dma_wait3A_398 = tpu.memref_squeeze %dma_wait3A_397 : memref<1x80x64xf32, #tpu.memory_space<vmem>> -> memref<80x64xf32, #tpu.memory_space<vmem>>
    %dma_wait3A_399 = arith.constant 0 : i32
    %dma_wait3A_400 = tpu.memref_slice %arg7[%dma_wait3A_394, %dma_wait3A_399] : memref<125x80xi32, #tpu.memory_space<vmem>> -> memref<1x80xi32, #tpu.memory_space<vmem>>
    %dma_wait3A_401 = tpu.memref_squeeze %dma_wait3A_400 : memref<1x80xi32, #tpu.memory_space<vmem>> -> memref<80xi32, #tpu.memory_space<vmem>>
    %dma_wait3A_402 = arith.constant 0 : i32
    %dma_wait3A_403 = arith.constant 0 : i32
    %dma_wait3A_404 = tpu.memref_slice %arg5[%dma_wait3A_402, %dma_wait3A_403] : memref<10240x64xf32, #tpu.memory_space<vmem_shared>> -> memref<10240x64xf32, #tpu.memory_space<vmem_shared>>
    tpu.wait_indirect_dma semaphore(%arg15 : memref<!tpu.dma_semaphore, #tpu.memory_space<semaphore_mem>>) src(%dma_wait3A_398 : memref<80x64xf32, #tpu.memory_space<vmem>>) dst(%dma_wait3A_404 : memref<10240x64xf32, #tpu.memory_space<vmem_shared>>)
    %dma_wait3A_405 = arith.constant 123 : i32
    %dma_wait3A_406 = arith.constant 3 : i32
    %dma_wait3A_407 = arith.constant 0 : i32
    %dma_wait3A_408 = arith.constant 0 : i32
    %dma_wait3A_409 = tpu.memref_slice %arg8[%dma_wait3A_406, %dma_wait3A_407, %dma_wait3A_408] : memref<5x80x64xf32, #tpu.memory_space<vmem>> -> memref<1x80x64xf32, #tpu.memory_space<vmem>>
    %dma_wait3A_410 = tpu.memref_squeeze %dma_wait3A_409 : memref<1x80x64xf32, #tpu.memory_space<vmem>> -> memref<80x64xf32, #tpu.memory_space<vmem>>
    %dma_wait3A_411 = arith.constant 0 : i32
    %dma_wait3A_412 = tpu.memref_slice %arg6[%dma_wait3A_405, %dma_wait3A_411] : memref<125x80xi32, #tpu.memory_space<vmem>> -> memref<1x80xi32, #tpu.memory_space<vmem>>
    %dma_wait3A_413 = tpu.memref_squeeze %dma_wait3A_412 : memref<1x80xi32, #tpu.memory_space<vmem>> -> memref<80xi32, #tpu.memory_space<vmem>>
    %dma_wait3A_414 = arith.constant 0 : i32
    %dma_wait3A_415 = arith.constant 0 : i32
    %dma_wait3A_416 = tpu.memref_slice %arg2[%dma_wait3A_414, %dma_wait3A_415] : memref<10240x64xf32, #tpu.memory_space<hbm>> -> memref<10240x64xf32, #tpu.memory_space<hbm>>
    tpu.wait_indirect_dma semaphore(%arg12 : memref<!tpu.dma_semaphore, #tpu.memory_space<semaphore_mem>>) src(%dma_wait3A_416 : memref<10240x64xf32, #tpu.memory_space<hbm>>) dst(%dma_wait3A_410 : memref<80x64xf32, #tpu.memory_space<vmem>>)
    %dma_start3A_417 = arith.constant 3 : i32
    %dma_start3A_418 = arith.constant 123 : i32
    %dma_start3A_419 = arith.constant 0 : i32
    %dma_start3A_420 = arith.constant 0 : i32
    %dma_start3A_421 = tpu.memref_slice %arg8[%dma_start3A_417, %dma_start3A_419, %dma_start3A_420] : memref<5x80x64xf32, #tpu.memory_space<vmem>> -> memref<1x80x64xf32, #tpu.memory_space<vmem>>
    %dma_start3A_422 = tpu.memref_squeeze %dma_start3A_421 : memref<1x80x64xf32, #tpu.memory_space<vmem>> -> memref<80x64xf32, #tpu.memory_space<vmem>>
    %dma_start3A_423 = arith.constant 0 : i32
    %dma_start3A_424 = tpu.memref_slice %arg7[%dma_start3A_418, %dma_start3A_423] : memref<125x80xi32, #tpu.memory_space<vmem>> -> memref<1x80xi32, #tpu.memory_space<vmem>>
    %dma_start3A_425 = tpu.memref_squeeze %dma_start3A_424 : memref<1x80xi32, #tpu.memory_space<vmem>> -> memref<80xi32, #tpu.memory_space<vmem>>
    %dma_start3A_426 = arith.constant 0 : i32
    %dma_start3A_427 = arith.constant 0 : i32
    %dma_start3A_428 = tpu.memref_slice %arg5[%dma_start3A_426, %dma_start3A_427] : memref<10240x64xf32, #tpu.memory_space<vmem_shared>> -> memref<10240x64xf32, #tpu.memory_space<vmem_shared>>
    tpu.enqueue_indirect_dma source(%dma_start3A_422 : memref<80x64xf32, #tpu.memory_space<vmem>>) target(%dma_start3A_428 : memref<10240x64xf32, #tpu.memory_space<vmem_shared>>) offsets(%dma_start3A_425 : memref<80xi32, #tpu.memory_space<vmem>>) semaphore(%arg17 : memref<!tpu.dma_semaphore, #tpu.memory_space<semaphore_mem>>) {add = true}
    %dma_wait3A_429 = arith.constant 2 : i32
    %dma_wait3A_430 = arith.constant 122 : i32
    %dma_wait3A_431 = arith.constant 0 : i32
    %dma_wait3A_432 = arith.constant 0 : i32
    %dma_wait3A_433 = tpu.memref_slice %arg8[%dma_wait3A_429, %dma_wait3A_431, %dma_wait3A_432] : memref<5x80x64xf32, #tpu.memory_space<vmem>> -> memref<1x80x64xf32, #tpu.memory_space<vmem>>
    %dma_wait3A_434 = tpu.memref_squeeze %dma_wait3A_433 : memref<1x80x64xf32, #tpu.memory_space<vmem>> -> memref<80x64xf32, #tpu.memory_space<vmem>>
    %dma_wait3A_435 = arith.constant 0 : i32
    %dma_wait3A_436 = tpu.memref_slice %arg7[%dma_wait3A_430, %dma_wait3A_435] : memref<125x80xi32, #tpu.memory_space<vmem>> -> memref<1x80xi32, #tpu.memory_space<vmem>>
    %dma_wait3A_437 = tpu.memref_squeeze %dma_wait3A_436 : memref<1x80xi32, #tpu.memory_space<vmem>> -> memref<80xi32, #tpu.memory_space<vmem>>
    %dma_wait3A_438 = arith.constant 0 : i32
    %dma_wait3A_439 = arith.constant 0 : i32
    %dma_wait3A_440 = tpu.memref_slice %arg5[%dma_wait3A_438, %dma_wait3A_439] : memref<10240x64xf32, #tpu.memory_space<vmem_shared>> -> memref<10240x64xf32, #tpu.memory_space<vmem_shared>>
    tpu.wait_indirect_dma semaphore(%arg16 : memref<!tpu.dma_semaphore, #tpu.memory_space<semaphore_mem>>) src(%dma_wait3A_434 : memref<80x64xf32, #tpu.memory_space<vmem>>) dst(%dma_wait3A_440 : memref<10240x64xf32, #tpu.memory_space<vmem_shared>>)
    %dma_wait3A_441 = arith.constant 124 : i32
    %dma_wait3A_442 = arith.constant 4 : i32
    %dma_wait3A_443 = arith.constant 0 : i32
    %dma_wait3A_444 = arith.constant 0 : i32
    %dma_wait3A_445 = tpu.memref_slice %arg8[%dma_wait3A_442, %dma_wait3A_443, %dma_wait3A_444] : memref<5x80x64xf32, #tpu.memory_space<vmem>> -> memref<1x80x64xf32, #tpu.memory_space<vmem>>
    %dma_wait3A_446 = tpu.memref_squeeze %dma_wait3A_445 : memref<1x80x64xf32, #tpu.memory_space<vmem>> -> memref<80x64xf32, #tpu.memory_space<vmem>>
    %dma_wait3A_447 = arith.constant 0 : i32
    %dma_wait3A_448 = tpu.memref_slice %arg6[%dma_wait3A_441, %dma_wait3A_447] : memref<125x80xi32, #tpu.memory_space<vmem>> -> memref<1x80xi32, #tpu.memory_space<vmem>>
    %dma_wait3A_449 = tpu.memref_squeeze %dma_wait3A_448 : memref<1x80xi32, #tpu.memory_space<vmem>> -> memref<80xi32, #tpu.memory_space<vmem>>
    %dma_wait3A_450 = arith.constant 0 : i32
    %dma_wait3A_451 = arith.constant 0 : i32
    %dma_wait3A_452 = tpu.memref_slice %arg2[%dma_wait3A_450, %dma_wait3A_451] : memref<10240x64xf32, #tpu.memory_space<hbm>> -> memref<10240x64xf32, #tpu.memory_space<hbm>>
    tpu.wait_indirect_dma semaphore(%arg13 : memref<!tpu.dma_semaphore, #tpu.memory_space<semaphore_mem>>) src(%dma_wait3A_452 : memref<10240x64xf32, #tpu.memory_space<hbm>>) dst(%dma_wait3A_446 : memref<80x64xf32, #tpu.memory_space<vmem>>)
    %dma_start3A_453 = arith.constant 4 : i32
    %dma_start3A_454 = arith.constant 124 : i32
    %dma_start3A_455 = arith.constant 0 : i32
    %dma_start3A_456 = arith.constant 0 : i32
    %dma_start3A_457 = tpu.memref_slice %arg8[%dma_start3A_453, %dma_start3A_455, %dma_start3A_456] : memref<5x80x64xf32, #tpu.memory_space<vmem>> -> memref<1x80x64xf32, #tpu.memory_space<vmem>>
    %dma_start3A_458 = tpu.memref_squeeze %dma_start3A_457 : memref<1x80x64xf32, #tpu.memory_space<vmem>> -> memref<80x64xf32, #tpu.memory_space<vmem>>
    %dma_start3A_459 = arith.constant 0 : i32
    %dma_start3A_460 = tpu.memref_slice %arg7[%dma_start3A_454, %dma_start3A_459] : memref<125x80xi32, #tpu.memory_space<vmem>> -> memref<1x80xi32, #tpu.memory_space<vmem>>
    %dma_start3A_461 = tpu.memref_squeeze %dma_start3A_460 : memref<1x80xi32, #tpu.memory_space<vmem>> -> memref<80xi32, #tpu.memory_space<vmem>>
    %dma_start3A_462 = arith.constant 0 : i32
    %dma_start3A_463 = arith.constant 0 : i32
    %dma_start3A_464 = tpu.memref_slice %arg5[%dma_start3A_462, %dma_start3A_463] : memref<10240x64xf32, #tpu.memory_space<vmem_shared>> -> memref<10240x64xf32, #tpu.memory_space<vmem_shared>>
    tpu.enqueue_indirect_dma source(%dma_start3A_458 : memref<80x64xf32, #tpu.memory_space<vmem>>) target(%dma_start3A_464 : memref<10240x64xf32, #tpu.memory_space<vmem_shared>>) offsets(%dma_start3A_461 : memref<80xi32, #tpu.memory_space<vmem>>) semaphore(%arg18 : memref<!tpu.dma_semaphore, #tpu.memory_space<semaphore_mem>>) {add = true}
    %dma_wait3A_465 = arith.constant 3 : i32
    %dma_wait3A_466 = arith.constant 123 : i32
    %dma_wait3A_467 = arith.constant 0 : i32
    %dma_wait3A_468 = arith.constant 0 : i32
    %dma_wait3A_469 = tpu.memref_slice %arg8[%dma_wait3A_465, %dma_wait3A_467, %dma_wait3A_468] : memref<5x80x64xf32, #tpu.memory_space<vmem>> -> memref<1x80x64xf32, #tpu.memory_space<vmem>>
    %dma_wait3A_470 = tpu.memref_squeeze %dma_wait3A_469 : memref<1x80x64xf32, #tpu.memory_space<vmem>> -> memref<80x64xf32, #tpu.memory_space<vmem>>
    %dma_wait3A_471 = arith.constant 0 : i32
    %dma_wait3A_472 = tpu.memref_slice %arg7[%dma_wait3A_466, %dma_wait3A_471] : memref<125x80xi32, #tpu.memory_space<vmem>> -> memref<1x80xi32, #tpu.memory_space<vmem>>
    %dma_wait3A_473 = tpu.memref_squeeze %dma_wait3A_472 : memref<1x80xi32, #tpu.memory_space<vmem>> -> memref<80xi32, #tpu.memory_space<vmem>>
    %dma_wait3A_474 = arith.constant 0 : i32
    %dma_wait3A_475 = arith.constant 0 : i32
    %dma_wait3A_476 = tpu.memref_slice %arg5[%dma_wait3A_474, %dma_wait3A_475] : memref<10240x64xf32, #tpu.memory_space<vmem_shared>> -> memref<10240x64xf32, #tpu.memory_space<vmem_shared>>
    tpu.wait_indirect_dma semaphore(%arg17 : memref<!tpu.dma_semaphore, #tpu.memory_space<semaphore_mem>>) src(%dma_wait3A_470 : memref<80x64xf32, #tpu.memory_space<vmem>>) dst(%dma_wait3A_476 : memref<10240x64xf32, #tpu.memory_space<vmem_shared>>)
    %dma_wait3A_477 = arith.constant 4 : i32
    %dma_wait3A_478 = arith.constant 124 : i32
    %dma_wait3A_479 = arith.constant 0 : i32
    %dma_wait3A_480 = arith.constant 0 : i32
    %dma_wait3A_481 = tpu.memref_slice %arg8[%dma_wait3A_477, %dma_wait3A_479, %dma_wait3A_480] : memref<5x80x64xf32, #tpu.memory_space<vmem>> -> memref<1x80x64xf32, #tpu.memory_space<vmem>>
    %dma_wait3A_482 = tpu.memref_squeeze %dma_wait3A_481 : memref<1x80x64xf32, #tpu.memory_space<vmem>> -> memref<80x64xf32, #tpu.memory_space<vmem>>
    %dma_wait3A_483 = arith.constant 0 : i32
    %dma_wait3A_484 = tpu.memref_slice %arg7[%dma_wait3A_478, %dma_wait3A_483] : memref<125x80xi32, #tpu.memory_space<vmem>> -> memref<1x80xi32, #tpu.memory_space<vmem>>
    %dma_wait3A_485 = tpu.memref_squeeze %dma_wait3A_484 : memref<1x80xi32, #tpu.memory_space<vmem>> -> memref<80xi32, #tpu.memory_space<vmem>>
    %dma_wait3A_486 = arith.constant 0 : i32
    %dma_wait3A_487 = arith.constant 0 : i32
    %dma_wait3A_488 = tpu.memref_slice %arg5[%dma_wait3A_486, %dma_wait3A_487] : memref<10240x64xf32, #tpu.memory_space<vmem_shared>> -> memref<10240x64xf32, #tpu.memory_space<vmem_shared>>
    tpu.wait_indirect_dma semaphore(%arg18 : memref<!tpu.dma_semaphore, #tpu.memory_space<semaphore_mem>>) src(%dma_wait3A_482 : memref<80x64xf32, #tpu.memory_space<vmem>>) dst(%dma_wait3A_488 : memref<10240x64xf32, #tpu.memory_space<vmem_shared>>)
    %barrier3A_489 = arith.constant 0 : index
    tpu.barrier barrier_id(%barrier3A_489)
    %mul3A_490 = arith.constant 640 : i32
    %mul3A_491 = arith.muli %arg1, %mul3A_490 : i32
    %mul3A_492 = arith.constant 10240 : i32
    %mul3A_493 = arith.muli %arg0, %mul3A_492 : i32
    %mul3A_494 = arith.constant 640 : i32
    %mul3A_495 = arith.muli %arg1, %mul3A_494 : i32
    %add3A_496 = arith.addi %mul3A_493, %mul3A_495 : i32
    "tpu.region"() ({
      %run_scoped3A_497 = tpu.sem_alloc : memref<!tpu.dma_semaphore, #tpu.memory_space<semaphore_mem>>
      %dma_start3A_498 = arith.constant 0 : i32
      %dma_start3A_499 = tpu.memref_slice %arg4[%add3A_496, %dma_start3A_498] : memref<20480x64xf32, #tpu.memory_space<hbm>> -> memref<640x64xf32, #tpu.memory_space<hbm>>
      %dma_start3A_500 = arith.constant 0 : i32
      %dma_start3A_501 = tpu.memref_slice %arg5[%mul3A_491, %dma_start3A_500] : memref<10240x64xf32, #tpu.memory_space<vmem_shared>> -> memref<640x64xf32, #tpu.memory_space<vmem_shared>>
      tpu.enqueue_dma source(%dma_start3A_501 : memref<640x64xf32, #tpu.memory_space<vmem_shared>>) target(%dma_start3A_499 : memref<640x64xf32, #tpu.memory_space<hbm>>) target_semaphore(%run_scoped3A_497 : memref<!tpu.dma_semaphore, #tpu.memory_space<semaphore_mem>>)
      %dma_wait3A_502 = arith.constant 0 : i32
      %dma_wait3A_503 = tpu.memref_slice %arg4[%add3A_496, %dma_wait3A_502] : memref<20480x64xf32, #tpu.memory_space<hbm>> -> memref<640x64xf32, #tpu.memory_space<hbm>>
      %dma_wait3A_504 = arith.constant 0 : i32
      %dma_wait3A_505 = tpu.memref_slice %arg5[%mul3A_491, %dma_wait3A_504] : memref<10240x64xf32, #tpu.memory_space<vmem_shared>> -> memref<640x64xf32, #tpu.memory_space<vmem_shared>>
      tpu.wait_dma2 semaphore(%run_scoped3A_497 : memref<!tpu.dma_semaphore, #tpu.memory_space<semaphore_mem>>) src(%dma_wait3A_505 : memref<640x64xf32, #tpu.memory_space<vmem_shared>>) dst(%dma_wait3A_503 : memref<640x64xf32, #tpu.memory_space<hbm>>)
      tpu.yield
    }) : () -> ()
    return
  }
}

#map = affine_map<(d0, d1) -> (0, 0, 0, 0)>
#map1 = affine_map<(d0, d1) -> (0, 0)>
module attributes {stable_mosaic.version = 14 : i64} {
  func.func @_sc_degree(%arg0: i32, %arg1: i32, %arg2: memref<2x32x125x80xi32, #tpu.memory_space<hbm>>, %arg3: memref<1280x16xf32, #tpu.memory_space<hbm>>, %arg4: memref<20480x64xf32, #tpu.memory_space<hbm>>, %arg5: memref<10240x16xf32, #tpu.memory_space<vmem_shared>>, %arg6: memref<125x80xi32, #tpu.memory_space<vmem>>, %arg7: memref<80x16xf32, #tpu.memory_space<vmem>>, %arg8: memref<640x16xf32, #tpu.memory_space<vmem>>, %arg9: memref<640x64xf32, #tpu.memory_space<vmem>>, %arg10: memref<!tpu.dma_semaphore, #tpu.memory_space<semaphore_mem>>, %arg11: memref<!tpu.dma_semaphore, #tpu.memory_space<semaphore_mem>>) attributes {dimension_semantics = [#tpu.dimension_semantics<core_parallel>, #tpu.dimension_semantics<subcore_parallel>], iteration_bounds = array<i64: 2, 16>, scalar_prefetch = 0 : i64, scratch_operands = 7 : i64, tpu.core_type = #tpu.core_type<sc_vector_subcore>, window_params = [{transform_indices = #map}, {transform_indices = #map1}, {transform_indices = #map1}]} {
    %mul3A = arith.constant 16 : i32
    %mul3A_0 = arith.muli %arg0, %mul3A : i32
    %add3A = arith.addi %mul3A_0, %arg1 : i32
    %mul3A_1 = arith.constant 640 : i32
    %mul3A_2 = arith.muli %arg0, %mul3A_1 : i32
    %mul3A_3 = arith.constant 640 : i32
    %mul3A_4 = arith.muli %arg1, %mul3A_3 : i32
    "tpu.region"() ({
      %run_scoped3A_36 = tpu.sem_alloc : memref<!tpu.dma_semaphore, #tpu.memory_space<semaphore_mem>>
      %dma_start3A_37 = arith.constant 0 : i32
      %dma_start3A_38 = tpu.memref_slice %arg5[%mul3A_4, %dma_start3A_37] : memref<10240x16xf32, #tpu.memory_space<vmem_shared>> -> memref<640x16xf32, #tpu.memory_space<vmem_shared>>
      %dma_start3A_39 = arith.constant 0 : i32
      %dma_start3A_40 = tpu.memref_slice %arg3[%mul3A_2, %dma_start3A_39] : memref<1280x16xf32, #tpu.memory_space<hbm>> -> memref<640x16xf32, #tpu.memory_space<hbm>>
      tpu.enqueue_dma source(%dma_start3A_40 : memref<640x16xf32, #tpu.memory_space<hbm>>) target(%dma_start3A_38 : memref<640x16xf32, #tpu.memory_space<vmem_shared>>) target_semaphore(%run_scoped3A_36 : memref<!tpu.dma_semaphore, #tpu.memory_space<semaphore_mem>>)
      %dma_wait3A_41 = arith.constant 0 : i32
      %dma_wait3A_42 = tpu.memref_slice %arg5[%mul3A_4, %dma_wait3A_41] : memref<10240x16xf32, #tpu.memory_space<vmem_shared>> -> memref<640x16xf32, #tpu.memory_space<vmem_shared>>
      %dma_wait3A_43 = arith.constant 0 : i32
      %dma_wait3A_44 = tpu.memref_slice %arg3[%mul3A_2, %dma_wait3A_43] : memref<1280x16xf32, #tpu.memory_space<hbm>> -> memref<640x16xf32, #tpu.memory_space<hbm>>
      tpu.wait_dma2 semaphore(%run_scoped3A_36 : memref<!tpu.dma_semaphore, #tpu.memory_space<semaphore_mem>>) src(%dma_wait3A_44 : memref<640x16xf32, #tpu.memory_space<hbm>>) dst(%dma_wait3A_42 : memref<640x16xf32, #tpu.memory_space<vmem_shared>>)
      tpu.yield
    }) : () -> ()
    "tpu.region"() ({
      %run_scoped3A_36 = tpu.sem_alloc : memref<!tpu.dma_semaphore, #tpu.memory_space<semaphore_mem>>
      %dma_start3A_37 = arith.constant 0 : i32
      %dma_start3A_38 = arith.constant 0 : i32
      %dma_start3A_39 = tpu.memref_slice %arg3[%dma_start3A_37, %dma_start3A_38] : memref<1280x16xf32, #tpu.memory_space<hbm>> -> memref<80x16xf32, #tpu.memory_space<hbm>>
      %dma_start3A_40 = arith.constant 0 : i32
      %dma_start3A_41 = arith.constant 0 : i32
      %dma_start3A_42 = tpu.memref_slice %arg3[%dma_start3A_40, %dma_start3A_41] : memref<1280x16xf32, #tpu.memory_space<hbm>> -> memref<80x16xf32, #tpu.memory_space<hbm>>
      tpu.enqueue_dma source(%dma_start3A_42 : memref<80x16xf32, #tpu.memory_space<hbm>>) target(%arg7 : memref<80x16xf32, #tpu.memory_space<vmem>>) target_semaphore(%run_scoped3A_36 : memref<!tpu.dma_semaphore, #tpu.memory_space<semaphore_mem>>)
      %dma_wait3A_43 = arith.constant 0 : i32
      %dma_wait3A_44 = arith.constant 0 : i32
      %dma_wait3A_45 = tpu.memref_slice %arg3[%dma_wait3A_43, %dma_wait3A_44] : memref<1280x16xf32, #tpu.memory_space<hbm>> -> memref<80x16xf32, #tpu.memory_space<hbm>>
      %dma_wait3A_46 = arith.constant 0 : i32
      %dma_wait3A_47 = arith.constant 0 : i32
      %dma_wait3A_48 = tpu.memref_slice %arg3[%dma_wait3A_46, %dma_wait3A_47] : memref<1280x16xf32, #tpu.memory_space<hbm>> -> memref<80x16xf32, #tpu.memory_space<hbm>>
      tpu.wait_dma2 semaphore(%run_scoped3A_36 : memref<!tpu.dma_semaphore, #tpu.memory_space<semaphore_mem>>) src(%dma_wait3A_48 : memref<80x16xf32, #tpu.memory_space<hbm>>) dst(%arg7 : memref<80x16xf32, #tpu.memory_space<vmem>>)
      tpu.yield
    }) : () -> ()
    %run_scoped3A = arith.constant 1 : i32
    "tpu.region"() ({
      %run_scoped3A_36 = tpu.sem_alloc : memref<!tpu.dma_semaphore, #tpu.memory_space<semaphore_mem>>
      %dma_start3A_37 = arith.constant 0 : i32
      %dma_start3A_38 = arith.constant 0 : i32
      %dma_start3A_39 = tpu.memref_slice %arg2[%run_scoped3A, %add3A, %dma_start3A_37, %dma_start3A_38] : memref<2x32x125x80xi32, #tpu.memory_space<hbm>> -> memref<1x1x125x80xi32, #tpu.memory_space<hbm>>
      %dma_start3A_40 = tpu.memref_squeeze %dma_start3A_39 : memref<1x1x125x80xi32, #tpu.memory_space<hbm>> -> memref<125x80xi32, #tpu.memory_space<hbm>>
      %dma_start3A_41 = arith.constant 0 : i32
      %dma_start3A_42 = arith.constant 0 : i32
      %dma_start3A_43 = tpu.memref_slice %arg2[%run_scoped3A, %add3A, %dma_start3A_41, %dma_start3A_42] : memref<2x32x125x80xi32, #tpu.memory_space<hbm>> -> memref<1x1x125x80xi32, #tpu.memory_space<hbm>>
      %dma_start3A_44 = tpu.memref_squeeze %dma_start3A_43 : memref<1x1x125x80xi32, #tpu.memory_space<hbm>> -> memref<125x80xi32, #tpu.memory_space<hbm>>
      tpu.enqueue_dma source(%dma_start3A_44 : memref<125x80xi32, #tpu.memory_space<hbm>>) target(%arg6 : memref<125x80xi32, #tpu.memory_space<vmem>>) target_semaphore(%run_scoped3A_36 : memref<!tpu.dma_semaphore, #tpu.memory_space<semaphore_mem>>)
      %dma_wait3A_45 = arith.constant 0 : i32
      %dma_wait3A_46 = arith.constant 0 : i32
      %dma_wait3A_47 = tpu.memref_slice %arg2[%run_scoped3A, %add3A, %dma_wait3A_45, %dma_wait3A_46] : memref<2x32x125x80xi32, #tpu.memory_space<hbm>> -> memref<1x1x125x80xi32, #tpu.memory_space<hbm>>
      %dma_wait3A_48 = tpu.memref_squeeze %dma_wait3A_47 : memref<1x1x125x80xi32, #tpu.memory_space<hbm>> -> memref<125x80xi32, #tpu.memory_space<hbm>>
      %dma_wait3A_49 = arith.constant 0 : i32
      %dma_wait3A_50 = arith.constant 0 : i32
      %dma_wait3A_51 = tpu.memref_slice %arg2[%run_scoped3A, %add3A, %dma_wait3A_49, %dma_wait3A_50] : memref<2x32x125x80xi32, #tpu.memory_space<hbm>> -> memref<1x1x125x80xi32, #tpu.memory_space<hbm>>
      %dma_wait3A_52 = tpu.memref_squeeze %dma_wait3A_51 : memref<1x1x125x80xi32, #tpu.memory_space<hbm>> -> memref<125x80xi32, #tpu.memory_space<hbm>>
      tpu.wait_dma2 semaphore(%run_scoped3A_36 : memref<!tpu.dma_semaphore, #tpu.memory_space<semaphore_mem>>) src(%dma_wait3A_52 : memref<125x80xi32, #tpu.memory_space<hbm>>) dst(%arg6 : memref<125x80xi32, #tpu.memory_space<vmem>>)
      tpu.yield
    }) : () -> ()
    %barrier3A = arith.constant 0 : index
    tpu.barrier barrier_id(%barrier3A)
    %dma_start3A = arith.constant 0 : i32
    %dma_start3A_5 = arith.constant 0 : i32
    %dma_start3A_6 = tpu.memref_slice %arg6[%dma_start3A, %dma_start3A_5] : memref<125x80xi32, #tpu.memory_space<vmem>> -> memref<1x80xi32, #tpu.memory_space<vmem>>
    %dma_start3A_7 = tpu.memref_squeeze %dma_start3A_6 : memref<1x80xi32, #tpu.memory_space<vmem>> -> memref<80xi32, #tpu.memory_space<vmem>>
    %dma_start3A_8 = arith.constant 0 : i32
    %dma_start3A_9 = arith.constant 0 : i32
    %dma_start3A_10 = tpu.memref_slice %arg5[%dma_start3A_8, %dma_start3A_9] : memref<10240x16xf32, #tpu.memory_space<vmem_shared>> -> memref<10240x16xf32, #tpu.memory_space<vmem_shared>>
    tpu.enqueue_indirect_dma source(%arg7 : memref<80x16xf32, #tpu.memory_space<vmem>>) target(%dma_start3A_10 : memref<10240x16xf32, #tpu.memory_space<vmem_shared>>) offsets(%dma_start3A_7 : memref<80xi32, #tpu.memory_space<vmem>>) semaphore(%arg10 : memref<!tpu.dma_semaphore, #tpu.memory_space<semaphore_mem>>) {add = true}
    %scan3A = arith.constant 0 : i32
    %scan3A_11 = arith.constant 0 : i32
    %scan3A_12 = arith.constant 62 : i32
    %scan3A_13 = arith.addi %scan3A_11, %scan3A_12 : i32
    %scan3A_14 = arith.constant 1 : i32
    scf.for %scan3A_36 = %scan3A_11 to %scan3A_13 step %scan3A_14  : i32 {
      %mul3A_37 = arith.constant 2 : i32
      %mul3A_38 = arith.muli %mul3A_37, %scan3A_36 : i32
      %add3A_39 = arith.constant 1 : i32
      %add3A_40 = arith.addi %mul3A_38, %add3A_39 : i32
      %dma_start3A_41 = arith.constant 0 : i32
      %dma_start3A_42 = tpu.memref_slice %arg6[%add3A_40, %dma_start3A_41] : memref<125x80xi32, #tpu.memory_space<vmem>> -> memref<1x80xi32, #tpu.memory_space<vmem>>
      %dma_start3A_43 = tpu.memref_squeeze %dma_start3A_42 : memref<1x80xi32, #tpu.memory_space<vmem>> -> memref<80xi32, #tpu.memory_space<vmem>>
      %dma_start3A_44 = arith.constant 0 : i32
      %dma_start3A_45 = arith.constant 0 : i32
      %dma_start3A_46 = tpu.memref_slice %arg5[%dma_start3A_44, %dma_start3A_45] : memref<10240x16xf32, #tpu.memory_space<vmem_shared>> -> memref<10240x16xf32, #tpu.memory_space<vmem_shared>>
      tpu.enqueue_indirect_dma source(%arg7 : memref<80x16xf32, #tpu.memory_space<vmem>>) target(%dma_start3A_46 : memref<10240x16xf32, #tpu.memory_space<vmem_shared>>) offsets(%dma_start3A_43 : memref<80xi32, #tpu.memory_space<vmem>>) semaphore(%arg11 : memref<!tpu.dma_semaphore, #tpu.memory_space<semaphore_mem>>) {add = true}
      %sub3A = arith.constant 1 : i32
      %sub3A_47 = arith.subi %add3A_40, %sub3A : i32
      %dma_wait3A_48 = arith.constant 0 : i32
      %dma_wait3A_49 = tpu.memref_slice %arg6[%sub3A_47, %dma_wait3A_48] : memref<125x80xi32, #tpu.memory_space<vmem>> -> memref<1x80xi32, #tpu.memory_space<vmem>>
      %dma_wait3A_50 = tpu.memref_squeeze %dma_wait3A_49 : memref<1x80xi32, #tpu.memory_space<vmem>> -> memref<80xi32, #tpu.memory_space<vmem>>
      %dma_wait3A_51 = arith.constant 0 : i32
      %dma_wait3A_52 = arith.constant 0 : i32
      %dma_wait3A_53 = tpu.memref_slice %arg5[%dma_wait3A_51, %dma_wait3A_52] : memref<10240x16xf32, #tpu.memory_space<vmem_shared>> -> memref<10240x16xf32, #tpu.memory_space<vmem_shared>>
      tpu.wait_indirect_dma semaphore(%arg10 : memref<!tpu.dma_semaphore, #tpu.memory_space<semaphore_mem>>) src(%arg7 : memref<80x16xf32, #tpu.memory_space<vmem>>) dst(%dma_wait3A_53 : memref<10240x16xf32, #tpu.memory_space<vmem_shared>>)
      %add3A_54 = arith.constant 1 : i32
      %add3A_55 = arith.addi %add3A_40, %add3A_54 : i32
      %dma_start3A_56 = arith.constant 0 : i32
      %dma_start3A_57 = tpu.memref_slice %arg6[%add3A_55, %dma_start3A_56] : memref<125x80xi32, #tpu.memory_space<vmem>> -> memref<1x80xi32, #tpu.memory_space<vmem>>
      %dma_start3A_58 = tpu.memref_squeeze %dma_start3A_57 : memref<1x80xi32, #tpu.memory_space<vmem>> -> memref<80xi32, #tpu.memory_space<vmem>>
      %dma_start3A_59 = arith.constant 0 : i32
      %dma_start3A_60 = arith.constant 0 : i32
      %dma_start3A_61 = tpu.memref_slice %arg5[%dma_start3A_59, %dma_start3A_60] : memref<10240x16xf32, #tpu.memory_space<vmem_shared>> -> memref<10240x16xf32, #tpu.memory_space<vmem_shared>>
      tpu.enqueue_indirect_dma source(%arg7 : memref<80x16xf32, #tpu.memory_space<vmem>>) target(%dma_start3A_61 : memref<10240x16xf32, #tpu.memory_space<vmem_shared>>) offsets(%dma_start3A_58 : memref<80xi32, #tpu.memory_space<vmem>>) semaphore(%arg10 : memref<!tpu.dma_semaphore, #tpu.memory_space<semaphore_mem>>) {add = true}
      %dma_wait3A_62 = arith.constant 0 : i32
      %dma_wait3A_63 = tpu.memref_slice %arg6[%add3A_40, %dma_wait3A_62] : memref<125x80xi32, #tpu.memory_space<vmem>> -> memref<1x80xi32, #tpu.memory_space<vmem>>
      %dma_wait3A_64 = tpu.memref_squeeze %dma_wait3A_63 : memref<1x80xi32, #tpu.memory_space<vmem>> -> memref<80xi32, #tpu.memory_space<vmem>>
      %dma_wait3A_65 = arith.constant 0 : i32
      %dma_wait3A_66 = arith.constant 0 : i32
      %dma_wait3A_67 = tpu.memref_slice %arg5[%dma_wait3A_65, %dma_wait3A_66] : memref<10240x16xf32, #tpu.memory_space<vmem_shared>> -> memref<10240x16xf32, #tpu.memory_space<vmem_shared>>
      tpu.wait_indirect_dma semaphore(%arg11 : memref<!tpu.dma_semaphore, #tpu.memory_space<semaphore_mem>>) src(%arg7 : memref<80x16xf32, #tpu.memory_space<vmem>>) dst(%dma_wait3A_67 : memref<10240x16xf32, #tpu.memory_space<vmem_shared>>)
    }
    %scan3A_15 = arith.constant 62 : i32
    %dma_wait3A = arith.constant 124 : i32
    %dma_wait3A_16 = arith.constant 0 : i32
    %dma_wait3A_17 = tpu.memref_slice %arg6[%dma_wait3A, %dma_wait3A_16] : memref<125x80xi32, #tpu.memory_space<vmem>> -> memref<1x80xi32, #tpu.memory_space<vmem>>
    %dma_wait3A_18 = tpu.memref_squeeze %dma_wait3A_17 : memref<1x80xi32, #tpu.memory_space<vmem>> -> memref<80xi32, #tpu.memory_space<vmem>>
    %dma_wait3A_19 = arith.constant 0 : i32
    %dma_wait3A_20 = arith.constant 0 : i32
    %dma_wait3A_21 = tpu.memref_slice %arg5[%dma_wait3A_19, %dma_wait3A_20] : memref<10240x16xf32, #tpu.memory_space<vmem_shared>> -> memref<10240x16xf32, #tpu.memory_space<vmem_shared>>
    tpu.wait_indirect_dma semaphore(%arg10 : memref<!tpu.dma_semaphore, #tpu.memory_space<semaphore_mem>>) src(%arg7 : memref<80x16xf32, #tpu.memory_space<vmem>>) dst(%dma_wait3A_21 : memref<10240x16xf32, #tpu.memory_space<vmem_shared>>)
    %barrier3A_22 = arith.constant 0 : index
    tpu.barrier barrier_id(%barrier3A_22)
    %mul3A_23 = arith.constant 640 : i32
    %mul3A_24 = arith.muli %arg1, %mul3A_23 : i32
    "tpu.region"() ({
      %run_scoped3A_36 = tpu.sem_alloc : memref<!tpu.dma_semaphore, #tpu.memory_space<semaphore_mem>>
      %dma_start3A_37 = arith.constant 0 : i32
      %dma_start3A_38 = tpu.memref_slice %arg5[%mul3A_24, %dma_start3A_37] : memref<10240x16xf32, #tpu.memory_space<vmem_shared>> -> memref<640x16xf32, #tpu.memory_space<vmem_shared>>
      %dma_start3A_39 = arith.constant 0 : i32
      %dma_start3A_40 = tpu.memref_slice %arg5[%mul3A_24, %dma_start3A_39] : memref<10240x16xf32, #tpu.memory_space<vmem_shared>> -> memref<640x16xf32, #tpu.memory_space<vmem_shared>>
      tpu.enqueue_dma source(%dma_start3A_40 : memref<640x16xf32, #tpu.memory_space<vmem_shared>>) target(%arg8 : memref<640x16xf32, #tpu.memory_space<vmem>>) target_semaphore(%run_scoped3A_36 : memref<!tpu.dma_semaphore, #tpu.memory_space<semaphore_mem>>)
      %dma_wait3A_41 = arith.constant 0 : i32
      %dma_wait3A_42 = tpu.memref_slice %arg5[%mul3A_24, %dma_wait3A_41] : memref<10240x16xf32, #tpu.memory_space<vmem_shared>> -> memref<640x16xf32, #tpu.memory_space<vmem_shared>>
      %dma_wait3A_43 = arith.constant 0 : i32
      %dma_wait3A_44 = tpu.memref_slice %arg5[%mul3A_24, %dma_wait3A_43] : memref<10240x16xf32, #tpu.memory_space<vmem_shared>> -> memref<640x16xf32, #tpu.memory_space<vmem_shared>>
      tpu.wait_dma2 semaphore(%run_scoped3A_36 : memref<!tpu.dma_semaphore, #tpu.memory_space<semaphore_mem>>) src(%dma_wait3A_44 : memref<640x16xf32, #tpu.memory_space<vmem_shared>>) dst(%arg8 : memref<640x16xf32, #tpu.memory_space<vmem>>)
      tpu.yield
    }) : () -> ()
    %scan3A_25 = arith.constant 0 : i32
    %scan3A_26 = arith.constant 0 : i32
    %scan3A_27 = arith.constant 80 : i32
    %scan3A_28 = arith.addi %scan3A_26, %scan3A_27 : i32
    %scan3A_29 = arith.constant 1 : i32
    scf.for %scan3A_36 = %scan3A_26 to %scan3A_28 step %scan3A_29  : i32 {
      %mul3A_37 = arith.constant 8 : i32
      %mul3A_38 = arith.muli %mul3A_37, %scan3A_36 : i32
      %add3A_39 = arith.constant 0 : i32
      %add3A_40 = arith.addi %mul3A_38, %add3A_39 : i32
      %get3A = arith.index_cast %add3A_40 : i32 to index
      %get3A_41 = arith.constant 0 : index
      %get3A_42 = tpu.vector_load %arg8[%get3A, %get3A_41] {strides = array<i32>} : memref<640x16xf32, #tpu.memory_space<vmem>>, vector<1x16xf32>,
      %get3A_43 = vector.shape_cast %get3A_42 : vector<1x16xf32> to vector<16xf32>
      %add3A_44 = arith.constant 0 : i32
      %add3A_45 = arith.addi %mul3A_38, %add3A_44 : i32
      %swap3A = arith.index_cast %add3A_45 : i32 to index
      %swap3A_46 = arith.constant 0 : index
      %swap3A_47 = tpu.vector_load %arg9[%swap3A, %swap3A_46] {strides = array<i32>} : memref<640x64xf32, #tpu.memory_space<vmem>>, vector<1x16xf32>,
      %swap3A_48 = vector.shape_cast %swap3A_47 : vector<1x16xf32> to vector<16xf32>
      %swap3A_49 = vector.shape_cast %get3A_43 : vector<16xf32> to vector<1x16xf32>
      tpu.vector_store %arg9[%swap3A, %swap3A_46], %swap3A_49 {strides = array<i32>} : memref<640x64xf32, #tpu.memory_space<vmem>>, vector<1x16xf32>,
      %add3A_50 = arith.constant 0 : i32
      %add3A_51 = arith.addi %mul3A_38, %add3A_50 : i32
      %swap3A_52 = arith.index_cast %add3A_51 : i32 to index
      %swap3A_53 = arith.constant 16 : index
      %swap3A_54 = tpu.vector_load %arg9[%swap3A_52, %swap3A_53] {strides = array<i32>} : memref<640x64xf32, #tpu.memory_space<vmem>>, vector<1x16xf32>,
      %swap3A_55 = vector.shape_cast %swap3A_54 : vector<1x16xf32> to vector<16xf32>
      %swap3A_56 = vector.shape_cast %get3A_43 : vector<16xf32> to vector<1x16xf32>
      tpu.vector_store %arg9[%swap3A_52, %swap3A_53], %swap3A_56 {strides = array<i32>} : memref<640x64xf32, #tpu.memory_space<vmem>>, vector<1x16xf32>,
      %add3A_57 = arith.constant 0 : i32
      %add3A_58 = arith.addi %mul3A_38, %add3A_57 : i32
      %swap3A_59 = arith.index_cast %add3A_58 : i32 to index
      %swap3A_60 = arith.constant 32 : index
      %swap3A_61 = tpu.vector_load %arg9[%swap3A_59, %swap3A_60] {strides = array<i32>} : memref<640x64xf32, #tpu.memory_space<vmem>>, vector<1x16xf32>,
      %swap3A_62 = vector.shape_cast %swap3A_61 : vector<1x16xf32> to vector<16xf32>
      %swap3A_63 = vector.shape_cast %get3A_43 : vector<16xf32> to vector<1x16xf32>
      tpu.vector_store %arg9[%swap3A_59, %swap3A_60], %swap3A_63 {strides = array<i32>} : memref<640x64xf32, #tpu.memory_space<vmem>>, vector<1x16xf32>,
      %add3A_64 = arith.constant 0 : i32
      %add3A_65 = arith.addi %mul3A_38, %add3A_64 : i32
      %swap3A_66 = arith.index_cast %add3A_65 : i32 to index
      %swap3A_67 = arith.constant 48 : index
      %swap3A_68 = tpu.vector_load %arg9[%swap3A_66, %swap3A_67] {strides = array<i32>} : memref<640x64xf32, #tpu.memory_space<vmem>>, vector<1x16xf32>,
      %swap3A_69 = vector.shape_cast %swap3A_68 : vector<1x16xf32> to vector<16xf32>
      %swap3A_70 = vector.shape_cast %get3A_43 : vector<16xf32> to vector<1x16xf32>
      tpu.vector_store %arg9[%swap3A_66, %swap3A_67], %swap3A_70 {strides = array<i32>} : memref<640x64xf32, #tpu.memory_space<vmem>>, vector<1x16xf32>,
      %add3A_71 = arith.constant 1 : i32
      %add3A_72 = arith.addi %mul3A_38, %add3A_71 : i32
      %get3A_73 = arith.index_cast %add3A_72 : i32 to index
      %get3A_74 = arith.constant 0 : index
      %get3A_75 = tpu.vector_load %arg8[%get3A_73, %get3A_74] {strides = array<i32>} : memref<640x16xf32, #tpu.memory_space<vmem>>, vector<1x16xf32>,
      %get3A_76 = vector.shape_cast %get3A_75 : vector<1x16xf32> to vector<16xf32>
      %add3A_77 = arith.constant 1 : i32
      %add3A_78 = arith.addi %mul3A_38, %add3A_77 : i32
      %swap3A_79 = arith.index_cast %add3A_78 : i32 to index
      %swap3A_80 = arith.constant 0 : index
      %swap3A_81 = tpu.vector_load %arg9[%swap3A_79, %swap3A_80] {strides = array<i32>} : memref<640x64xf32, #tpu.memory_space<vmem>>, vector<1x16xf32>,
      %swap3A_82 = vector.shape_cast %swap3A_81 : vector<1x16xf32> to vector<16xf32>
      %swap3A_83 = vector.shape_cast %get3A_76 : vector<16xf32> to vector<1x16xf32>
      tpu.vector_store %arg9[%swap3A_79, %swap3A_80], %swap3A_83 {strides = array<i32>} : memref<640x64xf32, #tpu.memory_space<vmem>>, vector<1x16xf32>,
      %add3A_84 = arith.constant 1 : i32
      %add3A_85 = arith.addi %mul3A_38, %add3A_84 : i32
      %swap3A_86 = arith.index_cast %add3A_85 : i32 to index
      %swap3A_87 = arith.constant 16 : index
      %swap3A_88 = tpu.vector_load %arg9[%swap3A_86, %swap3A_87] {strides = array<i32>} : memref<640x64xf32, #tpu.memory_space<vmem>>, vector<1x16xf32>,
      %swap3A_89 = vector.shape_cast %swap3A_88 : vector<1x16xf32> to vector<16xf32>
      %swap3A_90 = vector.shape_cast %get3A_76 : vector<16xf32> to vector<1x16xf32>
      tpu.vector_store %arg9[%swap3A_86, %swap3A_87], %swap3A_90 {strides = array<i32>} : memref<640x64xf32, #tpu.memory_space<vmem>>, vector<1x16xf32>,
      %add3A_91 = arith.constant 1 : i32
      %add3A_92 = arith.addi %mul3A_38, %add3A_91 : i32
      %swap3A_93 = arith.index_cast %add3A_92 : i32 to index
      %swap3A_94 = arith.constant 32 : index
      %swap3A_95 = tpu.vector_load %arg9[%swap3A_93, %swap3A_94] {strides = array<i32>} : memref<640x64xf32, #tpu.memory_space<vmem>>, vector<1x16xf32>,
      %swap3A_96 = vector.shape_cast %swap3A_95 : vector<1x16xf32> to vector<16xf32>
      %swap3A_97 = vector.shape_cast %get3A_76 : vector<16xf32> to vector<1x16xf32>
      tpu.vector_store %arg9[%swap3A_93, %swap3A_94], %swap3A_97 {strides = array<i32>} : memref<640x64xf32, #tpu.memory_space<vmem>>, vector<1x16xf32>,
      %add3A_98 = arith.constant 1 : i32
      %add3A_99 = arith.addi %mul3A_38, %add3A_98 : i32
      %swap3A_100 = arith.index_cast %add3A_99 : i32 to index
      %swap3A_101 = arith.constant 48 : index
      %swap3A_102 = tpu.vector_load %arg9[%swap3A_100, %swap3A_101] {strides = array<i32>} : memref<640x64xf32, #tpu.memory_space<vmem>>, vector<1x16xf32>,
      %swap3A_103 = vector.shape_cast %swap3A_102 : vector<1x16xf32> to vector<16xf32>
      %swap3A_104 = vector.shape_cast %get3A_76 : vector<16xf32> to vector<1x16xf32>
      tpu.vector_store %arg9[%swap3A_100, %swap3A_101], %swap3A_104 {strides = array<i32>} : memref<640x64xf32, #tpu.memory_space<vmem>>, vector<1x16xf32>,
      %add3A_105 = arith.constant 2 : i32
      %add3A_106 = arith.addi %mul3A_38, %add3A_105 : i32
      %get3A_107 = arith.index_cast %add3A_106 : i32 to index
      %get3A_108 = arith.constant 0 : index
      %get3A_109 = tpu.vector_load %arg8[%get3A_107, %get3A_108] {strides = array<i32>} : memref<640x16xf32, #tpu.memory_space<vmem>>, vector<1x16xf32>,
      %get3A_110 = vector.shape_cast %get3A_109 : vector<1x16xf32> to vector<16xf32>
      %add3A_111 = arith.constant 2 : i32
      %add3A_112 = arith.addi %mul3A_38, %add3A_111 : i32
      %swap3A_113 = arith.index_cast %add3A_112 : i32 to index
      %swap3A_114 = arith.constant 0 : index
      %swap3A_115 = tpu.vector_load %arg9[%swap3A_113, %swap3A_114] {strides = array<i32>} : memref<640x64xf32, #tpu.memory_space<vmem>>, vector<1x16xf32>,
      %swap3A_116 = vector.shape_cast %swap3A_115 : vector<1x16xf32> to vector<16xf32>
      %swap3A_117 = vector.shape_cast %get3A_110 : vector<16xf32> to vector<1x16xf32>
      tpu.vector_store %arg9[%swap3A_113, %swap3A_114], %swap3A_117 {strides = array<i32>} : memref<640x64xf32, #tpu.memory_space<vmem>>, vector<1x16xf32>,
      %add3A_118 = arith.constant 2 : i32
      %add3A_119 = arith.addi %mul3A_38, %add3A_118 : i32
      %swap3A_120 = arith.index_cast %add3A_119 : i32 to index
      %swap3A_121 = arith.constant 16 : index
      %swap3A_122 = tpu.vector_load %arg9[%swap3A_120, %swap3A_121] {strides = array<i32>} : memref<640x64xf32, #tpu.memory_space<vmem>>, vector<1x16xf32>,
      %swap3A_123 = vector.shape_cast %swap3A_122 : vector<1x16xf32> to vector<16xf32>
      %swap3A_124 = vector.shape_cast %get3A_110 : vector<16xf32> to vector<1x16xf32>
      tpu.vector_store %arg9[%swap3A_120, %swap3A_121], %swap3A_124 {strides = array<i32>} : memref<640x64xf32, #tpu.memory_space<vmem>>, vector<1x16xf32>,
      %add3A_125 = arith.constant 2 : i32
      %add3A_126 = arith.addi %mul3A_38, %add3A_125 : i32
      %swap3A_127 = arith.index_cast %add3A_126 : i32 to index
      %swap3A_128 = arith.constant 32 : index
      %swap3A_129 = tpu.vector_load %arg9[%swap3A_127, %swap3A_128] {strides = array<i32>} : memref<640x64xf32, #tpu.memory_space<vmem>>, vector<1x16xf32>,
      %swap3A_130 = vector.shape_cast %swap3A_129 : vector<1x16xf32> to vector<16xf32>
      %swap3A_131 = vector.shape_cast %get3A_110 : vector<16xf32> to vector<1x16xf32>
      tpu.vector_store %arg9[%swap3A_127, %swap3A_128], %swap3A_131 {strides = array<i32>} : memref<640x64xf32, #tpu.memory_space<vmem>>, vector<1x16xf32>,
      %add3A_132 = arith.constant 2 : i32
      %add3A_133 = arith.addi %mul3A_38, %add3A_132 : i32
      %swap3A_134 = arith.index_cast %add3A_133 : i32 to index
      %swap3A_135 = arith.constant 48 : index
      %swap3A_136 = tpu.vector_load %arg9[%swap3A_134, %swap3A_135] {strides = array<i32>} : memref<640x64xf32, #tpu.memory_space<vmem>>, vector<1x16xf32>,
      %swap3A_137 = vector.shape_cast %swap3A_136 : vector<1x16xf32> to vector<16xf32>
      %swap3A_138 = vector.shape_cast %get3A_110 : vector<16xf32> to vector<1x16xf32>
      tpu.vector_store %arg9[%swap3A_134, %swap3A_135], %swap3A_138 {strides = array<i32>} : memref<640x64xf32, #tpu.memory_space<vmem>>, vector<1x16xf32>,
      %add3A_139 = arith.constant 3 : i32
      %add3A_140 = arith.addi %mul3A_38, %add3A_139 : i32
      %get3A_141 = arith.index_cast %add3A_140 : i32 to index
      %get3A_142 = arith.constant 0 : index
      %get3A_143 = tpu.vector_load %arg8[%get3A_141, %get3A_142] {strides = array<i32>} : memref<640x16xf32, #tpu.memory_space<vmem>>, vector<1x16xf32>,
      %get3A_144 = vector.shape_cast %get3A_143 : vector<1x16xf32> to vector<16xf32>
      %add3A_145 = arith.constant 3 : i32
      %add3A_146 = arith.addi %mul3A_38, %add3A_145 : i32
      %swap3A_147 = arith.index_cast %add3A_146 : i32 to index
      %swap3A_148 = arith.constant 0 : index
      %swap3A_149 = tpu.vector_load %arg9[%swap3A_147, %swap3A_148] {strides = array<i32>} : memref<640x64xf32, #tpu.memory_space<vmem>>, vector<1x16xf32>,
      %swap3A_150 = vector.shape_cast %swap3A_149 : vector<1x16xf32> to vector<16xf32>
      %swap3A_151 = vector.shape_cast %get3A_144 : vector<16xf32> to vector<1x16xf32>
      tpu.vector_store %arg9[%swap3A_147, %swap3A_148], %swap3A_151 {strides = array<i32>} : memref<640x64xf32, #tpu.memory_space<vmem>>, vector<1x16xf32>,
      %add3A_152 = arith.constant 3 : i32
      %add3A_153 = arith.addi %mul3A_38, %add3A_152 : i32
      %swap3A_154 = arith.index_cast %add3A_153 : i32 to index
      %swap3A_155 = arith.constant 16 : index
      %swap3A_156 = tpu.vector_load %arg9[%swap3A_154, %swap3A_155] {strides = array<i32>} : memref<640x64xf32, #tpu.memory_space<vmem>>, vector<1x16xf32>,
      %swap3A_157 = vector.shape_cast %swap3A_156 : vector<1x16xf32> to vector<16xf32>
      %swap3A_158 = vector.shape_cast %get3A_144 : vector<16xf32> to vector<1x16xf32>
      tpu.vector_store %arg9[%swap3A_154, %swap3A_155], %swap3A_158 {strides = array<i32>} : memref<640x64xf32, #tpu.memory_space<vmem>>, vector<1x16xf32>,
      %add3A_159 = arith.constant 3 : i32
      %add3A_160 = arith.addi %mul3A_38, %add3A_159 : i32
      %swap3A_161 = arith.index_cast %add3A_160 : i32 to index
      %swap3A_162 = arith.constant 32 : index
      %swap3A_163 = tpu.vector_load %arg9[%swap3A_161, %swap3A_162] {strides = array<i32>} : memref<640x64xf32, #tpu.memory_space<vmem>>, vector<1x16xf32>,
      %swap3A_164 = vector.shape_cast %swap3A_163 : vector<1x16xf32> to vector<16xf32>
      %swap3A_165 = vector.shape_cast %get3A_144 : vector<16xf32> to vector<1x16xf32>
      tpu.vector_store %arg9[%swap3A_161, %swap3A_162], %swap3A_165 {strides = array<i32>} : memref<640x64xf32, #tpu.memory_space<vmem>>, vector<1x16xf32>,
      %add3A_166 = arith.constant 3 : i32
      %add3A_167 = arith.addi %mul3A_38, %add3A_166 : i32
      %swap3A_168 = arith.index_cast %add3A_167 : i32 to index
      %swap3A_169 = arith.constant 48 : index
      %swap3A_170 = tpu.vector_load %arg9[%swap3A_168, %swap3A_169] {strides = array<i32>} : memref<640x64xf32, #tpu.memory_space<vmem>>, vector<1x16xf32>,
      %swap3A_171 = vector.shape_cast %swap3A_170 : vector<1x16xf32> to vector<16xf32>
      %swap3A_172 = vector.shape_cast %get3A_144 : vector<16xf32> to vector<1x16xf32>
      tpu.vector_store %arg9[%swap3A_168, %swap3A_169], %swap3A_172 {strides = array<i32>} : memref<640x64xf32, #tpu.memory_space<vmem>>, vector<1x16xf32>,
      %add3A_173 = arith.constant 4 : i32
      %add3A_174 = arith.addi %mul3A_38, %add3A_173 : i32
      %get3A_175 = arith.index_cast %add3A_174 : i32 to index
      %get3A_176 = arith.constant 0 : index
      %get3A_177 = tpu.vector_load %arg8[%get3A_175, %get3A_176] {strides = array<i32>} : memref<640x16xf32, #tpu.memory_space<vmem>>, vector<1x16xf32>,
      %get3A_178 = vector.shape_cast %get3A_177 : vector<1x16xf32> to vector<16xf32>
      %add3A_179 = arith.constant 4 : i32
      %add3A_180 = arith.addi %mul3A_38, %add3A_179 : i32
      %swap3A_181 = arith.index_cast %add3A_180 : i32 to index
      %swap3A_182 = arith.constant 0 : index
      %swap3A_183 = tpu.vector_load %arg9[%swap3A_181, %swap3A_182] {strides = array<i32>} : memref<640x64xf32, #tpu.memory_space<vmem>>, vector<1x16xf32>,
      %swap3A_184 = vector.shape_cast %swap3A_183 : vector<1x16xf32> to vector<16xf32>
      %swap3A_185 = vector.shape_cast %get3A_178 : vector<16xf32> to vector<1x16xf32>
      tpu.vector_store %arg9[%swap3A_181, %swap3A_182], %swap3A_185 {strides = array<i32>} : memref<640x64xf32, #tpu.memory_space<vmem>>, vector<1x16xf32>,
      %add3A_186 = arith.constant 4 : i32
      %add3A_187 = arith.addi %mul3A_38, %add3A_186 : i32
      %swap3A_188 = arith.index_cast %add3A_187 : i32 to index
      %swap3A_189 = arith.constant 16 : index
      %swap3A_190 = tpu.vector_load %arg9[%swap3A_188, %swap3A_189] {strides = array<i32>} : memref<640x64xf32, #tpu.memory_space<vmem>>, vector<1x16xf32>,
      %swap3A_191 = vector.shape_cast %swap3A_190 : vector<1x16xf32> to vector<16xf32>
      %swap3A_192 = vector.shape_cast %get3A_178 : vector<16xf32> to vector<1x16xf32>
      tpu.vector_store %arg9[%swap3A_188, %swap3A_189], %swap3A_192 {strides = array<i32>} : memref<640x64xf32, #tpu.memory_space<vmem>>, vector<1x16xf32>,
      %add3A_193 = arith.constant 4 : i32
      %add3A_194 = arith.addi %mul3A_38, %add3A_193 : i32
      %swap3A_195 = arith.index_cast %add3A_194 : i32 to index
      %swap3A_196 = arith.constant 32 : index
      %swap3A_197 = tpu.vector_load %arg9[%swap3A_195, %swap3A_196] {strides = array<i32>} : memref<640x64xf32, #tpu.memory_space<vmem>>, vector<1x16xf32>,
      %swap3A_198 = vector.shape_cast %swap3A_197 : vector<1x16xf32> to vector<16xf32>
      %swap3A_199 = vector.shape_cast %get3A_178 : vector<16xf32> to vector<1x16xf32>
      tpu.vector_store %arg9[%swap3A_195, %swap3A_196], %swap3A_199 {strides = array<i32>} : memref<640x64xf32, #tpu.memory_space<vmem>>, vector<1x16xf32>,
      %add3A_200 = arith.constant 4 : i32
      %add3A_201 = arith.addi %mul3A_38, %add3A_200 : i32
      %swap3A_202 = arith.index_cast %add3A_201 : i32 to index
      %swap3A_203 = arith.constant 48 : index
      %swap3A_204 = tpu.vector_load %arg9[%swap3A_202, %swap3A_203] {strides = array<i32>} : memref<640x64xf32, #tpu.memory_space<vmem>>, vector<1x16xf32>,
      %swap3A_205 = vector.shape_cast %swap3A_204 : vector<1x16xf32> to vector<16xf32>
      %swap3A_206 = vector.shape_cast %get3A_178 : vector<16xf32> to vector<1x16xf32>
      tpu.vector_store %arg9[%swap3A_202, %swap3A_203], %swap3A_206 {strides = array<i32>} : memref<640x64xf32, #tpu.memory_space<vmem>>, vector<1x16xf32>,
      %add3A_207 = arith.constant 5 : i32
      %add3A_208 = arith.addi %mul3A_38, %add3A_207 : i32
      %get3A_209 = arith.index_cast %add3A_208 : i32 to index
      %get3A_210 = arith.constant 0 : index
      %get3A_211 = tpu.vector_load %arg8[%get3A_209, %get3A_210] {strides = array<i32>} : memref<640x16xf32, #tpu.memory_space<vmem>>, vector<1x16xf32>,
      %get3A_212 = vector.shape_cast %get3A_211 : vector<1x16xf32> to vector<16xf32>
      %add3A_213 = arith.constant 5 : i32
      %add3A_214 = arith.addi %mul3A_38, %add3A_213 : i32
      %swap3A_215 = arith.index_cast %add3A_214 : i32 to index
      %swap3A_216 = arith.constant 0 : index
      %swap3A_217 = tpu.vector_load %arg9[%swap3A_215, %swap3A_216] {strides = array<i32>} : memref<640x64xf32, #tpu.memory_space<vmem>>, vector<1x16xf32>,
      %swap3A_218 = vector.shape_cast %swap3A_217 : vector<1x16xf32> to vector<16xf32>
      %swap3A_219 = vector.shape_cast %get3A_212 : vector<16xf32> to vector<1x16xf32>
      tpu.vector_store %arg9[%swap3A_215, %swap3A_216], %swap3A_219 {strides = array<i32>} : memref<640x64xf32, #tpu.memory_space<vmem>>, vector<1x16xf32>,
      %add3A_220 = arith.constant 5 : i32
      %add3A_221 = arith.addi %mul3A_38, %add3A_220 : i32
      %swap3A_222 = arith.index_cast %add3A_221 : i32 to index
      %swap3A_223 = arith.constant 16 : index
      %swap3A_224 = tpu.vector_load %arg9[%swap3A_222, %swap3A_223] {strides = array<i32>} : memref<640x64xf32, #tpu.memory_space<vmem>>, vector<1x16xf32>,
      %swap3A_225 = vector.shape_cast %swap3A_224 : vector<1x16xf32> to vector<16xf32>
      %swap3A_226 = vector.shape_cast %get3A_212 : vector<16xf32> to vector<1x16xf32>
      tpu.vector_store %arg9[%swap3A_222, %swap3A_223], %swap3A_226 {strides = array<i32>} : memref<640x64xf32, #tpu.memory_space<vmem>>, vector<1x16xf32>,
      %add3A_227 = arith.constant 5 : i32
      %add3A_228 = arith.addi %mul3A_38, %add3A_227 : i32
      %swap3A_229 = arith.index_cast %add3A_228 : i32 to index
      %swap3A_230 = arith.constant 32 : index
      %swap3A_231 = tpu.vector_load %arg9[%swap3A_229, %swap3A_230] {strides = array<i32>} : memref<640x64xf32, #tpu.memory_space<vmem>>, vector<1x16xf32>,
      %swap3A_232 = vector.shape_cast %swap3A_231 : vector<1x16xf32> to vector<16xf32>
      %swap3A_233 = vector.shape_cast %get3A_212 : vector<16xf32> to vector<1x16xf32>
      tpu.vector_store %arg9[%swap3A_229, %swap3A_230], %swap3A_233 {strides = array<i32>} : memref<640x64xf32, #tpu.memory_space<vmem>>, vector<1x16xf32>,
      %add3A_234 = arith.constant 5 : i32
      %add3A_235 = arith.addi %mul3A_38, %add3A_234 : i32
      %swap3A_236 = arith.index_cast %add3A_235 : i32 to index
      %swap3A_237 = arith.constant 48 : index
      %swap3A_238 = tpu.vector_load %arg9[%swap3A_236, %swap3A_237] {strides = array<i32>} : memref<640x64xf32, #tpu.memory_space<vmem>>, vector<1x16xf32>,
      %swap3A_239 = vector.shape_cast %swap3A_238 : vector<1x16xf32> to vector<16xf32>
      %swap3A_240 = vector.shape_cast %get3A_212 : vector<16xf32> to vector<1x16xf32>
      tpu.vector_store %arg9[%swap3A_236, %swap3A_237], %swap3A_240 {strides = array<i32>} : memref<640x64xf32, #tpu.memory_space<vmem>>, vector<1x16xf32>,
      %add3A_241 = arith.constant 6 : i32
      %add3A_242 = arith.addi %mul3A_38, %add3A_241 : i32
      %get3A_243 = arith.index_cast %add3A_242 : i32 to index
      %get3A_244 = arith.constant 0 : index
      %get3A_245 = tpu.vector_load %arg8[%get3A_243, %get3A_244] {strides = array<i32>} : memref<640x16xf32, #tpu.memory_space<vmem>>, vector<1x16xf32>,
      %get3A_246 = vector.shape_cast %get3A_245 : vector<1x16xf32> to vector<16xf32>
      %add3A_247 = arith.constant 6 : i32
      %add3A_248 = arith.addi %mul3A_38, %add3A_247 : i32
      %swap3A_249 = arith.index_cast %add3A_248 : i32 to index
      %swap3A_250 = arith.constant 0 : index
      %swap3A_251 = tpu.vector_load %arg9[%swap3A_249, %swap3A_250] {strides = array<i32>} : memref<640x64xf32, #tpu.memory_space<vmem>>, vector<1x16xf32>,
      %swap3A_252 = vector.shape_cast %swap3A_251 : vector<1x16xf32> to vector<16xf32>
      %swap3A_253 = vector.shape_cast %get3A_246 : vector<16xf32> to vector<1x16xf32>
      tpu.vector_store %arg9[%swap3A_249, %swap3A_250], %swap3A_253 {strides = array<i32>} : memref<640x64xf32, #tpu.memory_space<vmem>>, vector<1x16xf32>,
      %add3A_254 = arith.constant 6 : i32
      %add3A_255 = arith.addi %mul3A_38, %add3A_254 : i32
      %swap3A_256 = arith.index_cast %add3A_255 : i32 to index
      %swap3A_257 = arith.constant 16 : index
      %swap3A_258 = tpu.vector_load %arg9[%swap3A_256, %swap3A_257] {strides = array<i32>} : memref<640x64xf32, #tpu.memory_space<vmem>>, vector<1x16xf32>,
      %swap3A_259 = vector.shape_cast %swap3A_258 : vector<1x16xf32> to vector<16xf32>
      %swap3A_260 = vector.shape_cast %get3A_246 : vector<16xf32> to vector<1x16xf32>
      tpu.vector_store %arg9[%swap3A_256, %swap3A_257], %swap3A_260 {strides = array<i32>} : memref<640x64xf32, #tpu.memory_space<vmem>>, vector<1x16xf32>,
      %add3A_261 = arith.constant 6 : i32
      %add3A_262 = arith.addi %mul3A_38, %add3A_261 : i32
      %swap3A_263 = arith.index_cast %add3A_262 : i32 to index
      %swap3A_264 = arith.constant 32 : index
      %swap3A_265 = tpu.vector_load %arg9[%swap3A_263, %swap3A_264] {strides = array<i32>} : memref<640x64xf32, #tpu.memory_space<vmem>>, vector<1x16xf32>,
      %swap3A_266 = vector.shape_cast %swap3A_265 : vector<1x16xf32> to vector<16xf32>
      %swap3A_267 = vector.shape_cast %get3A_246 : vector<16xf32> to vector<1x16xf32>
      tpu.vector_store %arg9[%swap3A_263, %swap3A_264], %swap3A_267 {strides = array<i32>} : memref<640x64xf32, #tpu.memory_space<vmem>>, vector<1x16xf32>,
      %add3A_268 = arith.constant 6 : i32
      %add3A_269 = arith.addi %mul3A_38, %add3A_268 : i32
      %swap3A_270 = arith.index_cast %add3A_269 : i32 to index
      %swap3A_271 = arith.constant 48 : index
      %swap3A_272 = tpu.vector_load %arg9[%swap3A_270, %swap3A_271] {strides = array<i32>} : memref<640x64xf32, #tpu.memory_space<vmem>>, vector<1x16xf32>,
      %swap3A_273 = vector.shape_cast %swap3A_272 : vector<1x16xf32> to vector<16xf32>
      %swap3A_274 = vector.shape_cast %get3A_246 : vector<16xf32> to vector<1x16xf32>
      tpu.vector_store %arg9[%swap3A_270, %swap3A_271], %swap3A_274 {strides = array<i32>} : memref<640x64xf32, #tpu.memory_space<vmem>>, vector<1x16xf32>,
      %add3A_275 = arith.constant 7 : i32
      %add3A_276 = arith.addi %mul3A_38, %add3A_275 : i32
      %get3A_277 = arith.index_cast %add3A_276 : i32 to index
      %get3A_278 = arith.constant 0 : index
      %get3A_279 = tpu.vector_load %arg8[%get3A_277, %get3A_278] {strides = array<i32>} : memref<640x16xf32, #tpu.memory_space<vmem>>, vector<1x16xf32>,
      %get3A_280 = vector.shape_cast %get3A_279 : vector<1x16xf32> to vector<16xf32>
      %add3A_281 = arith.constant 7 : i32
      %add3A_282 = arith.addi %mul3A_38, %add3A_281 : i32
      %swap3A_283 = arith.index_cast %add3A_282 : i32 to index
      %swap3A_284 = arith.constant 0 : index
      %swap3A_285 = tpu.vector_load %arg9[%swap3A_283, %swap3A_284] {strides = array<i32>} : memref<640x64xf32, #tpu.memory_space<vmem>>, vector<1x16xf32>,
      %swap3A_286 = vector.shape_cast %swap3A_285 : vector<1x16xf32> to vector<16xf32>
      %swap3A_287 = vector.shape_cast %get3A_280 : vector<16xf32> to vector<1x16xf32>
      tpu.vector_store %arg9[%swap3A_283, %swap3A_284], %swap3A_287 {strides = array<i32>} : memref<640x64xf32, #tpu.memory_space<vmem>>, vector<1x16xf32>,
      %add3A_288 = arith.constant 7 : i32
      %add3A_289 = arith.addi %mul3A_38, %add3A_288 : i32
      %swap3A_290 = arith.index_cast %add3A_289 : i32 to index
      %swap3A_291 = arith.constant 16 : index
      %swap3A_292 = tpu.vector_load %arg9[%swap3A_290, %swap3A_291] {strides = array<i32>} : memref<640x64xf32, #tpu.memory_space<vmem>>, vector<1x16xf32>,
      %swap3A_293 = vector.shape_cast %swap3A_292 : vector<1x16xf32> to vector<16xf32>
      %swap3A_294 = vector.shape_cast %get3A_280 : vector<16xf32> to vector<1x16xf32>
      tpu.vector_store %arg9[%swap3A_290, %swap3A_291], %swap3A_294 {strides = array<i32>} : memref<640x64xf32, #tpu.memory_space<vmem>>, vector<1x16xf32>,
      %add3A_295 = arith.constant 7 : i32
      %add3A_296 = arith.addi %mul3A_38, %add3A_295 : i32
      %swap3A_297 = arith.index_cast %add3A_296 : i32 to index
      %swap3A_298 = arith.constant 32 : index
      %swap3A_299 = tpu.vector_load %arg9[%swap3A_297, %swap3A_298] {strides = array<i32>} : memref<640x64xf32, #tpu.memory_space<vmem>>, vector<1x16xf32>,
      %swap3A_300 = vector.shape_cast %swap3A_299 : vector<1x16xf32> to vector<16xf32>
      %swap3A_301 = vector.shape_cast %get3A_280 : vector<16xf32> to vector<1x16xf32>
      tpu.vector_store %arg9[%swap3A_297, %swap3A_298], %swap3A_301 {strides = array<i32>} : memref<640x64xf32, #tpu.memory_space<vmem>>, vector<1x16xf32>,
      %add3A_302 = arith.constant 7 : i32
      %add3A_303 = arith.addi %mul3A_38, %add3A_302 : i32
      %swap3A_304 = arith.index_cast %add3A_303 : i32 to index
      %swap3A_305 = arith.constant 48 : index
      %swap3A_306 = tpu.vector_load %arg9[%swap3A_304, %swap3A_305] {strides = array<i32>} : memref<640x64xf32, #tpu.memory_space<vmem>>, vector<1x16xf32>,
      %swap3A_307 = vector.shape_cast %swap3A_306 : vector<1x16xf32> to vector<16xf32>
      %swap3A_308 = vector.shape_cast %get3A_280 : vector<16xf32> to vector<1x16xf32>
      tpu.vector_store %arg9[%swap3A_304, %swap3A_305], %swap3A_308 {strides = array<i32>} : memref<640x64xf32, #tpu.memory_space<vmem>>, vector<1x16xf32>,
    }
    %scan3A_30 = arith.constant 80 : i32
    %mul3A_31 = arith.constant 10240 : i32
    %mul3A_32 = arith.muli %arg0, %mul3A_31 : i32
    %mul3A_33 = arith.constant 640 : i32
    %mul3A_34 = arith.muli %arg1, %mul3A_33 : i32
    %add3A_35 = arith.addi %mul3A_32, %mul3A_34 : i32
    "tpu.region"() ({
      %run_scoped3A_36 = tpu.sem_alloc : memref<!tpu.dma_semaphore, #tpu.memory_space<semaphore_mem>>
      %dma_start3A_37 = arith.constant 0 : i32
      %dma_start3A_38 = tpu.memref_slice %arg4[%add3A_35, %dma_start3A_37] : memref<20480x64xf32, #tpu.memory_space<hbm>> -> memref<640x64xf32, #tpu.memory_space<hbm>>
      %dma_start3A_39 = arith.constant 0 : i32
      %dma_start3A_40 = tpu.memref_slice %arg4[%add3A_35, %dma_start3A_39] : memref<20480x64xf32, #tpu.memory_space<hbm>> -> memref<640x64xf32, #tpu.memory_space<hbm>>
      tpu.enqueue_dma source(%arg9 : memref<640x64xf32, #tpu.memory_space<vmem>>) target(%dma_start3A_40 : memref<640x64xf32, #tpu.memory_space<hbm>>) target_semaphore(%run_scoped3A_36 : memref<!tpu.dma_semaphore, #tpu.memory_space<semaphore_mem>>)
      %dma_wait3A_41 = arith.constant 0 : i32
      %dma_wait3A_42 = tpu.memref_slice %arg4[%add3A_35, %dma_wait3A_41] : memref<20480x64xf32, #tpu.memory_space<hbm>> -> memref<640x64xf32, #tpu.memory_space<hbm>>
      %dma_wait3A_43 = arith.constant 0 : i32
      %dma_wait3A_44 = tpu.memref_slice %arg4[%add3A_35, %dma_wait3A_43] : memref<20480x64xf32, #tpu.memory_space<hbm>> -> memref<640x64xf32, #tpu.memory_space<hbm>>
      tpu.wait_dma2 semaphore(%run_scoped3A_36 : memref<!tpu.dma_semaphore, #tpu.memory_space<semaphore_mem>>) src(%arg9 : memref<640x64xf32, #tpu.memory_space<vmem>>) dst(%dma_wait3A_44 : memref<640x64xf32, #tpu.memory_space<hbm>>)
      tpu.yield
    }) : () -> ()
    return
  }
}

#map = affine_map<(d0, d1) -> (0, 0)>
#map1 = affine_map<(d0, d1) -> (0, 0, 0, 0)>
module attributes {stable_mosaic.version = 14 : i64} {
  func.func @_sc_edges(%arg0: i32, %arg1: i32, %arg2: memref<10240x64xf32, #tpu.memory_space<hbm>>, %arg3: memref<2x32x125x80xi32, #tpu.memory_space<hbm>>, %arg4: memref<20480x64xf32, #tpu.memory_space<hbm>>, %arg5: memref<10240x64xf32, #tpu.memory_space<vmem_shared>>, %arg6: memref<125x80xi32, #tpu.memory_space<vmem>>, %arg7: memref<125x80xi32, #tpu.memory_space<vmem>>, %arg8: memref<5x80x64xf32, #tpu.memory_space<vmem>>, %arg9: memref<!tpu.dma_semaphore, #tpu.memory_space<semaphore_mem>>, %arg10: memref<!tpu.dma_semaphore, #tpu.memory_space<semaphore_mem>>, %arg11: memref<!tpu.dma_semaphore, #tpu.memory_space<semaphore_mem>>, %arg12: memref<!tpu.dma_semaphore, #tpu.memory_space<semaphore_mem>>, %arg13: memref<!tpu.dma_semaphore, #tpu.memory_space<semaphore_mem>>, %arg14: memref<!tpu.dma_semaphore, #tpu.memory_space<semaphore_mem>>, %arg15: memref<!tpu.dma_semaphore, #tpu.memory_space<semaphore_mem>>, %arg16: memref<!tpu.dma_semaphore, #tpu.memory_space<semaphore_mem>>, %arg17: memref<!tpu.dma_semaphore, #tpu.memory_space<semaphore_mem>>, %arg18: memref<!tpu.dma_semaphore, #tpu.memory_space<semaphore_mem>>) attributes {dimension_semantics = [#tpu.dimension_semantics<core_parallel>, #tpu.dimension_semantics<subcore_parallel>], iteration_bounds = array<i64: 2, 16>, scalar_prefetch = 0 : i64, scratch_operands = 14 : i64, tpu.core_type = #tpu.core_type<sc_vector_subcore>, window_params = [{transform_indices = #map}, {transform_indices = #map1}, {transform_indices = #map}]} {
    %mul3A = arith.constant 16 : i32
    %mul3A_0 = arith.muli %arg0, %mul3A : i32
    %add3A = arith.addi %mul3A_0, %arg1 : i32
    %mul3A_1 = arith.constant 640 : i32
    %mul3A_2 = arith.muli %arg1, %mul3A_1 : i32
    %mul3A_3 = arith.constant 640 : i32
    %mul3A_4 = arith.muli %arg1, %mul3A_3 : i32
    "tpu.region"() ({
      %run_scoped3A_497 = tpu.sem_alloc : memref<!tpu.dma_semaphore, #tpu.memory_space<semaphore_mem>>
      %dma_start3A_498 = arith.constant 0 : i32
      %dma_start3A_499 = tpu.memref_slice %arg5[%mul3A_4, %dma_start3A_498] : memref<10240x64xf32, #tpu.memory_space<vmem_shared>> -> memref<640x64xf32, #tpu.memory_space<vmem_shared>>
      %dma_start3A_500 = arith.constant 0 : i32
      %dma_start3A_501 = tpu.memref_slice %arg2[%mul3A_2, %dma_start3A_500] : memref<10240x64xf32, #tpu.memory_space<hbm>> -> memref<640x64xf32, #tpu.memory_space<hbm>>
      tpu.enqueue_dma source(%dma_start3A_501 : memref<640x64xf32, #tpu.memory_space<hbm>>) target(%dma_start3A_499 : memref<640x64xf32, #tpu.memory_space<vmem_shared>>) target_semaphore(%run_scoped3A_497 : memref<!tpu.dma_semaphore, #tpu.memory_space<semaphore_mem>>)
      %dma_wait3A_502 = arith.constant 0 : i32
      %dma_wait3A_503 = tpu.memref_slice %arg5[%mul3A_4, %dma_wait3A_502] : memref<10240x64xf32, #tpu.memory_space<vmem_shared>> -> memref<640x64xf32, #tpu.memory_space<vmem_shared>>
      %dma_wait3A_504 = arith.constant 0 : i32
      %dma_wait3A_505 = tpu.memref_slice %arg2[%mul3A_2, %dma_wait3A_504] : memref<10240x64xf32, #tpu.memory_space<hbm>> -> memref<640x64xf32, #tpu.memory_space<hbm>>
      tpu.wait_dma2 semaphore(%run_scoped3A_497 : memref<!tpu.dma_semaphore, #tpu.memory_space<semaphore_mem>>) src(%dma_wait3A_505 : memref<640x64xf32, #tpu.memory_space<hbm>>) dst(%dma_wait3A_503 : memref<640x64xf32, #tpu.memory_space<vmem_shared>>)
      tpu.yield
    }) : () -> ()
    %run_scoped3A = arith.constant 0 : i32
    "tpu.region"() ({
      %run_scoped3A_497 = tpu.sem_alloc : memref<!tpu.dma_semaphore, #tpu.memory_space<semaphore_mem>>
      %dma_start3A_498 = arith.constant 0 : i32
      %dma_start3A_499 = arith.constant 0 : i32
      %dma_start3A_500 = tpu.memref_slice %arg3[%run_scoped3A, %add3A, %dma_start3A_498, %dma_start3A_499] : memref<2x32x125x80xi32, #tpu.memory_space<hbm>> -> memref<1x1x125x80xi32, #tpu.memory_space<hbm>>
      %dma_start3A_501 = tpu.memref_squeeze %dma_start3A_500 : memref<1x1x125x80xi32, #tpu.memory_space<hbm>> -> memref<125x80xi32, #tpu.memory_space<hbm>>
      %dma_start3A_502 = arith.constant 0 : i32
      %dma_start3A_503 = arith.constant 0 : i32
      %dma_start3A_504 = tpu.memref_slice %arg3[%run_scoped3A, %add3A, %dma_start3A_502, %dma_start3A_503] : memref<2x32x125x80xi32, #tpu.memory_space<hbm>> -> memref<1x1x125x80xi32, #tpu.memory_space<hbm>>
      %dma_start3A_505 = tpu.memref_squeeze %dma_start3A_504 : memref<1x1x125x80xi32, #tpu.memory_space<hbm>> -> memref<125x80xi32, #tpu.memory_space<hbm>>
      tpu.enqueue_dma source(%dma_start3A_505 : memref<125x80xi32, #tpu.memory_space<hbm>>) target(%arg6 : memref<125x80xi32, #tpu.memory_space<vmem>>) target_semaphore(%run_scoped3A_497 : memref<!tpu.dma_semaphore, #tpu.memory_space<semaphore_mem>>)
      %dma_wait3A_506 = arith.constant 0 : i32
      %dma_wait3A_507 = arith.constant 0 : i32
      %dma_wait3A_508 = tpu.memref_slice %arg3[%run_scoped3A, %add3A, %dma_wait3A_506, %dma_wait3A_507] : memref<2x32x125x80xi32, #tpu.memory_space<hbm>> -> memref<1x1x125x80xi32, #tpu.memory_space<hbm>>
      %dma_wait3A_509 = tpu.memref_squeeze %dma_wait3A_508 : memref<1x1x125x80xi32, #tpu.memory_space<hbm>> -> memref<125x80xi32, #tpu.memory_space<hbm>>
      %dma_wait3A_510 = arith.constant 0 : i32
      %dma_wait3A_511 = arith.constant 0 : i32
      %dma_wait3A_512 = tpu.memref_slice %arg3[%run_scoped3A, %add3A, %dma_wait3A_510, %dma_wait3A_511] : memref<2x32x125x80xi32, #tpu.memory_space<hbm>> -> memref<1x1x125x80xi32, #tpu.memory_space<hbm>>
      %dma_wait3A_513 = tpu.memref_squeeze %dma_wait3A_512 : memref<1x1x125x80xi32, #tpu.memory_space<hbm>> -> memref<125x80xi32, #tpu.memory_space<hbm>>
      tpu.wait_dma2 semaphore(%run_scoped3A_497 : memref<!tpu.dma_semaphore, #tpu.memory_space<semaphore_mem>>) src(%dma_wait3A_513 : memref<125x80xi32, #tpu.memory_space<hbm>>) dst(%arg6 : memref<125x80xi32, #tpu.memory_space<vmem>>)
      tpu.yield
    }) : () -> ()
    %run_scoped3A_5 = arith.constant 1 : i32
    "tpu.region"() ({
      %run_scoped3A_497 = tpu.sem_alloc : memref<!tpu.dma_semaphore, #tpu.memory_space<semaphore_mem>>
      %dma_start3A_498 = arith.constant 0 : i32
      %dma_start3A_499 = arith.constant 0 : i32
      %dma_start3A_500 = tpu.memref_slice %arg3[%run_scoped3A_5, %add3A, %dma_start3A_498, %dma_start3A_499] : memref<2x32x125x80xi32, #tpu.memory_space<hbm>> -> memref<1x1x125x80xi32, #tpu.memory_space<hbm>>
      %dma_start3A_501 = tpu.memref_squeeze %dma_start3A_500 : memref<1x1x125x80xi32, #tpu.memory_space<hbm>> -> memref<125x80xi32, #tpu.memory_space<hbm>>
      %dma_start3A_502 = arith.constant 0 : i32
      %dma_start3A_503 = arith.constant 0 : i32
      %dma_start3A_504 = tpu.memref_slice %arg3[%run_scoped3A_5, %add3A, %dma_start3A_502, %dma_start3A_503] : memref<2x32x125x80xi32, #tpu.memory_space<hbm>> -> memref<1x1x125x80xi32, #tpu.memory_space<hbm>>
      %dma_start3A_505 = tpu.memref_squeeze %dma_start3A_504 : memref<1x1x125x80xi32, #tpu.memory_space<hbm>> -> memref<125x80xi32, #tpu.memory_space<hbm>>
      tpu.enqueue_dma source(%dma_start3A_505 : memref<125x80xi32, #tpu.memory_space<hbm>>) target(%arg7 : memref<125x80xi32, #tpu.memory_space<vmem>>) target_semaphore(%run_scoped3A_497 : memref<!tpu.dma_semaphore, #tpu.memory_space<semaphore_mem>>)
      %dma_wait3A_506 = arith.constant 0 : i32
      %dma_wait3A_507 = arith.constant 0 : i32
      %dma_wait3A_508 = tpu.memref_slice %arg3[%run_scoped3A_5, %add3A, %dma_wait3A_506, %dma_wait3A_507] : memref<2x32x125x80xi32, #tpu.memory_space<hbm>> -> memref<1x1x125x80xi32, #tpu.memory_space<hbm>>
      %dma_wait3A_509 = tpu.memref_squeeze %dma_wait3A_508 : memref<1x1x125x80xi32, #tpu.memory_space<hbm>> -> memref<125x80xi32, #tpu.memory_space<hbm>>
      %dma_wait3A_510 = arith.constant 0 : i32
      %dma_wait3A_511 = arith.constant 0 : i32
      %dma_wait3A_512 = tpu.memref_slice %arg3[%run_scoped3A_5, %add3A, %dma_wait3A_510, %dma_wait3A_511] : memref<2x32x125x80xi32, #tpu.memory_space<hbm>> -> memref<1x1x125x80xi32, #tpu.memory_space<hbm>>
      %dma_wait3A_513 = tpu.memref_squeeze %dma_wait3A_512 : memref<1x1x125x80xi32, #tpu.memory_space<hbm>> -> memref<125x80xi32, #tpu.memory_space<hbm>>
      tpu.wait_dma2 semaphore(%run_scoped3A_497 : memref<!tpu.dma_semaphore, #tpu.memory_space<semaphore_mem>>) src(%dma_wait3A_513 : memref<125x80xi32, #tpu.memory_space<hbm>>) dst(%arg7 : memref<125x80xi32, #tpu.memory_space<vmem>>)
      tpu.yield
    }) : () -> ()
    %barrier3A = arith.constant 0 : index
    tpu.barrier barrier_id(%barrier3A)
    %dma_start3A = arith.constant 0 : i32
    %dma_start3A_6 = arith.constant 0 : i32
    %dma_start3A_7 = arith.constant 0 : i32
    %dma_start3A_8 = arith.constant 0 : i32
    %dma_start3A_9 = tpu.memref_slice %arg8[%dma_start3A_6, %dma_start3A_7, %dma_start3A_8] : memref<5x80x64xf32, #tpu.memory_space<vmem>> -> memref<1x80x64xf32, #tpu.memory_space<vmem>>
    %dma_start3A_10 = tpu.memref_squeeze %dma_start3A_9 : memref<1x80x64xf32, #tpu.memory_space<vmem>> -> memref<80x64xf32, #tpu.memory_space<vmem>>
    %dma_start3A_11 = arith.constant 0 : i32
    %dma_start3A_12 = tpu.memref_slice %arg6[%dma_start3A, %dma_start3A_11] : memref<125x80xi32, #tpu.memory_space<vmem>> -> memref<1x80xi32, #tpu.memory_space<vmem>>
    %dma_start3A_13 = tpu.memref_squeeze %dma_start3A_12 : memref<1x80xi32, #tpu.memory_space<vmem>> -> memref<80xi32, #tpu.memory_space<vmem>>
    %dma_start3A_14 = arith.constant 0 : i32
    %dma_start3A_15 = arith.constant 0 : i32
    %dma_start3A_16 = tpu.memref_slice %arg2[%dma_start3A_14, %dma_start3A_15] : memref<10240x64xf32, #tpu.memory_space<hbm>> -> memref<10240x64xf32, #tpu.memory_space<hbm>>
    tpu.enqueue_indirect_dma source(%dma_start3A_16 : memref<10240x64xf32, #tpu.memory_space<hbm>>) target(%dma_start3A_10 : memref<80x64xf32, #tpu.memory_space<vmem>>) offsets(%dma_start3A_13 : memref<80xi32, #tpu.memory_space<vmem>>) semaphore(%arg9 : memref<!tpu.dma_semaphore, #tpu.memory_space<semaphore_mem>>)
    %dma_start3A_17 = arith.constant 1 : i32
    %dma_start3A_18 = arith.constant 1 : i32
    %dma_start3A_19 = arith.constant 0 : i32
    %dma_start3A_20 = arith.constant 0 : i32
    %dma_start3A_21 = tpu.memref_slice %arg8[%dma_start3A_18, %dma_start3A_19, %dma_start3A_20] : memref<5x80x64xf32, #tpu.memory_space<vmem>> -> memref<1x80x64xf32, #tpu.memory_space<vmem>>
    %dma_start3A_22 = tpu.memref_squeeze %dma_start3A_21 : memref<1x80x64xf32, #tpu.memory_space<vmem>> -> memref<80x64xf32, #tpu.memory_space<vmem>>
    %dma_start3A_23 = arith.constant 0 : i32
    %dma_start3A_24 = tpu.memref_slice %arg6[%dma_start3A_17, %dma_start3A_23] : memref<125x80xi32, #tpu.memory_space<vmem>> -> memref<1x80xi32, #tpu.memory_space<vmem>>
    %dma_start3A_25 = tpu.memref_squeeze %dma_start3A_24 : memref<1x80xi32, #tpu.memory_space<vmem>> -> memref<80xi32, #tpu.memory_space<vmem>>
    %dma_start3A_26 = arith.constant 0 : i32
    %dma_start3A_27 = arith.constant 0 : i32
    %dma_start3A_28 = tpu.memref_slice %arg2[%dma_start3A_26, %dma_start3A_27] : memref<10240x64xf32, #tpu.memory_space<hbm>> -> memref<10240x64xf32, #tpu.memory_space<hbm>>
    tpu.enqueue_indirect_dma source(%dma_start3A_28 : memref<10240x64xf32, #tpu.memory_space<hbm>>) target(%dma_start3A_22 : memref<80x64xf32, #tpu.memory_space<vmem>>) offsets(%dma_start3A_25 : memref<80xi32, #tpu.memory_space<vmem>>) semaphore(%arg10 : memref<!tpu.dma_semaphore, #tpu.memory_space<semaphore_mem>>)
    %dma_start3A_29 = arith.constant 2 : i32
    %dma_start3A_30 = arith.constant 2 : i32
    %dma_start3A_31 = arith.constant 0 : i32
    %dma_start3A_32 = arith.constant 0 : i32
    %dma_start3A_33 = tpu.memref_slice %arg8[%dma_start3A_30, %dma_start3A_31, %dma_start3A_32] : memref<5x80x64xf32, #tpu.memory_space<vmem>> -> memref<1x80x64xf32, #tpu.memory_space<vmem>>
    %dma_start3A_34 = tpu.memref_squeeze %dma_start3A_33 : memref<1x80x64xf32, #tpu.memory_space<vmem>> -> memref<80x64xf32, #tpu.memory_space<vmem>>
    %dma_start3A_35 = arith.constant 0 : i32
    %dma_start3A_36 = tpu.memref_slice %arg6[%dma_start3A_29, %dma_start3A_35] : memref<125x80xi32, #tpu.memory_space<vmem>> -> memref<1x80xi32, #tpu.memory_space<vmem>>
    %dma_start3A_37 = tpu.memref_squeeze %dma_start3A_36 : memref<1x80xi32, #tpu.memory_space<vmem>> -> memref<80xi32, #tpu.memory_space<vmem>>
    %dma_start3A_38 = arith.constant 0 : i32
    %dma_start3A_39 = arith.constant 0 : i32
    %dma_start3A_40 = tpu.memref_slice %arg2[%dma_start3A_38, %dma_start3A_39] : memref<10240x64xf32, #tpu.memory_space<hbm>> -> memref<10240x64xf32, #tpu.memory_space<hbm>>
    tpu.enqueue_indirect_dma source(%dma_start3A_40 : memref<10240x64xf32, #tpu.memory_space<hbm>>) target(%dma_start3A_34 : memref<80x64xf32, #tpu.memory_space<vmem>>) offsets(%dma_start3A_37 : memref<80xi32, #tpu.memory_space<vmem>>) semaphore(%arg11 : memref<!tpu.dma_semaphore, #tpu.memory_space<semaphore_mem>>)
    %dma_start3A_41 = arith.constant 3 : i32
    %dma_start3A_42 = arith.constant 3 : i32
    %dma_start3A_43 = arith.constant 0 : i32
    %dma_start3A_44 = arith.constant 0 : i32
    %dma_start3A_45 = tpu.memref_slice %arg8[%dma_start3A_42, %dma_start3A_43, %dma_start3A_44] : memref<5x80x64xf32, #tpu.memory_space<vmem>> -> memref<1x80x64xf32, #tpu.memory_space<vmem>>
    %dma_start3A_46 = tpu.memref_squeeze %dma_start3A_45 : memref<1x80x64xf32, #tpu.memory_space<vmem>> -> memref<80x64xf32, #tpu.memory_space<vmem>>
    %dma_start3A_47 = arith.constant 0 : i32
    %dma_start3A_48 = tpu.memref_slice %arg6[%dma_start3A_41, %dma_start3A_47] : memref<125x80xi32, #tpu.memory_space<vmem>> -> memref<1x80xi32, #tpu.memory_space<vmem>>
    %dma_start3A_49 = tpu.memref_squeeze %dma_start3A_48 : memref<1x80xi32, #tpu.memory_space<vmem>> -> memref<80xi32, #tpu.memory_space<vmem>>
    %dma_start3A_50 = arith.constant 0 : i32
    %dma_start3A_51 = arith.constant 0 : i32
    %dma_start3A_52 = tpu.memref_slice %arg2[%dma_start3A_50, %dma_start3A_51] : memref<10240x64xf32, #tpu.memory_space<hbm>> -> memref<10240x64xf32, #tpu.memory_space<hbm>>
    tpu.enqueue_indirect_dma source(%dma_start3A_52 : memref<10240x64xf32, #tpu.memory_space<hbm>>) target(%dma_start3A_46 : memref<80x64xf32, #tpu.memory_space<vmem>>) offsets(%dma_start3A_49 : memref<80xi32, #tpu.memory_space<vmem>>) semaphore(%arg12 : memref<!tpu.dma_semaphore, #tpu.memory_space<semaphore_mem>>)
    %dma_wait3A = arith.constant 0 : i32
    %dma_wait3A_53 = arith.constant 0 : i32
    %dma_wait3A_54 = arith.constant 0 : i32
    %dma_wait3A_55 = arith.constant 0 : i32
    %dma_wait3A_56 = tpu.memref_slice %arg8[%dma_wait3A_53, %dma_wait3A_54, %dma_wait3A_55] : memref<5x80x64xf32, #tpu.memory_space<vmem>> -> memref<1x80x64xf32, #tpu.memory_space<vmem>>
    %dma_wait3A_57 = tpu.memref_squeeze %dma_wait3A_56 : memref<1x80x64xf32, #tpu.memory_space<vmem>> -> memref<80x64xf32, #tpu.memory_space<vmem>>
    %dma_wait3A_58 = arith.constant 0 : i32
    %dma_wait3A_59 = tpu.memref_slice %arg6[%dma_wait3A, %dma_wait3A_58] : memref<125x80xi32, #tpu.memory_space<vmem>> -> memref<1x80xi32, #tpu.memory_space<vmem>>
    %dma_wait3A_60 = tpu.memref_squeeze %dma_wait3A_59 : memref<1x80xi32, #tpu.memory_space<vmem>> -> memref<80xi32, #tpu.memory_space<vmem>>
    %dma_wait3A_61 = arith.constant 0 : i32
    %dma_wait3A_62 = arith.constant 0 : i32
    %dma_wait3A_63 = tpu.memref_slice %arg2[%dma_wait3A_61, %dma_wait3A_62] : memref<10240x64xf32, #tpu.memory_space<hbm>> -> memref<10240x64xf32, #tpu.memory_space<hbm>>
    tpu.wait_indirect_dma semaphore(%arg9 : memref<!tpu.dma_semaphore, #tpu.memory_space<semaphore_mem>>) src(%dma_wait3A_63 : memref<10240x64xf32, #tpu.memory_space<hbm>>) dst(%dma_wait3A_57 : memref<80x64xf32, #tpu.memory_space<vmem>>)
    %dma_start3A_64 = arith.constant 0 : i32
    %dma_start3A_65 = arith.constant 0 : i32
    %dma_start3A_66 = arith.constant 0 : i32
    %dma_start3A_67 = arith.constant 0 : i32
    %dma_start3A_68 = tpu.memref_slice %arg8[%dma_start3A_64, %dma_start3A_66, %dma_start3A_67] : memref<5x80x64xf32, #tpu.memory_space<vmem>> -> memref<1x80x64xf32, #tpu.memory_space<vmem>>
    %dma_start3A_69 = tpu.memref_squeeze %dma_start3A_68 : memref<1x80x64xf32, #tpu.memory_space<vmem>> -> memref<80x64xf32, #tpu.memory_space<vmem>>
    %dma_start3A_70 = arith.constant 0 : i32
    %dma_start3A_71 = tpu.memref_slice %arg7[%dma_start3A_65, %dma_start3A_70] : memref<125x80xi32, #tpu.memory_space<vmem>> -> memref<1x80xi32, #tpu.memory_space<vmem>>
    %dma_start3A_72 = tpu.memref_squeeze %dma_start3A_71 : memref<1x80xi32, #tpu.memory_space<vmem>> -> memref<80xi32, #tpu.memory_space<vmem>>
    %dma_start3A_73 = arith.constant 0 : i32
    %dma_start3A_74 = arith.constant 0 : i32
    %dma_start3A_75 = tpu.memref_slice %arg5[%dma_start3A_73, %dma_start3A_74] : memref<10240x64xf32, #tpu.memory_space<vmem_shared>> -> memref<10240x64xf32, #tpu.memory_space<vmem_shared>>
    tpu.enqueue_indirect_dma source(%dma_start3A_69 : memref<80x64xf32, #tpu.memory_space<vmem>>) target(%dma_start3A_75 : memref<10240x64xf32, #tpu.memory_space<vmem_shared>>) offsets(%dma_start3A_72 : memref<80xi32, #tpu.memory_space<vmem>>) semaphore(%arg14 : memref<!tpu.dma_semaphore, #tpu.memory_space<semaphore_mem>>) {add = true}
    %dma_start3A_76 = arith.constant 4 : i32
    %dma_start3A_77 = arith.constant 4 : i32
    %dma_start3A_78 = arith.constant 0 : i32
    %dma_start3A_79 = arith.constant 0 : i32
    %dma_start3A_80 = tpu.memref_slice %arg8[%dma_start3A_77, %dma_start3A_78, %dma_start3A_79] : memref<5x80x64xf32, #tpu.memory_space<vmem>> -> memref<1x80x64xf32, #tpu.memory_space<vmem>>
    %dma_start3A_81 = tpu.memref_squeeze %dma_start3A_80 : memref<1x80x64xf32, #tpu.memory_space<vmem>> -> memref<80x64xf32, #tpu.memory_space<vmem>>
    %dma_start3A_82 = arith.constant 0 : i32
    %dma_start3A_83 = tpu.memref_slice %arg6[%dma_start3A_76, %dma_start3A_82] : memref<125x80xi32, #tpu.memory_space<vmem>> -> memref<1x80xi32, #tpu.memory_space<vmem>>
    %dma_start3A_84 = tpu.memref_squeeze %dma_start3A_83 : memref<1x80xi32, #tpu.memory_space<vmem>> -> memref<80xi32, #tpu.memory_space<vmem>>
    %dma_start3A_85 = arith.constant 0 : i32
    %dma_start3A_86 = arith.constant 0 : i32
    %dma_start3A_87 = tpu.memref_slice %arg2[%dma_start3A_85, %dma_start3A_86] : memref<10240x64xf32, #tpu.memory_space<hbm>> -> memref<10240x64xf32, #tpu.memory_space<hbm>>
    tpu.enqueue_indirect_dma source(%dma_start3A_87 : memref<10240x64xf32, #tpu.memory_space<hbm>>) target(%dma_start3A_81 : memref<80x64xf32, #tpu.memory_space<vmem>>) offsets(%dma_start3A_84 : memref<80xi32, #tpu.memory_space<vmem>>) semaphore(%arg13 : memref<!tpu.dma_semaphore, #tpu.memory_space<semaphore_mem>>)
    %dma_wait3A_88 = arith.constant 1 : i32
    %dma_wait3A_89 = arith.constant 1 : i32
    %dma_wait3A_90 = arith.constant 0 : i32
    %dma_wait3A_91 = arith.constant 0 : i32
    %dma_wait3A_92 = tpu.memref_slice %arg8[%dma_wait3A_89, %dma_wait3A_90, %dma_wait3A_91] : memref<5x80x64xf32, #tpu.memory_space<vmem>> -> memref<1x80x64xf32, #tpu.memory_space<vmem>>
    %dma_wait3A_93 = tpu.memref_squeeze %dma_wait3A_92 : memref<1x80x64xf32, #tpu.memory_space<vmem>> -> memref<80x64xf32, #tpu.memory_space<vmem>>
    %dma_wait3A_94 = arith.constant 0 : i32
    %dma_wait3A_95 = tpu.memref_slice %arg6[%dma_wait3A_88, %dma_wait3A_94] : memref<125x80xi32, #tpu.memory_space<vmem>> -> memref<1x80xi32, #tpu.memory_space<vmem>>
    %dma_wait3A_96 = tpu.memref_squeeze %dma_wait3A_95 : memref<1x80xi32, #tpu.memory_space<vmem>> -> memref<80xi32, #tpu.memory_space<vmem>>
    %dma_wait3A_97 = arith.constant 0 : i32
    %dma_wait3A_98 = arith.constant 0 : i32
    %dma_wait3A_99 = tpu.memref_slice %arg2[%dma_wait3A_97, %dma_wait3A_98] : memref<10240x64xf32, #tpu.memory_space<hbm>> -> memref<10240x64xf32, #tpu.memory_space<hbm>>
    tpu.wait_indirect_dma semaphore(%arg10 : memref<!tpu.dma_semaphore, #tpu.memory_space<semaphore_mem>>) src(%dma_wait3A_99 : memref<10240x64xf32, #tpu.memory_space<hbm>>) dst(%dma_wait3A_93 : memref<80x64xf32, #tpu.memory_space<vmem>>)
    %dma_start3A_100 = arith.constant 1 : i32
    %dma_start3A_101 = arith.constant 1 : i32
    %dma_start3A_102 = arith.constant 0 : i32
    %dma_start3A_103 = arith.constant 0 : i32
    %dma_start3A_104 = tpu.memref_slice %arg8[%dma_start3A_100, %dma_start3A_102, %dma_start3A_103] : memref<5x80x64xf32, #tpu.memory_space<vmem>> -> memref<1x80x64xf32, #tpu.memory_space<vmem>>
    %dma_start3A_105 = tpu.memref_squeeze %dma_start3A_104 : memref<1x80x64xf32, #tpu.memory_space<vmem>> -> memref<80x64xf32, #tpu.memory_space<vmem>>
    %dma_start3A_106 = arith.constant 0 : i32
    %dma_start3A_107 = tpu.memref_slice %arg7[%dma_start3A_101, %dma_start3A_106] : memref<125x80xi32, #tpu.memory_space<vmem>> -> memref<1x80xi32, #tpu.memory_space<vmem>>
    %dma_start3A_108 = tpu.memref_squeeze %dma_start3A_107 : memref<1x80xi32, #tpu.memory_space<vmem>> -> memref<80xi32, #tpu.memory_space<vmem>>
    %dma_start3A_109 = arith.constant 0 : i32
    %dma_start3A_110 = arith.constant 0 : i32
    %dma_start3A_111 = tpu.memref_slice %arg5[%dma_start3A_109, %dma_start3A_110] : memref<10240x64xf32, #tpu.memory_space<vmem_shared>> -> memref<10240x64xf32, #tpu.memory_space<vmem_shared>>
    tpu.enqueue_indirect_dma source(%dma_start3A_105 : memref<80x64xf32, #tpu.memory_space<vmem>>) target(%dma_start3A_111 : memref<10240x64xf32, #tpu.memory_space<vmem_shared>>) offsets(%dma_start3A_108 : memref<80xi32, #tpu.memory_space<vmem>>) semaphore(%arg15 : memref<!tpu.dma_semaphore, #tpu.memory_space<semaphore_mem>>) {add = true}
    %dma_wait3A_112 = arith.constant 0 : i32
    %dma_wait3A_113 = arith.constant 0 : i32
    %dma_wait3A_114 = arith.constant 0 : i32
    %dma_wait3A_115 = arith.constant 0 : i32
    %dma_wait3A_116 = tpu.memref_slice %arg8[%dma_wait3A_112, %dma_wait3A_114, %dma_wait3A_115] : memref<5x80x64xf32, #tpu.memory_space<vmem>> -> memref<1x80x64xf32, #tpu.memory_space<vmem>>
    %dma_wait3A_117 = tpu.memref_squeeze %dma_wait3A_116 : memref<1x80x64xf32, #tpu.memory_space<vmem>> -> memref<80x64xf32, #tpu.memory_space<vmem>>
    %dma_wait3A_118 = arith.constant 0 : i32
    %dma_wait3A_119 = tpu.memref_slice %arg7[%dma_wait3A_113, %dma_wait3A_118] : memref<125x80xi32, #tpu.memory_space<vmem>> -> memref<1x80xi32, #tpu.memory_space<vmem>>
    %dma_wait3A_120 = tpu.memref_squeeze %dma_wait3A_119 : memref<1x80xi32, #tpu.memory_space<vmem>> -> memref<80xi32, #tpu.memory_space<vmem>>
    %dma_wait3A_121 = arith.constant 0 : i32
    %dma_wait3A_122 = arith.constant 0 : i32
    %dma_wait3A_123 = tpu.memref_slice %arg5[%dma_wait3A_121, %dma_wait3A_122] : memref<10240x64xf32, #tpu.memory_space<vmem_shared>> -> memref<10240x64xf32, #tpu.memory_space<vmem_shared>>
    tpu.wait_indirect_dma semaphore(%arg14 : memref<!tpu.dma_semaphore, #tpu.memory_space<semaphore_mem>>) src(%dma_wait3A_117 : memref<80x64xf32, #tpu.memory_space<vmem>>) dst(%dma_wait3A_123 : memref<10240x64xf32, #tpu.memory_space<vmem_shared>>)
    %dma_start3A_124 = arith.constant 5 : i32
    %dma_start3A_125 = arith.constant 0 : i32
    %dma_start3A_126 = arith.constant 0 : i32
    %dma_start3A_127 = arith.constant 0 : i32
    %dma_start3A_128 = tpu.memref_slice %arg8[%dma_start3A_125, %dma_start3A_126, %dma_start3A_127] : memref<5x80x64xf32, #tpu.memory_space<vmem>> -> memref<1x80x64xf32, #tpu.memory_space<vmem>>
    %dma_start3A_129 = tpu.memref_squeeze %dma_start3A_128 : memref<1x80x64xf32, #tpu.memory_space<vmem>> -> memref<80x64xf32, #tpu.memory_space<vmem>>
    %dma_start3A_130 = arith.constant 0 : i32
    %dma_start3A_131 = tpu.memref_slice %arg6[%dma_start3A_124, %dma_start3A_130] : memref<125x80xi32, #tpu.memory_space<vmem>> -> memref<1x80xi32, #tpu.memory_space<vmem>>
    %dma_start3A_132 = tpu.memref_squeeze %dma_start3A_131 : memref<1x80xi32, #tpu.memory_space<vmem>> -> memref<80xi32, #tpu.memory_space<vmem>>
    %dma_start3A_133 = arith.constant 0 : i32
    %dma_start3A_134 = arith.constant 0 : i32
    %dma_start3A_135 = tpu.memref_slice %arg2[%dma_start3A_133, %dma_start3A_134] : memref<10240x64xf32, #tpu.memory_space<hbm>> -> memref<10240x64xf32, #tpu.memory_space<hbm>>
    tpu.enqueue_indirect_dma source(%dma_start3A_135 : memref<10240x64xf32, #tpu.memory_space<hbm>>) target(%dma_start3A_129 : memref<80x64xf32, #tpu.memory_space<vmem>>) offsets(%dma_start3A_132 : memref<80xi32, #tpu.memory_space<vmem>>) semaphore(%arg9 : memref<!tpu.dma_semaphore, #tpu.memory_space<semaphore_mem>>)
    %dma_wait3A_136 = arith.constant 2 : i32
    %dma_wait3A_137 = arith.constant 2 : i32
    %dma_wait3A_138 = arith.constant 0 : i32
    %dma_wait3A_139 = arith.constant 0 : i32
    %dma_wait3A_140 = tpu.memref_slice %arg8[%dma_wait3A_137, %dma_wait3A_138, %dma_wait3A_139] : memref<5x80x64xf32, #tpu.memory_space<vmem>> -> memref<1x80x64xf32, #tpu.memory_space<vmem>>
    %dma_wait3A_141 = tpu.memref_squeeze %dma_wait3A_140 : memref<1x80x64xf32, #tpu.memory_space<vmem>> -> memref<80x64xf32, #tpu.memory_space<vmem>>
    %dma_wait3A_142 = arith.constant 0 : i32
    %dma_wait3A_143 = tpu.memref_slice %arg6[%dma_wait3A_136, %dma_wait3A_142] : memref<125x80xi32, #tpu.memory_space<vmem>> -> memref<1x80xi32, #tpu.memory_space<vmem>>
    %dma_wait3A_144 = tpu.memref_squeeze %dma_wait3A_143 : memref<1x80xi32, #tpu.memory_space<vmem>> -> memref<80xi32, #tpu.memory_space<vmem>>
    %dma_wait3A_145 = arith.constant 0 : i32
    %dma_wait3A_146 = arith.constant 0 : i32
    %dma_wait3A_147 = tpu.memref_slice %arg2[%dma_wait3A_145, %dma_wait3A_146] : memref<10240x64xf32, #tpu.memory_space<hbm>> -> memref<10240x64xf32, #tpu.memory_space<hbm>>
    tpu.wait_indirect_dma semaphore(%arg11 : memref<!tpu.dma_semaphore, #tpu.memory_space<semaphore_mem>>) src(%dma_wait3A_147 : memref<10240x64xf32, #tpu.memory_space<hbm>>) dst(%dma_wait3A_141 : memref<80x64xf32, #tpu.memory_space<vmem>>)
    %dma_start3A_148 = arith.constant 2 : i32
    %dma_start3A_149 = arith.constant 2 : i32
    %dma_start3A_150 = arith.constant 0 : i32
    %dma_start3A_151 = arith.constant 0 : i32
    %dma_start3A_152 = tpu.memref_slice %arg8[%dma_start3A_148, %dma_start3A_150, %dma_start3A_151] : memref<5x80x64xf32, #tpu.memory_space<vmem>> -> memref<1x80x64xf32, #tpu.memory_space<vmem>>
    %dma_start3A_153 = tpu.memref_squeeze %dma_start3A_152 : memref<1x80x64xf32, #tpu.memory_space<vmem>> -> memref<80x64xf32, #tpu.memory_space<vmem>>
    %dma_start3A_154 = arith.constant 0 : i32
    %dma_start3A_155 = tpu.memref_slice %arg7[%dma_start3A_149, %dma_start3A_154] : memref<125x80xi32, #tpu.memory_space<vmem>> -> memref<1x80xi32, #tpu.memory_space<vmem>>
    %dma_start3A_156 = tpu.memref_squeeze %dma_start3A_155 : memref<1x80xi32, #tpu.memory_space<vmem>> -> memref<80xi32, #tpu.memory_space<vmem>>
    %dma_start3A_157 = arith.constant 0 : i32
    %dma_start3A_158 = arith.constant 0 : i32
    %dma_start3A_159 = tpu.memref_slice %arg5[%dma_start3A_157, %dma_start3A_158] : memref<10240x64xf32, #tpu.memory_space<vmem_shared>> -> memref<10240x64xf32, #tpu.memory_space<vmem_shared>>
    tpu.enqueue_indirect_dma source(%dma_start3A_153 : memref<80x64xf32, #tpu.memory_space<vmem>>) target(%dma_start3A_159 : memref<10240x64xf32, #tpu.memory_space<vmem_shared>>) offsets(%dma_start3A_156 : memref<80xi32, #tpu.memory_space<vmem>>) semaphore(%arg16 : memref<!tpu.dma_semaphore, #tpu.memory_space<semaphore_mem>>) {add = true}
    %dma_wait3A_160 = arith.constant 1 : i32
    %dma_wait3A_161 = arith.constant 1 : i32
    %dma_wait3A_162 = arith.constant 0 : i32
    %dma_wait3A_163 = arith.constant 0 : i32
    %dma_wait3A_164 = tpu.memref_slice %arg8[%dma_wait3A_160, %dma_wait3A_162, %dma_wait3A_163] : memref<5x80x64xf32, #tpu.memory_space<vmem>> -> memref<1x80x64xf32, #tpu.memory_space<vmem>>
    %dma_wait3A_165 = tpu.memref_squeeze %dma_wait3A_164 : memref<1x80x64xf32, #tpu.memory_space<vmem>> -> memref<80x64xf32, #tpu.memory_space<vmem>>
    %dma_wait3A_166 = arith.constant 0 : i32
    %dma_wait3A_167 = tpu.memref_slice %arg7[%dma_wait3A_161, %dma_wait3A_166] : memref<125x80xi32, #tpu.memory_space<vmem>> -> memref<1x80xi32, #tpu.memory_space<vmem>>
    %dma_wait3A_168 = tpu.memref_squeeze %dma_wait3A_167 : memref<1x80xi32, #tpu.memory_space<vmem>> -> memref<80xi32, #tpu.memory_space<vmem>>
    %dma_wait3A_169 = arith.constant 0 : i32
    %dma_wait3A_170 = arith.constant 0 : i32
    %dma_wait3A_171 = tpu.memref_slice %arg5[%dma_wait3A_169, %dma_wait3A_170] : memref<10240x64xf32, #tpu.memory_space<vmem_shared>> -> memref<10240x64xf32, #tpu.memory_space<vmem_shared>>
    tpu.wait_indirect_dma semaphore(%arg15 : memref<!tpu.dma_semaphore, #tpu.memory_space<semaphore_mem>>) src(%dma_wait3A_165 : memref<80x64xf32, #tpu.memory_space<vmem>>) dst(%dma_wait3A_171 : memref<10240x64xf32, #tpu.memory_space<vmem_shared>>)
    %dma_start3A_172 = arith.constant 6 : i32
    %dma_start3A_173 = arith.constant 1 : i32
    %dma_start3A_174 = arith.constant 0 : i32
    %dma_start3A_175 = arith.constant 0 : i32
    %dma_start3A_176 = tpu.memref_slice %arg8[%dma_start3A_173, %dma_start3A_174, %dma_start3A_175] : memref<5x80x64xf32, #tpu.memory_space<vmem>> -> memref<1x80x64xf32, #tpu.memory_space<vmem>>
    %dma_start3A_177 = tpu.memref_squeeze %dma_start3A_176 : memref<1x80x64xf32, #tpu.memory_space<vmem>> -> memref<80x64xf32, #tpu.memory_space<vmem>>
    %dma_start3A_178 = arith.constant 0 : i32
    %dma_start3A_179 = tpu.memref_slice %arg6[%dma_start3A_172, %dma_start3A_178] : memref<125x80xi32, #tpu.memory_space<vmem>> -> memref<1x80xi32, #tpu.memory_space<vmem>>
    %dma_start3A_180 = tpu.memref_squeeze %dma_start3A_179 : memref<1x80xi32, #tpu.memory_space<vmem>> -> memref<80xi32, #tpu.memory_space<vmem>>
    %dma_start3A_181 = arith.constant 0 : i32
    %dma_start3A_182 = arith.constant 0 : i32
    %dma_start3A_183 = tpu.memref_slice %arg2[%dma_start3A_181, %dma_start3A_182] : memref<10240x64xf32, #tpu.memory_space<hbm>> -> memref<10240x64xf32, #tpu.memory_space<hbm>>
    tpu.enqueue_indirect_dma source(%dma_start3A_183 : memref<10240x64xf32, #tpu.memory_space<hbm>>) target(%dma_start3A_177 : memref<80x64xf32, #tpu.memory_space<vmem>>) offsets(%dma_start3A_180 : memref<80xi32, #tpu.memory_space<vmem>>) semaphore(%arg10 : memref<!tpu.dma_semaphore, #tpu.memory_space<semaphore_mem>>)
    %dma_wait3A_184 = arith.constant 3 : i32
    %dma_wait3A_185 = arith.constant 3 : i32
    %dma_wait3A_186 = arith.constant 0 : i32
    %dma_wait3A_187 = arith.constant 0 : i32
    %dma_wait3A_188 = tpu.memref_slice %arg8[%dma_wait3A_185, %dma_wait3A_186, %dma_wait3A_187] : memref<5x80x64xf32, #tpu.memory_space<vmem>> -> memref<1x80x64xf32, #tpu.memory_space<vmem>>
    %dma_wait3A_189 = tpu.memref_squeeze %dma_wait3A_188 : memref<1x80x64xf32, #tpu.memory_space<vmem>> -> memref<80x64xf32, #tpu.memory_space<vmem>>
    %dma_wait3A_190 = arith.constant 0 : i32
    %dma_wait3A_191 = tpu.memref_slice %arg6[%dma_wait3A_184, %dma_wait3A_190] : memref<125x80xi32, #tpu.memory_space<vmem>> -> memref<1x80xi32, #tpu.memory_space<vmem>>
    %dma_wait3A_192 = tpu.memref_squeeze %dma_wait3A_191 : memref<1x80xi32, #tpu.memory_space<vmem>> -> memref<80xi32, #tpu.memory_space<vmem>>
    %dma_wait3A_193 = arith.constant 0 : i32
    %dma_wait3A_194 = arith.constant 0 : i32
    %dma_wait3A_195 = tpu.memref_slice %arg2[%dma_wait3A_193, %dma_wait3A_194] : memref<10240x64xf32, #tpu.memory_space<hbm>> -> memref<10240x64xf32, #tpu.memory_space<hbm>>
    tpu.wait_indirect_dma semaphore(%arg12 : memref<!tpu.dma_semaphore, #tpu.memory_space<semaphore_mem>>) src(%dma_wait3A_195 : memref<10240x64xf32, #tpu.memory_space<hbm>>) dst(%dma_wait3A_189 : memref<80x64xf32, #tpu.memory_space<vmem>>)
    %dma_start3A_196 = arith.constant 3 : i32
    %dma_start3A_197 = arith.constant 3 : i32
    %dma_start3A_198 = arith.constant 0 : i32
    %dma_start3A_199 = arith.constant 0 : i32
    %dma_start3A_200 = tpu.memref_slice %arg8[%dma_start3A_196, %dma_start3A_198, %dma_start3A_199] : memref<5x80x64xf32, #tpu.memory_space<vmem>> -> memref<1x80x64xf32, #tpu.memory_space<vmem>>
    %dma_start3A_201 = tpu.memref_squeeze %dma_start3A_200 : memref<1x80x64xf32, #tpu.memory_space<vmem>> -> memref<80x64xf32, #tpu.memory_space<vmem>>
    %dma_start3A_202 = arith.constant 0 : i32
    %dma_start3A_203 = tpu.memref_slice %arg7[%dma_start3A_197, %dma_start3A_202] : memref<125x80xi32, #tpu.memory_space<vmem>> -> memref<1x80xi32, #tpu.memory_space<vmem>>
    %dma_start3A_204 = tpu.memref_squeeze %dma_start3A_203 : memref<1x80xi32, #tpu.memory_space<vmem>> -> memref<80xi32, #tpu.memory_space<vmem>>
    %dma_start3A_205 = arith.constant 0 : i32
    %dma_start3A_206 = arith.constant 0 : i32
    %dma_start3A_207 = tpu.memref_slice %arg5[%dma_start3A_205, %dma_start3A_206] : memref<10240x64xf32, #tpu.memory_space<vmem_shared>> -> memref<10240x64xf32, #tpu.memory_space<vmem_shared>>
    tpu.enqueue_indirect_dma source(%dma_start3A_201 : memref<80x64xf32, #tpu.memory_space<vmem>>) target(%dma_start3A_207 : memref<10240x64xf32, #tpu.memory_space<vmem_shared>>) offsets(%dma_start3A_204 : memref<80xi32, #tpu.memory_space<vmem>>) semaphore(%arg17 : memref<!tpu.dma_semaphore, #tpu.memory_space<semaphore_mem>>) {add = true}
    %dma_wait3A_208 = arith.constant 2 : i32
    %dma_wait3A_209 = arith.constant 2 : i32
    %dma_wait3A_210 = arith.constant 0 : i32
    %dma_wait3A_211 = arith.constant 0 : i32
    %dma_wait3A_212 = tpu.memref_slice %arg8[%dma_wait3A_208, %dma_wait3A_210, %dma_wait3A_211] : memref<5x80x64xf32, #tpu.memory_space<vmem>> -> memref<1x80x64xf32, #tpu.memory_space<vmem>>
    %dma_wait3A_213 = tpu.memref_squeeze %dma_wait3A_212 : memref<1x80x64xf32, #tpu.memory_space<vmem>> -> memref<80x64xf32, #tpu.memory_space<vmem>>
    %dma_wait3A_214 = arith.constant 0 : i32
    %dma_wait3A_215 = tpu.memref_slice %arg7[%dma_wait3A_209, %dma_wait3A_214] : memref<125x80xi32, #tpu.memory_space<vmem>> -> memref<1x80xi32, #tpu.memory_space<vmem>>
    %dma_wait3A_216 = tpu.memref_squeeze %dma_wait3A_215 : memref<1x80xi32, #tpu.memory_space<vmem>> -> memref<80xi32, #tpu.memory_space<vmem>>
    %dma_wait3A_217 = arith.constant 0 : i32
    %dma_wait3A_218 = arith.constant 0 : i32
    %dma_wait3A_219 = tpu.memref_slice %arg5[%dma_wait3A_217, %dma_wait3A_218] : memref<10240x64xf32, #tpu.memory_space<vmem_shared>> -> memref<10240x64xf32, #tpu.memory_space<vmem_shared>>
    tpu.wait_indirect_dma semaphore(%arg16 : memref<!tpu.dma_semaphore, #tpu.memory_space<semaphore_mem>>) src(%dma_wait3A_213 : memref<80x64xf32, #tpu.memory_space<vmem>>) dst(%dma_wait3A_219 : memref<10240x64xf32, #tpu.memory_space<vmem_shared>>)
    %dma_start3A_220 = arith.constant 7 : i32
    %dma_start3A_221 = arith.constant 2 : i32
    %dma_start3A_222 = arith.constant 0 : i32
    %dma_start3A_223 = arith.constant 0 : i32
    %dma_start3A_224 = tpu.memref_slice %arg8[%dma_start3A_221, %dma_start3A_222, %dma_start3A_223] : memref<5x80x64xf32, #tpu.memory_space<vmem>> -> memref<1x80x64xf32, #tpu.memory_space<vmem>>
    %dma_start3A_225 = tpu.memref_squeeze %dma_start3A_224 : memref<1x80x64xf32, #tpu.memory_space<vmem>> -> memref<80x64xf32, #tpu.memory_space<vmem>>
    %dma_start3A_226 = arith.constant 0 : i32
    %dma_start3A_227 = tpu.memref_slice %arg6[%dma_start3A_220, %dma_start3A_226] : memref<125x80xi32, #tpu.memory_space<vmem>> -> memref<1x80xi32, #tpu.memory_space<vmem>>
    %dma_start3A_228 = tpu.memref_squeeze %dma_start3A_227 : memref<1x80xi32, #tpu.memory_space<vmem>> -> memref<80xi32, #tpu.memory_space<vmem>>
    %dma_start3A_229 = arith.constant 0 : i32
    %dma_start3A_230 = arith.constant 0 : i32
    %dma_start3A_231 = tpu.memref_slice %arg2[%dma_start3A_229, %dma_start3A_230] : memref<10240x64xf32, #tpu.memory_space<hbm>> -> memref<10240x64xf32, #tpu.memory_space<hbm>>
    tpu.enqueue_indirect_dma source(%dma_start3A_231 : memref<10240x64xf32, #tpu.memory_space<hbm>>) target(%dma_start3A_225 : memref<80x64xf32, #tpu.memory_space<vmem>>) offsets(%dma_start3A_228 : memref<80xi32, #tpu.memory_space<vmem>>) semaphore(%arg11 : memref<!tpu.dma_semaphore, #tpu.memory_space<semaphore_mem>>)
    %dma_wait3A_232 = arith.constant 4 : i32
    %dma_wait3A_233 = arith.constant 4 : i32
    %dma_wait3A_234 = arith.constant 0 : i32
    %dma_wait3A_235 = arith.constant 0 : i32
    %dma_wait3A_236 = tpu.memref_slice %arg8[%dma_wait3A_233, %dma_wait3A_234, %dma_wait3A_235] : memref<5x80x64xf32, #tpu.memory_space<vmem>> -> memref<1x80x64xf32, #tpu.memory_space<vmem>>
    %dma_wait3A_237 = tpu.memref_squeeze %dma_wait3A_236 : memref<1x80x64xf32, #tpu.memory_space<vmem>> -> memref<80x64xf32, #tpu.memory_space<vmem>>
    %dma_wait3A_238 = arith.constant 0 : i32
    %dma_wait3A_239 = tpu.memref_slice %arg6[%dma_wait3A_232, %dma_wait3A_238] : memref<125x80xi32, #tpu.memory_space<vmem>> -> memref<1x80xi32, #tpu.memory_space<vmem>>
    %dma_wait3A_240 = tpu.memref_squeeze %dma_wait3A_239 : memref<1x80xi32, #tpu.memory_space<vmem>> -> memref<80xi32, #tpu.memory_space<vmem>>
    %dma_wait3A_241 = arith.constant 0 : i32
    %dma_wait3A_242 = arith.constant 0 : i32
    %dma_wait3A_243 = tpu.memref_slice %arg2[%dma_wait3A_241, %dma_wait3A_242] : memref<10240x64xf32, #tpu.memory_space<hbm>> -> memref<10240x64xf32, #tpu.memory_space<hbm>>
    tpu.wait_indirect_dma semaphore(%arg13 : memref<!tpu.dma_semaphore, #tpu.memory_space<semaphore_mem>>) src(%dma_wait3A_243 : memref<10240x64xf32, #tpu.memory_space<hbm>>) dst(%dma_wait3A_237 : memref<80x64xf32, #tpu.memory_space<vmem>>)
    %dma_start3A_244 = arith.constant 4 : i32
    %dma_start3A_245 = arith.constant 4 : i32
    %dma_start3A_246 = arith.constant 0 : i32
    %dma_start3A_247 = arith.constant 0 : i32
    %dma_start3A_248 = tpu.memref_slice %arg8[%dma_start3A_244, %dma_start3A_246, %dma_start3A_247] : memref<5x80x64xf32, #tpu.memory_space<vmem>> -> memref<1x80x64xf32, #tpu.memory_space<vmem>>
    %dma_start3A_249 = tpu.memref_squeeze %dma_start3A_248 : memref<1x80x64xf32, #tpu.memory_space<vmem>> -> memref<80x64xf32, #tpu.memory_space<vmem>>
    %dma_start3A_250 = arith.constant 0 : i32
    %dma_start3A_251 = tpu.memref_slice %arg7[%dma_start3A_245, %dma_start3A_250] : memref<125x80xi32, #tpu.memory_space<vmem>> -> memref<1x80xi32, #tpu.memory_space<vmem>>
    %dma_start3A_252 = tpu.memref_squeeze %dma_start3A_251 : memref<1x80xi32, #tpu.memory_space<vmem>> -> memref<80xi32, #tpu.memory_space<vmem>>
    %dma_start3A_253 = arith.constant 0 : i32
    %dma_start3A_254 = arith.constant 0 : i32
    %dma_start3A_255 = tpu.memref_slice %arg5[%dma_start3A_253, %dma_start3A_254] : memref<10240x64xf32, #tpu.memory_space<vmem_shared>> -> memref<10240x64xf32, #tpu.memory_space<vmem_shared>>
    tpu.enqueue_indirect_dma source(%dma_start3A_249 : memref<80x64xf32, #tpu.memory_space<vmem>>) target(%dma_start3A_255 : memref<10240x64xf32, #tpu.memory_space<vmem_shared>>) offsets(%dma_start3A_252 : memref<80xi32, #tpu.memory_space<vmem>>) semaphore(%arg18 : memref<!tpu.dma_semaphore, #tpu.memory_space<semaphore_mem>>) {add = true}
    %dma_wait3A_256 = arith.constant 3 : i32
    %dma_wait3A_257 = arith.constant 3 : i32
    %dma_wait3A_258 = arith.constant 0 : i32
    %dma_wait3A_259 = arith.constant 0 : i32
    %dma_wait3A_260 = tpu.memref_slice %arg8[%dma_wait3A_256, %dma_wait3A_258, %dma_wait3A_259] : memref<5x80x64xf32, #tpu.memory_space<vmem>> -> memref<1x80x64xf32, #tpu.memory_space<vmem>>
    %dma_wait3A_261 = tpu.memref_squeeze %dma_wait3A_260 : memref<1x80x64xf32, #tpu.memory_space<vmem>> -> memref<80x64xf32, #tpu.memory_space<vmem>>
    %dma_wait3A_262 = arith.constant 0 : i32
    %dma_wait3A_263 = tpu.memref_slice %arg7[%dma_wait3A_257, %dma_wait3A_262] : memref<125x80xi32, #tpu.memory_space<vmem>> -> memref<1x80xi32, #tpu.memory_space<vmem>>
    %dma_wait3A_264 = tpu.memref_squeeze %dma_wait3A_263 : memref<1x80xi32, #tpu.memory_space<vmem>> -> memref<80xi32, #tpu.memory_space<vmem>>
    %dma_wait3A_265 = arith.constant 0 : i32
    %dma_wait3A_266 = arith.constant 0 : i32
    %dma_wait3A_267 = tpu.memref_slice %arg5[%dma_wait3A_265, %dma_wait3A_266] : memref<10240x64xf32, #tpu.memory_space<vmem_shared>> -> memref<10240x64xf32, #tpu.memory_space<vmem_shared>>
    tpu.wait_indirect_dma semaphore(%arg17 : memref<!tpu.dma_semaphore, #tpu.memory_space<semaphore_mem>>) src(%dma_wait3A_261 : memref<80x64xf32, #tpu.memory_space<vmem>>) dst(%dma_wait3A_267 : memref<10240x64xf32, #tpu.memory_space<vmem_shared>>)
    %dma_start3A_268 = arith.constant 8 : i32
    %dma_start3A_269 = arith.constant 3 : i32
    %dma_start3A_270 = arith.constant 0 : i32
    %dma_start3A_271 = arith.constant 0 : i32
    %dma_start3A_272 = tpu.memref_slice %arg8[%dma_start3A_269, %dma_start3A_270, %dma_start3A_271] : memref<5x80x64xf32, #tpu.memory_space<vmem>> -> memref<1x80x64xf32, #tpu.memory_space<vmem>>
    %dma_start3A_273 = tpu.memref_squeeze %dma_start3A_272 : memref<1x80x64xf32, #tpu.memory_space<vmem>> -> memref<80x64xf32, #tpu.memory_space<vmem>>
    %dma_start3A_274 = arith.constant 0 : i32
    %dma_start3A_275 = tpu.memref_slice %arg6[%dma_start3A_268, %dma_start3A_274] : memref<125x80xi32, #tpu.memory_space<vmem>> -> memref<1x80xi32, #tpu.memory_space<vmem>>
    %dma_start3A_276 = tpu.memref_squeeze %dma_start3A_275 : memref<1x80xi32, #tpu.memory_space<vmem>> -> memref<80xi32, #tpu.memory_space<vmem>>
    %dma_start3A_277 = arith.constant 0 : i32
    %dma_start3A_278 = arith.constant 0 : i32
    %dma_start3A_279 = tpu.memref_slice %arg2[%dma_start3A_277, %dma_start3A_278] : memref<10240x64xf32, #tpu.memory_space<hbm>> -> memref<10240x64xf32, #tpu.memory_space<hbm>>
    tpu.enqueue_indirect_dma source(%dma_start3A_279 : memref<10240x64xf32, #tpu.memory_space<hbm>>) target(%dma_start3A_273 : memref<80x64xf32, #tpu.memory_space<vmem>>) offsets(%dma_start3A_276 : memref<80xi32, #tpu.memory_space<vmem>>) semaphore(%arg12 : memref<!tpu.dma_semaphore, #tpu.memory_space<semaphore_mem>>)
    %scan3A = arith.constant 0 : i32
    %scan3A_280 = arith.constant 1 : i32
    %scan3A_281 = arith.constant 23 : i32
    %scan3A_282 = arith.addi %scan3A_280, %scan3A_281 : i32
    %scan3A_283 = arith.constant 1 : i32
    scf.for %scan3A_497 = %scan3A_280 to %scan3A_282 step %scan3A_283  : i32 {
      %mul3A_498 = arith.constant 5 : i32
      %mul3A_499 = arith.muli %mul3A_498, %scan3A_497 : i32
      %add3A_500 = arith.constant 0 : i32
      %add3A_501 = arith.addi %mul3A_499, %add3A_500 : i32
      %dma_wait3A_502 = arith.constant 0 : i32
      %dma_wait3A_503 = arith.constant 0 : i32
      %dma_wait3A_504 = arith.constant 0 : i32
      %dma_wait3A_505 = tpu.memref_slice %arg8[%dma_wait3A_502, %dma_wait3A_503, %dma_wait3A_504] : memref<5x80x64xf32, #tpu.memory_space<vmem>> -> memref<1x80x64xf32, #tpu.memory_space<vmem>>
      %dma_wait3A_506 = tpu.memref_squeeze %dma_wait3A_505 : memref<1x80x64xf32, #tpu.memory_space<vmem>> -> memref<80x64xf32, #tpu.memory_space<vmem>>
      %dma_wait3A_507 = arith.constant 0 : i32
      %dma_wait3A_508 = tpu.memref_slice %arg6[%add3A_501, %dma_wait3A_507] : memref<125x80xi32, #tpu.memory_space<vmem>> -> memref<1x80xi32, #tpu.memory_space<vmem>>
      %dma_wait3A_509 = tpu.memref_squeeze %dma_wait3A_508 : memref<1x80xi32, #tpu.memory_space<vmem>> -> memref<80xi32, #tpu.memory_space<vmem>>
      %dma_wait3A_510 = arith.constant 0 : i32
      %dma_wait3A_511 = arith.constant 0 : i32
      %dma_wait3A_512 = tpu.memref_slice %arg2[%dma_wait3A_510, %dma_wait3A_511] : memref<10240x64xf32, #tpu.memory_space<hbm>> -> memref<10240x64xf32, #tpu.memory_space<hbm>>
      tpu.wait_indirect_dma semaphore(%arg9 : memref<!tpu.dma_semaphore, #tpu.memory_space<semaphore_mem>>) src(%dma_wait3A_512 : memref<10240x64xf32, #tpu.memory_space<hbm>>) dst(%dma_wait3A_506 : memref<80x64xf32, #tpu.memory_space<vmem>>)
      %dma_start3A_513 = arith.constant 0 : i32
      %dma_start3A_514 = arith.constant 0 : i32
      %dma_start3A_515 = arith.constant 0 : i32
      %dma_start3A_516 = tpu.memref_slice %arg8[%dma_start3A_513, %dma_start3A_514, %dma_start3A_515] : memref<5x80x64xf32, #tpu.memory_space<vmem>> -> memref<1x80x64xf32, #tpu.memory_space<vmem>>
      %dma_start3A_517 = tpu.memref_squeeze %dma_start3A_516 : memref<1x80x64xf32, #tpu.memory_space<vmem>> -> memref<80x64xf32, #tpu.memory_space<vmem>>
      %dma_start3A_518 = arith.constant 0 : i32
      %dma_start3A_519 = tpu.memref_slice %arg7[%add3A_501, %dma_start3A_518] : memref<125x80xi32, #tpu.memory_space<vmem>> -> memref<1x80xi32, #tpu.memory_space<vmem>>
      %dma_start3A_520 = tpu.memref_squeeze %dma_start3A_519 : memref<1x80xi32, #tpu.memory_space<vmem>> -> memref<80xi32, #tpu.memory_space<vmem>>
      %dma_start3A_521 = arith.constant 0 : i32
      %dma_start3A_522 = arith.constant 0 : i32
      %dma_start3A_523 = tpu.memref_slice %arg5[%dma_start3A_521, %dma_start3A_522] : memref<10240x64xf32, #tpu.memory_space<vmem_shared>> -> memref<10240x64xf32, #tpu.memory_space<vmem_shared>>
      tpu.enqueue_indirect_dma source(%dma_start3A_517 : memref<80x64xf32, #tpu.memory_space<vmem>>) target(%dma_start3A_523 : memref<10240x64xf32, #tpu.memory_space<vmem_shared>>) offsets(%dma_start3A_520 : memref<80xi32, #tpu.memory_space<vmem>>) semaphore(%arg14 : memref<!tpu.dma_semaphore, #tpu.memory_space<semaphore_mem>>) {add = true}
      %sub3A = arith.constant 1 : i32
      %sub3A_524 = arith.subi %add3A_501, %sub3A : i32
      %dma_wait3A_525 = arith.constant 4 : i32
      %dma_wait3A_526 = arith.constant 0 : i32
      %dma_wait3A_527 = arith.constant 0 : i32
      %dma_wait3A_528 = tpu.memref_slice %arg8[%dma_wait3A_525, %dma_wait3A_526, %dma_wait3A_527] : memref<5x80x64xf32, #tpu.memory_space<vmem>> -> memref<1x80x64xf32, #tpu.memory_space<vmem>>
      %dma_wait3A_529 = tpu.memref_squeeze %dma_wait3A_528 : memref<1x80x64xf32, #tpu.memory_space<vmem>> -> memref<80x64xf32, #tpu.memory_space<vmem>>
      %dma_wait3A_530 = arith.constant 0 : i32
      %dma_wait3A_531 = tpu.memref_slice %arg7[%sub3A_524, %dma_wait3A_530] : memref<125x80xi32, #tpu.memory_space<vmem>> -> memref<1x80xi32, #tpu.memory_space<vmem>>
      %dma_wait3A_532 = tpu.memref_squeeze %dma_wait3A_531 : memref<1x80xi32, #tpu.memory_space<vmem>> -> memref<80xi32, #tpu.memory_space<vmem>>
      %dma_wait3A_533 = arith.constant 0 : i32
      %dma_wait3A_534 = arith.constant 0 : i32
      %dma_wait3A_535 = tpu.memref_slice %arg5[%dma_wait3A_533, %dma_wait3A_534] : memref<10240x64xf32, #tpu.memory_space<vmem_shared>> -> memref<10240x64xf32, #tpu.memory_space<vmem_shared>>
      tpu.wait_indirect_dma semaphore(%arg18 : memref<!tpu.dma_semaphore, #tpu.memory_space<semaphore_mem>>) src(%dma_wait3A_529 : memref<80x64xf32, #tpu.memory_space<vmem>>) dst(%dma_wait3A_535 : memref<10240x64xf32, #tpu.memory_space<vmem_shared>>)
      %add3A_536 = arith.constant 5 : i32
      %add3A_537 = arith.addi %add3A_501, %add3A_536 : i32
      %sub3A_538 = arith.constant 1 : i32
      %sub3A_539 = arith.subi %add3A_537, %sub3A_538 : i32
      %dma_start3A_540 = arith.constant 4 : i32
      %dma_start3A_541 = arith.constant 0 : i32
      %dma_start3A_542 = arith.constant 0 : i32
      %dma_start3A_543 = tpu.memref_slice %arg8[%dma_start3A_540, %dma_start3A_541, %dma_start3A_542] : memref<5x80x64xf32, #tpu.memory_space<vmem>> -> memref<1x80x64xf32, #tpu.memory_space<vmem>>
      %dma_start3A_544 = tpu.memref_squeeze %dma_start3A_543 : memref<1x80x64xf32, #tpu.memory_space<vmem>> -> memref<80x64xf32, #tpu.memory_space<vmem>>
      %dma_start3A_545 = arith.constant 0 : i32
      %dma_start3A_546 = tpu.memref_slice %arg6[%sub3A_539, %dma_start3A_545] : memref<125x80xi32, #tpu.memory_space<vmem>> -> memref<1x80xi32, #tpu.memory_space<vmem>>
      %dma_start3A_547 = tpu.memref_squeeze %dma_start3A_546 : memref<1x80xi32, #tpu.memory_space<vmem>> -> memref<80xi32, #tpu.memory_space<vmem>>
      %dma_start3A_548 = arith.constant 0 : i32
      %dma_start3A_549 = arith.constant 0 : i32
      %dma_start3A_550 = tpu.memref_slice %arg2[%dma_start3A_548, %dma_start3A_549] : memref<10240x64xf32, #tpu.memory_space<hbm>> -> memref<10240x64xf32, #tpu.memory_space<hbm>>
      tpu.enqueue_indirect_dma source(%dma_start3A_550 : memref<10240x64xf32, #tpu.memory_space<hbm>>) target(%dma_start3A_544 : memref<80x64xf32, #tpu.memory_space<vmem>>) offsets(%dma_start3A_547 : memref<80xi32, #tpu.memory_space<vmem>>) semaphore(%arg13 : memref<!tpu.dma_semaphore, #tpu.memory_space<semaphore_mem>>)
      %add3A_551 = arith.constant 1 : i32
      %add3A_552 = arith.addi %mul3A_499, %add3A_551 : i32
      %dma_wait3A_553 = arith.constant 1 : i32
      %dma_wait3A_554 = arith.constant 0 : i32
      %dma_wait3A_555 = arith.constant 0 : i32
      %dma_wait3A_556 = tpu.memref_slice %arg8[%dma_wait3A_553, %dma_wait3A_554, %dma_wait3A_555] : memref<5x80x64xf32, #tpu.memory_space<vmem>> -> memref<1x80x64xf32, #tpu.memory_space<vmem>>
      %dma_wait3A_557 = tpu.memref_squeeze %dma_wait3A_556 : memref<1x80x64xf32, #tpu.memory_space<vmem>> -> memref<80x64xf32, #tpu.memory_space<vmem>>
      %dma_wait3A_558 = arith.constant 0 : i32
      %dma_wait3A_559 = tpu.memref_slice %arg6[%add3A_552, %dma_wait3A_558] : memref<125x80xi32, #tpu.memory_space<vmem>> -> memref<1x80xi32, #tpu.memory_space<vmem>>
      %dma_wait3A_560 = tpu.memref_squeeze %dma_wait3A_559 : memref<1x80xi32, #tpu.memory_space<vmem>> -> memref<80xi32, #tpu.memory_space<vmem>>
      %dma_wait3A_561 = arith.constant 0 : i32
      %dma_wait3A_562 = arith.constant 0 : i32
      %dma_wait3A_563 = tpu.memref_slice %arg2[%dma_wait3A_561, %dma_wait3A_562] : memref<10240x64xf32, #tpu.memory_space<hbm>> -> memref<10240x64xf32, #tpu.memory_space<hbm>>
      tpu.wait_indirect_dma semaphore(%arg10 : memref<!tpu.dma_semaphore, #tpu.memory_space<semaphore_mem>>) src(%dma_wait3A_563 : memref<10240x64xf32, #tpu.memory_space<hbm>>) dst(%dma_wait3A_557 : memref<80x64xf32, #tpu.memory_space<vmem>>)
      %dma_start3A_564 = arith.constant 1 : i32
      %dma_start3A_565 = arith.constant 0 : i32
      %dma_start3A_566 = arith.constant 0 : i32
      %dma_start3A_567 = tpu.memref_slice %arg8[%dma_start3A_564, %dma_start3A_565, %dma_start3A_566] : memref<5x80x64xf32, #tpu.memory_space<vmem>> -> memref<1x80x64xf32, #tpu.memory_space<vmem>>
      %dma_start3A_568 = tpu.memref_squeeze %dma_start3A_567 : memref<1x80x64xf32, #tpu.memory_space<vmem>> -> memref<80x64xf32, #tpu.memory_space<vmem>>
      %dma_start3A_569 = arith.constant 0 : i32
      %dma_start3A_570 = tpu.memref_slice %arg7[%add3A_552, %dma_start3A_569] : memref<125x80xi32, #tpu.memory_space<vmem>> -> memref<1x80xi32, #tpu.memory_space<vmem>>
      %dma_start3A_571 = tpu.memref_squeeze %dma_start3A_570 : memref<1x80xi32, #tpu.memory_space<vmem>> -> memref<80xi32, #tpu.memory_space<vmem>>
      %dma_start3A_572 = arith.constant 0 : i32
      %dma_start3A_573 = arith.constant 0 : i32
      %dma_start3A_574 = tpu.memref_slice %arg5[%dma_start3A_572, %dma_start3A_573] : memref<10240x64xf32, #tpu.memory_space<vmem_shared>> -> memref<10240x64xf32, #tpu.memory_space<vmem_shared>>
      tpu.enqueue_indirect_dma source(%dma_start3A_568 : memref<80x64xf32, #tpu.memory_space<vmem>>) target(%dma_start3A_574 : memref<10240x64xf32, #tpu.memory_space<vmem_shared>>) offsets(%dma_start3A_571 : memref<80xi32, #tpu.memory_space<vmem>>) semaphore(%arg15 : memref<!tpu.dma_semaphore, #tpu.memory_space<semaphore_mem>>) {add = true}
      %sub3A_575 = arith.constant 1 : i32
      %sub3A_576 = arith.subi %add3A_552, %sub3A_575 : i32
      %dma_wait3A_577 = arith.constant 0 : i32
      %dma_wait3A_578 = arith.constant 0 : i32
      %dma_wait3A_579 = arith.constant 0 : i32
      %dma_wait3A_580 = tpu.memref_slice %arg8[%dma_wait3A_577, %dma_wait3A_578, %dma_wait3A_579] : memref<5x80x64xf32, #tpu.memory_space<vmem>> -> memref<1x80x64xf32, #tpu.memory_space<vmem>>
      %dma_wait3A_581 = tpu.memref_squeeze %dma_wait3A_580 : memref<1x80x64xf32, #tpu.memory_space<vmem>> -> memref<80x64xf32, #tpu.memory_space<vmem>>
      %dma_wait3A_582 = arith.constant 0 : i32
      %dma_wait3A_583 = tpu.memref_slice %arg7[%sub3A_576, %dma_wait3A_582] : memref<125x80xi32, #tpu.memory_space<vmem>> -> memref<1x80xi32, #tpu.memory_space<vmem>>
      %dma_wait3A_584 = tpu.memref_squeeze %dma_wait3A_583 : memref<1x80xi32, #tpu.memory_space<vmem>> -> memref<80xi32, #tpu.memory_space<vmem>>
      %dma_wait3A_585 = arith.constant 0 : i32
      %dma_wait3A_586 = arith.constant 0 : i32
      %dma_wait3A_587 = tpu.memref_slice %arg5[%dma_wait3A_585, %dma_wait3A_586] : memref<10240x64xf32, #tpu.memory_space<vmem_shared>> -> memref<10240x64xf32, #tpu.memory_space<vmem_shared>>
      tpu.wait_indirect_dma semaphore(%arg14 : memref<!tpu.dma_semaphore, #tpu.memory_space<semaphore_mem>>) src(%dma_wait3A_581 : memref<80x64xf32, #tpu.memory_space<vmem>>) dst(%dma_wait3A_587 : memref<10240x64xf32, #tpu.memory_space<vmem_shared>>)
      %add3A_588 = arith.constant 5 : i32
      %add3A_589 = arith.addi %add3A_552, %add3A_588 : i32
      %sub3A_590 = arith.constant 1 : i32
      %sub3A_591 = arith.subi %add3A_589, %sub3A_590 : i32
      %dma_start3A_592 = arith.constant 0 : i32
      %dma_start3A_593 = arith.constant 0 : i32
      %dma_start3A_594 = arith.constant 0 : i32
      %dma_start3A_595 = tpu.memref_slice %arg8[%dma_start3A_592, %dma_start3A_593, %dma_start3A_594] : memref<5x80x64xf32, #tpu.memory_space<vmem>> -> memref<1x80x64xf32, #tpu.memory_space<vmem>>
      %dma_start3A_596 = tpu.memref_squeeze %dma_start3A_595 : memref<1x80x64xf32, #tpu.memory_space<vmem>> -> memref<80x64xf32, #tpu.memory_space<vmem>>
      %dma_start3A_597 = arith.constant 0 : i32
      %dma_start3A_598 = tpu.memref_slice %arg6[%sub3A_591, %dma_start3A_597] : memref<125x80xi32, #tpu.memory_space<vmem>> -> memref<1x80xi32, #tpu.memory_space<vmem>>
      %dma_start3A_599 = tpu.memref_squeeze %dma_start3A_598 : memref<1x80xi32, #tpu.memory_space<vmem>> -> memref<80xi32, #tpu.memory_space<vmem>>
      %dma_start3A_600 = arith.constant 0 : i32
      %dma_start3A_601 = arith.constant 0 : i32
      %dma_start3A_602 = tpu.memref_slice %arg2[%dma_start3A_600, %dma_start3A_601] : memref<10240x64xf32, #tpu.memory_space<hbm>> -> memref<10240x64xf32, #tpu.memory_space<hbm>>
      tpu.enqueue_indirect_dma source(%dma_start3A_602 : memref<10240x64xf32, #tpu.memory_space<hbm>>) target(%dma_start3A_596 : memref<80x64xf32, #tpu.memory_space<vmem>>) offsets(%dma_start3A_599 : memref<80xi32, #tpu.memory_space<vmem>>) semaphore(%arg9 : memref<!tpu.dma_semaphore, #tpu.memory_space<semaphore_mem>>)
      %add3A_603 = arith.constant 2 : i32
      %add3A_604 = arith.addi %mul3A_499, %add3A_603 : i32
      %dma_wait3A_605 = arith.constant 2 : i32
      %dma_wait3A_606 = arith.constant 0 : i32
      %dma_wait3A_607 = arith.constant 0 : i32
      %dma_wait3A_608 = tpu.memref_slice %arg8[%dma_wait3A_605, %dma_wait3A_606, %dma_wait3A_607] : memref<5x80x64xf32, #tpu.memory_space<vmem>> -> memref<1x80x64xf32, #tpu.memory_space<vmem>>
      %dma_wait3A_609 = tpu.memref_squeeze %dma_wait3A_608 : memref<1x80x64xf32, #tpu.memory_space<vmem>> -> memref<80x64xf32, #tpu.memory_space<vmem>>
      %dma_wait3A_610 = arith.constant 0 : i32
      %dma_wait3A_611 = tpu.memref_slice %arg6[%add3A_604, %dma_wait3A_610] : memref<125x80xi32, #tpu.memory_space<vmem>> -> memref<1x80xi32, #tpu.memory_space<vmem>>
      %dma_wait3A_612 = tpu.memref_squeeze %dma_wait3A_611 : memref<1x80xi32, #tpu.memory_space<vmem>> -> memref<80xi32, #tpu.memory_space<vmem>>
      %dma_wait3A_613 = arith.constant 0 : i32
      %dma_wait3A_614 = arith.constant 0 : i32
      %dma_wait3A_615 = tpu.memref_slice %arg2[%dma_wait3A_613, %dma_wait3A_614] : memref<10240x64xf32, #tpu.memory_space<hbm>> -> memref<10240x64xf32, #tpu.memory_space<hbm>>
      tpu.wait_indirect_dma semaphore(%arg11 : memref<!tpu.dma_semaphore, #tpu.memory_space<semaphore_mem>>) src(%dma_wait3A_615 : memref<10240x64xf32, #tpu.memory_space<hbm>>) dst(%dma_wait3A_609 : memref<80x64xf32, #tpu.memory_space<vmem>>)
      %dma_start3A_616 = arith.constant 2 : i32
      %dma_start3A_617 = arith.constant 0 : i32
      %dma_start3A_618 = arith.constant 0 : i32
      %dma_start3A_619 = tpu.memref_slice %arg8[%dma_start3A_616, %dma_start3A_617, %dma_start3A_618] : memref<5x80x64xf32, #tpu.memory_space<vmem>> -> memref<1x80x64xf32, #tpu.memory_space<vmem>>
      %dma_start3A_620 = tpu.memref_squeeze %dma_start3A_619 : memref<1x80x64xf32, #tpu.memory_space<vmem>> -> memref<80x64xf32, #tpu.memory_space<vmem>>
      %dma_start3A_621 = arith.constant 0 : i32
      %dma_start3A_622 = tpu.memref_slice %arg7[%add3A_604, %dma_start3A_621] : memref<125x80xi32, #tpu.memory_space<vmem>> -> memref<1x80xi32, #tpu.memory_space<vmem>>
      %dma_start3A_623 = tpu.memref_squeeze %dma_start3A_622 : memref<1x80xi32, #tpu.memory_space<vmem>> -> memref<80xi32, #tpu.memory_space<vmem>>
      %dma_start3A_624 = arith.constant 0 : i32
      %dma_start3A_625 = arith.constant 0 : i32
      %dma_start3A_626 = tpu.memref_slice %arg5[%dma_start3A_624, %dma_start3A_625] : memref<10240x64xf32, #tpu.memory_space<vmem_shared>> -> memref<10240x64xf32, #tpu.memory_space<vmem_shared>>
      tpu.enqueue_indirect_dma source(%dma_start3A_620 : memref<80x64xf32, #tpu.memory_space<vmem>>) target(%dma_start3A_626 : memref<10240x64xf32, #tpu.memory_space<vmem_shared>>) offsets(%dma_start3A_623 : memref<80xi32, #tpu.memory_space<vmem>>) semaphore(%arg16 : memref<!tpu.dma_semaphore, #tpu.memory_space<semaphore_mem>>) {add = true}
      %sub3A_627 = arith.constant 1 : i32
      %sub3A_628 = arith.subi %add3A_604, %sub3A_627 : i32
      %dma_wait3A_629 = arith.constant 1 : i32
      %dma_wait3A_630 = arith.constant 0 : i32
      %dma_wait3A_631 = arith.constant 0 : i32
      %dma_wait3A_632 = tpu.memref_slice %arg8[%dma_wait3A_629, %dma_wait3A_630, %dma_wait3A_631] : memref<5x80x64xf32, #tpu.memory_space<vmem>> -> memref<1x80x64xf32, #tpu.memory_space<vmem>>
      %dma_wait3A_633 = tpu.memref_squeeze %dma_wait3A_632 : memref<1x80x64xf32, #tpu.memory_space<vmem>> -> memref<80x64xf32, #tpu.memory_space<vmem>>
      %dma_wait3A_634 = arith.constant 0 : i32
      %dma_wait3A_635 = tpu.memref_slice %arg7[%sub3A_628, %dma_wait3A_634] : memref<125x80xi32, #tpu.memory_space<vmem>> -> memref<1x80xi32, #tpu.memory_space<vmem>>
      %dma_wait3A_636 = tpu.memref_squeeze %dma_wait3A_635 : memref<1x80xi32, #tpu.memory_space<vmem>> -> memref<80xi32, #tpu.memory_space<vmem>>
      %dma_wait3A_637 = arith.constant 0 : i32
      %dma_wait3A_638 = arith.constant 0 : i32
      %dma_wait3A_639 = tpu.memref_slice %arg5[%dma_wait3A_637, %dma_wait3A_638] : memref<10240x64xf32, #tpu.memory_space<vmem_shared>> -> memref<10240x64xf32, #tpu.memory_space<vmem_shared>>
      tpu.wait_indirect_dma semaphore(%arg15 : memref<!tpu.dma_semaphore, #tpu.memory_space<semaphore_mem>>) src(%dma_wait3A_633 : memref<80x64xf32, #tpu.memory_space<vmem>>) dst(%dma_wait3A_639 : memref<10240x64xf32, #tpu.memory_space<vmem_shared>>)
      %add3A_640 = arith.constant 5 : i32
      %add3A_641 = arith.addi %add3A_604, %add3A_640 : i32
      %sub3A_642 = arith.constant 1 : i32
      %sub3A_643 = arith.subi %add3A_641, %sub3A_642 : i32
      %dma_start3A_644 = arith.constant 1 : i32
      %dma_start3A_645 = arith.constant 0 : i32
      %dma_start3A_646 = arith.constant 0 : i32
      %dma_start3A_647 = tpu.memref_slice %arg8[%dma_start3A_644, %dma_start3A_645, %dma_start3A_646] : memref<5x80x64xf32, #tpu.memory_space<vmem>> -> memref<1x80x64xf32, #tpu.memory_space<vmem>>
      %dma_start3A_648 = tpu.memref_squeeze %dma_start3A_647 : memref<1x80x64xf32, #tpu.memory_space<vmem>> -> memref<80x64xf32, #tpu.memory_space<vmem>>
      %dma_start3A_649 = arith.constant 0 : i32
      %dma_start3A_650 = tpu.memref_slice %arg6[%sub3A_643, %dma_start3A_649] : memref<125x80xi32, #tpu.memory_space<vmem>> -> memref<1x80xi32, #tpu.memory_space<vmem>>
      %dma_start3A_651 = tpu.memref_squeeze %dma_start3A_650 : memref<1x80xi32, #tpu.memory_space<vmem>> -> memref<80xi32, #tpu.memory_space<vmem>>
      %dma_start3A_652 = arith.constant 0 : i32
      %dma_start3A_653 = arith.constant 0 : i32
      %dma_start3A_654 = tpu.memref_slice %arg2[%dma_start3A_652, %dma_start3A_653] : memref<10240x64xf32, #tpu.memory_space<hbm>> -> memref<10240x64xf32, #tpu.memory_space<hbm>>
      tpu.enqueue_indirect_dma source(%dma_start3A_654 : memref<10240x64xf32, #tpu.memory_space<hbm>>) target(%dma_start3A_648 : memref<80x64xf32, #tpu.memory_space<vmem>>) offsets(%dma_start3A_651 : memref<80xi32, #tpu.memory_space<vmem>>) semaphore(%arg10 : memref<!tpu.dma_semaphore, #tpu.memory_space<semaphore_mem>>)
      %add3A_655 = arith.constant 3 : i32
      %add3A_656 = arith.addi %mul3A_499, %add3A_655 : i32
      %dma_wait3A_657 = arith.constant 3 : i32
      %dma_wait3A_658 = arith.constant 0 : i32
      %dma_wait3A_659 = arith.constant 0 : i32
      %dma_wait3A_660 = tpu.memref_slice %arg8[%dma_wait3A_657, %dma_wait3A_658, %dma_wait3A_659] : memref<5x80x64xf32, #tpu.memory_space<vmem>> -> memref<1x80x64xf32, #tpu.memory_space<vmem>>
      %dma_wait3A_661 = tpu.memref_squeeze %dma_wait3A_660 : memref<1x80x64xf32, #tpu.memory_space<vmem>> -> memref<80x64xf32, #tpu.memory_space<vmem>>
      %dma_wait3A_662 = arith.constant 0 : i32
      %dma_wait3A_663 = tpu.memref_slice %arg6[%add3A_656, %dma_wait3A_662] : memref<125x80xi32, #tpu.memory_space<vmem>> -> memref<1x80xi32, #tpu.memory_space<vmem>>
      %dma_wait3A_664 = tpu.memref_squeeze %dma_wait3A_663 : memref<1x80xi32, #tpu.memory_space<vmem>> -> memref<80xi32, #tpu.memory_space<vmem>>
      %dma_wait3A_665 = arith.constant 0 : i32
      %dma_wait3A_666 = arith.constant 0 : i32
      %dma_wait3A_667 = tpu.memref_slice %arg2[%dma_wait3A_665, %dma_wait3A_666] : memref<10240x64xf32, #tpu.memory_space<hbm>> -> memref<10240x64xf32, #tpu.memory_space<hbm>>
      tpu.wait_indirect_dma semaphore(%arg12 : memref<!tpu.dma_semaphore, #tpu.memory_space<semaphore_mem>>) src(%dma_wait3A_667 : memref<10240x64xf32, #tpu.memory_space<hbm>>) dst(%dma_wait3A_661 : memref<80x64xf32, #tpu.memory_space<vmem>>)
      %dma_start3A_668 = arith.constant 3 : i32
      %dma_start3A_669 = arith.constant 0 : i32
      %dma_start3A_670 = arith.constant 0 : i32
      %dma_start3A_671 = tpu.memref_slice %arg8[%dma_start3A_668, %dma_start3A_669, %dma_start3A_670] : memref<5x80x64xf32, #tpu.memory_space<vmem>> -> memref<1x80x64xf32, #tpu.memory_space<vmem>>
      %dma_start3A_672 = tpu.memref_squeeze %dma_start3A_671 : memref<1x80x64xf32, #tpu.memory_space<vmem>> -> memref<80x64xf32, #tpu.memory_space<vmem>>
      %dma_start3A_673 = arith.constant 0 : i32
      %dma_start3A_674 = tpu.memref_slice %arg7[%add3A_656, %dma_start3A_673] : memref<125x80xi32, #tpu.memory_space<vmem>> -> memref<1x80xi32, #tpu.memory_space<vmem>>
      %dma_start3A_675 = tpu.memref_squeeze %dma_start3A_674 : memref<1x80xi32, #tpu.memory_space<vmem>> -> memref<80xi32, #tpu.memory_space<vmem>>
      %dma_start3A_676 = arith.constant 0 : i32
      %dma_start3A_677 = arith.constant 0 : i32
      %dma_start3A_678 = tpu.memref_slice %arg5[%dma_start3A_676, %dma_start3A_677] : memref<10240x64xf32, #tpu.memory_space<vmem_shared>> -> memref<10240x64xf32, #tpu.memory_space<vmem_shared>>
      tpu.enqueue_indirect_dma source(%dma_start3A_672 : memref<80x64xf32, #tpu.memory_space<vmem>>) target(%dma_start3A_678 : memref<10240x64xf32, #tpu.memory_space<vmem_shared>>) offsets(%dma_start3A_675 : memref<80xi32, #tpu.memory_space<vmem>>) semaphore(%arg17 : memref<!tpu.dma_semaphore, #tpu.memory_space<semaphore_mem>>) {add = true}
      %sub3A_679 = arith.constant 1 : i32
      %sub3A_680 = arith.subi %add3A_656, %sub3A_679 : i32
      %dma_wait3A_681 = arith.constant 2 : i32
      %dma_wait3A_682 = arith.constant 0 : i32
      %dma_wait3A_683 = arith.constant 0 : i32
      %dma_wait3A_684 = tpu.memref_slice %arg8[%dma_wait3A_681, %dma_wait3A_682, %dma_wait3A_683] : memref<5x80x64xf32, #tpu.memory_space<vmem>> -> memref<1x80x64xf32, #tpu.memory_space<vmem>>
      %dma_wait3A_685 = tpu.memref_squeeze %dma_wait3A_684 : memref<1x80x64xf32, #tpu.memory_space<vmem>> -> memref<80x64xf32, #tpu.memory_space<vmem>>
      %dma_wait3A_686 = arith.constant 0 : i32
      %dma_wait3A_687 = tpu.memref_slice %arg7[%sub3A_680, %dma_wait3A_686] : memref<125x80xi32, #tpu.memory_space<vmem>> -> memref<1x80xi32, #tpu.memory_space<vmem>>
      %dma_wait3A_688 = tpu.memref_squeeze %dma_wait3A_687 : memref<1x80xi32, #tpu.memory_space<vmem>> -> memref<80xi32, #tpu.memory_space<vmem>>
      %dma_wait3A_689 = arith.constant 0 : i32
      %dma_wait3A_690 = arith.constant 0 : i32
      %dma_wait3A_691 = tpu.memref_slice %arg5[%dma_wait3A_689, %dma_wait3A_690] : memref<10240x64xf32, #tpu.memory_space<vmem_shared>> -> memref<10240x64xf32, #tpu.memory_space<vmem_shared>>
      tpu.wait_indirect_dma semaphore(%arg16 : memref<!tpu.dma_semaphore, #tpu.memory_space<semaphore_mem>>) src(%dma_wait3A_685 : memref<80x64xf32, #tpu.memory_space<vmem>>) dst(%dma_wait3A_691 : memref<10240x64xf32, #tpu.memory_space<vmem_shared>>)
      %add3A_692 = arith.constant 5 : i32
      %add3A_693 = arith.addi %add3A_656, %add3A_692 : i32
      %sub3A_694 = arith.constant 1 : i32
      %sub3A_695 = arith.subi %add3A_693, %sub3A_694 : i32
      %dma_start3A_696 = arith.constant 2 : i32
      %dma_start3A_697 = arith.constant 0 : i32
      %dma_start3A_698 = arith.constant 0 : i32
      %dma_start3A_699 = tpu.memref_slice %arg8[%dma_start3A_696, %dma_start3A_697, %dma_start3A_698] : memref<5x80x64xf32, #tpu.memory_space<vmem>> -> memref<1x80x64xf32, #tpu.memory_space<vmem>>
      %dma_start3A_700 = tpu.memref_squeeze %dma_start3A_699 : memref<1x80x64xf32, #tpu.memory_space<vmem>> -> memref<80x64xf32, #tpu.memory_space<vmem>>
      %dma_start3A_701 = arith.constant 0 : i32
      %dma_start3A_702 = tpu.memref_slice %arg6[%sub3A_695, %dma_start3A_701] : memref<125x80xi32, #tpu.memory_space<vmem>> -> memref<1x80xi32, #tpu.memory_space<vmem>>
      %dma_start3A_703 = tpu.memref_squeeze %dma_start3A_702 : memref<1x80xi32, #tpu.memory_space<vmem>> -> memref<80xi32, #tpu.memory_space<vmem>>
      %dma_start3A_704 = arith.constant 0 : i32
      %dma_start3A_705 = arith.constant 0 : i32
      %dma_start3A_706 = tpu.memref_slice %arg2[%dma_start3A_704, %dma_start3A_705] : memref<10240x64xf32, #tpu.memory_space<hbm>> -> memref<10240x64xf32, #tpu.memory_space<hbm>>
      tpu.enqueue_indirect_dma source(%dma_start3A_706 : memref<10240x64xf32, #tpu.memory_space<hbm>>) target(%dma_start3A_700 : memref<80x64xf32, #tpu.memory_space<vmem>>) offsets(%dma_start3A_703 : memref<80xi32, #tpu.memory_space<vmem>>) semaphore(%arg11 : memref<!tpu.dma_semaphore, #tpu.memory_space<semaphore_mem>>)
      %add3A_707 = arith.constant 4 : i32
      %add3A_708 = arith.addi %mul3A_499, %add3A_707 : i32
      %dma_wait3A_709 = arith.constant 4 : i32
      %dma_wait3A_710 = arith.constant 0 : i32
      %dma_wait3A_711 = arith.constant 0 : i32
      %dma_wait3A_712 = tpu.memref_slice %arg8[%dma_wait3A_709, %dma_wait3A_710, %dma_wait3A_711] : memref<5x80x64xf32, #tpu.memory_space<vmem>> -> memref<1x80x64xf32, #tpu.memory_space<vmem>>
      %dma_wait3A_713 = tpu.memref_squeeze %dma_wait3A_712 : memref<1x80x64xf32, #tpu.memory_space<vmem>> -> memref<80x64xf32, #tpu.memory_space<vmem>>
      %dma_wait3A_714 = arith.constant 0 : i32
      %dma_wait3A_715 = tpu.memref_slice %arg6[%add3A_708, %dma_wait3A_714] : memref<125x80xi32, #tpu.memory_space<vmem>> -> memref<1x80xi32, #tpu.memory_space<vmem>>
      %dma_wait3A_716 = tpu.memref_squeeze %dma_wait3A_715 : memref<1x80xi32, #tpu.memory_space<vmem>> -> memref<80xi32, #tpu.memory_space<vmem>>
      %dma_wait3A_717 = arith.constant 0 : i32
      %dma_wait3A_718 = arith.constant 0 : i32
      %dma_wait3A_719 = tpu.memref_slice %arg2[%dma_wait3A_717, %dma_wait3A_718] : memref<10240x64xf32, #tpu.memory_space<hbm>> -> memref<10240x64xf32, #tpu.memory_space<hbm>>
      tpu.wait_indirect_dma semaphore(%arg13 : memref<!tpu.dma_semaphore, #tpu.memory_space<semaphore_mem>>) src(%dma_wait3A_719 : memref<10240x64xf32, #tpu.memory_space<hbm>>) dst(%dma_wait3A_713 : memref<80x64xf32, #tpu.memory_space<vmem>>)
      %dma_start3A_720 = arith.constant 4 : i32
      %dma_start3A_721 = arith.constant 0 : i32
      %dma_start3A_722 = arith.constant 0 : i32
      %dma_start3A_723 = tpu.memref_slice %arg8[%dma_start3A_720, %dma_start3A_721, %dma_start3A_722] : memref<5x80x64xf32, #tpu.memory_space<vmem>> -> memref<1x80x64xf32, #tpu.memory_space<vmem>>
      %dma_start3A_724 = tpu.memref_squeeze %dma_start3A_723 : memref<1x80x64xf32, #tpu.memory_space<vmem>> -> memref<80x64xf32, #tpu.memory_space<vmem>>
      %dma_start3A_725 = arith.constant 0 : i32
      %dma_start3A_726 = tpu.memref_slice %arg7[%add3A_708, %dma_start3A_725] : memref<125x80xi32, #tpu.memory_space<vmem>> -> memref<1x80xi32, #tpu.memory_space<vmem>>
      %dma_start3A_727 = tpu.memref_squeeze %dma_start3A_726 : memref<1x80xi32, #tpu.memory_space<vmem>> -> memref<80xi32, #tpu.memory_space<vmem>>
      %dma_start3A_728 = arith.constant 0 : i32
      %dma_start3A_729 = arith.constant 0 : i32
      %dma_start3A_730 = tpu.memref_slice %arg5[%dma_start3A_728, %dma_start3A_729] : memref<10240x64xf32, #tpu.memory_space<vmem_shared>> -> memref<10240x64xf32, #tpu.memory_space<vmem_shared>>
      tpu.enqueue_indirect_dma source(%dma_start3A_724 : memref<80x64xf32, #tpu.memory_space<vmem>>) target(%dma_start3A_730 : memref<10240x64xf32, #tpu.memory_space<vmem_shared>>) offsets(%dma_start3A_727 : memref<80xi32, #tpu.memory_space<vmem>>) semaphore(%arg18 : memref<!tpu.dma_semaphore, #tpu.memory_space<semaphore_mem>>) {add = true}
      %sub3A_731 = arith.constant 1 : i32
      %sub3A_732 = arith.subi %add3A_708, %sub3A_731 : i32
      %dma_wait3A_733 = arith.constant 3 : i32
      %dma_wait3A_734 = arith.constant 0 : i32
      %dma_wait3A_735 = arith.constant 0 : i32
      %dma_wait3A_736 = tpu.memref_slice %arg8[%dma_wait3A_733, %dma_wait3A_734, %dma_wait3A_735] : memref<5x80x64xf32, #tpu.memory_space<vmem>> -> memref<1x80x64xf32, #tpu.memory_space<vmem>>
      %dma_wait3A_737 = tpu.memref_squeeze %dma_wait3A_736 : memref<1x80x64xf32, #tpu.memory_space<vmem>> -> memref<80x64xf32, #tpu.memory_space<vmem>>
      %dma_wait3A_738 = arith.constant 0 : i32
      %dma_wait3A_739 = tpu.memref_slice %arg7[%sub3A_732, %dma_wait3A_738] : memref<125x80xi32, #tpu.memory_space<vmem>> -> memref<1x80xi32, #tpu.memory_space<vmem>>
      %dma_wait3A_740 = tpu.memref_squeeze %dma_wait3A_739 : memref<1x80xi32, #tpu.memory_space<vmem>> -> memref<80xi32, #tpu.memory_space<vmem>>
      %dma_wait3A_741 = arith.constant 0 : i32
      %dma_wait3A_742 = arith.constant 0 : i32
      %dma_wait3A_743 = tpu.memref_slice %arg5[%dma_wait3A_741, %dma_wait3A_742] : memref<10240x64xf32, #tpu.memory_space<vmem_shared>> -> memref<10240x64xf32, #tpu.memory_space<vmem_shared>>
      tpu.wait_indirect_dma semaphore(%arg17 : memref<!tpu.dma_semaphore, #tpu.memory_space<semaphore_mem>>) src(%dma_wait3A_737 : memref<80x64xf32, #tpu.memory_space<vmem>>) dst(%dma_wait3A_743 : memref<10240x64xf32, #tpu.memory_space<vmem_shared>>)
      %add3A_744 = arith.constant 5 : i32
      %add3A_745 = arith.addi %add3A_708, %add3A_744 : i32
      %sub3A_746 = arith.constant 1 : i32
      %sub3A_747 = arith.subi %add3A_745, %sub3A_746 : i32
      %dma_start3A_748 = arith.constant 3 : i32
      %dma_start3A_749 = arith.constant 0 : i32
      %dma_start3A_750 = arith.constant 0 : i32
      %dma_start3A_751 = tpu.memref_slice %arg8[%dma_start3A_748, %dma_start3A_749, %dma_start3A_750] : memref<5x80x64xf32, #tpu.memory_space<vmem>> -> memref<1x80x64xf32, #tpu.memory_space<vmem>>
      %dma_start3A_752 = tpu.memref_squeeze %dma_start3A_751 : memref<1x80x64xf32, #tpu.memory_space<vmem>> -> memref<80x64xf32, #tpu.memory_space<vmem>>
      %dma_start3A_753 = arith.constant 0 : i32
      %dma_start3A_754 = tpu.memref_slice %arg6[%sub3A_747, %dma_start3A_753] : memref<125x80xi32, #tpu.memory_space<vmem>> -> memref<1x80xi32, #tpu.memory_space<vmem>>
      %dma_start3A_755 = tpu.memref_squeeze %dma_start3A_754 : memref<1x80xi32, #tpu.memory_space<vmem>> -> memref<80xi32, #tpu.memory_space<vmem>>
      %dma_start3A_756 = arith.constant 0 : i32
      %dma_start3A_757 = arith.constant 0 : i32
      %dma_start3A_758 = tpu.memref_slice %arg2[%dma_start3A_756, %dma_start3A_757] : memref<10240x64xf32, #tpu.memory_space<hbm>> -> memref<10240x64xf32, #tpu.memory_space<hbm>>
      tpu.enqueue_indirect_dma source(%dma_start3A_758 : memref<10240x64xf32, #tpu.memory_space<hbm>>) target(%dma_start3A_752 : memref<80x64xf32, #tpu.memory_space<vmem>>) offsets(%dma_start3A_755 : memref<80xi32, #tpu.memory_space<vmem>>) semaphore(%arg12 : memref<!tpu.dma_semaphore, #tpu.memory_space<semaphore_mem>>)
    }
    %scan3A_284 = arith.constant 23 : i32
    %dma_wait3A_285 = arith.constant 120 : i32
    %dma_wait3A_286 = arith.constant 0 : i32
    %dma_wait3A_287 = arith.constant 0 : i32
    %dma_wait3A_288 = arith.constant 0 : i32
    %dma_wait3A_289 = tpu.memref_slice %arg8[%dma_wait3A_286, %dma_wait3A_287, %dma_wait3A_288] : memref<5x80x64xf32, #tpu.memory_space<vmem>> -> memref<1x80x64xf32, #tpu.memory_space<vmem>>
    %dma_wait3A_290 = tpu.memref_squeeze %dma_wait3A_289 : memref<1x80x64xf32, #tpu.memory_space<vmem>> -> memref<80x64xf32, #tpu.memory_space<vmem>>
    %dma_wait3A_291 = arith.constant 0 : i32
    %dma_wait3A_292 = tpu.memref_slice %arg6[%dma_wait3A_285, %dma_wait3A_291] : memref<125x80xi32, #tpu.memory_space<vmem>> -> memref<1x80xi32, #tpu.memory_space<vmem>>
    %dma_wait3A_293 = tpu.memref_squeeze %dma_wait3A_292 : memref<1x80xi32, #tpu.memory_space<vmem>> -> memref<80xi32, #tpu.memory_space<vmem>>
    %dma_wait3A_294 = arith.constant 0 : i32
    %dma_wait3A_295 = arith.constant 0 : i32
    %dma_wait3A_296 = tpu.memref_slice %arg2[%dma_wait3A_294, %dma_wait3A_295] : memref<10240x64xf32, #tpu.memory_space<hbm>> -> memref<10240x64xf32, #tpu.memory_space<hbm>>
    tpu.wait_indirect_dma semaphore(%arg9 : memref<!tpu.dma_semaphore, #tpu.memory_space<semaphore_mem>>) src(%dma_wait3A_296 : memref<10240x64xf32, #tpu.memory_space<hbm>>) dst(%dma_wait3A_290 : memref<80x64xf32, #tpu.memory_space<vmem>>)
    %dma_start3A_297 = arith.constant 0 : i32
    %dma_start3A_298 = arith.constant 120 : i32
    %dma_start3A_299 = arith.constant 0 : i32
    %dma_start3A_300 = arith.constant 0 : i32
    %dma_start3A_301 = tpu.memref_slice %arg8[%dma_start3A_297, %dma_start3A_299, %dma_start3A_300] : memref<5x80x64xf32, #tpu.memory_space<vmem>> -> memref<1x80x64xf32, #tpu.memory_space<vmem>>
    %dma_start3A_302 = tpu.memref_squeeze %dma_start3A_301 : memref<1x80x64xf32, #tpu.memory_space<vmem>> -> memref<80x64xf32, #tpu.memory_space<vmem>>
    %dma_start3A_303 = arith.constant 0 : i32
    %dma_start3A_304 = tpu.memref_slice %arg7[%dma_start3A_298, %dma_start3A_303] : memref<125x80xi32, #tpu.memory_space<vmem>> -> memref<1x80xi32, #tpu.memory_space<vmem>>
    %dma_start3A_305 = tpu.memref_squeeze %dma_start3A_304 : memref<1x80xi32, #tpu.memory_space<vmem>> -> memref<80xi32, #tpu.memory_space<vmem>>
    %dma_start3A_306 = arith.constant 0 : i32
    %dma_start3A_307 = arith.constant 0 : i32
    %dma_start3A_308 = tpu.memref_slice %arg5[%dma_start3A_306, %dma_start3A_307] : memref<10240x64xf32, #tpu.memory_space<vmem_shared>> -> memref<10240x64xf32, #tpu.memory_space<vmem_shared>>
    tpu.enqueue_indirect_dma source(%dma_start3A_302 : memref<80x64xf32, #tpu.memory_space<vmem>>) target(%dma_start3A_308 : memref<10240x64xf32, #tpu.memory_space<vmem_shared>>) offsets(%dma_start3A_305 : memref<80xi32, #tpu.memory_space<vmem>>) semaphore(%arg14 : memref<!tpu.dma_semaphore, #tpu.memory_space<semaphore_mem>>) {add = true}
    %dma_wait3A_309 = arith.constant 4 : i32
    %dma_wait3A_310 = arith.constant 119 : i32
    %dma_wait3A_311 = arith.constant 0 : i32
    %dma_wait3A_312 = arith.constant 0 : i32
    %dma_wait3A_313 = tpu.memref_slice %arg8[%dma_wait3A_309, %dma_wait3A_311, %dma_wait3A_312] : memref<5x80x64xf32, #tpu.memory_space<vmem>> -> memref<1x80x64xf32, #tpu.memory_space<vmem>>
    %dma_wait3A_314 = tpu.memref_squeeze %dma_wait3A_313 : memref<1x80x64xf32, #tpu.memory_space<vmem>> -> memref<80x64xf32, #tpu.memory_space<vmem>>
    %dma_wait3A_315 = arith.constant 0 : i32
    %dma_wait3A_316 = tpu.memref_slice %arg7[%dma_wait3A_310, %dma_wait3A_315] : memref<125x80xi32, #tpu.memory_space<vmem>> -> memref<1x80xi32, #tpu.memory_space<vmem>>
    %dma_wait3A_317 = tpu.memref_squeeze %dma_wait3A_316 : memref<1x80xi32, #tpu.memory_space<vmem>> -> memref<80xi32, #tpu.memory_space<vmem>>
    %dma_wait3A_318 = arith.constant 0 : i32
    %dma_wait3A_319 = arith.constant 0 : i32
    %dma_wait3A_320 = tpu.memref_slice %arg5[%dma_wait3A_318, %dma_wait3A_319] : memref<10240x64xf32, #tpu.memory_space<vmem_shared>> -> memref<10240x64xf32, #tpu.memory_space<vmem_shared>>
    tpu.wait_indirect_dma semaphore(%arg18 : memref<!tpu.dma_semaphore, #tpu.memory_space<semaphore_mem>>) src(%dma_wait3A_314 : memref<80x64xf32, #tpu.memory_space<vmem>>) dst(%dma_wait3A_320 : memref<10240x64xf32, #tpu.memory_space<vmem_shared>>)
    %dma_start3A_321 = arith.constant 124 : i32
    %dma_start3A_322 = arith.constant 4 : i32
    %dma_start3A_323 = arith.constant 0 : i32
    %dma_start3A_324 = arith.constant 0 : i32
    %dma_start3A_325 = tpu.memref_slice %arg8[%dma_start3A_322, %dma_start3A_323, %dma_start3A_324] : memref<5x80x64xf32, #tpu.memory_space<vmem>> -> memref<1x80x64xf32, #tpu.memory_space<vmem>>
    %dma_start3A_326 = tpu.memref_squeeze %dma_start3A_325 : memref<1x80x64xf32, #tpu.memory_space<vmem>> -> memref<80x64xf32, #tpu.memory_space<vmem>>
    %dma_start3A_327 = arith.constant 0 : i32
    %dma_start3A_328 = tpu.memref_slice %arg6[%dma_start3A_321, %dma_start3A_327] : memref<125x80xi32, #tpu.memory_space<vmem>> -> memref<1x80xi32, #tpu.memory_space<vmem>>
    %dma_start3A_329 = tpu.memref_squeeze %dma_start3A_328 : memref<1x80xi32, #tpu.memory_space<vmem>> -> memref<80xi32, #tpu.memory_space<vmem>>
    %dma_start3A_330 = arith.constant 0 : i32
    %dma_start3A_331 = arith.constant 0 : i32
    %dma_start3A_332 = tpu.memref_slice %arg2[%dma_start3A_330, %dma_start3A_331] : memref<10240x64xf32, #tpu.memory_space<hbm>> -> memref<10240x64xf32, #tpu.memory_space<hbm>>
    tpu.enqueue_indirect_dma source(%dma_start3A_332 : memref<10240x64xf32, #tpu.memory_space<hbm>>) target(%dma_start3A_326 : memref<80x64xf32, #tpu.memory_space<vmem>>) offsets(%dma_start3A_329 : memref<80xi32, #tpu.memory_space<vmem>>) semaphore(%arg13 : memref<!tpu.dma_semaphore, #tpu.memory_space<semaphore_mem>>)
    %dma_wait3A_333 = arith.constant 121 : i32
    %dma_wait3A_334 = arith.constant 1 : i32
    %dma_wait3A_335 = arith.constant 0 : i32
    %dma_wait3A_336 = arith.constant 0 : i32
    %dma_wait3A_337 = tpu.memref_slice %arg8[%dma_wait3A_334, %dma_wait3A_335, %dma_wait3A_336] : memref<5x80x64xf32, #tpu.memory_space<vmem>> -> memref<1x80x64xf32, #tpu.memory_space<vmem>>
    %dma_wait3A_338 = tpu.memref_squeeze %dma_wait3A_337 : memref<1x80x64xf32, #tpu.memory_space<vmem>> -> memref<80x64xf32, #tpu.memory_space<vmem>>
    %dma_wait3A_339 = arith.constant 0 : i32
    %dma_wait3A_340 = tpu.memref_slice %arg6[%dma_wait3A_333, %dma_wait3A_339] : memref<125x80xi32, #tpu.memory_space<vmem>> -> memref<1x80xi32, #tpu.memory_space<vmem>>
    %dma_wait3A_341 = tpu.memref_squeeze %dma_wait3A_340 : memref<1x80xi32, #tpu.memory_space<vmem>> -> memref<80xi32, #tpu.memory_space<vmem>>
    %dma_wait3A_342 = arith.constant 0 : i32
    %dma_wait3A_343 = arith.constant 0 : i32
    %dma_wait3A_344 = tpu.memref_slice %arg2[%dma_wait3A_342, %dma_wait3A_343] : memref<10240x64xf32, #tpu.memory_space<hbm>> -> memref<10240x64xf32, #tpu.memory_space<hbm>>
    tpu.wait_indirect_dma semaphore(%arg10 : memref<!tpu.dma_semaphore, #tpu.memory_space<semaphore_mem>>) src(%dma_wait3A_344 : memref<10240x64xf32, #tpu.memory_space<hbm>>) dst(%dma_wait3A_338 : memref<80x64xf32, #tpu.memory_space<vmem>>)
    %dma_start3A_345 = arith.constant 1 : i32
    %dma_start3A_346 = arith.constant 121 : i32
    %dma_start3A_347 = arith.constant 0 : i32
    %dma_start3A_348 = arith.constant 0 : i32
    %dma_start3A_349 = tpu.memref_slice %arg8[%dma_start3A_345, %dma_start3A_347, %dma_start3A_348] : memref<5x80x64xf32, #tpu.memory_space<vmem>> -> memref<1x80x64xf32, #tpu.memory_space<vmem>>
    %dma_start3A_350 = tpu.memref_squeeze %dma_start3A_349 : memref<1x80x64xf32, #tpu.memory_space<vmem>> -> memref<80x64xf32, #tpu.memory_space<vmem>>
    %dma_start3A_351 = arith.constant 0 : i32
    %dma_start3A_352 = tpu.memref_slice %arg7[%dma_start3A_346, %dma_start3A_351] : memref<125x80xi32, #tpu.memory_space<vmem>> -> memref<1x80xi32, #tpu.memory_space<vmem>>
    %dma_start3A_353 = tpu.memref_squeeze %dma_start3A_352 : memref<1x80xi32, #tpu.memory_space<vmem>> -> memref<80xi32, #tpu.memory_space<vmem>>
    %dma_start3A_354 = arith.constant 0 : i32
    %dma_start3A_355 = arith.constant 0 : i32
    %dma_start3A_356 = tpu.memref_slice %arg5[%dma_start3A_354, %dma_start3A_355] : memref<10240x64xf32, #tpu.memory_space<vmem_shared>> -> memref<10240x64xf32, #tpu.memory_space<vmem_shared>>
    tpu.enqueue_indirect_dma source(%dma_start3A_350 : memref<80x64xf32, #tpu.memory_space<vmem>>) target(%dma_start3A_356 : memref<10240x64xf32, #tpu.memory_space<vmem_shared>>) offsets(%dma_start3A_353 : memref<80xi32, #tpu.memory_space<vmem>>) semaphore(%arg15 : memref<!tpu.dma_semaphore, #tpu.memory_space<semaphore_mem>>) {add = true}
    %dma_wait3A_357 = arith.constant 0 : i32
    %dma_wait3A_358 = arith.constant 120 : i32
    %dma_wait3A_359 = arith.constant 0 : i32
    %dma_wait3A_360 = arith.constant 0 : i32
    %dma_wait3A_361 = tpu.memref_slice %arg8[%dma_wait3A_357, %dma_wait3A_359, %dma_wait3A_360] : memref<5x80x64xf32, #tpu.memory_space<vmem>> -> memref<1x80x64xf32, #tpu.memory_space<vmem>>
    %dma_wait3A_362 = tpu.memref_squeeze %dma_wait3A_361 : memref<1x80x64xf32, #tpu.memory_space<vmem>> -> memref<80x64xf32, #tpu.memory_space<vmem>>
    %dma_wait3A_363 = arith.constant 0 : i32
    %dma_wait3A_364 = tpu.memref_slice %arg7[%dma_wait3A_358, %dma_wait3A_363] : memref<125x80xi32, #tpu.memory_space<vmem>> -> memref<1x80xi32, #tpu.memory_space<vmem>>
    %dma_wait3A_365 = tpu.memref_squeeze %dma_wait3A_364 : memref<1x80xi32, #tpu.memory_space<vmem>> -> memref<80xi32, #tpu.memory_space<vmem>>
    %dma_wait3A_366 = arith.constant 0 : i32
    %dma_wait3A_367 = arith.constant 0 : i32
    %dma_wait3A_368 = tpu.memref_slice %arg5[%dma_wait3A_366, %dma_wait3A_367] : memref<10240x64xf32, #tpu.memory_space<vmem_shared>> -> memref<10240x64xf32, #tpu.memory_space<vmem_shared>>
    tpu.wait_indirect_dma semaphore(%arg14 : memref<!tpu.dma_semaphore, #tpu.memory_space<semaphore_mem>>) src(%dma_wait3A_362 : memref<80x64xf32, #tpu.memory_space<vmem>>) dst(%dma_wait3A_368 : memref<10240x64xf32, #tpu.memory_space<vmem_shared>>)
    %dma_wait3A_369 = arith.constant 122 : i32
    %dma_wait3A_370 = arith.constant 2 : i32
    %dma_wait3A_371 = arith.constant 0 : i32
    %dma_wait3A_372 = arith.constant 0 : i32
    %dma_wait3A_373 = tpu.memref_slice %arg8[%dma_wait3A_370, %dma_wait3A_371, %dma_wait3A_372] : memref<5x80x64xf32, #tpu.memory_space<vmem>> -> memref<1x80x64xf32, #tpu.memory_space<vmem>>
    %dma_wait3A_374 = tpu.memref_squeeze %dma_wait3A_373 : memref<1x80x64xf32, #tpu.memory_space<vmem>> -> memref<80x64xf32, #tpu.memory_space<vmem>>
    %dma_wait3A_375 = arith.constant 0 : i32
    %dma_wait3A_376 = tpu.memref_slice %arg6[%dma_wait3A_369, %dma_wait3A_375] : memref<125x80xi32, #tpu.memory_space<vmem>> -> memref<1x80xi32, #tpu.memory_space<vmem>>
    %dma_wait3A_377 = tpu.memref_squeeze %dma_wait3A_376 : memref<1x80xi32, #tpu.memory_space<vmem>> -> memref<80xi32, #tpu.memory_space<vmem>>
    %dma_wait3A_378 = arith.constant 0 : i32
    %dma_wait3A_379 = arith.constant 0 : i32
    %dma_wait3A_380 = tpu.memref_slice %arg2[%dma_wait3A_378, %dma_wait3A_379] : memref<10240x64xf32, #tpu.memory_space<hbm>> -> memref<10240x64xf32, #tpu.memory_space<hbm>>
    tpu.wait_indirect_dma semaphore(%arg11 : memref<!tpu.dma_semaphore, #tpu.memory_space<semaphore_mem>>) src(%dma_wait3A_380 : memref<10240x64xf32, #tpu.memory_space<hbm>>) dst(%dma_wait3A_374 : memref<80x64xf32, #tpu.memory_space<vmem>>)
    %dma_start3A_381 = arith.constant 2 : i32
    %dma_start3A_382 = arith.constant 122 : i32
    %dma_start3A_383 = arith.constant 0 : i32
    %dma_start3A_384 = arith.constant 0 : i32
    %dma_start3A_385 = tpu.memref_slice %arg8[%dma_start3A_381, %dma_start3A_383, %dma_start3A_384] : memref<5x80x64xf32, #tpu.memory_space<vmem>> -> memref<1x80x64xf32, #tpu.memory_space<vmem>>
    %dma_start3A_386 = tpu.memref_squeeze %dma_start3A_385 : memref<1x80x64xf32, #tpu.memory_space<vmem>> -> memref<80x64xf32, #tpu.memory_space<vmem>>
    %dma_start3A_387 = arith.constant 0 : i32
    %dma_start3A_388 = tpu.memref_slice %arg7[%dma_start3A_382, %dma_start3A_387] : memref<125x80xi32, #tpu.memory_space<vmem>> -> memref<1x80xi32, #tpu.memory_space<vmem>>
    %dma_start3A_389 = tpu.memref_squeeze %dma_start3A_388 : memref<1x80xi32, #tpu.memory_space<vmem>> -> memref<80xi32, #tpu.memory_space<vmem>>
    %dma_start3A_390 = arith.constant 0 : i32
    %dma_start3A_391 = arith.constant 0 : i32
    %dma_start3A_392 = tpu.memref_slice %arg5[%dma_start3A_390, %dma_start3A_391] : memref<10240x64xf32, #tpu.memory_space<vmem_shared>> -> memref<10240x64xf32, #tpu.memory_space<vmem_shared>>
    tpu.enqueue_indirect_dma source(%dma_start3A_386 : memref<80x64xf32, #tpu.memory_space<vmem>>) target(%dma_start3A_392 : memref<10240x64xf32, #tpu.memory_space<vmem_shared>>) offsets(%dma_start3A_389 : memref<80xi32, #tpu.memory_space<vmem>>) semaphore(%arg16 : memref<!tpu.dma_semaphore, #tpu.memory_space<semaphore_mem>>) {add = true}
    %dma_wait3A_393 = arith.constant 1 : i32
    %dma_wait3A_394 = arith.constant 121 : i32
    %dma_wait3A_395 = arith.constant 0 : i32
    %dma_wait3A_396 = arith.constant 0 : i32
    %dma_wait3A_397 = tpu.memref_slice %arg8[%dma_wait3A_393, %dma_wait3A_395, %dma_wait3A_396] : memref<5x80x64xf32, #tpu.memory_space<vmem>> -> memref<1x80x64xf32, #tpu.memory_space<vmem>>
    %dma_wait3A_398 = tpu.memref_squeeze %dma_wait3A_397 : memref<1x80x64xf32, #tpu.memory_space<vmem>> -> memref<80x64xf32, #tpu.memory_space<vmem>>
    %dma_wait3A_399 = arith.constant 0 : i32
    %dma_wait3A_400 = tpu.memref_slice %arg7[%dma_wait3A_394, %dma_wait3A_399] : memref<125x80xi32, #tpu.memory_space<vmem>> -> memref<1x80xi32, #tpu.memory_space<vmem>>
    %dma_wait3A_401 = tpu.memref_squeeze %dma_wait3A_400 : memref<1x80xi32, #tpu.memory_space<vmem>> -> memref<80xi32, #tpu.memory_space<vmem>>
    %dma_wait3A_402 = arith.constant 0 : i32
    %dma_wait3A_403 = arith.constant 0 : i32
    %dma_wait3A_404 = tpu.memref_slice %arg5[%dma_wait3A_402, %dma_wait3A_403] : memref<10240x64xf32, #tpu.memory_space<vmem_shared>> -> memref<10240x64xf32, #tpu.memory_space<vmem_shared>>
    tpu.wait_indirect_dma semaphore(%arg15 : memref<!tpu.dma_semaphore, #tpu.memory_space<semaphore_mem>>) src(%dma_wait3A_398 : memref<80x64xf32, #tpu.memory_space<vmem>>) dst(%dma_wait3A_404 : memref<10240x64xf32, #tpu.memory_space<vmem_shared>>)
    %dma_wait3A_405 = arith.constant 123 : i32
    %dma_wait3A_406 = arith.constant 3 : i32
    %dma_wait3A_407 = arith.constant 0 : i32
    %dma_wait3A_408 = arith.constant 0 : i32
    %dma_wait3A_409 = tpu.memref_slice %arg8[%dma_wait3A_406, %dma_wait3A_407, %dma_wait3A_408] : memref<5x80x64xf32, #tpu.memory_space<vmem>> -> memref<1x80x64xf32, #tpu.memory_space<vmem>>
    %dma_wait3A_410 = tpu.memref_squeeze %dma_wait3A_409 : memref<1x80x64xf32, #tpu.memory_space<vmem>> -> memref<80x64xf32, #tpu.memory_space<vmem>>
    %dma_wait3A_411 = arith.constant 0 : i32
    %dma_wait3A_412 = tpu.memref_slice %arg6[%dma_wait3A_405, %dma_wait3A_411] : memref<125x80xi32, #tpu.memory_space<vmem>> -> memref<1x80xi32, #tpu.memory_space<vmem>>
    %dma_wait3A_413 = tpu.memref_squeeze %dma_wait3A_412 : memref<1x80xi32, #tpu.memory_space<vmem>> -> memref<80xi32, #tpu.memory_space<vmem>>
    %dma_wait3A_414 = arith.constant 0 : i32
    %dma_wait3A_415 = arith.constant 0 : i32
    %dma_wait3A_416 = tpu.memref_slice %arg2[%dma_wait3A_414, %dma_wait3A_415] : memref<10240x64xf32, #tpu.memory_space<hbm>> -> memref<10240x64xf32, #tpu.memory_space<hbm>>
    tpu.wait_indirect_dma semaphore(%arg12 : memref<!tpu.dma_semaphore, #tpu.memory_space<semaphore_mem>>) src(%dma_wait3A_416 : memref<10240x64xf32, #tpu.memory_space<hbm>>) dst(%dma_wait3A_410 : memref<80x64xf32, #tpu.memory_space<vmem>>)
    %dma_start3A_417 = arith.constant 3 : i32
    %dma_start3A_418 = arith.constant 123 : i32
    %dma_start3A_419 = arith.constant 0 : i32
    %dma_start3A_420 = arith.constant 0 : i32
    %dma_start3A_421 = tpu.memref_slice %arg8[%dma_start3A_417, %dma_start3A_419, %dma_start3A_420] : memref<5x80x64xf32, #tpu.memory_space<vmem>> -> memref<1x80x64xf32, #tpu.memory_space<vmem>>
    %dma_start3A_422 = tpu.memref_squeeze %dma_start3A_421 : memref<1x80x64xf32, #tpu.memory_space<vmem>> -> memref<80x64xf32, #tpu.memory_space<vmem>>
    %dma_start3A_423 = arith.constant 0 : i32
    %dma_start3A_424 = tpu.memref_slice %arg7[%dma_start3A_418, %dma_start3A_423] : memref<125x80xi32, #tpu.memory_space<vmem>> -> memref<1x80xi32, #tpu.memory_space<vmem>>
    %dma_start3A_425 = tpu.memref_squeeze %dma_start3A_424 : memref<1x80xi32, #tpu.memory_space<vmem>> -> memref<80xi32, #tpu.memory_space<vmem>>
    %dma_start3A_426 = arith.constant 0 : i32
    %dma_start3A_427 = arith.constant 0 : i32
    %dma_start3A_428 = tpu.memref_slice %arg5[%dma_start3A_426, %dma_start3A_427] : memref<10240x64xf32, #tpu.memory_space<vmem_shared>> -> memref<10240x64xf32, #tpu.memory_space<vmem_shared>>
    tpu.enqueue_indirect_dma source(%dma_start3A_422 : memref<80x64xf32, #tpu.memory_space<vmem>>) target(%dma_start3A_428 : memref<10240x64xf32, #tpu.memory_space<vmem_shared>>) offsets(%dma_start3A_425 : memref<80xi32, #tpu.memory_space<vmem>>) semaphore(%arg17 : memref<!tpu.dma_semaphore, #tpu.memory_space<semaphore_mem>>) {add = true}
    %dma_wait3A_429 = arith.constant 2 : i32
    %dma_wait3A_430 = arith.constant 122 : i32
    %dma_wait3A_431 = arith.constant 0 : i32
    %dma_wait3A_432 = arith.constant 0 : i32
    %dma_wait3A_433 = tpu.memref_slice %arg8[%dma_wait3A_429, %dma_wait3A_431, %dma_wait3A_432] : memref<5x80x64xf32, #tpu.memory_space<vmem>> -> memref<1x80x64xf32, #tpu.memory_space<vmem>>
    %dma_wait3A_434 = tpu.memref_squeeze %dma_wait3A_433 : memref<1x80x64xf32, #tpu.memory_space<vmem>> -> memref<80x64xf32, #tpu.memory_space<vmem>>
    %dma_wait3A_435 = arith.constant 0 : i32
    %dma_wait3A_436 = tpu.memref_slice %arg7[%dma_wait3A_430, %dma_wait3A_435] : memref<125x80xi32, #tpu.memory_space<vmem>> -> memref<1x80xi32, #tpu.memory_space<vmem>>
    %dma_wait3A_437 = tpu.memref_squeeze %dma_wait3A_436 : memref<1x80xi32, #tpu.memory_space<vmem>> -> memref<80xi32, #tpu.memory_space<vmem>>
    %dma_wait3A_438 = arith.constant 0 : i32
    %dma_wait3A_439 = arith.constant 0 : i32
    %dma_wait3A_440 = tpu.memref_slice %arg5[%dma_wait3A_438, %dma_wait3A_439] : memref<10240x64xf32, #tpu.memory_space<vmem_shared>> -> memref<10240x64xf32, #tpu.memory_space<vmem_shared>>
    tpu.wait_indirect_dma semaphore(%arg16 : memref<!tpu.dma_semaphore, #tpu.memory_space<semaphore_mem>>) src(%dma_wait3A_434 : memref<80x64xf32, #tpu.memory_space<vmem>>) dst(%dma_wait3A_440 : memref<10240x64xf32, #tpu.memory_space<vmem_shared>>)
    %dma_wait3A_441 = arith.constant 124 : i32
    %dma_wait3A_442 = arith.constant 4 : i32
    %dma_wait3A_443 = arith.constant 0 : i32
    %dma_wait3A_444 = arith.constant 0 : i32
    %dma_wait3A_445 = tpu.memref_slice %arg8[%dma_wait3A_442, %dma_wait3A_443, %dma_wait3A_444] : memref<5x80x64xf32, #tpu.memory_space<vmem>> -> memref<1x80x64xf32, #tpu.memory_space<vmem>>
    %dma_wait3A_446 = tpu.memref_squeeze %dma_wait3A_445 : memref<1x80x64xf32, #tpu.memory_space<vmem>> -> memref<80x64xf32, #tpu.memory_space<vmem>>
    %dma_wait3A_447 = arith.constant 0 : i32
    %dma_wait3A_448 = tpu.memref_slice %arg6[%dma_wait3A_441, %dma_wait3A_447] : memref<125x80xi32, #tpu.memory_space<vmem>> -> memref<1x80xi32, #tpu.memory_space<vmem>>
    %dma_wait3A_449 = tpu.memref_squeeze %dma_wait3A_448 : memref<1x80xi32, #tpu.memory_space<vmem>> -> memref<80xi32, #tpu.memory_space<vmem>>
    %dma_wait3A_450 = arith.constant 0 : i32
    %dma_wait3A_451 = arith.constant 0 : i32
    %dma_wait3A_452 = tpu.memref_slice %arg2[%dma_wait3A_450, %dma_wait3A_451] : memref<10240x64xf32, #tpu.memory_space<hbm>> -> memref<10240x64xf32, #tpu.memory_space<hbm>>
    tpu.wait_indirect_dma semaphore(%arg13 : memref<!tpu.dma_semaphore, #tpu.memory_space<semaphore_mem>>) src(%dma_wait3A_452 : memref<10240x64xf32, #tpu.memory_space<hbm>>) dst(%dma_wait3A_446 : memref<80x64xf32, #tpu.memory_space<vmem>>)
    %dma_start3A_453 = arith.constant 4 : i32
    %dma_start3A_454 = arith.constant 124 : i32
    %dma_start3A_455 = arith.constant 0 : i32
    %dma_start3A_456 = arith.constant 0 : i32
    %dma_start3A_457 = tpu.memref_slice %arg8[%dma_start3A_453, %dma_start3A_455, %dma_start3A_456] : memref<5x80x64xf32, #tpu.memory_space<vmem>> -> memref<1x80x64xf32, #tpu.memory_space<vmem>>
    %dma_start3A_458 = tpu.memref_squeeze %dma_start3A_457 : memref<1x80x64xf32, #tpu.memory_space<vmem>> -> memref<80x64xf32, #tpu.memory_space<vmem>>
    %dma_start3A_459 = arith.constant 0 : i32
    %dma_start3A_460 = tpu.memref_slice %arg7[%dma_start3A_454, %dma_start3A_459] : memref<125x80xi32, #tpu.memory_space<vmem>> -> memref<1x80xi32, #tpu.memory_space<vmem>>
    %dma_start3A_461 = tpu.memref_squeeze %dma_start3A_460 : memref<1x80xi32, #tpu.memory_space<vmem>> -> memref<80xi32, #tpu.memory_space<vmem>>
    %dma_start3A_462 = arith.constant 0 : i32
    %dma_start3A_463 = arith.constant 0 : i32
    %dma_start3A_464 = tpu.memref_slice %arg5[%dma_start3A_462, %dma_start3A_463] : memref<10240x64xf32, #tpu.memory_space<vmem_shared>> -> memref<10240x64xf32, #tpu.memory_space<vmem_shared>>
    tpu.enqueue_indirect_dma source(%dma_start3A_458 : memref<80x64xf32, #tpu.memory_space<vmem>>) target(%dma_start3A_464 : memref<10240x64xf32, #tpu.memory_space<vmem_shared>>) offsets(%dma_start3A_461 : memref<80xi32, #tpu.memory_space<vmem>>) semaphore(%arg18 : memref<!tpu.dma_semaphore, #tpu.memory_space<semaphore_mem>>) {add = true}
    %dma_wait3A_465 = arith.constant 3 : i32
    %dma_wait3A_466 = arith.constant 123 : i32
    %dma_wait3A_467 = arith.constant 0 : i32
    %dma_wait3A_468 = arith.constant 0 : i32
    %dma_wait3A_469 = tpu.memref_slice %arg8[%dma_wait3A_465, %dma_wait3A_467, %dma_wait3A_468] : memref<5x80x64xf32, #tpu.memory_space<vmem>> -> memref<1x80x64xf32, #tpu.memory_space<vmem>>
    %dma_wait3A_470 = tpu.memref_squeeze %dma_wait3A_469 : memref<1x80x64xf32, #tpu.memory_space<vmem>> -> memref<80x64xf32, #tpu.memory_space<vmem>>
    %dma_wait3A_471 = arith.constant 0 : i32
    %dma_wait3A_472 = tpu.memref_slice %arg7[%dma_wait3A_466, %dma_wait3A_471] : memref<125x80xi32, #tpu.memory_space<vmem>> -> memref<1x80xi32, #tpu.memory_space<vmem>>
    %dma_wait3A_473 = tpu.memref_squeeze %dma_wait3A_472 : memref<1x80xi32, #tpu.memory_space<vmem>> -> memref<80xi32, #tpu.memory_space<vmem>>
    %dma_wait3A_474 = arith.constant 0 : i32
    %dma_wait3A_475 = arith.constant 0 : i32
    %dma_wait3A_476 = tpu.memref_slice %arg5[%dma_wait3A_474, %dma_wait3A_475] : memref<10240x64xf32, #tpu.memory_space<vmem_shared>> -> memref<10240x64xf32, #tpu.memory_space<vmem_shared>>
    tpu.wait_indirect_dma semaphore(%arg17 : memref<!tpu.dma_semaphore, #tpu.memory_space<semaphore_mem>>) src(%dma_wait3A_470 : memref<80x64xf32, #tpu.memory_space<vmem>>) dst(%dma_wait3A_476 : memref<10240x64xf32, #tpu.memory_space<vmem_shared>>)
    %dma_wait3A_477 = arith.constant 4 : i32
    %dma_wait3A_478 = arith.constant 124 : i32
    %dma_wait3A_479 = arith.constant 0 : i32
    %dma_wait3A_480 = arith.constant 0 : i32
    %dma_wait3A_481 = tpu.memref_slice %arg8[%dma_wait3A_477, %dma_wait3A_479, %dma_wait3A_480] : memref<5x80x64xf32, #tpu.memory_space<vmem>> -> memref<1x80x64xf32, #tpu.memory_space<vmem>>
    %dma_wait3A_482 = tpu.memref_squeeze %dma_wait3A_481 : memref<1x80x64xf32, #tpu.memory_space<vmem>> -> memref<80x64xf32, #tpu.memory_space<vmem>>
    %dma_wait3A_483 = arith.constant 0 : i32
    %dma_wait3A_484 = tpu.memref_slice %arg7[%dma_wait3A_478, %dma_wait3A_483] : memref<125x80xi32, #tpu.memory_space<vmem>> -> memref<1x80xi32, #tpu.memory_space<vmem>>
    %dma_wait3A_485 = tpu.memref_squeeze %dma_wait3A_484 : memref<1x80xi32, #tpu.memory_space<vmem>> -> memref<80xi32, #tpu.memory_space<vmem>>
    %dma_wait3A_486 = arith.constant 0 : i32
    %dma_wait3A_487 = arith.constant 0 : i32
    %dma_wait3A_488 = tpu.memref_slice %arg5[%dma_wait3A_486, %dma_wait3A_487] : memref<10240x64xf32, #tpu.memory_space<vmem_shared>> -> memref<10240x64xf32, #tpu.memory_space<vmem_shared>>
    tpu.wait_indirect_dma semaphore(%arg18 : memref<!tpu.dma_semaphore, #tpu.memory_space<semaphore_mem>>) src(%dma_wait3A_482 : memref<80x64xf32, #tpu.memory_space<vmem>>) dst(%dma_wait3A_488 : memref<10240x64xf32, #tpu.memory_space<vmem_shared>>)
    %barrier3A_489 = arith.constant 0 : index
    tpu.barrier barrier_id(%barrier3A_489)
    %mul3A_490 = arith.constant 640 : i32
    %mul3A_491 = arith.muli %arg1, %mul3A_490 : i32
    %mul3A_492 = arith.constant 10240 : i32
    %mul3A_493 = arith.muli %arg0, %mul3A_492 : i32
    %mul3A_494 = arith.constant 640 : i32
    %mul3A_495 = arith.muli %arg1, %mul3A_494 : i32
    %add3A_496 = arith.addi %mul3A_493, %mul3A_495 : i32
    "tpu.region"() ({
      %run_scoped3A_497 = tpu.sem_alloc : memref<!tpu.dma_semaphore, #tpu.memory_space<semaphore_mem>>
      %dma_start3A_498 = arith.constant 0 : i32
      %dma_start3A_499 = tpu.memref_slice %arg4[%add3A_496, %dma_start3A_498] : memref<20480x64xf32, #tpu.memory_space<hbm>> -> memref<640x64xf32, #tpu.memory_space<hbm>>
      %dma_start3A_500 = arith.constant 0 : i32
      %dma_start3A_501 = tpu.memref_slice %arg5[%mul3A_491, %dma_start3A_500] : memref<10240x64xf32, #tpu.memory_space<vmem_shared>> -> memref<640x64xf32, #tpu.memory_space<vmem_shared>>
      tpu.enqueue_dma source(%dma_start3A_501 : memref<640x64xf32, #tpu.memory_space<vmem_shared>>) target(%dma_start3A_499 : memref<640x64xf32, #tpu.memory_space<hbm>>) target_semaphore(%run_scoped3A_497 : memref<!tpu.dma_semaphore, #tpu.memory_space<semaphore_mem>>)
      %dma_wait3A_502 = arith.constant 0 : i32
      %dma_wait3A_503 = tpu.memref_slice %arg4[%add3A_496, %dma_wait3A_502] : memref<20480x64xf32, #tpu.memory_space<hbm>> -> memref<640x64xf32, #tpu.memory_space<hbm>>
      %dma_wait3A_504 = arith.constant 0 : i32
      %dma_wait3A_505 = tpu.memref_slice %arg5[%mul3A_491, %dma_wait3A_504] : memref<10240x64xf32, #tpu.memory_space<vmem_shared>> -> memref<640x64xf32, #tpu.memory_space<vmem_shared>>
      tpu.wait_dma2 semaphore(%run_scoped3A_497 : memref<!tpu.dma_semaphore, #tpu.memory_space<semaphore_mem>>) src(%dma_wait3A_505 : memref<640x64xf32, #tpu.memory_space<vmem_shared>>) dst(%dma_wait3A_503 : memref<640x64xf32, #tpu.memory_space<hbm>>)
      tpu.yield
    }) : () -> ()
    return
  }
}

module attributes {stable_mosaic.version = 14 : i64} {
  func.func @_tc_mm_body(%arg0: i32, %arg1: memref<512x256xf32, #tpu.memory_space<vmem>>, %arg2: memref<256x128xf32, #tpu.memory_space<vmem>>, %arg3: memref<512x128xf32, #tpu.memory_space<vmem>>) attributes {dimension_semantics = [#tpu.dimension_semantics<arbitrary>], iteration_bounds = array<i64: 10>, scalar_prefetch = 0 : i64, scratch_operands = 0 : i64, tpu.core_type = #tpu.core_type<tc>, window_params = [{transform_indices = @transform_0, window_bounds = array<i64: 512, 256>}, {pipeline_mode = #tpu.pipeline_mode<synchronous>, transform_indices = @transform_1, window_bounds = array<i64: 256, 128>}, {transform_indices = @transform_2, window_bounds = array<i64: 512, 128>}]} {
    %get3A = arith.constant 0 : index
    %get3A_0 = arith.constant 0 : index
    %get3A_1 = vector.load %arg1[%get3A, %get3A_0] : memref<512x256xf32, #tpu.memory_space<vmem>>, vector<512x256xf32>
    %get3A_2 = arith.constant 0 : index
    %get3A_3 = arith.constant 0 : index
    %get3A_4 = vector.load %arg2[%get3A_2, %get3A_3] : memref<256x128xf32, #tpu.memory_space<vmem>>, vector<256x128xf32>
    %dot_general3A = arith.constant dense<0.000000e+00> : vector<512x128xf32>
    %dot_general3A_5 = tpu.matmul %get3A_1, %get3A_4, %dot_general3A {dimension_numbers = #tpu.dot_dimension_numbers<[1], [0], [0], [1], [0, 0, 1, 1], [], []>, transpose_lhs_hint = false} : vector<512x256xf32>, vector<256x128xf32>, vector<512x128xf32> -> vector<512x128xf32>
    %swap3A = arith.constant 0 : index
    %swap3A_6 = arith.constant 0 : index
    %swap3A_7 = vector.load %arg3[%swap3A, %swap3A_6] : memref<512x128xf32, #tpu.memory_space<vmem>>, vector<512x128xf32>
    tpu.vector_store %arg3[%swap3A, %swap3A_6], %dot_general3A_5 {strides = array<i32>} : memref<512x128xf32, #tpu.memory_space<vmem>>, vector<512x128xf32>,
    return
  }
  func.func @transform_0(%arg0: i32) -> (i32, i32) {
    %c0_i32 = arith.constant 0 : i32
    %c0_i32_0 = arith.constant 0 : i32
    return %arg0, %c0_i32 : i32, i32
  }
  func.func @transform_1(%arg0: i32) -> (i32, i32) {
    %c0_i32 = arith.constant 0 : i32
    %c0_i32_0 = arith.constant 0 : i32
    %c0_i32_1 = arith.constant 0 : i32
    return %c0_i32, %c0_i32_0 : i32, i32
  }
  func.func @transform_2(%arg0: i32) -> (i32, i32) {
    %add3A = arith.constant 0 : i32
    %add3A_0 = arith.addi %arg0, %add3A : i32
    %c0_i32 = arith.constant 0 : i32
    %c0_i32_1 = arith.constant 0 : i32
    return %add3A_0, %c0_i32 : i32, i32
  }
}

module attributes {stable_mosaic.version = 14 : i64} {
  func.func @_tc_scale_body(%arg0: i32, %arg1: memref<512x128xf32, #tpu.memory_space<vmem>>, %arg2: memref<512x128xf32, #tpu.memory_space<vmem>>, %arg3: memref<512x128xf32, #tpu.memory_space<vmem>>, %arg4: memref<512x128xf32, #tpu.memory_space<vmem>>) attributes {dimension_semantics = [#tpu.dimension_semantics<arbitrary>], iteration_bounds = array<i64: 10>, scalar_prefetch = 0 : i64, scratch_operands = 0 : i64, tpu.core_type = #tpu.core_type<tc>, window_params = [{transform_indices = @transform_0, window_bounds = array<i64: 512, 128>}, {transform_indices = @transform_1, window_bounds = array<i64: 512, 128>}, {transform_indices = @transform_2, window_bounds = array<i64: 512, 128>}, {transform_indices = @transform_3, window_bounds = array<i64: 512, 128>}]} {
    %get3A = arith.constant 0 : index
    %get3A_0 = arith.constant 0 : index
    %get3A_1 = vector.load %arg2[%get3A, %get3A_0] : memref<512x128xf32, #tpu.memory_space<vmem>>, vector<512x128xf32>
    %get3A_2 = arith.constant 0 : index
    %get3A_3 = arith.constant 0 : index
    %get3A_4 = vector.load %arg3[%get3A_2, %get3A_3] : memref<512x128xf32, #tpu.memory_space<vmem>>, vector<512x128xf32>
    %add3A = arith.addf %get3A_1, %get3A_4 : vector<512x128xf32>
    %rsqrt3A = math.rsqrt %add3A : vector<512x128xf32>
    %get3A_5 = arith.constant 0 : index
    %get3A_6 = arith.constant 0 : index
    %get3A_7 = vector.load %arg1[%get3A_5, %get3A_6] : memref<512x128xf32, #tpu.memory_space<vmem>>, vector<512x128xf32>
    %mul3A = arith.mulf %get3A_7, %rsqrt3A : vector<512x128xf32>
    %swap3A = arith.constant 0 : index
    %swap3A_8 = arith.constant 0 : index
    %swap3A_9 = vector.load %arg4[%swap3A, %swap3A_8] : memref<512x128xf32, #tpu.memory_space<vmem>>, vector<512x128xf32>
    tpu.vector_store %arg4[%swap3A, %swap3A_8], %mul3A {strides = array<i32>} : memref<512x128xf32, #tpu.memory_space<vmem>>, vector<512x128xf32>,
    return
  }
  func.func @transform_0(%arg0: i32) -> (i32, i32) {
    %add3A = arith.constant 0 : i32
    %add3A_0 = arith.addi %arg0, %add3A : i32
    %c0_i32 = arith.constant 0 : i32
    %c0_i32_1 = arith.constant 0 : i32
    return %add3A_0, %c0_i32 : i32, i32
  }
  func.func @transform_1(%arg0: i32) -> (i32, i32) {
    %add3A = arith.constant 0 : i32
    %add3A_0 = arith.addi %arg0, %add3A : i32
    %c0_i32 = arith.constant 0 : i32
    %c0_i32_1 = arith.constant 0 : i32
    return %add3A_0, %c0_i32 : i32, i32
  }
  func.func @transform_2(%arg0: i32) -> (i32, i32) {
    %add3A = arith.constant 10 : i32
    %add3A_0 = arith.addi %arg0, %add3A : i32
    %c0_i32 = arith.constant 0 : i32
    %c0_i32_1 = arith.constant 0 : i32
    return %add3A_0, %c0_i32 : i32, i32
  }
  func.func @transform_3(%arg0: i32) -> (i32, i32) {
    %add3A = arith.constant 0 : i32
    %add3A_0 = arith.addi %arg0, %add3A : i32
    %c0_i32 = arith.constant 0 : i32
    %c0_i32_1 = arith.constant 0 : i32
    return %add3A_0, %c0_i32 : i32, i32
  }
}

module attributes {stable_mosaic.version = 14 : i64} {
  func.func @_tc_mid_body(%arg0: i32, %arg1: memref<512x128xf32, #tpu.memory_space<vmem>>, %arg2: memref<512x128xf32, #tpu.memory_space<vmem>>, %arg3: memref<512x128xf32, #tpu.memory_space<vmem>>, %arg4: memref<512x128xf32, #tpu.memory_space<vmem>>, %arg5: memref<512x128xf32, #tpu.memory_space<vmem>>, %arg6: memref<128x128xf32, #tpu.memory_space<vmem>>, %arg7: memref<1x128xf32, #tpu.memory_space<vmem>>, %arg8: memref<512x128xf32, #tpu.memory_space<vmem>>) attributes {dimension_semantics = [#tpu.dimension_semantics<arbitrary>], iteration_bounds = array<i64: 10>, scalar_prefetch = 0 : i64, scratch_operands = 0 : i64, tpu.core_type = #tpu.core_type<tc>, window_params = [{transform_indices = @transform_0, window_bounds = array<i64: 512, 128>}, {transform_indices = @transform_1, window_bounds = array<i64: 512, 128>}, {transform_indices = @transform_2, window_bounds = array<i64: 512, 128>}, {transform_indices = @transform_3, window_bounds = array<i64: 512, 128>}, {transform_indices = @transform_4, window_bounds = array<i64: 512, 128>}, {pipeline_mode = #tpu.pipeline_mode<synchronous>, transform_indices = @transform_5, window_bounds = array<i64: 128, 128>}, {pipeline_mode = #tpu.pipeline_mode<synchronous>, transform_indices = @transform_6, window_bounds = array<i64: 1, 128>}, {transform_indices = @transform_7, window_bounds = array<i64: 512, 128>}]} {
    %get3A = arith.constant 0 : index
    %get3A_0 = arith.constant 0 : index
    %get3A_1 = vector.load %arg4[%get3A, %get3A_0] : memref<512x128xf32, #tpu.memory_space<vmem>>, vector<512x128xf32>
    %get3A_2 = arith.constant 0 : index
    %get3A_3 = arith.constant 0 : index
    %get3A_4 = vector.load %arg5[%get3A_2, %get3A_3] : memref<512x128xf32, #tpu.memory_space<vmem>>, vector<512x128xf32>
    %add3A = arith.addf %get3A_1, %get3A_4 : vector<512x128xf32>
    %rsqrt3A = math.rsqrt %add3A : vector<512x128xf32>
    %get3A_5 = arith.constant 0 : index
    %get3A_6 = arith.constant 0 : index
    %get3A_7 = vector.load %arg1[%get3A_5, %get3A_6] : memref<512x128xf32, #tpu.memory_space<vmem>>, vector<512x128xf32>
    %get3A_8 = arith.constant 0 : index
    %get3A_9 = arith.constant 0 : index
    %get3A_10 = vector.load %arg2[%get3A_8, %get3A_9] : memref<512x128xf32, #tpu.memory_space<vmem>>, vector<512x128xf32>
    %add3A_11 = arith.addf %get3A_7, %get3A_10 : vector<512x128xf32>
    %get3A_12 = arith.constant 0 : index
    %get3A_13 = arith.constant 0 : index
    %get3A_14 = vector.load %arg3[%get3A_12, %get3A_13] : memref<512x128xf32, #tpu.memory_space<vmem>>, vector<512x128xf32>
    %sub3A = arith.subf %add3A_11, %get3A_14 : vector<512x128xf32>
    %mul3A = arith.mulf %sub3A, %rsqrt3A : vector<512x128xf32>
    %get3A_15 = arith.constant 0 : index
    %get3A_16 = arith.constant 0 : index
    %get3A_17 = vector.load %arg7[%get3A_15, %get3A_16] : memref<1x128xf32, #tpu.memory_space<vmem>>, vector<1x128xf32>
    %add3A_18 = vector.broadcast %get3A_17 : vector<1x128xf32> to vector<512x128xf32>
    %add3A_19 = arith.addf %mul3A, %add3A_18 : vector<512x128xf32>
    %max3A = arith.constant 0.000000e+00 : f32
    %max3A_20 = vector.broadcast %max3A : f32 to vector<512x128xf32>
    %max3A_21 = arith.maximumf %add3A_19, %max3A_20 : vector<512x128xf32>
    %get3A_22 = arith.constant 0 : index
    %get3A_23 = arith.constant 0 : index
    %get3A_24 = vector.load %arg6[%get3A_22, %get3A_23] : memref<128x128xf32, #tpu.memory_space<vmem>>, vector<128x128xf32>
    %dot_general3A = arith.constant dense<0.000000e+00> : vector<512x128xf32>
    %dot_general3A_25 = tpu.matmul %max3A_21, %get3A_24, %dot_general3A {dimension_numbers = #tpu.dot_dimension_numbers<[1], [0], [0], [1], [0, 0, 1, 1], [], []>, transpose_lhs_hint = false} : vector<512x128xf32>, vector<128x128xf32>, vector<512x128xf32> -> vector<512x128xf32>
    %mul3A_26 = arith.mulf %dot_general3A_25, %rsqrt3A : vector<512x128xf32>
    %swap3A = arith.constant 0 : index
    %swap3A_27 = arith.constant 0 : index
    %swap3A_28 = vector.load %arg8[%swap3A, %swap3A_27] : memref<512x128xf32, #tpu.memory_space<vmem>>, vector<512x128xf32>
    tpu.vector_store %arg8[%swap3A, %swap3A_27], %mul3A_26 {strides = array<i32>} : memref<512x128xf32, #tpu.memory_space<vmem>>, vector<512x128xf32>,
    return
  }
  func.func @transform_0(%arg0: i32) -> (i32, i32) {
    %add3A = arith.constant 0 : i32
    %add3A_0 = arith.addi %arg0, %add3A : i32
    %c0_i32 = arith.constant 0 : i32
    %c0_i32_1 = arith.constant 0 : i32
    return %add3A_0, %c0_i32 : i32, i32
  }
  func.func @transform_1(%arg0: i32) -> (i32, i32) {
    %add3A = arith.constant 10 : i32
    %add3A_0 = arith.addi %arg0, %add3A : i32
    %c0_i32 = arith.constant 0 : i32
    %c0_i32_1 = arith.constant 0 : i32
    return %add3A_0, %c0_i32 : i32, i32
  }
  func.func @transform_2(%arg0: i32) -> (i32, i32) {
    %add3A = arith.constant 0 : i32
    %add3A_0 = arith.addi %arg0, %add3A : i32
    %c0_i32 = arith.constant 0 : i32
    %c0_i32_1 = arith.constant 0 : i32
    return %add3A_0, %c0_i32 : i32, i32
  }
  func.func @transform_3(%arg0: i32) -> (i32, i32) {
    %add3A = arith.constant 0 : i32
    %add3A_0 = arith.addi %arg0, %add3A : i32
    %c0_i32 = arith.constant 0 : i32
    %c0_i32_1 = arith.constant 0 : i32
    return %add3A_0, %c0_i32 : i32, i32
  }
  func.func @transform_4(%arg0: i32) -> (i32, i32) {
    %add3A = arith.constant 10 : i32
    %add3A_0 = arith.addi %arg0, %add3A : i32
    %c0_i32 = arith.constant 0 : i32
    %c0_i32_1 = arith.constant 0 : i32
    return %add3A_0, %c0_i32 : i32, i32
  }
  func.func @transform_5(%arg0: i32) -> (i32, i32) {
    %c0_i32 = arith.constant 0 : i32
    %c0_i32_0 = arith.constant 0 : i32
    %c0_i32_1 = arith.constant 0 : i32
    return %c0_i32, %c0_i32_0 : i32, i32
  }
  func.func @transform_6(%arg0: i32) -> (i32, i32) {
    %c0_i32 = arith.constant 0 : i32
    %c0_i32_0 = arith.constant 0 : i32
    %c0_i32_1 = arith.constant 0 : i32
    return %c0_i32, %c0_i32_0 : i32, i32
  }
  func.func @transform_7(%arg0: i32) -> (i32, i32) {
    %add3A = arith.constant 0 : i32
    %add3A_0 = arith.addi %arg0, %add3A : i32
    %c0_i32 = arith.constant 0 : i32
    %c0_i32_1 = arith.constant 0 : i32
    return %add3A_0, %c0_i32 : i32, i32
  }
}

module attributes {stable_mosaic.version = 14 : i64} {
  func.func @_tc_last_body(%arg0: i32, %arg1: memref<512x128xf32, #tpu.memory_space<vmem>>, %arg2: memref<512x128xf32, #tpu.memory_space<vmem>>, %arg3: memref<512x128xf32, #tpu.memory_space<vmem>>, %arg4: memref<512x128xf32, #tpu.memory_space<vmem>>, %arg5: memref<512x128xf32, #tpu.memory_space<vmem>>, %arg6: memref<1x128xf32, #tpu.memory_space<vmem>>, %arg7: memref<512x128xf32, #tpu.memory_space<vmem>>) attributes {dimension_semantics = [#tpu.dimension_semantics<arbitrary>], iteration_bounds = array<i64: 10>, scalar_prefetch = 0 : i64, scratch_operands = 0 : i64, tpu.core_type = #tpu.core_type<tc>, window_params = [{transform_indices = @transform_0, window_bounds = array<i64: 512, 128>}, {transform_indices = @transform_1, window_bounds = array<i64: 512, 128>}, {transform_indices = @transform_2, window_bounds = array<i64: 512, 128>}, {transform_indices = @transform_3, window_bounds = array<i64: 512, 128>}, {transform_indices = @transform_4, window_bounds = array<i64: 512, 128>}, {pipeline_mode = #tpu.pipeline_mode<synchronous>, transform_indices = @transform_5, window_bounds = array<i64: 1, 128>}, {transform_indices = @transform_6, window_bounds = array<i64: 512, 128>}]} {
    %get3A = arith.constant 0 : index
    %get3A_0 = arith.constant 0 : index
    %get3A_1 = vector.load %arg4[%get3A, %get3A_0] : memref<512x128xf32, #tpu.memory_space<vmem>>, vector<512x128xf32>
    %get3A_2 = arith.constant 0 : index
    %get3A_3 = arith.constant 0 : index
    %get3A_4 = vector.load %arg5[%get3A_2, %get3A_3] : memref<512x128xf32, #tpu.memory_space<vmem>>, vector<512x128xf32>
    %add3A = arith.addf %get3A_1, %get3A_4 : vector<512x128xf32>
    %rsqrt3A = math.rsqrt %add3A : vector<512x128xf32>
    %get3A_5 = arith.constant 0 : index
    %get3A_6 = arith.constant 0 : index
    %get3A_7 = vector.load %arg1[%get3A_5, %get3A_6] : memref<512x128xf32, #tpu.memory_space<vmem>>, vector<512x128xf32>
    %get3A_8 = arith.constant 0 : index
    %get3A_9 = arith.constant 0 : index
    %get3A_10 = vector.load %arg2[%get3A_8, %get3A_9] : memref<512x128xf32, #tpu.memory_space<vmem>>, vector<512x128xf32>
    %add3A_11 = arith.addf %get3A_7, %get3A_10 : vector<512x128xf32>
    %get3A_12 = arith.constant 0 : index
    %get3A_13 = arith.constant 0 : index
    %get3A_14 = vector.load %arg3[%get3A_12, %get3A_13] : memref<512x128xf32, #tpu.memory_space<vmem>>, vector<512x128xf32>
    %sub3A = arith.subf %add3A_11, %get3A_14 : vector<512x128xf32>
    %mul3A = arith.mulf %sub3A, %rsqrt3A : vector<512x128xf32>
    %get3A_15 = arith.constant 0 : index
    %get3A_16 = arith.constant 0 : index
    %get3A_17 = vector.load %arg6[%get3A_15, %get3A_16] : memref<1x128xf32, #tpu.memory_space<vmem>>, vector<1x128xf32>
    %add3A_18 = vector.broadcast %get3A_17 : vector<1x128xf32> to vector<512x128xf32>
    %add3A_19 = arith.addf %mul3A, %add3A_18 : vector<512x128xf32>
    %max3A = arith.constant 0.000000e+00 : f32
    %max3A_20 = vector.broadcast %max3A : f32 to vector<512x128xf32>
    %max3A_21 = arith.maximumf %add3A_19, %max3A_20 : vector<512x128xf32>
    %swap3A = arith.constant 0 : index
    %swap3A_22 = arith.constant 0 : index
    %swap3A_23 = vector.load %arg7[%swap3A, %swap3A_22] : memref<512x128xf32, #tpu.memory_space<vmem>>, vector<512x128xf32>
    tpu.vector_store %arg7[%swap3A, %swap3A_22], %max3A_21 {strides = array<i32>} : memref<512x128xf32, #tpu.memory_space<vmem>>, vector<512x128xf32>,
    return
  }
  func.func @transform_0(%arg0: i32) -> (i32, i32) {
    %add3A = arith.constant 0 : i32
    %add3A_0 = arith.addi %arg0, %add3A : i32
    %c0_i32 = arith.constant 0 : i32
    %c0_i32_1 = arith.constant 0 : i32
    return %add3A_0, %c0_i32 : i32, i32
  }
  func.func @transform_1(%arg0: i32) -> (i32, i32) {
    %add3A = arith.constant 10 : i32
    %add3A_0 = arith.addi %arg0, %add3A : i32
    %c0_i32 = arith.constant 0 : i32
    %c0_i32_1 = arith.constant 0 : i32
    return %add3A_0, %c0_i32 : i32, i32
  }
  func.func @transform_2(%arg0: i32) -> (i32, i32) {
    %add3A = arith.constant 0 : i32
    %add3A_0 = arith.addi %arg0, %add3A : i32
    %c0_i32 = arith.constant 0 : i32
    %c0_i32_1 = arith.constant 0 : i32
    return %add3A_0, %c0_i32 : i32, i32
  }
  func.func @transform_3(%arg0: i32) -> (i32, i32) {
    %add3A = arith.constant 0 : i32
    %add3A_0 = arith.addi %arg0, %add3A : i32
    %c0_i32 = arith.constant 0 : i32
    %c0_i32_1 = arith.constant 0 : i32
    return %add3A_0, %c0_i32 : i32, i32
  }
  func.func @transform_4(%arg0: i32) -> (i32, i32) {
    %add3A = arith.constant 10 : i32
    %add3A_0 = arith.addi %arg0, %add3A : i32
    %c0_i32 = arith.constant 0 : i32
    %c0_i32_1 = arith.constant 0 : i32
    return %add3A_0, %c0_i32 : i32, i32
  }
  func.func @transform_5(%arg0: i32) -> (i32, i32) {
    %c0_i32 = arith.constant 0 : i32
    %c0_i32_0 = arith.constant 0 : i32
    %c0_i32_1 = arith.constant 0 : i32
    return %c0_i32, %c0_i32_0 : i32, i32
  }
  func.func @transform_6(%arg0: i32) -> (i32, i32) {
    %add3A = arith.constant 0 : i32
    %add3A_0 = arith.addi %arg0, %add3A : i32
    %c0_i32 = arith.constant 0 : i32
    %c0_i32_1 = arith.constant 0 : i32
    return %add3A_0, %c0_i32 : i32, i32
  }
}

</mosaic_0001>

<sc_bundles>
// kernel: kernel.12.cloned.1.call-start
scs
__scs_entry_jumppad:
0x0: {  	(pc) =	sbr.rel $0x88, $3  }
0x1: {  	(tag) =	ssettag $0x0;
	lr =	simm.s32 $0x1  }
0x2: {  	[smem:$0x3F9B] =	sst lr;
	_ =	strace $0xD0000000  }
0x3: {  	_ = 	snop  }
0x4: {  	_ = 	snop  }
0x5: {  	_ = 	snop  }
0x6: {  	_ = 	snop  }
0x7: {  	_ = 	snop  }
__scs_overlays_trampoline_lowered:
0x8: {  	[smem:$0x3FAA] =	sst s0  }
0x9: {  	[smem:$0x3FAB] =	sst s1  }
0xa: {  	[smem:$0x3FAC] =	sst s2  }
0xb: {  	[smem:$0x3FAD] =	sst s3  }
0xc: {  	[smem:$0x3FAE] =	sst s4  }
0xd: {  	[smem:$0x3FAF] =	sst s5  }
0xe: {  	[smem:$0x3FB0] =	sst s6  }
0xf: {  	[smem:$0x3FB1] =	sst s7  }
0x10: {  	[smem:$0x3FB2] =	sst s8  }
0x11: {  	[smem:$0x3FB3] =	sst s9;
	s0 =	simm.s32 @!p0 $0x0  }
0x12: {  	s1 =	sld [smem:$0x3F99];
	s0 =	simm.s32 @p0 $0x1  }
0x13: {  	[smem:$0x3FB4] =	sst s0;
	s0 =	simm.s32 @!p1 $0x0  }
0x14: {  	s2 =	sld [smem:$0x3F98];
	s0 =	simm.s32 @p1 $0x1  }
0x15: {  	[smem:$0x3FB5] =	sst s0;
	s0 =	simm.s32 @!p2 $0x0  }
0x16: {  	s3 =	sld [smem:$0x3FDB];
	s0 =	simm.s32 @p2 $0x1  }
0x17: {  	s4 =	simm.s32 $0x1BF5;
	[smem:$0x3FB7] =	sst s0  }
0x18: {  	s0 =	sld [smem:$0x3F9A];
	_ =	swait.ge [sflag:s4], $0x0  }
0x19: {  	s7 =	sld [smem:$0x3F9B]  }
0x1a: {  	s8 =	sadd.s32 $0xFFFFE003, lr  }
0x1b: {  	s9 =	sadd.s32 $0xFFFFFEF7, lr;
	s5 =	simm.s32 $0xFFFFFFFF;
	p2 =	slt.u32 s8, $0xFFFFF086  }
0x1c: {  	p1 =	slt.u32 s9, $0xF7A;
	s5 =	simm.s32 @!p2 $0x0  }
0x1d: {  	s5 =	simm.s32 @p1 $0x1;
	p0 =	seq.s32 s7, s2  }
0x1e: {  	s7 =	smul.u32 @!p0 $0xF7A, s2;
	p2 =	seq.s32 @!p0 s5, $0x0  }
0x1f: {  	s9 =	smul.u32 $0xF7A, s1;
	s8 =	simm.s32 @!p0 $0x1BF5;
	p2 =	por !p2, p0  }
0x20: {  	[sflag:s8] =	ssyncset.s32 @!p0 $0xFFFFF086;
	s6 =	sadd.s32 @!p0 s3, s7;
	s7 =	simm.s32 @!p0 $0x108  }
0x21: {  	s3 =	sadd.s32 s3, s9;
	s6 =	sadd.s32 @!p0 $0x88, s6;
	s7 =	simm.s32 @p2 $0x1082  }
0x22: {  	[simem:s7], [sflag:s8] =	dma.local @!p0 [hbm:s6], $0xF7A  }
0x23: {  	s9 =	sor.u32 $0xD0000000, s2;
	s6 =	simm.s32 $0x108;
	_ =	swait.ge @!p0 [sflag:s8], $0x0  }
0x24: {  	s3 =	sadd.s32 $0x88, s3;
	s6 =	simm.s32 @!p1 $0x1082;
	[sflag:s4] =	ssyncset.s32 $0xFFFFF086  }
0x25: {  	[simem:s6], [sflag:s4] =	dma.local [hbm:s3], $0xF7A  }
0x26: {  	[smem:$0x3F9B] =	sst s1;
	(tag) =	ssettag s2;
	_ =	strace s9  }
0x27: {  	s1 =	sld [smem:$0x3FAB]  }
0x28: {  	s2 =	sld [smem:$0x3FAC]  }
0x29: {  	s4 =	sld [smem:$0x3FAE]  }
0x2a: {  	p0 =	seq.s32 s5, $0x0;
	s5 =	sld [smem:$0x3FAF]  }
0x2b: {  	s6 =	sld [smem:$0x3FB0]  }
0x2c: {  	s7 =	sld [smem:$0x3FB1]  }
0x2d: {  	s3 =	simm.s32 $0x108;
	s8 =	sld [smem:$0x3FB2]  }
0x2e: {  	s3 =	simm.s32 @!p0 $0x1082;
	s9 =	sld [smem:$0x3FB3]  }
0x2f: {  	lr =	sadd.s32 s0, s3;
	s0 =	sld [smem:$0x3FAA]  }
0x30: {  	s3 =	sld [smem:$0x3FAD]  }
0x31: {  	[smem:$0x3FB6] =	sst s10  }
0x32: {  	s10 =	sld [smem:$0x3FB4];
	_ =	sdelay $0x3  }
0x33: {  	p0 =	seq.s32 s10, $0x1;
	s10 =	sld [smem:$0x3FB6];
	_ =	sdelay $0x3  }
0x34: {  	[smem:$0x3FB6] =	sst s10  }
0x35: {  	s10 =	sld [smem:$0x3FB5];
	_ =	sdelay $0x3  }
0x36: {  	p1 =	seq.s32 s10, $0x1;
	s10 =	sld [smem:$0x3FB6];
	_ =	sdelay $0x3  }
0x37: {  	[smem:$0x3FB6] =	sst s10  }
0x38: {  	s10 =	sld [smem:$0x3FB7]  }
0x39: {  	_ = 	snop;
	(pc) =	sbr.ind lr, $3  }
0x3a: {  	_ = 	snop  }
0x3b: {  	_ = 	snop  }
0x3c: {  	p2 =	seq.s32 s10, $0x1;
	s10 =	sld [smem:$0x3FB6]  }
0x3d: {  	_ =	shalt  }
0x3e: {  	_ =	shalt  }
0x3f: {  	_ =	shalt  }
0x40: {  	_ =	shalt  }
0x41: {  	_ =	shalt  }
0x42: {  	_ =	shalt  }
0x43: {  	_ =	shalt  }
0x44: {  	_ =	shalt  }
0x45: {  	_ =	shalt  }
0x46: {  	_ =	shalt  }
0x47: {  	_ =	shalt  }
0x48: {  	_ =	shalt  }
0x49: {  	_ =	shalt  }
0x4a: {  	_ =	shalt  }
0x4b: {  	_ =	shalt  }
0x4c: {  	_ =	shalt  }
0x4d: {  	_ =	shalt  }
0x4e: {  	_ =	shalt  }
0x4f: {  	_ =	shalt  }
0x50: {  	_ =	shalt  }
0x51: {  	_ =	shalt  }
0x52: {  	_ =	shalt  }
0x53: {  	_ =	shalt  }
0x54: {  	_ =	shalt  }
0x55: {  	_ =	shalt  }
0x56: {  	_ =	shalt  }
0x57: {  	_ =	shalt  }
0x58: {  	_ =	shalt  }
0x59: {  	_ =	shalt  }
0x5a: {  	_ =	shalt  }
0x5b: {  	_ =	shalt  }
0x5c: {  	_ =	shalt  }
0x5d: {  	_ =	shalt  }
0x5e: {  	_ =	shalt  }
0x5f: {  	_ =	shalt  }
0x60: {  	_ =	shalt  }
0x61: {  	_ =	shalt  }
0x62: {  	_ =	shalt  }
0x63: {  	_ =	shalt  }
0x64: {  	_ =	shalt  }
0x65: {  	_ =	shalt  }
0x66: {  	_ =	shalt  }
0x67: {  	_ =	shalt  }
0x68: {  	_ =	shalt  }
0x69: {  	_ =	shalt  }
0x6a: {  	_ =	shalt  }
0x6b: {  	_ =	shalt  }
0x6c: {  	_ =	shalt  }
0x6d: {  	_ =	shalt  }
0x6e: {  	_ =	shalt  }
0x6f: {  	_ =	shalt  }
0x70: {  	_ =	shalt  }
0x71: {  	_ =	shalt  }
0x72: {  	_ =	shalt  }
0x73: {  	_ =	shalt  }
0x74: {  	_ =	shalt  }
0x75: {  	_ =	shalt  }
0x76: {  	_ =	shalt  }
0x77: {  	_ =	shalt  }
0x78: {  	_ =	shalt  }
0x79: {  	_ =	shalt  }
0x7a: {  	_ =	shalt  }
0x7b: {  	_ =	shalt  }
0x7c: {  	_ =	shalt  }
0x7d: {  	_ =	shalt  }
0x7e: {  	_ =	shalt  }
0x7f: {  	_ =	shalt  }
0x80: {  	_ =	shalt  }
0x81: {  	_ =	shalt  }
0x82: {  	_ =	shalt  }
0x83: {  	_ =	shalt  }
0x84: {  	_ =	shalt  }
0x85: {  	_ =	shalt  }
0x86: {  	_ =	shalt  }
0x87: {  	_ =	shalt  }
.Lfunc_end0:
.L_simem_size_0:
called_computation.1_lowered:
.L_overlay_start_0:
0x88: {  	s2 =	sld [smem:$0x3FD9]  }
0x89: {  	s3 =	sld [smem:$0x3FFE];
	_ =	sdelay $0x1  }
0x8a: {  	s1 =	srdreg.scid  }
0x8b: {  	s0 =	sand.u32 $0x1, s1  }
0x8c: {  	s17 =	sshll.u32 s0, $0xA;
	s2 =	sadd.s32 s3, s2  }
0x8d: {  	s2 =	sadd.s32 s2, s17  }
0x8e: {  	[smem:$0x3FC2] =	sst s2  }
0x8f: {  	_ = 	snop  }
0x90: {  	s2 =	sld [smem:$0x3FD0];
	(tm) =	ssettm $0x1  }
0x91: {  	s18 =	sld [smem:$0x3FFB];
	_ =	sdelay $0x3  }
0x92: {  	_ =	strace s18  }
0x93: {  	s3 =	sld [smem:$0x3FFC];
	_ =	sdelay $0x3  }
0x94: {  	_ =	strace s3  }
0x95: {  	s3 =	sld [smem:$0x3FFD];
	_ =	sdelay $0x3  }
0x96: {  	_ =	strace s3  }
0x97: {  	_ =	strace $0x8FFFFFFF  }
0x98: {  	s19 =	sld [smem:$0x3FDB];
	_ =	sdelay $0x1  }
0x99: {  	s4 =	simm.s32 $_scs_section_size  }
0x9a: {  	s5 =	simm.s32 $_size__tile_overlayer_lowered;
	s6 =	simm.s32 $_tile_overlayer_lowered  }
0x9b: {  	s22 =	simm.s32 $0x1BFF;
	s21 =	sshll.u32 s6, $0x1;
	s3 =	sadd.s32 s4, s19  }
0x9c: {  	s7 =	simm.s32 $0x0;
	s20 =	sshll.u32 s5, $0x1;
	s5 =	sadd.s32 s21, s3  }
0x9d: {  	[timem:s7], [sflag:s22] =	dma.local [hbm:s5], s20  }
0x9e: {  	_ =	swait.ge [sflag:s22], s20  }
0x9f: {  	s4 =	ssub.s32 $0x0, s20;
	[sflag:s22] =	ssyncset.done $0x0  }
0xa0: {  	[sflag:s22] =	ssyncadd.s32 s4;
	_ =	sdelay $0x1  }
0xa1: {  	s23 =	simm.s32 $0x1B8B  }
0xa2: {  	_ =	swait.ge [sflag:s23], $0x1  }
0xa3: {  	[sflag:s23] =	ssyncset.done $0x0  }
0xa4: {  	s25 =	simm.s32 $0x1B8E;
	s24 =	sld [smem:$0x3FFE];
	[sflag:s23] =	ssyncadd.s32 $0xFFFFFFFF  }
0xa5: {  	s26 =	simm.s32 $execute0_lowered;
	[smem:$0x3FD2] =	sst s25  }
0xa6: {  	s5 =	sshll.u32 s26, $0x1;
	_ =	strace $0x80000049;
	[dreg:$0x1] =	wrdreg $0xFFFFFFFF  }
0xa7: {  	s28 =	simm.s32 $_size_execute0_lowered;
	s3 =	sadd.s32 s3, s5;
	[dreg:$0x0] =	wrdreg $0x0  }
0xa8: {  	s5 =	sshll.u32 s28, $0x1;
	[dreg:$0x2] =	wrdreg s3  }
0xa9: {  	[dreg:$0x3] =	wrdreg s5  }
0xaa: {  	[dreg:$0x4] =	wrdreg $0xC0  }
0xab: {  	_ =	task [dreg:s7], $0x5FFFF  }
0xac: {  	[dreg:$0x1] =	wrdreg $0xFFFFFFFF  }
0xad: {  	[dreg:$0x0] =	wrdreg $0x60  }
0xae: {  	[dreg:$0x2] =	wrdreg s24  }
0xaf: {  	[dreg:$0x3] =	wrdreg s2  }
0xb0: {  	[dreg:$0x4] =	wrdreg $0x0  }
0xb1: {  	[dreg:$0x5] =	wrdreg $0x9  }
0xb2: {  	_ =	task.clear_ibuf [dreg:s7], $0x6FFFF;
	_ =	strace $0x90000049  }
0xb3: {  	s29 =	simm.s32 $0x9;
	_ =	strace $0x8000004B  }
0xb4: {  	_ =	swait.ge [sflag:s29], $0x1  }
0xb5: {  	[sflag:s29] =	ssyncadd.s32 $0xFFFFFFFF  }
0xb6: {  	_ =	strace $0x9000004B  }
0xb7: {  	_ =	sfence  }
0xb8: {  	s30 =	sld [smem:$0x0];
	_ =	sdelay $0x2  }
0xb9: {  	s31 =	sshll.u32 s1, $0xD;
	s1 =	sshrl.u32 s1, $0x2  }
0xba: {  	s3 =	sand.u32 $0x4000, s31;
	s1 =	sadd.s32 s1, s30  }
0xbb: {  	s0 =	sor.u32 s3, s0;
	s1 =	sshll.u32 s1, $0x11  }
0xbc: {  	s0 =	sor.u32 s1, s0  }
0xbd: {  	s0 =	sadd.s32 $0x8F2B, s0  }
0xbe: {  	[sflag:s0] =	ssyncadd.remote.s32 $0x1  }
0xbf: {  	_ =	sfence.sel $0xFFFF  }
0xc0: {  	[dreg:$0x0] =	wrdreg $0xFFFFFFFF;
	(pc) =	sbr.abs _section_cstart, $3  }
0xc1: {  	[dreg:$0x1] =	wrdreg $0xFFFFFFFF  }
0xc2: {  	_ =	task.clear_ibuf [dreg:s7], $0x2FFFF;
	_ =	strace $0x9FFFFFFF  }
0xc3: {  	(tm) =	ssettm $0x7FFFFFFF  }
tec
execute0_lowered:
.L_overlay_start_1:
0x0: {  	(tag) =	ssettag $0x1  }
0x1: {  	s0 =	rddreg [dreg:$0x0]  }
0x2: {  	s2 =	rddreg [dreg:$0x1]  }
0x3: {  	s1 =	rddreg [dreg:$0x2];
	s3 =	simm.s32 $0x0;
	s23 =	srdreg.scid  }
0x4: {  	s9 =	stileid.u32;
	s12 =	simm.s32 $0xB;
	s13 =	simm.s32 $0xA000  }
0x5: {  	s14 =	simm.s32 $0xC710;
	s15 =	simm.s32 $0x50;
	s16 =	simm.s32 $0xEE20  }
0x6: {  	s18 =	simm.s32 $0x10220;
	s20 =	simm.s32 $0x11620;
	s22 =	simm.s32 $0x12A20  }
0x7: {  	s29 =	simm.s32 $0x6;
	s31 =	simm.s32 $0x3;
	s19 =	simm.s32 $0x4  }
0x8: {  	s30 =	simm.s32 $0x5;
	s17 =	simm.s32 $0x9;
	s28 =	simm.s32 $0xA  }
0x9: {  	[smem:$0x7FF] =	sst s3;
	s3 =	sand.u32 $0x1, s23;
	s5 =	smul.u32 $0x1400, s9  }
0xa: {  	s4 =	sadd.s32 $0x2C00, s0;
	s8 =	smul.u32 $0xA000, s9;
	s26 =	sshll.u32 s9, $0x6  }
0xb: {  	s23 =	simm.s32 $0x1;
	_ =	strace $0x8000004A;
	s7 =	sshll.u32 s3, $0x4  }
0xc: {  	s6 =	smul.u32 $0x14000, s3;
	s3 =	ssub.s32 $0x2, s3;
	s7 =	sor.u32 s9, s7  }
0xd: {  	s24 =	sshrl.u32 s3, $0x1;
	s11 =	sadd.s32 s8, s1;
	s25 =	sshrl.u32 s8, $0x3  }
0xe: {  	s5 =	sadd.s32 s5, s6;
	s7 =	smul.u32 $0x2710, s7;
	s3 =	ssub.s32 s3, s24  }
0xf: {  	s6 =	sor.u32 $0x1C0B, s26;
	s11 =	sshrl.u32 s11, $0x3;
	s26 =	simm.s32 $0x2  }
0x10: {  	s24 =	simm.s32 $0x8;
	s0 =	sadd.s32 s5, s0;
	s5 =	sadd.s32 s4, s25  }
0x11: {  	s10 =	smax.u32 s3, $0x1;
	s25 =	simm.s32 $0x13E20;
	s7 =	sshrl.u32 s7, $0x3  }
0x12: {  	[dreg:$0x4] =	wrdreg s5;
	s9 =	sadd.s32 $0x16C00, s0;
	s7 =	sadd.s32 s2, s7  }
0x13: {  	s0 =	simm.s32 $0x0;
	s2 =	simm.s32 $0x7;
	s8 =	sadd.s32 $0x9C40, s7  }
.LBB2_1:
0x14: {  	s3 =	rddreg [dreg:$0x4]  }
0x15: {  	[spmem:s11], [sflag:s6] =	dma.local [hbm:s3], $0x1400  }
0x16: {  	_ =	swait.ge [sflag:s12], $0x1400  }
0x17: {  	[sflag:s12] =	ssyncset.done $0x0  }
0x18: {  	s5 =	simm.s32 $0x0;
	[sflag:s12] =	ssyncadd.s32 $0xFFFFEC00  }
0x19: {  	[tilespmem:s13], [sflag:$0xB] =	stream.linear.gather [hbm4b:s7+s5], $0x2710, $0x38;
	[tilespmem:$0x15220] =	vst v63  }
0x1a: {  	_ =	swait.ge [sflag:s12], $0x2710  }
0x1b: {  	[sflag:s12] =	ssyncset.done $0x0  }
0x1c: {  	[sflag:s12] =	ssyncadd.s32 $0xFFFFD8F0  }
0x1d: {  	[tilespmem:s14], [sflag:$0xB] =	stream.linear.gather [hbm4b:s8+s5], $0x2710, $0x38;
	[tilespmem:$0x15220] =	vst v63  }
0x1e: {  	_ =	swait.ge [sflag:s12], $0x2710  }
0x1f: {  	[sflag:s12] =	ssyncset.done $0x0  }
0x20: {  	[sflag:s12] =	ssyncadd.s32 $0xFFFFD8F0  }
0x21: {  	[bflag:$0x0] =	sbarrier.arrive $0xFFFF  }
0x22: {  	[tilespmem:s16], [sflag:$0x1] =	stream.indirect.gather [hbm4b:s4+s15], $0x40, s13, s15, $0xb8;
	[tilespmem:$0x15220] =	vst v63  }
0x23: {  	s21 =	simm.s32 $0xA050  }
0x24: {  	[tilespmem:s18], [sflag:$0x2] =	stream.indirect.gather [hbm4b:s4+s15], $0x40, s21, s15, $0xb8;
	[tilespmem:$0x15220] =	vst v63  }
0x25: {  	s5 =	simm.s32 $0xA0A0  }
0x26: {  	[tilespmem:s20], [sflag:$0x3] =	stream.indirect.gather [hbm4b:s4+s15], $0x40, s5, s15, $0xb8;
	[tilespmem:$0x15220] =	vst v63  }
0x27: {  	s21 =	simm.s32 $0xA0F0  }
0x28: {  	[tilespmem:s22], [sflag:$0x4] =	stream.indirect.gather [hbm4b:s4+s15], $0x40, s21, s15, $0xb8;
	[tilespmem:$0x15220] =	vst v63  }
0x29: {  	_ =	swait.ge [sflag:s23], $0x1400  }
0x2a: {  	[sflag:s23] =	ssyncset.done $0x0  }
0x2b: {  	[sflag:s23] =	ssyncadd.s32 $0xFFFFEC00  }
0x2c: {  	[spmem:s1] =	stream.indirect.scatter.add.f32 [tilespmem:s16], [sflag:$0x6], $0x40, s14, s15, $0xb8;
	[tilespmem:$0x15220] =	vst v63  }
0x2d: {  	s5 =	simm.s32 $0xA140  }
0x2e: {  	[tilespmem:s25], [sflag:$0x5] =	stream.indirect.gather [hbm4b:s4+s15], $0x40, s5, s15, $0xb8;
	[tilespmem:$0x15220] =	vst v63  }
0x2f: {  	_ =	swait.ge [sflag:s26], $0x1400  }
0x30: {  	[sflag:s26] =	ssyncset.done $0x0  }
0x31: {  	s21 =	simm.s32 $0xC760;
	[sflag:s26] =	ssyncadd.s32 $0xFFFFEC00  }
0x32: {  	[spmem:s1] =	stream.indirect.scatter.add.f32 [tilespmem:s18], [sflag:$0x7], $0x40, s21, s15, $0xb8;
	[tilespmem:$0x15220] =	vst v63  }
0x33: {  	_ =	swait.ge [sflag:s29], $0x1400  }
0x34: {  	[sflag:s29] =	ssyncset.done $0x0  }
0x35: {  	s5 =	simm.s32 $0xA190;
	[sflag:s29] =	ssyncadd.s32 $0xFFFFEC00  }
0x36: {  	[tilespmem:s16], [sflag:$0x1] =	stream.indirect.gather [hbm4b:s4+s15], $0x40, s5, s15, $0xb8;
	[tilespmem:$0x15220] =	vst v63  }
0x37: {  	_ =	swait.ge [sflag:s31], $0x1400  }
0x38: {  	[sflag:s31] =	ssyncset.done $0x0  }
0x39: {  	s21 =	simm.s32 $0xC7B0;
	[sflag:s31] =	ssyncadd.s32 $0xFFFFEC00  }
0x3a: {  	[spmem:s1] =	stream.indirect.scatter.add.f32 [tilespmem:s20], [sflag:$0x8], $0x40, s21, s15, $0xb8;
	[tilespmem:$0x15220] =	vst v63  }
0x3b: {  	_ =	swait.ge [sflag:s2], $0x1400  }
0x3c: {  	[sflag:s2] =	ssyncset.done $0x0  }
0x3d: {  	s5 =	simm.s32 $0xA1E0;
	[sflag:s2] =	ssyncadd.s32 $0xFFFFEC00  }
0x3e: {  	[tilespmem:s18], [sflag:$0x2] =	stream.indirect.gather [hbm4b:s4+s15], $0x40, s5, s15, $0xb8;
	[tilespmem:$0x15220] =	vst v63  }
0x3f: {  	_ =	swait.ge [sflag:s19], $0x1400  }
0x40: {  	[sflag:s19] =	ssyncset.done $0x0  }
0x41: {  	s21 =	simm.s32 $0xC800;
	[sflag:s19] =	ssyncadd.s32 $0xFFFFEC00  }
0x42: {  	[spmem:s1] =	stream.indirect.scatter.add.f32 [tilespmem:s22], [sflag:$0x9], $0x40, s21, s15, $0xb8;
	[tilespmem:$0x15220] =	vst v63  }
0x43: {  	_ =	swait.ge [sflag:s24], $0x1400  }
0x44: {  	[sflag:s24] =	ssyncset.done $0x0  }
0x45: {  	s5 =	simm.s32 $0xA230;
	[sflag:s24] =	ssyncadd.s32 $0xFFFFEC00  }
0x46: {  	[tilespmem:s20], [sflag:$0x3] =	stream.indirect.gather [hbm4b:s4+s15], $0x40, s5, s15, $0xb8;
	[tilespmem:$0x15220] =	vst v63  }
0x47: {  	_ =	swait.ge [sflag:s30], $0x1400  }
0x48: {  	[sflag:s30] =	ssyncset.done $0x0  }
0x49: {  	s21 =	simm.s32 $0xC850;
	[sflag:s30] =	ssyncadd.s32 $0xFFFFEC00  }
0x4a: {  	[spmem:s1] =	stream.indirect.scatter.add.f32 [tilespmem:s25], [sflag:$0xA], $0x40, s21, s15, $0xb8;
	[tilespmem:$0x15220] =	vst v63  }
0x4b: {  	_ =	swait.ge [sflag:s17], $0x1400  }
0x4c: {  	[sflag:s17] =	ssyncset.done $0x0  }
0x4d: {  	s5 =	simm.s32 $0xA280;
	[sflag:s17] =	ssyncadd.s32 $0xFFFFEC00  }
0x4e: {  	[tilespmem:s22], [sflag:$0x4] =	stream.indirect.gather [hbm4b:s4+s15], $0x40, s5, s15, $0xb8;
	[tilespmem:$0x15220] =	vst v63  }
0x4f: {  	_ =	swait.ge [sflag:s23], $0x1400  }
0x50: {  	[sflag:s23] =	ssyncset.done $0x0  }
0x51: {  	s21 =	simm.s32 $0xC8A0;
	[sflag:s23] =	ssyncadd.s32 $0xFFFFEC00  }
0x52: {  	[spmem:s1] =	stream.indirect.scatter.add.f32 [tilespmem:s16], [sflag:$0x6], $0x40, s21, s15, $0xb8;
	[tilespmem:$0x15220] =	vst v63  }
0x53: {  	_ =	swait.ge [sflag:s28], $0x1400  }
0x54: {  	[sflag:s28] =	ssyncset.done $0x0  }
0x55: {  	s5 =	simm.s32 $0xA2D0;
	[sflag:s28] =	ssyncadd.s32 $0xFFFFEC00  }
0x56: {  	[tilespmem:s25], [sflag:$0x5] =	stream.indirect.gather [hbm4b:s4+s15], $0x40, s5, s15, $0xb8;
	[tilespmem:$0x15220] =	vst v63  }
0x57: {  	_ =	swait.ge [sflag:s26], $0x1400  }
0x58: {  	[sflag:s26] =	ssyncset.done $0x0  }
0x59: {  	s21 =	simm.s32 $0xC8F0;
	[sflag:s26] =	ssyncadd.s32 $0xFFFFEC00  }
0x5a: {  	[spmem:s1] =	stream.indirect.scatter.add.f32 [tilespmem:s18], [sflag:$0x7], $0x40, s21, s15, $0xb8;
	[tilespmem:$0x15220] =	vst v63  }
0x5b: {  	_ =	swait.ge [sflag:s29], $0x1400  }
0x5c: {  	[sflag:s29] =	ssyncset.done $0x0  }
0x5d: {  	s5 =	simm.s32 $0xA320;
	[sflag:s29] =	ssyncadd.s32 $0xFFFFEC00  }
0x5e: {  	[tilespmem:s16], [sflag:$0x1] =	stream.indirect.gather [hbm4b:s4+s15], $0x40, s5, s15, $0xb8;
	[tilespmem:$0x15220] =	vst v63  }
0x5f: {  	_ =	swait.ge [sflag:s31], $0x1400  }
0x60: {  	[sflag:s31] =	ssyncset.done $0x0  }
0x61: {  	s21 =	simm.s32 $0xC940;
	[sflag:s31] =	ssyncadd.s32 $0xFFFFEC00  }
0x62: {  	[spmem:s1] =	stream.indirect.scatter.add.f32 [tilespmem:s20], [sflag:$0x8], $0x40, s21, s15, $0xb8;
	[tilespmem:$0x15220] =	vst v63  }
0x63: {  	_ =	swait.ge [sflag:s2], $0x1400  }
0x64: {  	[sflag:s2] =	ssyncset.done $0x0  }
0x65: {  	s5 =	simm.s32 $0xA370;
	[sflag:s2] =	ssyncadd.s32 $0xFFFFEC00  }
0x66: {  	[tilespmem:s18], [sflag:$0x2] =	stream.indirect.gather [hbm4b:s4+s15], $0x40, s5, s15, $0xb8;
	[tilespmem:$0x15220] =	vst v63  }
0x67: {  	_ =	swait.ge [sflag:s19], $0x1400  }
0x68: {  	[sflag:s19] =	ssyncset.done $0x0  }
0x69: {  	s21 =	simm.s32 $0xC990;
	[sflag:s19] =	ssyncadd.s32 $0xFFFFEC00  }
0x6a: {  	[spmem:s1] =	stream.indirect.scatter.add.f32 [tilespmem:s22], [sflag:$0x9], $0x40, s21, s15, $0xb8;
	[tilespmem:$0x15220] =	vst v63  }
0x6b: {  	_ =	swait.ge [sflag:s24], $0x1400  }
0x6c: {  	[sflag:s24] =	ssyncset.done $0x0  }
0x6d: {  	s5 =	simm.s32 $0xA3C0;
	[sflag:s24] =	ssyncadd.s32 $0xFFFFEC00  }
0x6e: {  	[tilespmem:s20], [sflag:$0x3] =	stream.indirect.gather [hbm4b:s4+s15], $0x40, s5, s15, $0xb8;
	[tilespmem:$0x15220] =	vst v63  }
0x6f: {  	_ =	swait.ge [sflag:s30], $0x1400  }
0x70: {  	[sflag:s30] =	ssyncset.done $0x0  }
0x71: {  	s21 =	simm.s32 $0xC9E0;
	[sflag:s30] =	ssyncadd.s32 $0xFFFFEC00  }
0x72: {  	[spmem:s1] =	stream.indirect.scatter.add.f32 [tilespmem:s25], [sflag:$0xA], $0x40, s21, s15, $0xb8;
	[tilespmem:$0x15220] =	vst v63  }
0x73: {  	_ =	swait.ge [sflag:s17], $0x1400  }
0x74: {  	[sflag:s17] =	ssyncset.done $0x0  }
0x75: {  	s3 =	simm.s32 $0xA410;
	s21 =	simm.s32 $0x640;
	[sflag:s17] =	ssyncadd.s32 $0xFFFFEC00  }
.LBB2_2:
0x76: {  	[tilespmem:s22], [sflag:$0x4] =	stream.indirect.gather [hbm4b:s4+s15], $0x40, s3, s15, $0xb8;
	[tilespmem:$0x15220] =	vst v63  }
0x77: {  	s3 =	smov.u32 s21  }
0x78: {  	p0 =	sne.s32 s21, $0x8980;
	s21 =	sadd.s32 $0x640, s21;
	_ =	swait.ge [sflag:s23], $0x1400  }
0x79: {  	s3 =	sshra.s32 s3, $0x2;
	[sflag:s23] =	ssyncset.done $0x0  }
0x7a: {  	s5 =	sadd.s32 $0xC8A0, s3;
	[sflag:s23] =	ssyncadd.s32 $0xFFFFEC00  }
0x7b: {  	[spmem:s1] =	stream.indirect.scatter.add.f32 [tilespmem:s16], [sflag:$0x6], $0x40, s5, s15, $0xb8;
	[tilespmem:$0x15220] =	vst v63  }
0x7c: {  	_ =	swait.ge [sflag:s28], $0x1400  }
0x7d: {  	[sflag:s28] =	ssyncset.done $0x0  }
0x7e: {  	s5 =	sadd.s32 $0xA2D0, s3;
	[sflag:s28] =	ssyncadd.s32 $0xFFFFEC00  }
0x7f: {  	[tilespmem:s25], [sflag:$0x5] =	stream.indirect.gather [hbm4b:s4+s15], $0x40, s5, s15, $0xb8;
	[tilespmem:$0x15220] =	vst v63  }
0x80: {  	_ =	swait.ge [sflag:s26], $0x1400  }
0x81: {  	[sflag:s26] =	ssyncset.done $0x0  }
0x82: {  	s5 =	sadd.s32 $0xC8F0, s3;
	[sflag:s26] =	ssyncadd.s32 $0xFFFFEC00  }
0x83: {  	[spmem:s1] =	stream.indirect.scatter.add.f32 [tilespmem:s18], [sflag:$0x7], $0x40, s5, s15, $0xb8;
	[tilespmem:$0x15220] =	vst v63  }
0x84: {  	_ =	swait.ge [sflag:s29], $0x1400  }
0x85: {  	[sflag:s29] =	ssyncset.done $0x0  }
0x86: {  	s5 =	sadd.s32 $0xA320, s3;
	[sflag:s29] =	ssyncadd.s32 $0xFFFFEC00  }
0x87: {  	[tilespmem:s16], [sflag:$0x1] =	stream.indirect.gather [hbm4b:s4+s15], $0x40, s5, s15, $0xb8;
	[tilespmem:$0x15220] =	vst v63  }
0x88: {  	_ =	swait.ge [sflag:s31], $0x1400  }
0x89: {  	[sflag:s31] =	ssyncset.done $0x0  }
0x8a: {  	s5 =	sadd.s32 $0xC940, s3;
	[sflag:s31] =	ssyncadd.s32 $0xFFFFEC00  }
0x8b: {  	[spmem:s1] =	stream.indirect.scatter.add.f32 [tilespmem:s20], [sflag:$0x8], $0x40, s5, s15, $0xb8;
	[tilespmem:$0x15220] =	vst v63  }
0x8c: {  	_ =	swait.ge [sflag:s2], $0x1400  }
0x8d: {  	[sflag:s2] =	ssyncset.done $0x0  }
0x8e: {  	s5 =	sadd.s32 $0xA370, s3;
	[sflag:s2] =	ssyncadd.s32 $0xFFFFEC00  }
0x8f: {  	[tilespmem:s18], [sflag:$0x2] =	stream.indirect.gather [hbm4b:s4+s15], $0x40, s5, s15, $0xb8;
	[tilespmem:$0x15220] =	vst v63  }
0x90: {  	_ =	swait.ge [sflag:s19], $0x1400  }
0x91: {  	[sflag:s19] =	ssyncset.done $0x0  }
0x92: {  	s5 =	sadd.s32 $0xC990, s3;
	[sflag:s19] =	ssyncadd.s32 $0xFFFFEC00  }
0x93: {  	[spmem:s1] =	stream.indirect.scatter.add.f32 [tilespmem:s22], [sflag:$0x9], $0x40, s5, s15, $0xb8;
	[tilespmem:$0x15220] =	vst v63  }
0x94: {  	_ =	swait.ge [sflag:s24], $0x1400  }
0x95: {  	[sflag:s24] =	ssyncset.done $0x0  }
0x96: {  	s5 =	sadd.s32 $0xA3C0, s3;
	[sflag:s24] =	ssyncadd.s32 $0xFFFFEC00  }
0x97: {  	[tilespmem:s20], [sflag:$0x3] =	stream.indirect.gather [hbm4b:s4+s15], $0x40, s5, s15, $0xb8;
	[tilespmem:$0x15220] =	vst v63  }
0x98: {  	_ =	swait.ge [sflag:s30], $0x1400  }
0x99: {  	[sflag:s30] =	ssyncset.done $0x0  }
.Ltmp0:
0x9a: {  	s5 =	sadd.s32 $0xC9E0, s3;
	[sflag:s30] =	ssyncadd.s32 $0xFFFFEC00;
	(pc) =	sbr.rel @p0 .LBB2_2-.Ltmp0, $4  }
0x9b: {  	[spmem:s1] =	stream.indirect.scatter.add.f32 [tilespmem:s25], [sflag:$0xA], $0x40, s5, s15, $0xb8;
	[tilespmem:$0x15220] =	vst v63  }
0x9c: {  	_ =	swait.ge [sflag:s17], $0x1400  }
0x9d: {  	[sflag:s17] =	ssyncset.done $0x0  }
0x9e: {  	s3 =	sadd.s32 $0xA410, s3;
	[sflag:s17] =	ssyncadd.s32 $0xFFFFEC00  }
0x9f: {  	[tilespmem:s22], [sflag:$0x4] =	stream.indirect.gather [hbm4b:s4+s15], $0x40, s3, s15, $0xb8;
	[tilespmem:$0x15220] =	vst v63  }
0xa0: {  	_ =	swait.ge [sflag:s23], $0x1400  }
0xa1: {  	[sflag:s23] =	ssyncset.done $0x0  }
0xa2: {  	s5 =	simm.s32 $0xEC90;
	[sflag:s23] =	ssyncadd.s32 $0xFFFFEC00  }
0xa3: {  	[spmem:s1] =	stream.indirect.scatter.add.f32 [tilespmem:s16], [sflag:$0x6], $0x40, s5, s15, $0xb8;
	[tilespmem:$0x15220] =	vst v63  }
0xa4: {  	_ =	swait.ge [sflag:s28], $0x1400  }
0xa5: {  	[sflag:s28] =	ssyncset.done $0x0  }
0xa6: {  	s21 =	simm.s32 $0xC6C0;
	[sflag:s28] =	ssyncadd.s32 $0xFFFFEC00  }
0xa7: {  	[tilespmem:s25], [sflag:$0x5] =	stream.indirect.gather [hbm4b:s4+s15], $0x40, s21, s15, $0xb8;
	[tilespmem:$0x15220] =	vst v63  }
0xa8: {  	_ =	swait.ge [sflag:s26], $0x1400  }
0xa9: {  	[sflag:s26] =	ssyncset.done $0x0  }
0xaa: {  	s5 =	simm.s32 $0xECE0;
	[sflag:s26] =	ssyncadd.s32 $0xFFFFEC00  }
0xab: {  	[spmem:s1] =	stream.indirect.scatter.add.f32 [tilespmem:s18], [sflag:$0x7], $0x40, s5, s15, $0xb8;
	[tilespmem:$0x15220] =	vst v63  }
0xac: {  	_ =	swait.ge [sflag:s29], $0x1400  }
0xad: {  	[sflag:s29] =	ssyncset.done $0x0  }
0xae: {  	[sflag:s29] =	ssyncadd.s32 $0xFFFFEC00  }
0xaf: {  	_ =	swait.ge [sflag:s31], $0x1400  }
0xb0: {  	[sflag:s31] =	ssyncset.done $0x0  }
0xb1: {  	s21 =	simm.s32 $0xED30;
	[sflag:s31] =	ssyncadd.s32 $0xFFFFEC00  }
0xb2: {  	[spmem:s1] =	stream.indirect.scatter.add.f32 [tilespmem:s20], [sflag:$0x8], $0x40, s21, s15, $0xb8;
	[tilespmem:$0x15220] =	vst v63  }
0xb3: {  	_ =	swait.ge [sflag:s2], $0x1400  }
0xb4: {  	[sflag:s2] =	ssyncset.done $0x0  }
0xb5: {  	[sflag:s2] =	ssyncadd.s32 $0xFFFFEC00  }
0xb6: {  	_ =	swait.ge [sflag:s19], $0x1400  }
0xb7: {  	[sflag:s19] =	ssyncset.done $0x0  }
0xb8: {  	s5 =	simm.s32 $0xED80;
	[sflag:s19] =	ssyncadd.s32 $0xFFFFEC00  }
0xb9: {  	[spmem:s1] =	stream.indirect.scatter.add.f32 [tilespmem:s22], [sflag:$0x9], $0x40, s5, s15, $0xb8;
	[tilespmem:$0x15220] =	vst v63  }
0xba: {  	_ =	swait.ge [sflag:s24], $0x1400  }
0xbb: {  	[sflag:s24] =	ssyncset.done $0x0  }
0xbc: {  	[sflag:s24] =	ssyncadd.s32 $0xFFFFEC00  }
0xbd: {  	_ =	swait.ge [sflag:s30], $0x1400  }
0xbe: {  	[sflag:s30] =	ssyncset.done $0x0  }
0xbf: {  	s21 =	simm.s32 $0xEDD0;
	[sflag:s30] =	ssyncadd.s32 $0xFFFFEC00  }
0xc0: {  	[spmem:s1] =	stream.indirect.scatter.add.f32 [tilespmem:s25], [sflag:$0xA], $0x40, s21, s15, $0xb8;
	[tilespmem:$0x15220] =	vst v63  }
0xc1: {  	_ =	swait.ge [sflag:s17], $0x1400  }
0xc2: {  	[sflag:s17] =	ssyncset.done $0x0  }
0xc3: {  	[sflag:s17] =	ssyncadd.s32 $0xFFFFEC00  }
0xc4: {  	_ =	swait.ge [sflag:s28], $0x1400  }
0xc5: {  	s0 =	sadd.s32 $0x1, s0;
	[sflag:s28] =	ssyncset.done $0x0  }
0xc6: {  	p0 =	sne.s32 s0, s10;
	[sflag:s28] =	ssyncadd.s32 $0xFFFFEC00  }
.Ltmp1:
0xc7: {  	[bflag:$0x0] =	sbarrier.arrive $0xFFFF;
	(pc) =	sbr.rel @p0 .LBB2_1-.Ltmp1, $4  }
0xc8: {  	[hbm:s9], [sflag:s6] =	dma.local [spmem:s11], $0x1400  }
0xc9: {  	_ =	swait.ge [sflag:s12], $0x1400  }
0xca: {  	[sflag:s12] =	ssyncset.done $0x0  }
0xcb: {  	[sflag:s12] =	ssyncadd.s32 $0xFFFFEC00  }
0xcc: {  	_ =	sfence.sel $0x180000  }
0xcd: {  	[bflag:$0x0] =	sbarrier.arrive $0xFFFF  }
0xce: {  	_ =	strace $0x9000004A  }
0xcf: {  	s0 =	stileid.u32;
	[bflag:$0x2] =	sbarrier.arrive $0xFFFF  }
0xd0: {  	p0 =	sne.s32 s0, $0x0;
	s0 =	rddreg [dreg:$0x3]  }
0xd1: {  	s0 =	sadd.s32 @!p0 $0x100000, s0  }
0xd2: {  	[sflag:s0] =	ssyncadd.tile.s32 @!p0 $0x1;
	_ =	shalt  }
.Lfunc_end2:
_tile_overlayer_lowered:
.L_overlay_start_2:
0xd3: {  	(tag) =	ssettag $0x2  }
0xd4: {  	s0 =	rddreg [dreg:$0x0];
	s2 =	stileid.u32  }
0xd5: {  	s1 =	rddreg [dreg:$0x1];
	p0 =	sne.s32 s2, $0x0  }
0xd6: {  	s3 =	rddreg [dreg:$0x2];
	[bflag:$0x3] =	sbarrier.arrive $0xFFFF;
	s2 =	simm.s32 @!p0 $0x1C0B  }
0xd7: {  	[timem:s3], [sflag:s2] =	dma.local @!p0 [hbm:s0], s1  }
0xd8: {  	s0 =	simm.s32 @!p0 $0xB  }
0xd9: {  	_ =	swait.ge @!p0 [sflag:s0], s1  }
0xda: {  	s1 =	ssub.s32 @!p0 $0x0, s1;
	[sflag:s0] =	ssyncset.done @!p0 $0x0  }
0xdb: {  	[sflag:s0] =	ssyncadd.s32 @!p0 s1  }
0xdc: {  	[bflag:$0x3] =	sbarrier.arrive $0xFFFF  }
0xdd: {  	_ =	shalt  }

// kernel: kernel.15.cloned.1.call-start
scs
__scs_entry_jumppad:
0x0: {  	(pc) =	sbr.rel $0x88, $3  }
0x1: {  	(tag) =	ssettag $0x0;
	lr =	simm.s32 $0x1  }
0x2: {  	[smem:$0x3F9B] =	sst lr;
	_ =	strace $0xD0000000  }
0x3: {  	_ = 	snop  }
0x4: {  	_ = 	snop  }
0x5: {  	_ = 	snop  }
0x6: {  	_ = 	snop  }
0x7: {  	_ = 	snop  }
__scs_overlays_trampoline_lowered:
0x8: {  	[smem:$0x3FAA] =	sst s0  }
0x9: {  	[smem:$0x3FAB] =	sst s1  }
0xa: {  	[smem:$0x3FAC] =	sst s2  }
0xb: {  	[smem:$0x3FAD] =	sst s3  }
0xc: {  	[smem:$0x3FAE] =	sst s4  }
0xd: {  	[smem:$0x3FAF] =	sst s5  }
0xe: {  	[smem:$0x3FB0] =	sst s6  }
0xf: {  	[smem:$0x3FB1] =	sst s7  }
0x10: {  	[smem:$0x3FB2] =	sst s8  }
0x11: {  	[smem:$0x3FB3] =	sst s9;
	s0 =	simm.s32 @!p0 $0x0  }
0x12: {  	s1 =	sld [smem:$0x3F99];
	s0 =	simm.s32 @p0 $0x1  }
0x13: {  	[smem:$0x3FB4] =	sst s0;
	s0 =	simm.s32 @!p1 $0x0  }
0x14: {  	s2 =	sld [smem:$0x3F98];
	s0 =	simm.s32 @p1 $0x1  }
0x15: {  	[smem:$0x3FB5] =	sst s0;
	s0 =	simm.s32 @!p2 $0x0  }
0x16: {  	s3 =	sld [smem:$0x3FDB];
	s0 =	simm.s32 @p2 $0x1  }
0x17: {  	s4 =	simm.s32 $0x1BF5;
	[smem:$0x3FB7] =	sst s0  }
0x18: {  	s0 =	sld [smem:$0x3F9A];
	_ =	swait.ge [sflag:s4], $0x0  }
0x19: {  	s7 =	sld [smem:$0x3F9B]  }
0x1a: {  	s8 =	sadd.s32 $0xFFFFE003, lr  }
0x1b: {  	s9 =	sadd.s32 $0xFFFFFEF7, lr;
	s5 =	simm.s32 $0xFFFFFFFF;
	p2 =	slt.u32 s8, $0xFFFFF086  }
0x1c: {  	p1 =	slt.u32 s9, $0xF7A;
	s5 =	simm.s32 @!p2 $0x0  }
0x1d: {  	s5 =	simm.s32 @p1 $0x1;
	p0 =	seq.s32 s7, s2  }
0x1e: {  	s7 =	smul.u32 @!p0 $0xF7A, s2;
	p2 =	seq.s32 @!p0 s5, $0x0  }
0x1f: {  	s9 =	smul.u32 $0xF7A, s1;
	s8 =	simm.s32 @!p0 $0x1BF5;
	p2 =	por !p2, p0  }
0x20: {  	[sflag:s8] =	ssyncset.s32 @!p0 $0xFFFFF086;
	s6 =	sadd.s32 @!p0 s3, s7;
	s7 =	simm.s32 @!p0 $0x108  }
0x21: {  	s3 =	sadd.s32 s3, s9;
	s6 =	sadd.s32 @!p0 $0x88, s6;
	s7 =	simm.s32 @p2 $0x1082  }
0x22: {  	[simem:s7], [sflag:s8] =	dma.local @!p0 [hbm:s6], $0xF7A  }
0x23: {  	s9 =	sor.u32 $0xD0000000, s2;
	s6 =	simm.s32 $0x108;
	_ =	swait.ge @!p0 [sflag:s8], $0x0  }
0x24: {  	s3 =	sadd.s32 $0x88, s3;
	s6 =	simm.s32 @!p1 $0x1082;
	[sflag:s4] =	ssyncset.s32 $0xFFFFF086  }
0x25: {  	[simem:s6], [sflag:s4] =	dma.local [hbm:s3], $0xF7A  }
0x26: {  	[smem:$0x3F9B] =	sst s1;
	(tag) =	ssettag s2;
	_ =	strace s9  }
0x27: {  	s1 =	sld [smem:$0x3FAB]  }
0x28: {  	s2 =	sld [smem:$0x3FAC]  }
0x29: {  	s4 =	sld [smem:$0x3FAE]  }
0x2a: {  	p0 =	seq.s32 s5, $0x0;
	s5 =	sld [smem:$0x3FAF]  }
0x2b: {  	s6 =	sld [smem:$0x3FB0]  }
0x2c: {  	s7 =	sld [smem:$0x3FB1]  }
0x2d: {  	s3 =	simm.s32 $0x108;
	s8 =	sld [smem:$0x3FB2]  }
0x2e: {  	s3 =	simm.s32 @!p0 $0x1082;
	s9 =	sld [smem:$0x3FB3]  }
0x2f: {  	lr =	sadd.s32 s0, s3;
	s0 =	sld [smem:$0x3FAA]  }
0x30: {  	s3 =	sld [smem:$0x3FAD]  }
0x31: {  	[smem:$0x3FB6] =	sst s10  }
0x32: {  	s10 =	sld [smem:$0x3FB4];
	_ =	sdelay $0x3  }
0x33: {  	p0 =	seq.s32 s10, $0x1;
	s10 =	sld [smem:$0x3FB6];
	_ =	sdelay $0x3  }
0x34: {  	[smem:$0x3FB6] =	sst s10  }
0x35: {  	s10 =	sld [smem:$0x3FB5];
	_ =	sdelay $0x3  }
0x36: {  	p1 =	seq.s32 s10, $0x1;
	s10 =	sld [smem:$0x3FB6];
	_ =	sdelay $0x3  }
0x37: {  	[smem:$0x3FB6] =	sst s10  }
0x38: {  	s10 =	sld [smem:$0x3FB7]  }
0x39: {  	_ = 	snop;
	(pc) =	sbr.ind lr, $3  }
0x3a: {  	_ = 	snop  }
0x3b: {  	_ = 	snop  }
0x3c: {  	p2 =	seq.s32 s10, $0x1;
	s10 =	sld [smem:$0x3FB6]  }
0x3d: {  	_ =	shalt  }
0x3e: {  	_ =	shalt  }
0x3f: {  	_ =	shalt  }
0x40: {  	_ =	shalt  }
0x41: {  	_ =	shalt  }
0x42: {  	_ =	shalt  }
0x43: {  	_ =	shalt  }
0x44: {  	_ =	shalt  }
0x45: {  	_ =	shalt  }
0x46: {  	_ =	shalt  }
0x47: {  	_ =	shalt  }
0x48: {  	_ =	shalt  }
0x49: {  	_ =	shalt  }
0x4a: {  	_ =	shalt  }
0x4b: {  	_ =	shalt  }
0x4c: {  	_ =	shalt  }
0x4d: {  	_ =	shalt  }
0x4e: {  	_ =	shalt  }
0x4f: {  	_ =	shalt  }
0x50: {  	_ =	shalt  }
0x51: {  	_ =	shalt  }
0x52: {  	_ =	shalt  }
0x53: {  	_ =	shalt  }
0x54: {  	_ =	shalt  }
0x55: {  	_ =	shalt  }
0x56: {  	_ =	shalt  }
0x57: {  	_ =	shalt  }
0x58: {  	_ =	shalt  }
0x59: {  	_ =	shalt  }
0x5a: {  	_ =	shalt  }
0x5b: {  	_ =	shalt  }
0x5c: {  	_ =	shalt  }
0x5d: {  	_ =	shalt  }
0x5e: {  	_ =	shalt  }
0x5f: {  	_ =	shalt  }
0x60: {  	_ =	shalt  }
0x61: {  	_ =	shalt  }
0x62: {  	_ =	shalt  }
0x63: {  	_ =	shalt  }
0x64: {  	_ =	shalt  }
0x65: {  	_ =	shalt  }
0x66: {  	_ =	shalt  }
0x67: {  	_ =	shalt  }
0x68: {  	_ =	shalt  }
0x69: {  	_ =	shalt  }
0x6a: {  	_ =	shalt  }
0x6b: {  	_ =	shalt  }
0x6c: {  	_ =	shalt  }
0x6d: {  	_ =	shalt  }
0x6e: {  	_ =	shalt  }
0x6f: {  	_ =	shalt  }
0x70: {  	_ =	shalt  }
0x71: {  	_ =	shalt  }
0x72: {  	_ =	shalt  }
0x73: {  	_ =	shalt  }
0x74: {  	_ =	shalt  }
0x75: {  	_ =	shalt  }
0x76: {  	_ =	shalt  }
0x77: {  	_ =	shalt  }
0x78: {  	_ =	shalt  }
0x79: {  	_ =	shalt  }
0x7a: {  	_ =	shalt  }
0x7b: {  	_ =	shalt  }
0x7c: {  	_ =	shalt  }
0x7d: {  	_ =	shalt  }
0x7e: {  	_ =	shalt  }
0x7f: {  	_ =	shalt  }
0x80: {  	_ =	shalt  }
0x81: {  	_ =	shalt  }
0x82: {  	_ =	shalt  }
0x83: {  	_ =	shalt  }
0x84: {  	_ =	shalt  }
0x85: {  	_ =	shalt  }
0x86: {  	_ =	shalt  }
0x87: {  	_ =	shalt  }
.Lfunc_end0:
.L_simem_size_0:
called_computation.2_lowered:
.L_overlay_start_0:
0x88: {  	s2 =	sld [smem:$0x3FD9]  }
0x89: {  	s3 =	sld [smem:$0x3FFE];
	_ =	sdelay $0x1  }
0x8a: {  	s1 =	srdreg.scid  }
0x8b: {  	s0 =	sand.u32 $0x1, s1  }
0x8c: {  	s17 =	sshll.u32 s0, $0xA;
	s2 =	sadd.s32 s3, s2  }
0x8d: {  	s2 =	sadd.s32 s2, s17  }
0x8e: {  	[smem:$0x3FC2] =	sst s2  }
0x8f: {  	_ = 	snop  }
0x90: {  	s2 =	sld [smem:$0x3FD0];
	(tm) =	ssettm $0x1  }
0x91: {  	s18 =	sld [smem:$0x3FFB];
	_ =	sdelay $0x3  }
0x92: {  	_ =	strace s18  }
0x93: {  	s3 =	sld [smem:$0x3FFC];
	_ =	sdelay $0x3  }
0x94: {  	_ =	strace s3  }
0x95: {  	s3 =	sld [smem:$0x3FFD];
	_ =	sdelay $0x3  }
0x96: {  	_ =	strace s3  }
0x97: {  	_ =	strace $0x8FFFFFFF  }
0x98: {  	s19 =	sld [smem:$0x3FDB];
	_ =	sdelay $0x1  }
0x99: {  	s4 =	simm.s32 $_scs_section_size  }
0x9a: {  	s5 =	simm.s32 $_size__tile_overlayer_lowered;
	s6 =	simm.s32 $_tile_overlayer_lowered  }
0x9b: {  	s22 =	simm.s32 $0x1BFF;
	s21 =	sshll.u32 s6, $0x1;
	s3 =	sadd.s32 s4, s19  }
0x9c: {  	s7 =	simm.s32 $0x0;
	s20 =	sshll.u32 s5, $0x1;
	s5 =	sadd.s32 s21, s3  }
0x9d: {  	[timem:s7], [sflag:s22] =	dma.local [hbm:s5], s20  }
0x9e: {  	_ =	swait.ge [sflag:s22], s20  }
0x9f: {  	s4 =	ssub.s32 $0x0, s20;
	[sflag:s22] =	ssyncset.done $0x0  }
0xa0: {  	[sflag:s22] =	ssyncadd.s32 s4;
	_ =	sdelay $0x1  }
0xa1: {  	s23 =	simm.s32 $0x1B8B  }
0xa2: {  	_ =	swait.ge [sflag:s23], $0x1  }
0xa3: {  	[sflag:s23] =	ssyncset.done $0x0  }
0xa4: {  	s25 =	simm.s32 $0x1B8E;
	s24 =	sld [smem:$0x3FFE];
	[sflag:s23] =	ssyncadd.s32 $0xFFFFFFFF  }
0xa5: {  	s26 =	simm.s32 $execute0_lowered;
	[smem:$0x3FD2] =	sst s25  }
0xa6: {  	s5 =	sshll.u32 s26, $0x1;
	_ =	strace $0x8000004C;
	[dreg:$0x1] =	wrdreg $0xFFFFFFFF  }
0xa7: {  	s28 =	simm.s32 $_size_execute0_lowered;
	s3 =	sadd.s32 s3, s5;
	[dreg:$0x0] =	wrdreg $0x0  }
0xa8: {  	s5 =	sshll.u32 s28, $0x1;
	[dreg:$0x2] =	wrdreg s3  }
0xa9: {  	[dreg:$0x3] =	wrdreg s5  }
0xaa: {  	[dreg:$0x4] =	wrdreg $0xC0  }
0xab: {  	_ =	task [dreg:s7], $0x5FFFF  }
0xac: {  	[dreg:$0x1] =	wrdreg $0xFFFFFFFF  }
0xad: {  	[dreg:$0x0] =	wrdreg $0x60  }
0xae: {  	[dreg:$0x2] =	wrdreg s24  }
0xaf: {  	[dreg:$0x3] =	wrdreg s2  }
0xb0: {  	[dreg:$0x4] =	wrdreg $0x0  }
0xb1: {  	[dreg:$0x5] =	wrdreg $0x9  }
0xb2: {  	_ =	task.clear_ibuf [dreg:s7], $0x6FFFF;
	_ =	strace $0x9000004C  }
0xb3: {  	s29 =	simm.s32 $0x9;
	_ =	strace $0x8000004E  }
0xb4: {  	_ =	swait.ge [sflag:s29], $0x1  }
0xb5: {  	[sflag:s29] =	ssyncadd.s32 $0xFFFFFFFF  }
0xb6: {  	_ =	strace $0x9000004E  }
0xb7: {  	_ =	sfence  }
0xb8: {  	s30 =	sld [smem:$0x0];
	_ =	sdelay $0x2  }
0xb9: {  	s31 =	sshll.u32 s1, $0xD;
	s1 =	sshrl.u32 s1, $0x2  }
0xba: {  	s3 =	sand.u32 $0x4000, s31;
	s1 =	sadd.s32 s1, s30  }
0xbb: {  	s0 =	sor.u32 s3, s0;
	s1 =	sshll.u32 s1, $0x11  }
0xbc: {  	s0 =	sor.u32 s1, s0  }
0xbd: {  	s0 =	sadd.s32 $0x8F2B, s0  }
0xbe: {  	[sflag:s0] =	ssyncadd.remote.s32 $0x1  }
0xbf: {  	_ =	sfence.sel $0xFFFF  }
0xc0: {  	[dreg:$0x0] =	wrdreg $0xFFFFFFFF;
	(pc) =	sbr.abs _section_cstart, $3  }
0xc1: {  	[dreg:$0x1] =	wrdreg $0xFFFFFFFF  }
0xc2: {  	_ =	task.clear_ibuf [dreg:s7], $0x2FFFF;
	_ =	strace $0x9FFFFFFF  }
0xc3: {  	(tm) =	ssettm $0x7FFFFFFF  }
tec
execute0_lowered:
.L_overlay_start_1:
0x0: {  	(tag) =	ssettag $0x1  }
0x1: {  	s0 =	rddreg [dreg:$0x0]  }
0x2: {  	s2 =	rddreg [dreg:$0x1]  }
0x3: {  	s1 =	rddreg [dreg:$0x2];
	s3 =	simm.s32 $0x0;
	s23 =	srdreg.scid  }
0x4: {  	s9 =	stileid.u32;
	s12 =	simm.s32 $0xB;
	s13 =	simm.s32 $0xA000  }
0x5: {  	s14 =	simm.s32 $0xC710;
	s15 =	simm.s32 $0x50;
	s16 =	simm.s32 $0xEE20  }
0x6: {  	s18 =	simm.s32 $0x10220;
	s20 =	simm.s32 $0x11620;
	s22 =	simm.s32 $0x12A20  }
0x7: {  	s29 =	simm.s32 $0x6;
	s31 =	simm.s32 $0x3;
	s19 =	simm.s32 $0x4  }
0x8: {  	s30 =	simm.s32 $0x5;
	s17 =	simm.s32 $0x9;
	s28 =	simm.s32 $0xA  }
0x9: {  	[smem:$0x7FF] =	sst s3;
	s3 =	sand.u32 $0x1, s23;
	s5 =	smul.u32 $0x1400, s9  }
0xa: {  	s4 =	sadd.s32 $0x2C00, s0;
	s8 =	smul.u32 $0xA000, s9;
	s26 =	sshll.u32 s9, $0x6  }
0xb: {  	s23 =	simm.s32 $0x1;
	_ =	strace $0x8000004D;
	s7 =	sshll.u32 s3, $0x4  }
0xc: {  	s6 =	smul.u32 $0x14000, s3;
	s3 =	ssub.s32 $0x2, s3;
	s7 =	sor.u32 s9, s7  }
0xd: {  	s24 =	sshrl.u32 s3, $0x1;
	s11 =	sadd.s32 s8, s1;
	s25 =	sshrl.u32 s8, $0x3  }
0xe: {  	s5 =	sadd.s32 s5, s6;
	s7 =	smul.u32 $0x2710, s7;
	s3 =	ssub.s32 s3, s24  }
0xf: {  	s6 =	sor.u32 $0x1C0B, s26;
	s11 =	sshrl.u32 s11, $0x3;
	s26 =	simm.s32 $0x2  }
0x10: {  	s24 =	simm.s32 $0x8;
	s0 =	sadd.s32 s5, s0;
	s5 =	sadd.s32 s4, s25  }
0x11: {  	s10 =	smax.u32 s3, $0x1;
	s25 =	simm.s32 $0x13E20;
	s7 =	sshrl.u32 s7, $0x3  }
0x12: {  	[dreg:$0x4] =	wrdreg s5;
	s9 =	sadd.s32 $0x16C00, s0;
	s7 =	sadd.s32 s2, s7  }
0x13: {  	s0 =	simm.s32 $0x0;
	s2 =	simm.s32 $0x7;
	s8 =	sadd.s32 $0x9C40, s7  }
.LBB2_1:
0x14: {  	s3 =	rddreg [dreg:$0x4]  }
0x15: {  	[spmem:s11], [sflag:s6] =	dma.local [hbm:s3], $0x1400  }
0x16: {  	_ =	swait.ge [sflag:s12], $0x1400  }
0x17: {  	[sflag:s12] =	ssyncset.done $0x0  }
0x18: {  	s5 =	simm.s32 $0x0;
	[sflag:s12] =	ssyncadd.s32 $0xFFFFEC00  }
0x19: {  	[tilespmem:s13], [sflag:$0xB] =	stream.linear.gather [hbm4b:s7+s5], $0x2710, $0x38;
	[tilespmem:$0x15220] =	vst v63  }
0x1a: {  	_ =	swait.ge [sflag:s12], $0x2710  }
0x1b: {  	[sflag:s12] =	ssyncset.done $0x0  }
0x1c: {  	[sflag:s12] =	ssyncadd.s32 $0xFFFFD8F0  }
0x1d: {  	[tilespmem:s14], [sflag:$0xB] =	stream.linear.gather [hbm4b:s8+s5], $0x2710, $0x38;
	[tilespmem:$0x15220] =	vst v63  }
0x1e: {  	_ =	swait.ge [sflag:s12], $0x2710  }
0x1f: {  	[sflag:s12] =	ssyncset.done $0x0  }
0x20: {  	[sflag:s12] =	ssyncadd.s32 $0xFFFFD8F0  }
0x21: {  	[bflag:$0x0] =	sbarrier.arrive $0xFFFF  }
0x22: {  	[tilespmem:s16], [sflag:$0x1] =	stream.indirect.gather [hbm4b:s4+s15], $0x40, s13, s15, $0xb8;
	[tilespmem:$0x15220] =	vst v63  }
0x23: {  	s21 =	simm.s32 $0xA050  }
0x24: {  	[tilespmem:s18], [sflag:$0x2] =	stream.indirect.gather [hbm4b:s4+s15], $0x40, s21, s15, $0xb8;
	[tilespmem:$0x15220] =	vst v63  }
0x25: {  	s5 =	simm.s32 $0xA0A0  }
0x26: {  	[tilespmem:s20], [sflag:$0x3] =	stream.indirect.gather [hbm4b:s4+s15], $0x40, s5, s15, $0xb8;
	[tilespmem:$0x15220] =	vst v63  }
0x27: {  	s21 =	simm.s32 $0xA0F0  }
0x28: {  	[tilespmem:s22], [sflag:$0x4] =	stream.indirect.gather [hbm4b:s4+s15], $0x40, s21, s15, $0xb8;
	[tilespmem:$0x15220] =	vst v63  }
0x29: {  	_ =	swait.ge [sflag:s23], $0x1400  }
0x2a: {  	[sflag:s23] =	ssyncset.done $0x0  }
0x2b: {  	[sflag:s23] =	ssyncadd.s32 $0xFFFFEC00  }
0x2c: {  	[spmem:s1] =	stream.indirect.scatter.add.f32 [tilespmem:s16], [sflag:$0x6], $0x40, s14, s15, $0xb8;
	[tilespmem:$0x15220] =	vst v63  }
0x2d: {  	s5 =	simm.s32 $0xA140  }
0x2e: {  	[tilespmem:s25], [sflag:$0x5] =	stream.indirect.gather [hbm4b:s4+s15], $0x40, s5, s15, $0xb8;
	[tilespmem:$0x15220] =	vst v63  }
0x2f: {  	_ =	swait.ge [sflag:s26], $0x1400  }
0x30: {  	[sflag:s26] =	ssyncset.done $0x0  }
0x31: {  	s21 =	simm.s32 $0xC760;
	[sflag:s26] =	ssyncadd.s32 $0xFFFFEC00  }
0x32: {  	[spmem:s1] =	stream.indirect.scatter.add.f32 [tilespmem:s18], [sflag:$0x7], $0x40, s21, s15, $0xb8;
	[tilespmem:$0x15220] =	vst v63  }
0x33: {  	_ =	swait.ge [sflag:s29], $0x1400  }
0x34: {  	[sflag:s29] =	ssyncset.done $0x0  }
0x35: {  	s5 =	simm.s32 $0xA190;
	[sflag:s29] =	ssyncadd.s32 $0xFFFFEC00  }
0x36: {  	[tilespmem:s16], [sflag:$0x1] =	stream.indirect.gather [hbm4b:s4+s15], $0x40, s5, s15, $0xb8;
	[tilespmem:$0x15220] =	vst v63  }
0x37: {  	_ =	swait.ge [sflag:s31], $0x1400  }
0x38: {  	[sflag:s31] =	ssyncset.done $0x0  }
0x39: {  	s21 =	simm.s32 $0xC7B0;
	[sflag:s31] =	ssyncadd.s32 $0xFFFFEC00  }
0x3a: {  	[spmem:s1] =	stream.indirect.scatter.add.f32 [tilespmem:s20], [sflag:$0x8], $0x40, s21, s15, $0xb8;
	[tilespmem:$0x15220] =	vst v63  }
0x3b: {  	_ =	swait.ge [sflag:s2], $0x1400  }
0x3c: {  	[sflag:s2] =	ssyncset.done $0x0  }
0x3d: {  	s5 =	simm.s32 $0xA1E0;
	[sflag:s2] =	ssyncadd.s32 $0xFFFFEC00  }
0x3e: {  	[tilespmem:s18], [sflag:$0x2] =	stream.indirect.gather [hbm4b:s4+s15], $0x40, s5, s15, $0xb8;
	[tilespmem:$0x15220] =	vst v63  }
0x3f: {  	_ =	swait.ge [sflag:s19], $0x1400  }
0x40: {  	[sflag:s19] =	ssyncset.done $0x0  }
0x41: {  	s21 =	simm.s32 $0xC800;
	[sflag:s19] =	ssyncadd.s32 $0xFFFFEC00  }
0x42: {  	[spmem:s1] =	stream.indirect.scatter.add.f32 [tilespmem:s22], [sflag:$0x9], $0x40, s21, s15, $0xb8;
	[tilespmem:$0x15220] =	vst v63  }
0x43: {  	_ =	swait.ge [sflag:s24], $0x1400  }
0x44: {  	[sflag:s24] =	ssyncset.done $0x0  }
0x45: {  	s5 =	simm.s32 $0xA230;
	[sflag:s24] =	ssyncadd.s32 $0xFFFFEC00  }
0x46: {  	[tilespmem:s20], [sflag:$0x3] =	stream.indirect.gather [hbm4b:s4+s15], $0x40, s5, s15, $0xb8;
	[tilespmem:$0x15220] =	vst v63  }
0x47: {  	_ =	swait.ge [sflag:s30], $0x1400  }
0x48: {  	[sflag:s30] =	ssyncset.done $0x0  }
0x49: {  	s21 =	simm.s32 $0xC850;
	[sflag:s30] =	ssyncadd.s32 $0xFFFFEC00  }
0x4a: {  	[spmem:s1] =	stream.indirect.scatter.add.f32 [tilespmem:s25], [sflag:$0xA], $0x40, s21, s15, $0xb8;
	[tilespmem:$0x15220] =	vst v63  }
0x4b: {  	_ =	swait.ge [sflag:s17], $0x1400  }
0x4c: {  	[sflag:s17] =	ssyncset.done $0x0  }
0x4d: {  	s5 =	simm.s32 $0xA280;
	[sflag:s17] =	ssyncadd.s32 $0xFFFFEC00  }
0x4e: {  	[tilespmem:s22], [sflag:$0x4] =	stream.indirect.gather [hbm4b:s4+s15], $0x40, s5, s15, $0xb8;
	[tilespmem:$0x15220] =	vst v63  }
0x4f: {  	_ =	swait.ge [sflag:s23], $0x1400  }
0x50: {  	[sflag:s23] =	ssyncset.done $0x0  }
0x51: {  	s21 =	simm.s32 $0xC8A0;
	[sflag:s23] =	ssyncadd.s32 $0xFFFFEC00  }
0x52: {  	[spmem:s1] =	stream.indirect.scatter.add.f32 [tilespmem:s16], [sflag:$0x6], $0x40, s21, s15, $0xb8;
	[tilespmem:$0x15220] =	vst v63  }
0x53: {  	_ =	swait.ge [sflag:s28], $0x1400  }
0x54: {  	[sflag:s28] =	ssyncset.done $0x0  }
0x55: {  	s5 =	simm.s32 $0xA2D0;
	[sflag:s28] =	ssyncadd.s32 $0xFFFFEC00  }
0x56: {  	[tilespmem:s25], [sflag:$0x5] =	stream.indirect.gather [hbm4b:s4+s15], $0x40, s5, s15, $0xb8;
	[tilespmem:$0x15220] =	vst v63  }
0x57: {  	_ =	swait.ge [sflag:s26], $0x1400  }
0x58: {  	[sflag:s26] =	ssyncset.done $0x0  }
0x59: {  	s21 =	simm.s32 $0xC8F0;
	[sflag:s26] =	ssyncadd.s32 $0xFFFFEC00  }
0x5a: {  	[spmem:s1] =	stream.indirect.scatter.add.f32 [tilespmem:s18], [sflag:$0x7], $0x40, s21, s15, $0xb8;
	[tilespmem:$0x15220] =	vst v63  }
0x5b: {  	_ =	swait.ge [sflag:s29], $0x1400  }
0x5c: {  	[sflag:s29] =	ssyncset.done $0x0  }
0x5d: {  	s5 =	simm.s32 $0xA320;
	[sflag:s29] =	ssyncadd.s32 $0xFFFFEC00  }
0x5e: {  	[tilespmem:s16], [sflag:$0x1] =	stream.indirect.gather [hbm4b:s4+s15], $0x40, s5, s15, $0xb8;
	[tilespmem:$0x15220] =	vst v63  }
0x5f: {  	_ =	swait.ge [sflag:s31], $0x1400  }
0x60: {  	[sflag:s31] =	ssyncset.done $0x0  }
0x61: {  	s21 =	simm.s32 $0xC940;
	[sflag:s31] =	ssyncadd.s32 $0xFFFFEC00  }
0x62: {  	[spmem:s1] =	stream.indirect.scatter.add.f32 [tilespmem:s20], [sflag:$0x8], $0x40, s21, s15, $0xb8;
	[tilespmem:$0x15220] =	vst v63  }
0x63: {  	_ =	swait.ge [sflag:s2], $0x1400  }
0x64: {  	[sflag:s2] =	ssyncset.done $0x0  }
0x65: {  	s5 =	simm.s32 $0xA370;
	[sflag:s2] =	ssyncadd.s32 $0xFFFFEC00  }
0x66: {  	[tilespmem:s18], [sflag:$0x2] =	stream.indirect.gather [hbm4b:s4+s15], $0x40, s5, s15, $0xb8;
	[tilespmem:$0x15220] =	vst v63  }
0x67: {  	_ =	swait.ge [sflag:s19], $0x1400  }
0x68: {  	[sflag:s19] =	ssyncset.done $0x0  }
0x69: {  	s21 =	simm.s32 $0xC990;
	[sflag:s19] =	ssyncadd.s32 $0xFFFFEC00  }
0x6a: {  	[spmem:s1] =	stream.indirect.scatter.add.f32 [tilespmem:s22], [sflag:$0x9], $0x40, s21, s15, $0xb8;
	[tilespmem:$0x15220] =	vst v63  }
0x6b: {  	_ =	swait.ge [sflag:s24], $0x1400  }
0x6c: {  	[sflag:s24] =	ssyncset.done $0x0  }
0x6d: {  	s5 =	simm.s32 $0xA3C0;
	[sflag:s24] =	ssyncadd.s32 $0xFFFFEC00  }
0x6e: {  	[tilespmem:s20], [sflag:$0x3] =	stream.indirect.gather [hbm4b:s4+s15], $0x40, s5, s15, $0xb8;
	[tilespmem:$0x15220] =	vst v63  }
0x6f: {  	_ =	swait.ge [sflag:s30], $0x1400  }
0x70: {  	[sflag:s30] =	ssyncset.done $0x0  }
0x71: {  	s21 =	simm.s32 $0xC9E0;
	[sflag:s30] =	ssyncadd.s32 $0xFFFFEC00  }
0x72: {  	[spmem:s1] =	stream.indirect.scatter.add.f32 [tilespmem:s25], [sflag:$0xA], $0x40, s21, s15, $0xb8;
	[tilespmem:$0x15220] =	vst v63  }
0x73: {  	_ =	swait.ge [sflag:s17], $0x1400  }
0x74: {  	[sflag:s17] =	ssyncset.done $0x0  }
0x75: {  	s3 =	simm.s32 $0xA410;
	s21 =	simm.s32 $0x640;
	[sflag:s17] =	ssyncadd.s32 $0xFFFFEC00  }
.LBB2_2:
0x76: {  	[tilespmem:s22], [sflag:$0x4] =	stream.indirect.gather [hbm4b:s4+s15], $0x40, s3, s15, $0xb8;
	[tilespmem:$0x15220] =	vst v63  }
0x77: {  	s3 =	smov.u32 s21  }
0x78: {  	p0 =	sne.s32 s21, $0x8980;
	s21 =	sadd.s32 $0x640, s21;
	_ =	swait.ge [sflag:s23], $0x1400  }
0x79: {  	s3 =	sshra.s32 s3, $0x2;
	[sflag:s23] =	ssyncset.done $0x0  }
0x7a: {  	s5 =	sadd.s32 $0xC8A0, s3;
	[sflag:s23] =	ssyncadd.s32 $0xFFFFEC00  }
0x7b: {  	[spmem:s1] =	stream.indirect.scatter.add.f32 [tilespmem:s16], [sflag:$0x6], $0x40, s5, s15, $0xb8;
	[tilespmem:$0x15220] =	vst v63  }
0x7c: {  	_ =	swait.ge [sflag:s28], $0x1400  }
0x7d: {  	[sflag:s28] =	ssyncset.done $0x0  }
0x7e: {  	s5 =	sadd.s32 $0xA2D0, s3;
	[sflag:s28] =	ssyncadd.s32 $0xFFFFEC00  }
0x7f: {  	[tilespmem:s25], [sflag:$0x5] =	stream.indirect.gather [hbm4b:s4+s15], $0x40, s5, s15, $0xb8;
	[tilespmem:$0x15220] =	vst v63  }
0x80: {  	_ =	swait.ge [sflag:s26], $0x1400  }
0x81: {  	[sflag:s26] =	ssyncset.done $0x0  }
0x82: {  	s5 =	sadd.s32 $0xC8F0, s3;
	[sflag:s26] =	ssyncadd.s32 $0xFFFFEC00  }
0x83: {  	[spmem:s1] =	stream.indirect.scatter.add.f32 [tilespmem:s18], [sflag:$0x7], $0x40, s5, s15, $0xb8;
	[tilespmem:$0x15220] =	vst v63  }
0x84: {  	_ =	swait.ge [sflag:s29], $0x1400  }
0x85: {  	[sflag:s29] =	ssyncset.done $0x0  }
0x86: {  	s5 =	sadd.s32 $0xA320, s3;
	[sflag:s29] =	ssyncadd.s32 $0xFFFFEC00  }
0x87: {  	[tilespmem:s16], [sflag:$0x1] =	stream.indirect.gather [hbm4b:s4+s15], $0x40, s5, s15, $0xb8;
	[tilespmem:$0x15220] =	vst v63  }
0x88: {  	_ =	swait.ge [sflag:s31], $0x1400  }
0x89: {  	[sflag:s31] =	ssyncset.done $0x0  }
0x8a: {  	s5 =	sadd.s32 $0xC940, s3;
	[sflag:s31] =	ssyncadd.s32 $0xFFFFEC00  }
0x8b: {  	[spmem:s1] =	stream.indirect.scatter.add.f32 [tilespmem:s20], [sflag:$0x8], $0x40, s5, s15, $0xb8;
	[tilespmem:$0x15220] =	vst v63  }
0x8c: {  	_ =	swait.ge [sflag:s2], $0x1400  }
0x8d: {  	[sflag:s2] =	ssyncset.done $0x0  }
0x8e: {  	s5 =	sadd.s32 $0xA370, s3;
	[sflag:s2] =	ssyncadd.s32 $0xFFFFEC00  }
0x8f: {  	[tilespmem:s18], [sflag:$0x2] =	stream.indirect.gather [hbm4b:s4+s15], $0x40, s5, s15, $0xb8;
	[tilespmem:$0x15220] =	vst v63  }
0x90: {  	_ =	swait.ge [sflag:s19], $0x1400  }
0x91: {  	[sflag:s19] =	ssyncset.done $0x0  }
0x92: {  	s5 =	sadd.s32 $0xC990, s3;
	[sflag:s19] =	ssyncadd.s32 $0xFFFFEC00  }
0x93: {  	[spmem:s1] =	stream.indirect.scatter.add.f32 [tilespmem:s22], [sflag:$0x9], $0x40, s5, s15, $0xb8;
	[tilespmem:$0x15220] =	vst v63  }
0x94: {  	_ =	swait.ge [sflag:s24], $0x1400  }
0x95: {  	[sflag:s24] =	ssyncset.done $0x0  }
0x96: {  	s5 =	sadd.s32 $0xA3C0, s3;
	[sflag:s24] =	ssyncadd.s32 $0xFFFFEC00  }
0x97: {  	[tilespmem:s20], [sflag:$0x3] =	stream.indirect.gather [hbm4b:s4+s15], $0x40, s5, s15, $0xb8;
	[tilespmem:$0x15220] =	vst v63  }
0x98: {  	_ =	swait.ge [sflag:s30], $0x1400  }
0x99: {  	[sflag:s30] =	ssyncset.done $0x0  }
.Ltmp0:
0x9a: {  	s5 =	sadd.s32 $0xC9E0, s3;
	[sflag:s30] =	ssyncadd.s32 $0xFFFFEC00;
	(pc) =	sbr.rel @p0 .LBB2_2-.Ltmp0, $4  }
0x9b: {  	[spmem:s1] =	stream.indirect.scatter.add.f32 [tilespmem:s25], [sflag:$0xA], $0x40, s5, s15, $0xb8;
	[tilespmem:$0x15220] =	vst v63  }
0x9c: {  	_ =	swait.ge [sflag:s17], $0x1400  }
0x9d: {  	[sflag:s17] =	ssyncset.done $0x0  }
0x9e: {  	s3 =	sadd.s32 $0xA410, s3;
	[sflag:s17] =	ssyncadd.s32 $0xFFFFEC00  }
0x9f: {  	[tilespmem:s22], [sflag:$0x4] =	stream.indirect.gather [hbm4b:s4+s15], $0x40, s3, s15, $0xb8;
	[tilespmem:$0x15220] =	vst v63  }
0xa0: {  	_ =	swait.ge [sflag:s23], $0x1400  }
0xa1: {  	[sflag:s23] =	ssyncset.done $0x0  }
0xa2: {  	s5 =	simm.s32 $0xEC90;
	[sflag:s23] =	ssyncadd.s32 $0xFFFFEC00  }
0xa3: {  	[spmem:s1] =	stream.indirect.scatter.add.f32 [tilespmem:s16], [sflag:$0x6], $0x40, s5, s15, $0xb8;
	[tilespmem:$0x15220] =	vst v63  }
0xa4: {  	_ =	swait.ge [sflag:s28], $0x1400  }
0xa5: {  	[sflag:s28] =	ssyncset.done $0x0  }
0xa6: {  	s21 =	simm.s32 $0xC6C0;
	[sflag:s28] =	ssyncadd.s32 $0xFFFFEC00  }
0xa7: {  	[tilespmem:s25], [sflag:$0x5] =	stream.indirect.gather [hbm4b:s4+s15], $0x40, s21, s15, $0xb8;
	[tilespmem:$0x15220] =	vst v63  }
0xa8: {  	_ =	swait.ge [sflag:s26], $0x1400  }
0xa9: {  	[sflag:s26] =	ssyncset.done $0x0  }
0xaa: {  	s5 =	simm.s32 $0xECE0;
	[sflag:s26] =	ssyncadd.s32 $0xFFFFEC00  }
0xab: {  	[spmem:s1] =	stream.indirect.scatter.add.f32 [tilespmem:s18], [sflag:$0x7], $0x40, s5, s15, $0xb8;
	[tilespmem:$0x15220] =	vst v63  }
0xac: {  	_ =	swait.ge [sflag:s29], $0x1400  }
0xad: {  	[sflag:s29] =	ssyncset.done $0x0  }
0xae: {  	[sflag:s29] =	ssyncadd.s32 $0xFFFFEC00  }
0xaf: {  	_ =	swait.ge [sflag:s31], $0x1400  }
0xb0: {  	[sflag:s31] =	ssyncset.done $0x0  }
0xb1: {  	s21 =	simm.s32 $0xED30;
	[sflag:s31] =	ssyncadd.s32 $0xFFFFEC00  }
0xb2: {  	[spmem:s1] =	stream.indirect.scatter.add.f32 [tilespmem:s20], [sflag:$0x8], $0x40, s21, s15, $0xb8;
	[tilespmem:$0x15220] =	vst v63  }
0xb3: {  	_ =	swait.ge [sflag:s2], $0x1400  }
0xb4: {  	[sflag:s2] =	ssyncset.done $0x0  }
0xb5: {  	[sflag:s2] =	ssyncadd.s32 $0xFFFFEC00  }
0xb6: {  	_ =	swait.ge [sflag:s19], $0x1400  }
0xb7: {  	[sflag:s19] =	ssyncset.done $0x0  }
0xb8: {  	s5 =	simm.s32 $0xED80;
	[sflag:s19] =	ssyncadd.s32 $0xFFFFEC00  }
0xb9: {  	[spmem:s1] =	stream.indirect.scatter.add.f32 [tilespmem:s22], [sflag:$0x9], $0x40, s5, s15, $0xb8;
	[tilespmem:$0x15220] =	vst v63  }
0xba: {  	_ =	swait.ge [sflag:s24], $0x1400  }
0xbb: {  	[sflag:s24] =	ssyncset.done $0x0  }
0xbc: {  	[sflag:s24] =	ssyncadd.s32 $0xFFFFEC00  }
0xbd: {  	_ =	swait.ge [sflag:s30], $0x1400  }
0xbe: {  	[sflag:s30] =	ssyncset.done $0x0  }
0xbf: {  	s21 =	simm.s32 $0xEDD0;
	[sflag:s30] =	ssyncadd.s32 $0xFFFFEC00  }
0xc0: {  	[spmem:s1] =	stream.indirect.scatter.add.f32 [tilespmem:s25], [sflag:$0xA], $0x40, s21, s15, $0xb8;
	[tilespmem:$0x15220] =	vst v63  }
0xc1: {  	_ =	swait.ge [sflag:s17], $0x1400  }
0xc2: {  	[sflag:s17] =	ssyncset.done $0x0  }
0xc3: {  	[sflag:s17] =	ssyncadd.s32 $0xFFFFEC00  }
0xc4: {  	_ =	swait.ge [sflag:s28], $0x1400  }
0xc5: {  	s0 =	sadd.s32 $0x1, s0;
	[sflag:s28] =	ssyncset.done $0x0  }
0xc6: {  	p0 =	sne.s32 s0, s10;
	[sflag:s28] =	ssyncadd.s32 $0xFFFFEC00  }
.Ltmp1:
0xc7: {  	[bflag:$0x0] =	sbarrier.arrive $0xFFFF;
	(pc) =	sbr.rel @p0 .LBB2_1-.Ltmp1, $4  }
0xc8: {  	[hbm:s9], [sflag:s6] =	dma.local [spmem:s11], $0x1400  }
0xc9: {  	_ =	swait.ge [sflag:s12], $0x1400  }
0xca: {  	[sflag:s12] =	ssyncset.done $0x0  }
0xcb: {  	[sflag:s12] =	ssyncadd.s32 $0xFFFFEC00  }
0xcc: {  	_ =	sfence.sel $0x180000  }
0xcd: {  	[bflag:$0x0] =	sbarrier.arrive $0xFFFF  }
0xce: {  	_ =	strace $0x9000004D  }
0xcf: {  	s0 =	stileid.u32;
	[bflag:$0x2] =	sbarrier.arrive $0xFFFF  }
0xd0: {  	p0 =	sne.s32 s0, $0x0;
	s0 =	rddreg [dreg:$0x3]  }
0xd1: {  	s0 =	sadd.s32 @!p0 $0x100000, s0  }
0xd2: {  	[sflag:s0] =	ssyncadd.tile.s32 @!p0 $0x1;
	_ =	shalt  }
.Lfunc_end2:
_tile_overlayer_lowered:
.L_overlay_start_2:
0xd3: {  	(tag) =	ssettag $0x2  }
0xd4: {  	s0 =	rddreg [dreg:$0x0];
	s2 =	stileid.u32  }
0xd5: {  	s1 =	rddreg [dreg:$0x1];
	p0 =	sne.s32 s2, $0x0  }
0xd6: {  	s3 =	rddreg [dreg:$0x2];
	[bflag:$0x3] =	sbarrier.arrive $0xFFFF;
	s2 =	simm.s32 @!p0 $0x1C0B  }
0xd7: {  	[timem:s3], [sflag:s2] =	dma.local @!p0 [hbm:s0], s1  }
0xd8: {  	s0 =	simm.s32 @!p0 $0xB  }
0xd9: {  	_ =	swait.ge @!p0 [sflag:s0], s1  }
0xda: {  	s1 =	ssub.s32 @!p0 $0x0, s1;
	[sflag:s0] =	ssyncset.done @!p0 $0x0  }
0xdb: {  	[sflag:s0] =	ssyncadd.s32 @!p0 s1  }
0xdc: {  	[bflag:$0x3] =	sbarrier.arrive $0xFFFF  }
0xdd: {  	_ =	shalt  }

// kernel: kernel.9.cloned.1.call-start
scs
__scs_entry_jumppad:
0x0: {  	(pc) =	sbr.rel $0x88, $3  }
0x1: {  	(tag) =	ssettag $0x0;
	lr =	simm.s32 $0x1  }
0x2: {  	[smem:$0x3F9B] =	sst lr;
	_ =	strace $0xD0000000  }
0x3: {  	_ = 	snop  }
0x4: {  	_ = 	snop  }
0x5: {  	_ = 	snop  }
0x6: {  	_ = 	snop  }
0x7: {  	_ = 	snop  }
__scs_overlays_trampoline_lowered:
0x8: {  	[smem:$0x3FAA] =	sst s0  }
0x9: {  	[smem:$0x3FAB] =	sst s1  }
0xa: {  	[smem:$0x3FAC] =	sst s2  }
0xb: {  	[smem:$0x3FAD] =	sst s3  }
0xc: {  	[smem:$0x3FAE] =	sst s4  }
0xd: {  	[smem:$0x3FAF] =	sst s5  }
0xe: {  	[smem:$0x3FB0] =	sst s6  }
0xf: {  	[smem:$0x3FB1] =	sst s7  }
0x10: {  	[smem:$0x3FB2] =	sst s8  }
0x11: {  	[smem:$0x3FB3] =	sst s9;
	s0 =	simm.s32 @!p0 $0x0  }
0x12: {  	s1 =	sld [smem:$0x3F99];
	s0 =	simm.s32 @p0 $0x1  }
0x13: {  	[smem:$0x3FB4] =	sst s0;
	s0 =	simm.s32 @!p1 $0x0  }
0x14: {  	s2 =	sld [smem:$0x3F98];
	s0 =	simm.s32 @p1 $0x1  }
0x15: {  	[smem:$0x3FB5] =	sst s0;
	s0 =	simm.s32 @!p2 $0x0  }
0x16: {  	s3 =	sld [smem:$0x3FDB];
	s0 =	simm.s32 @p2 $0x1  }
0x17: {  	s4 =	simm.s32 $0x1BF5;
	[smem:$0x3FB7] =	sst s0  }
0x18: {  	s0 =	sld [smem:$0x3F9A];
	_ =	swait.ge [sflag:s4], $0x0  }
0x19: {  	s7 =	sld [smem:$0x3F9B]  }
0x1a: {  	s8 =	sadd.s32 $0xFFFFE003, lr  }
0x1b: {  	s9 =	sadd.s32 $0xFFFFFEF7, lr;
	s5 =	simm.s32 $0xFFFFFFFF;
	p2 =	slt.u32 s8, $0xFFFFF086  }
0x1c: {  	p1 =	slt.u32 s9, $0xF7A;
	s5 =	simm.s32 @!p2 $0x0  }
0x1d: {  	s5 =	simm.s32 @p1 $0x1;
	p0 =	seq.s32 s7, s2  }
0x1e: {  	s7 =	smul.u32 @!p0 $0xF7A, s2;
	p2 =	seq.s32 @!p0 s5, $0x0  }
0x1f: {  	s9 =	smul.u32 $0xF7A, s1;
	s8 =	simm.s32 @!p0 $0x1BF5;
	p2 =	por !p2, p0  }
0x20: {  	[sflag:s8] =	ssyncset.s32 @!p0 $0xFFFFF086;
	s6 =	sadd.s32 @!p0 s3, s7;
	s7 =	simm.s32 @!p0 $0x108  }
0x21: {  	s3 =	sadd.s32 s3, s9;
	s6 =	sadd.s32 @!p0 $0x88, s6;
	s7 =	simm.s32 @p2 $0x1082  }
0x22: {  	[simem:s7], [sflag:s8] =	dma.local @!p0 [hbm:s6], $0xF7A  }
0x23: {  	s9 =	sor.u32 $0xD0000000, s2;
	s6 =	simm.s32 $0x108;
	_ =	swait.ge @!p0 [sflag:s8], $0x0  }
0x24: {  	s3 =	sadd.s32 $0x88, s3;
	s6 =	simm.s32 @!p1 $0x1082;
	[sflag:s4] =	ssyncset.s32 $0xFFFFF086  }
0x25: {  	[simem:s6], [sflag:s4] =	dma.local [hbm:s3], $0xF7A  }
0x26: {  	[smem:$0x3F9B] =	sst s1;
	(tag) =	ssettag s2;
	_ =	strace s9  }
0x27: {  	s1 =	sld [smem:$0x3FAB]  }
0x28: {  	s2 =	sld [smem:$0x3FAC]  }
0x29: {  	s4 =	sld [smem:$0x3FAE]  }
0x2a: {  	p0 =	seq.s32 s5, $0x0;
	s5 =	sld [smem:$0x3FAF]  }
0x2b: {  	s6 =	sld [smem:$0x3FB0]  }
0x2c: {  	s7 =	sld [smem:$0x3FB1]  }
0x2d: {  	s3 =	simm.s32 $0x108;
	s8 =	sld [smem:$0x3FB2]  }
0x2e: {  	s3 =	simm.s32 @!p0 $0x1082;
	s9 =	sld [smem:$0x3FB3]  }
0x2f: {  	lr =	sadd.s32 s0, s3;
	s0 =	sld [smem:$0x3FAA]  }
0x30: {  	s3 =	sld [smem:$0x3FAD]  }
0x31: {  	[smem:$0x3FB6] =	sst s10  }
0x32: {  	s10 =	sld [smem:$0x3FB4];
	_ =	sdelay $0x3  }
0x33: {  	p0 =	seq.s32 s10, $0x1;
	s10 =	sld [smem:$0x3FB6];
	_ =	sdelay $0x3  }
0x34: {  	[smem:$0x3FB6] =	sst s10  }
0x35: {  	s10 =	sld [smem:$0x3FB5];
	_ =	sdelay $0x3  }
0x36: {  	p1 =	seq.s32 s10, $0x1;
	s10 =	sld [smem:$0x3FB6];
	_ =	sdelay $0x3  }
0x37: {  	[smem:$0x3FB6] =	sst s10  }
0x38: {  	s10 =	sld [smem:$0x3FB7]  }
0x39: {  	_ = 	snop;
	(pc) =	sbr.ind lr, $3  }
0x3a: {  	_ = 	snop  }
0x3b: {  	_ = 	snop  }
0x3c: {  	p2 =	seq.s32 s10, $0x1;
	s10 =	sld [smem:$0x3FB6]  }
0x3d: {  	_ =	shalt  }
0x3e: {  	_ =	shalt  }
0x3f: {  	_ =	shalt  }
0x40: {  	_ =	shalt  }
0x41: {  	_ =	shalt  }
0x42: {  	_ =	shalt  }
0x43: {  	_ =	shalt  }
0x44: {  	_ =	shalt  }
0x45: {  	_ =	shalt  }
0x46: {  	_ =	shalt  }
0x47: {  	_ =	shalt  }
0x48: {  	_ =	shalt  }
0x49: {  	_ =	shalt  }
0x4a: {  	_ =	shalt  }
0x4b: {  	_ =	shalt  }
0x4c: {  	_ =	shalt  }
0x4d: {  	_ =	shalt  }
0x4e: {  	_ =	shalt  }
0x4f: {  	_ =	shalt  }
0x50: {  	_ =	shalt  }
0x51: {  	_ =	shalt  }
0x52: {  	_ =	shalt  }
0x53: {  	_ =	shalt  }
0x54: {  	_ =	shalt  }
0x55: {  	_ =	shalt  }
0x56: {  	_ =	shalt  }
0x57: {  	_ =	shalt  }
0x58: {  	_ =	shalt  }
0x59: {  	_ =	shalt  }
0x5a: {  	_ =	shalt  }
0x5b: {  	_ =	shalt  }
0x5c: {  	_ =	shalt  }
0x5d: {  	_ =	shalt  }
0x5e: {  	_ =	shalt  }
0x5f: {  	_ =	shalt  }
0x60: {  	_ =	shalt  }
0x61: {  	_ =	shalt  }
0x62: {  	_ =	shalt  }
0x63: {  	_ =	shalt  }
0x64: {  	_ =	shalt  }
0x65: {  	_ =	shalt  }
0x66: {  	_ =	shalt  }
0x67: {  	_ =	shalt  }
0x68: {  	_ =	shalt  }
0x69: {  	_ =	shalt  }
0x6a: {  	_ =	shalt  }
0x6b: {  	_ =	shalt  }
0x6c: {  	_ =	shalt  }
0x6d: {  	_ =	shalt  }
0x6e: {  	_ =	shalt  }
0x6f: {  	_ =	shalt  }
0x70: {  	_ =	shalt  }
0x71: {  	_ =	shalt  }
0x72: {  	_ =	shalt  }
0x73: {  	_ =	shalt  }
0x74: {  	_ =	shalt  }
0x75: {  	_ =	shalt  }
0x76: {  	_ =	shalt  }
0x77: {  	_ =	shalt  }
0x78: {  	_ =	shalt  }
0x79: {  	_ =	shalt  }
0x7a: {  	_ =	shalt  }
0x7b: {  	_ =	shalt  }
0x7c: {  	_ =	shalt  }
0x7d: {  	_ =	shalt  }
0x7e: {  	_ =	shalt  }
0x7f: {  	_ =	shalt  }
0x80: {  	_ =	shalt  }
0x81: {  	_ =	shalt  }
0x82: {  	_ =	shalt  }
0x83: {  	_ =	shalt  }
0x84: {  	_ =	shalt  }
0x85: {  	_ =	shalt  }
0x86: {  	_ =	shalt  }
0x87: {  	_ =	shalt  }
.Lfunc_end0:
.L_simem_size_0:
called_computation_lowered:
.L_overlay_start_0:
0x88: {  	s2 =	sld [smem:$0x3FD9]  }
0x89: {  	s3 =	sld [smem:$0x3FFE];
	_ =	sdelay $0x1  }
0x8a: {  	s1 =	srdreg.scid  }
0x8b: {  	s0 =	sand.u32 $0x1, s1  }
0x8c: {  	s17 =	sshll.u32 s0, $0xA;
	s2 =	sadd.s32 s3, s2  }
0x8d: {  	s2 =	sadd.s32 s2, s17  }
0x8e: {  	[smem:$0x3FC2] =	sst s2  }
0x8f: {  	_ = 	snop  }
0x90: {  	s2 =	sld [smem:$0x3FD0];
	(tm) =	ssettm $0x1  }
0x91: {  	s18 =	sld [smem:$0x3FFB];
	_ =	sdelay $0x3  }
0x92: {  	_ =	strace s18  }
0x93: {  	s3 =	sld [smem:$0x3FFC];
	_ =	sdelay $0x3  }
0x94: {  	_ =	strace s3  }
0x95: {  	s3 =	sld [smem:$0x3FFD];
	_ =	sdelay $0x3  }
0x96: {  	_ =	strace s3  }
0x97: {  	_ =	strace $0x8FFFFFFF  }
0x98: {  	s19 =	sld [smem:$0x3FDB];
	_ =	sdelay $0x1  }
0x99: {  	s4 =	simm.s32 $_scs_section_size  }
0x9a: {  	s5 =	simm.s32 $_size__tile_overlayer_lowered;
	s6 =	simm.s32 $_tile_overlayer_lowered  }
0x9b: {  	s22 =	simm.s32 $0x1BFF;
	s21 =	sshll.u32 s6, $0x1;
	s3 =	sadd.s32 s4, s19  }
0x9c: {  	s7 =	simm.s32 $0x0;
	s20 =	sshll.u32 s5, $0x1;
	s5 =	sadd.s32 s21, s3  }
0x9d: {  	[timem:s7], [sflag:s22] =	dma.local [hbm:s5], s20  }
0x9e: {  	_ =	swait.ge [sflag:s22], s20  }
0x9f: {  	s4 =	ssub.s32 $0x0, s20;
	[sflag:s22] =	ssyncset.done $0x0  }
0xa0: {  	[sflag:s22] =	ssyncadd.s32 s4;
	_ =	sdelay $0x1  }
0xa1: {  	s23 =	simm.s32 $0x1B8B  }
0xa2: {  	_ =	swait.ge [sflag:s23], $0x1  }
0xa3: {  	[sflag:s23] =	ssyncset.done $0x0  }
0xa4: {  	s25 =	simm.s32 $0x1B8E;
	s24 =	sld [smem:$0x3FFE];
	[sflag:s23] =	ssyncadd.s32 $0xFFFFFFFF  }
0xa5: {  	s26 =	simm.s32 $execute0_lowered;
	[smem:$0x3FD2] =	sst s25  }
0xa6: {  	s5 =	sshll.u32 s26, $0x1;
	_ =	strace $0x80000046;
	[dreg:$0x1] =	wrdreg $0xFFFFFFFF  }
0xa7: {  	s28 =	simm.s32 $_size_execute0_lowered;
	s3 =	sadd.s32 s3, s5;
	[dreg:$0x0] =	wrdreg $0x0  }
0xa8: {  	s5 =	sshll.u32 s28, $0x1;
	[dreg:$0x2] =	wrdreg s3  }
0xa9: {  	[dreg:$0x3] =	wrdreg s5  }
0xaa: {  	[dreg:$0x4] =	wrdreg $0xC0  }
0xab: {  	_ =	task [dreg:s7], $0x5FFFF  }
0xac: {  	[dreg:$0x1] =	wrdreg $0xFFFFFFFF  }
0xad: {  	[dreg:$0x0] =	wrdreg $0x60  }
0xae: {  	[dreg:$0x2] =	wrdreg s2  }
0xaf: {  	[dreg:$0x3] =	wrdreg s24  }
0xb0: {  	[dreg:$0x4] =	wrdreg $0x0  }
0xb1: {  	[dreg:$0x5] =	wrdreg $0x9  }
0xb2: {  	_ =	task.clear_ibuf [dreg:s7], $0x6FFFF;
	_ =	strace $0x90000046  }
0xb3: {  	s29 =	simm.s32 $0x9;
	_ =	strace $0x80000048  }
0xb4: {  	_ =	swait.ge [sflag:s29], $0x1  }
0xb5: {  	[sflag:s29] =	ssyncadd.s32 $0xFFFFFFFF  }
0xb6: {  	_ =	strace $0x90000048  }
0xb7: {  	_ =	sfence  }
0xb8: {  	s30 =	sld [smem:$0x0];
	_ =	sdelay $0x2  }
0xb9: {  	s31 =	sshll.u32 s1, $0xD;
	s1 =	sshrl.u32 s1, $0x2  }
0xba: {  	s3 =	sand.u32 $0x4000, s31;
	s1 =	sadd.s32 s1, s30  }
0xbb: {  	s0 =	sor.u32 s3, s0;
	s1 =	sshll.u32 s1, $0x11  }
0xbc: {  	s0 =	sor.u32 s1, s0  }
0xbd: {  	s0 =	sadd.s32 $0x8F2B, s0  }
0xbe: {  	[sflag:s0] =	ssyncadd.remote.s32 $0x1  }
0xbf: {  	_ =	sfence.sel $0xFFFF  }
0xc0: {  	[dreg:$0x0] =	wrdreg $0xFFFFFFFF;
	(pc) =	sbr.abs _section_cstart, $3  }
0xc1: {  	[dreg:$0x1] =	wrdreg $0xFFFFFFFF  }
0xc2: {  	_ =	task.clear_ibuf [dreg:s7], $0x2FFFF;
	_ =	strace $0x9FFFFFFF  }
0xc3: {  	(tm) =	ssettm $0x7FFFFFFF  }
tec
execute0_lowered:
.L_overlay_start_1:
0x0: {  	(tag) =	ssettag $0x1  }
0x1: {  	s6 =	rddreg [dreg:$0x0]  }
0x2: {  	s5 =	rddreg [dreg:$0x1]  }
0x3: {  	s2 =	rddreg [dreg:$0x2]  }
0x4: {  	s0 =	rddreg [dreg:$0x3]  }
0x5: {  	s3 =	simm.s32 $0x0;
	s4 =	srdreg.scid;
	s1 =	stileid.u32  }
0x6: {  	s14 =	simm.s32 $0x2800;
	s15 =	simm.s32 $0x50;
	s16 =	simm.s32 $0x1  }
0x7: {  	s17 =	simm.s32 $0x2;
	s18 =	simm.s32 $0x5410;
	s19 =	simm.s32 $0x7C10  }
0x8: {  	s20 =	simm.s32 $0x0;
	[smem:$0x7FF] =	sst s3;
	s28 =	smul.u32 $0x1400, s1  }
0x9: {  	s7 =	sand.u32 $0x1, s4;
	s11 =	smul.u32 $0xA000, s1;
	s4 =	sadd.s32 $0x2C00, s5  }
0xa: {  	s31 =	sshll.u32 s1, $0x6;
	_ =	strace $0x80000047;
	s8 =	smul.u32 $0x14000, s7  }
0xb: {  	s9 =	sshll.u32 s7, $0x4;
	s10 =	ssub.s32 $0x2, s7;
	s7 =	smul.u32 $0x500, s7  }
0xc: {  	s9 =	sor.u32 s1, s9;
	s12 =	sshrl.u32 s10, $0x1;
	s29 =	sshrl.u32 s11, $0x2  }
0xd: {  	s8 =	sadd.s32 s28, s8;
	s9 =	smul.u32 $0x2710, s9;
	s10 =	ssub.s32 s10, s12  }
0xe: {  	s12 =	simm.s32 $0x3;
	s13 =	sadd.s32 s8, s5;
	s5 =	sadd.s32 s29, s2  }
0xf: {  	s10 =	smax.u32 s10, $0x1;
	s30 =	sshrl.u32 s9, $0x3;
	s9 =	sadd.s32 $0x3600, s13  }
0x10: {  	s11 =	sshrl.u32 s5, $0x3;
	s13 =	simm.s32 $0x4F10;
	s8 =	sadd.s32 s6, s30  }
0x11: {  	s6 =	sadd.s32 s4, s7;
	s7 =	sor.u32 $0x1C03, s31;
	s8 =	sadd.s32 $0x9C40, s8  }
.LBB2_1:
0x12: {  	[spmem:s11], [sflag:s7] =	dma.local [hbm:s6], $0x500  }
0x13: {  	_ =	swait.ge [sflag:s12], $0x500  }
0x14: {  	[sflag:s12] =	ssyncset.done $0x0  }
0x15: {  	[sflag:s12] =	ssyncadd.s32 $0xFFFFFB00  }
0x16: {  	[tilespmem:s13], [sflag:$0x3] =	stream.linear.gather [hbm4b:s4+s3], $0x500, $0x38;
	[tilespmem:$0x11C10] =	vst v63  }
0x17: {  	_ =	swait.ge [sflag:s12], $0x500  }
0x18: {  	[sflag:s12] =	ssyncset.done $0x0  }
0x19: {  	[sflag:s12] =	ssyncadd.s32 $0xFFFFFB00  }
0x1a: {  	[tilespmem:s14], [sflag:$0x3] =	stream.linear.gather [hbm4b:s8+s3], $0x2710, $0x38;
	[tilespmem:$0x11C10] =	vst v63  }
0x1b: {  	_ =	swait.ge [sflag:s12], $0x2710  }
0x1c: {  	[sflag:s12] =	ssyncset.done $0x0  }
0x1d: {  	[sflag:s12] =	ssyncadd.s32 $0xFFFFD8F0  }
0x1e: {  	[bflag:$0x0] =	sbarrier.arrive $0xFFFF  }
0x1f: {  	[spmem:s2] =	stream.indirect.scatter.add.f32 [tilespmem:s13], [sflag:$0x1], $0x10, s14, s15, $0xb8;
	[tilespmem:$0x11C10] =	vst v63  }
0x20: {  	s21 =	simm.s32 $0x2850  }
0x21: {  	[spmem:s2] =	stream.indirect.scatter.add.f32 [tilespmem:s13], [sflag:$0x2], $0x10, s21, s15, $0xb8;
	[tilespmem:$0x11C10] =	vst v63  }
0x22: {  	_ =	swait.ge [sflag:s16], $0x500  }
0x23: {  	[sflag:s16] =	ssyncset.done $0x0  }
0x24: {  	s31 =	simm.s32 $0x28A0;
	[sflag:s16] =	ssyncadd.s32 $0xFFFFFB00  }
0x25: {  	[spmem:s2] =	stream.indirect.scatter.add.f32 [tilespmem:s13], [sflag:$0x1], $0x10, s31, s15, $0xb8;
	[tilespmem:$0x11C10] =	vst v63  }
0x26: {  	_ =	swait.ge [sflag:s17], $0x500  }
0x27: {  	s22 =	simm.s32 $0xFFFF6A00;
	s21 =	simm.s32 $0xFFFFD9E0;
	[sflag:s17] =	ssyncset.done $0x0  }
.LBB2_2:
0x28: {  	s23 =	sadd.s32 $0x4F10, s21  }
0x29: {  	[sflag:s17] =	ssyncadd.s32 $0xFFFFFB00;
	s24 =	smov.u32 s22;
	s25 =	sadd.s32 $0x280, s22  }
0x2a: {  	[spmem:s2] =	stream.indirect.scatter.add.f32 [tilespmem:s13], [sflag:$0x2], $0x10, s23, s15, $0xb8;
	[tilespmem:$0x11C10] =	vst v63  }
0x2b: {  	p0 =	sne.s32 s22, $0xFFFFFD80;
	_ =	swait.ge [sflag:s16], $0x500  }
.Ltmp0:
0x2c: {  	[sflag:s16] =	ssyncset.done $0x0;
	(pc) =	sbr.rel @p0 .LBB2_2-.Ltmp0, $4  }
0x2d: {  	s21 =	sadd.s32 $0x4F60, s21;
	[sflag:s16] =	ssyncadd.s32 $0xFFFFFB00  }
0x2e: {  	[spmem:s2] =	stream.indirect.scatter.add.f32 [tilespmem:s13], [sflag:$0x1], $0x10, s21, s15, $0xb8;
	[tilespmem:$0x11C10] =	vst v63  }
0x2f: {  	_ =	swait.ge [sflag:s17], $0x500  }
0x30: {  	s22 =	smov.u32 s25;
	s21 =	sshra.s32 s24, $0x2;
	[sflag:s17] =	ssyncset.done $0x0  }
0x31: {  	s22 =	sadd.s32 $0x4F10, s21;
	[sflag:s17] =	ssyncadd.s32 $0xFFFFFB00  }
0x32: {  	[spmem:s2] =	stream.indirect.scatter.add.f32 [tilespmem:s13], [sflag:$0x2], $0x10, s22, s15, $0xb8;
	[tilespmem:$0x11C10] =	vst v63  }
0x33: {  	_ =	swait.ge [sflag:s16], $0x500  }
0x34: {  	[sflag:s16] =	ssyncset.done $0x0  }
0x35: {  	s31 =	sadd.s32 $0x4F60, s21;
	[sflag:s16] =	ssyncadd.s32 $0xFFFFFB00  }
0x36: {  	[spmem:s2] =	stream.indirect.scatter.add.f32 [tilespmem:s13], [sflag:$0x1], $0x10, s31, s15, $0xb8;
	[tilespmem:$0x11C10] =	vst v63  }
0x37: {  	_ =	swait.ge [sflag:s17], $0x500  }
0x38: {  	[sflag:s17] =	ssyncset.done $0x0  }
0x39: {  	[sflag:s17] =	ssyncadd.s32 $0xFFFFFB00  }
0x3a: {  	_ =	swait.ge [sflag:s16], $0x500  }
0x3b: {  	[sflag:s16] =	ssyncset.done $0x0  }
0x3c: {  	[sflag:s16] =	ssyncadd.s32 $0xFFFFFB00  }
0x3d: {  	[bflag:$0x0] =	sbarrier.arrive $0xFFFF  }
0x3e: {  	[tilespmem:s18], [sflag:$0x3] =	stream.linear.gather [spmem:s5], $0x2800, $0x38;
	[tilespmem:$0x11C10] =	vst v63  }
0x3f: {  	_ =	swait.ge [sflag:s12], $0x2800  }
0x40: {  	[sflag:s12] =	ssyncset.done $0x0  }
0x41: {  	s21 =	simm.s32 $0x0;
	[sflag:s12] =	ssyncadd.s32 $0xFFFFD800  }
0x42: {  	v0 =	vld [tilespmem:s21+$0x5410];
	_ =	sdelay $0x3  }
0x43: {  	s22 =	simm.s32 $0x7D10  }
0x44: {  	[tilespmem:s22+$0xFFFFFF30] =	vst v0  }
0x45: {  	[tilespmem:s22+$0xFFFFFF20] =	vst v0  }
0x46: {  	[tilespmem:s22+$0xFFFFFF00] =	vst v0  }
0x47: {  	[tilespmem:s22+$0xFFFFFF10] =	vst v0  }
0x48: {  	v0 =	vld [tilespmem:s21+$0x5420];
	_ =	sdelay $0x4  }
0x49: {  	[tilespmem:s22+$0xFFFFFF70] =	vst v0  }
0x4a: {  	[tilespmem:s22+$0xFFFFFF50] =	vst v0  }
0x4b: {  	[tilespmem:s22+$0xFFFFFF40] =	vst v0  }
0x4c: {  	[tilespmem:s22+$0xFFFFFF60] =	vst v0  }
0x4d: {  	v0 =	vld [tilespmem:s21+$0x5430];
	_ =	sdelay $0x4  }
0x4e: {  	[tilespmem:s22+$0xFFFFFFB0] =	vst v0  }
0x4f: {  	[tilespmem:s22+$0xFFFFFF90] =	vst v0  }
0x50: {  	[tilespmem:s22+$0xFFFFFF80] =	vst v0  }
0x51: {  	[tilespmem:s22+$0xFFFFFFA0] =	vst v0  }
0x52: {  	v0 =	vld [tilespmem:s21+$0x5440];
	_ =	sdelay $0x4  }
0x53: {  	[tilespmem:s22+$0xFFFFFFF0] =	vst v0  }
0x54: {  	[tilespmem:s22+$0xFFFFFFC0] =	vst v0  }
0x55: {  	[tilespmem:s22+$0xFFFFFFD0] =	vst v0  }
0x56: {  	[tilespmem:s22+$0xFFFFFFE0] =	vst v0  }
0x57: {  	v0 =	vld [tilespmem:s21+$0x5450];
	_ =	sdelay $0x4  }
0x58: {  	[tilespmem:s22+$0x10] =	vst v0  }
0x59: {  	[tilespmem:s22+$0x30] =	vst v0  }
0x5a: {  	[tilespmem:s22+$0x0] =	vst v0  }
0x5b: {  	[tilespmem:s22+$0x20] =	vst v0  }
0x5c: {  	s24 =	simm.s32 $0x200;
	s23 =	simm.s32 $0x7D10;
	v0 =	vld [tilespmem:s21+$0x5460]  }
.LBB2_4:
0x5d: {  	p0 =	sne.s32 s24, $0x9E00  }
0x5e: {  	s22 =	sadd.s32 $0x200, s22;
	s25 =	smov.u32 s24;
	s24 =	sadd.s32 $0x200, s24  }
0x5f: {  	_ =	sdelay $0x1  }
0x60: {  	[tilespmem:s23+$0x50] =	vst v0  }
0x61: {  	[tilespmem:s23+$0x70] =	vst v0  }
0x62: {  	[tilespmem:s23+$0x40] =	vst v0  }
0x63: {  	[tilespmem:s23+$0x60] =	vst v0  }
0x64: {  	v0 =	vld [tilespmem:s21+$0x5470];
	_ =	sdelay $0x4  }
0x65: {  	[tilespmem:s23+$0xB0] =	vst v0  }
0x66: {  	[tilespmem:s23+$0x80] =	vst v0  }
0x67: {  	[tilespmem:s23+$0x90] =	vst v0  }
0x68: {  	[tilespmem:s23+$0xA0] =	vst v0  }
0x69: {  	v0 =	vld [tilespmem:s21+$0x5480];
	_ =	sdelay $0x4  }
0x6a: {  	[tilespmem:s23+$0xC0] =	vst v0  }
0x6b: {  	[tilespmem:s23+$0xF0] =	vst v0  }
0x6c: {  	[tilespmem:s23+$0xE0] =	vst v0  }
0x6d: {  	s21 =	sshra.s32 s25, $0x2;
	[tilespmem:s23+$0xD0] =	vst v0;
	s23 =	smov.u32 s22  }
0x6e: {  	v0 =	vld [tilespmem:s21+$0x5410];
	_ =	sdelay $0x4  }
0x6f: {  	[tilespmem:s22+$0xFFFFFF30] =	vst v0  }
0x70: {  	[tilespmem:s22+$0xFFFFFF20] =	vst v0  }
0x71: {  	[tilespmem:s22+$0xFFFFFF00] =	vst v0  }
0x72: {  	[tilespmem:s22+$0xFFFFFF10] =	vst v0  }
0x73: {  	v0 =	vld [tilespmem:s21+$0x5420];
	_ =	sdelay $0x4  }
0x74: {  	[tilespmem:s22+$0xFFFFFF70] =	vst v0  }
0x75: {  	[tilespmem:s22+$0xFFFFFF50] =	vst v0  }
0x76: {  	[tilespmem:s22+$0xFFFFFF40] =	vst v0  }
0x77: {  	[tilespmem:s22+$0xFFFFFF60] =	vst v0  }
0x78: {  	v0 =	vld [tilespmem:s21+$0x5430];
	_ =	sdelay $0x4  }
0x79: {  	[tilespmem:s22+$0xFFFFFFB0] =	vst v0  }
0x7a: {  	[tilespmem:s22+$0xFFFFFF90] =	vst v0  }
0x7b: {  	[tilespmem:s22+$0xFFFFFF80] =	vst v0  }
0x7c: {  	[tilespmem:s22+$0xFFFFFFA0] =	vst v0  }
0x7d: {  	v0 =	vld [tilespmem:s21+$0x5440];
	_ =	sdelay $0x4  }
0x7e: {  	[tilespmem:s22+$0xFFFFFFF0] =	vst v0  }
0x7f: {  	[tilespmem:s22+$0xFFFFFFC0] =	vst v0  }
0x80: {  	[tilespmem:s22+$0xFFFFFFD0] =	vst v0  }
0x81: {  	[tilespmem:s22+$0xFFFFFFE0] =	vst v0  }
0x82: {  	v0 =	vld [tilespmem:s21+$0x5450];
	_ =	sdelay $0x4  }
.Ltmp1:
0x83: {  	[tilespmem:s22+$0x10] =	vst v0;
	(pc) =	sbr.rel @p0 .LBB2_4-.Ltmp1, $4  }
0x84: {  	[tilespmem:s22+$0x30] =	vst v0  }
0x85: {  	[tilespmem:s22+$0x0] =	vst v0  }
0x86: {  	[tilespmem:s22+$0x20] =	vst v0  }
0x87: {  	v0 =	vld [tilespmem:s21+$0x5460]  }
0x88: {  	_ =	sdelay $0x3  }
0x89: {  	[tilespmem:s23+$0x50] =	vst v0  }
0x8a: {  	[tilespmem:s23+$0x70] =	vst v0  }
0x8b: {  	[tilespmem:s23+$0x40] =	vst v0  }
0x8c: {  	[tilespmem:s23+$0x60] =	vst v0  }
0x8d: {  	v0 =	vld [tilespmem:s21+$0x5470];
	_ =	sdelay $0x4  }
0x8e: {  	[tilespmem:s23+$0xB0] =	vst v0  }
0x8f: {  	[tilespmem:s23+$0x80] =	vst v0  }
0x90: {  	[tilespmem:s23+$0x90] =	vst v0  }
0x91: {  	[tilespmem:s23+$0xA0] =	vst v0  }
0x92: {  	v0 =	vld [tilespmem:s21+$0x5480];
	_ =	sdelay $0x4  }
0x93: {  	[tilespmem:s23+$0xC0] =	vst v0  }
0x94: {  	s20 =	sadd.s32 $0x1, s20;
	[tilespmem:s23+$0xF0] =	vst v0  }
0x95: {  	p0 =	sne.s32 s20, s10;
	[tilespmem:s23+$0xE0] =	vst v0  }
.Ltmp2:
0x96: {  	[tilespmem:s23+$0xD0] =	vst v0;
	(pc) =	sbr.rel @p0 .LBB2_1-.Ltmp2, $4  }
0x97: {  	[hbm4b:s9+s3] =	stream.linear.scatter [tilespmem:s19], [sflag:$0x3], $0xA000, $0x38;
	[tilespmem:$0x11C10] =	vst v63  }
0x98: {  	_ =	swait.ge [sflag:s12], $0xA000  }
0x99: {  	[sflag:s12] =	ssyncset.done $0x0  }
0x9a: {  	[sflag:s12] =	ssyncadd.s32 $0xFFFF6000  }
0x9b: {  	_ =	sfence.sel $0x180000  }
0x9c: {  	[bflag:$0x0] =	sbarrier.arrive $0xFFFF  }
0x9d: {  	p0 =	sne.s32 s1, $0x0;
	_ =	strace $0x90000047  }
0x9e: {  	s0 =	sadd.s32 @!p0 $0x100000, s0;
	[bflag:$0x2] =	sbarrier.arrive $0xFFFF  }
0x9f: {  	[sflag:s0] =	ssyncadd.tile.s32 @!p0 $0x1;
	_ =	shalt  }
.Lfunc_end2:
_tile_overlayer_lowered:
.L_overlay_start_2:
0xa0: {  	(tag) =	ssettag $0x2  }
0xa1: {  	s0 =	rddreg [dreg:$0x0];
	s2 =	stileid.u32  }
0xa2: {  	s1 =	rddreg [dreg:$0x1];
	p0 =	sne.s32 s2, $0x0  }
0xa3: {  	s3 =	rddreg [dreg:$0x2];
	[bflag:$0x3] =	sbarrier.arrive $0xFFFF;
	s2 =	simm.s32 @!p0 $0x1C03  }
0xa4: {  	[timem:s3], [sflag:s2] =	dma.local @!p0 [hbm:s0], s1  }
0xa5: {  	s0 =	simm.s32 @!p0 $0x3  }
0xa6: {  	_ =	swait.ge @!p0 [sflag:s0], s1  }
0xa7: {  	s1 =	ssub.s32 @!p0 $0x0, s1;
	[sflag:s0] =	ssyncset.done @!p0 $0x0  }
0xa8: {  	[sflag:s0] =	ssyncadd.s32 @!p0 s1  }
0xa9: {  	[bflag:$0x3] =	sbarrier.arrive $0xFFFF  }
0xaa: {  	_ =	shalt  }

</sc_bundles>
